<compile_context>
chip_gen: v7x
topology: tpu7x:2x2x1
jax: 0.10.2.dev20260603
libtpu: 0.0.44.dev20260713+nightly
codegen_flags: <defaults>
</compile_context>

<pallas_src>
import functools

import numpy as np
import jax
import jax.numpy as jnp
from jax import lax
from jax.experimental import pallas as pl
from jax.experimental.pallas import tpu as pltpu
from jax.experimental.pallas import tpu_sc as plsc

P_BINS = 5
T_BINS = 16
R_IN = 4
R_OUT = 4
C_IN = 4
C_OUT = 4
B = P_BINS * T_BINS
N = 10000
F_IN = C_IN * R_IN
F_OUT = C_OUT * R_OUT
K = F_IN * B
NNZ = 3200000

NC = 2
NS = 16
L = 16
NW = NC * NS
GRP = 128
CHUNK = 1024
NG = CHUNK // GRP
CPW = 98
CPW_LAST = 87
EPW = CPW * CHUNK
NPS = 624
NTAIL = N - NPS * NS
assert 31 * EPW + CPW_LAST * CHUNK == NNZ


def _rotation_table():
    p, t = P_BINS, T_BINS
    bb = p * t

    def angle_rotation(v):
        pif = v.reshape(-1, p).copy()
        pif1 = np.zeros_like(pif)
        for i in range(R_IN):
            pif1[i * t:i * t + t - 1, :] = pif[i * t + 1:i * t + t, :]
            pif1[i * t + t - 1, :] = pif[i * t, :]
        return pif1.reshape(-1)

    def kernel_rotation(v):
        pif = v.reshape(-1, t * p)
        pif1 = np.zeros_like(pif)
        pif1[1:, :] = pif[:-1, :]
        pif1[0, :] = pif[-1, :]
        return pif1.reshape(-1)

    small = np.zeros((R_IN * bb, R_OUT), dtype=np.int64)
    pif = np.arange(R_IN * bb, dtype=np.int64)
    small[:, 0] = pif
    for j in range(1, R_OUT):
        small[:, j] = kernel_rotation(angle_rotation(pif))
        pif = small[:, j]
    rot = np.zeros((C_IN * R_IN * bb, R_OUT), dtype=np.int64)
    for i in range(C_IN):
        rot[i * R_IN * bb:(i + 1) * R_IN * bb] = small + i * R_IN * bb
    return rot


def _m_index_table():
    rot = _rotation_table()
    idx = np.zeros((F_IN, K), dtype=np.int32)
    for f in range(F_IN):
        for b in range(B):
            for i in range(C_OUT):
                for j in range(R_OUT):
                    idx[f, b * F_OUT + i * R_OUT + j] = i * K + rot[b * F_IN + f, j]
    return idx


def _build_m(weights):
    us = []
    u = weights
    for _ in range(R_OUT):
        us.append(u)
        v = u.reshape(C_OUT, C_IN, R_IN, T_BINS, P_BINS)
        v = jnp.roll(v, -1, axis=3)
        v = jnp.roll(v, 1, axis=2)
        u = v.reshape(C_OUT, K)
    ubf = jnp.stack(us).reshape(R_OUT, C_OUT, B, F_IN)
    return jnp.transpose(ubf, (3, 2, 1, 0)).reshape(F_IN, K)


def _mm_body(x_ref, m_ref, o_ref):
    o_ref[...] = jnp.dot(x_ref[...], m_ref[...],
                         preferred_element_type=jnp.float32)


def _dense_stage(x, m):
    return pl.pallas_call(
        _mm_body,
        grid=(10,),
        in_specs=[
            pl.BlockSpec((1000, F_IN), lambda i: (i, 0)),
            pl.BlockSpec((F_IN, K), lambda i: (0, 0)),
        ],
        out_specs=pl.BlockSpec((1000, K), lambda i: (i, 0)),
        out_shape=jax.ShapeDtypeStruct((N, K), jnp.float32),
    )(x, m)


def _add_body(p_ref, o_ref):
    o_ref[...] = p_ref[0] + p_ref[1]


def _combine_stage(partials):
    return pl.pallas_call(
        _add_body,
        out_shape=jax.ShapeDtypeStruct((N, F_OUT), jnp.float32),
    )(partials)


def _sc_body(g2_hbm, rows_hbm, cols_hbm, vals_hbm, zeros_hbm, out_hbm,
             r_v, c_v, v_v, g_v, n_v, rows_v, acc_sh, rcv_sem, g_sem, s_sem):
    cid = lax.axis_index("c")
    sid = lax.axis_index("s")
    wid = sid * NC + cid

    pltpu.sync_copy(zeros_hbm.at[pl.ds(sid * NPS, NPS)],
                    acc_sh.at[pl.ds(sid * NPS, NPS)])

    @pl.when(sid == 0)
    def _():
        pltpu.sync_copy(zeros_hbm.at[pl.ds(NPS * NS, NTAIL)],
                        acc_sh.at[pl.ds(NPS * NS, NTAIL)])

    plsc.subcore_barrier()

    base = wid * EPW
    nch = jnp.where(wid == NW - 1, CPW_LAST, CPW)

    def issue_rcv(t, p):
        off = base + t * CHUNK
        pltpu.async_copy(rows_hbm.at[pl.ds(off, CHUNK)], r_v.at[p],
                         rcv_sem.at[p])
        pltpu.async_copy(cols_hbm.at[pl.ds(off, CHUNK)], c_v.at[p],
                         rcv_sem.at[p])
        pltpu.async_copy(vals_hbm.at[pl.ds(off, CHUNK)], v_v.at[p],
                         rcv_sem.at[p])

    def wait_rcv(p):
        pltpu.make_async_copy(rows_hbm.at[pl.ds(0, CHUNK)], r_v.at[p],
                              rcv_sem.at[p]).wait()
        pltpu.make_async_copy(cols_hbm.at[pl.ds(0, CHUNK)], c_v.at[p],
                              rcv_sem.at[p]).wait()
        pltpu.make_async_copy(vals_hbm.at[pl.ds(0, CHUNK)], v_v.at[p],
                              rcv_sem.at[p]).wait()

    def idx_compute(p, i):
        r = r_v[p, pl.ds(i * L, L)]
        c = c_v[p, pl.ds(i * L, L)]
        q1 = lax.shift_right_logical(r, 4)
        n = (q1.astype(jnp.float32) * 0.2).astype(jnp.int32)
        g = c * B + (r - n * B)
        g_v[p, i // NG, pl.ds((i % NG) * L, L)] = g
        n_v[p, i // NG, pl.ds((i % NG) * L, L)] = n

    def idx_pass(p):
        @plsc.parallel_loop(0, CHUNK // L, unroll=2)
        def _(i):
            idx_compute(p, i)

    def fire_gathers(p):
        for j in range(NG):
            pltpu.async_copy(g2_hbm.at[g_v.at[p, j]],
                             rows_v.at[p, pl.ds(j * GRP, GRP)],
                             g_sem.at[p])

    def drain_gathers(p):
        for j in range(NG):
            pltpu.make_async_copy(g2_hbm.at[g_v.at[p, j]],
                                  rows_v.at[p, pl.ds(j * GRP, GRP)],
                                  g_sem.at[p]).wait()

    def scale_pass(p):
        @plsc.parallel_loop(0, CHUNK // L, unroll=2)
        def _(i):
            vv = v_v[p, pl.ds(i * L, L)]
            for e in range(L):
                edge = i * L + e
                eb = jnp.broadcast_to(i * 0 + e, (L,)).astype(jnp.int32)
                sp = jnp.take_along_axis(vv, eb, axis=0)
                rows_v[p, edge, :] = rows_v[p, edge, :] * sp

    def fire_scatter(p):
        for j in range(NG):
            pltpu.async_copy(rows_v.at[p, pl.ds(j * GRP, GRP)],
                             acc_sh.at[n_v.at[p, j]],
                             s_sem.at[p], add=True)

    def drain_scatter(p):
        for j in range(NG):
            pltpu.make_async_copy(rows_v.at[p, pl.ds(j * GRP, GRP)],
                                  acc_sh.at[n_v.at[p, j]],
                                  s_sem.at[p]).wait()

    issue_rcv(0, 0)
    wait_rcv(0)
    idx_pass(0)
    fire_gathers(0)
    issue_rcv(1, 1)

    def loop_body(t, _):
        p = lax.rem(t, 2)
        q = 1 - p

        @pl.when(t >= 1)
        def _():
            drain_scatter(q)

        @pl.when(t < nch - 1)
        def _():
            wait_rcv(q)
            idx_pass(q)

        drain_gathers(p)

        @pl.when(t < nch - 1)
        def _():
            fire_gathers(q)

        scale_pass(p)
        fire_scatter(p)

        @pl.when(t < nch - 2)
        def _():
            issue_rcv(t + 2, p)
        return 0

    lax.fori_loop(0, nch, loop_body, 0)
    drain_scatter(lax.rem(nch - 1, 2))

    plsc.subcore_barrier()
    pltpu.sync_copy(acc_sh.at[pl.ds(sid * NPS, NPS)],
                    out_hbm.at[cid, pl.ds(sid * NPS, NPS)])

    @pl.when(sid == 0)
    def _():
        pltpu.sync_copy(acc_sh.at[pl.ds(NPS * NS, NTAIL)],
                        out_hbm.at[cid, pl.ds(NPS * NS, NTAIL)])


@functools.partial(
    pl.kernel,
    out_type=jax.ShapeDtypeStruct((NC, N, F_OUT), jnp.float32),
    mesh=plsc.VectorSubcoreMesh(core_axis_name="c", subcore_axis_name="s"),
    compiler_params=pltpu.CompilerParams(needs_layout_passes=False,
                                         use_tc_tiling_on_sc=False),
    scratch_types=[
        pltpu.VMEM((2, CHUNK), jnp.int32),
        pltpu.VMEM((2, CHUNK), jnp.int32),
        pltpu.VMEM((2, CHUNK), jnp.float32),
        pltpu.VMEM((2, NG, GRP), jnp.int32),
        pltpu.VMEM((2, NG, GRP), jnp.int32),
        pltpu.VMEM((2, CHUNK, F_OUT), jnp.float32),
        pltpu.VMEM_SHARED((N, F_OUT), jnp.float32),
        pltpu.SemaphoreType.DMA((2,)),
        pltpu.SemaphoreType.DMA((2,)),
        pltpu.SemaphoreType.DMA((2,)),
    ],
)
def _sparse_stage(g2_hbm, rows_hbm, cols_hbm, vals_hbm, zeros_hbm, out_hbm,
                  r_v, c_v, v_v, g_v, n_v, rows_v, acc_sh,
                  rcv_sem, g_sem, s_sem):
    _sc_body(g2_hbm, rows_hbm, cols_hbm, vals_hbm, zeros_hbm, out_hbm,
             r_v, c_v, v_v, g_v, n_v, rows_v, acc_sh, rcv_sem, g_sem, s_sem)


def kernel(x, conn_rows, conn_cols, conn_values, weights):
    m = _build_m(weights)
    g2 = _dense_stage(x, m).reshape(N * B, F_OUT)

    zeros = jnp.zeros((N, F_OUT), jnp.float32)
    partials = _sparse_stage(g2,
                             conn_rows.astype(jnp.int32),
                             conn_cols.astype(jnp.int32),
                             conn_values.astype(jnp.float32),
                             zeros)
    return _combine_stage(partials)

# --- scband reference (transcript-rebuilt; emitter-appended) ---
"""Pipeline reference for scband-equivariant-layer-22582938042987 (READ-ONLY COPY).

The authoritative reference and input builder live on the scoring server;
editing this copy changes nothing except your own understanding.
"""

import jax, jax.numpy as jnp
import numpy as np

P_BINS = 5
T_BINS = 16
R_IN = 4
R_OUT = 4
C_IN = 4
C_OUT = 4
B = P_BINS * T_BINS
N_NODES = 10000
NNZ = 3200000
K = C_IN * R_IN * B


def _rotate():
    p, t, R_in, R_out, C_in = P_BINS, T_BINS, R_IN, R_OUT, C_IN
    Bb = p * t

    def angle_rotation(v):
        pif = v.reshape(-1, p).copy()
        pif1 = np.zeros_like(pif)
        for i in range(R_in):
            pif1[i * t:i * t + t - 1, :] = pif[i * t + 1:i * t + t, :]
            pif1[i * t + t - 1, :] = pif[i * t, :]
        return pif1.reshape(-1)

    def kernel_rotation(v):
        pif = v.reshape(-1, t * p)
        pif1 = np.zeros_like(pif)
        pif1[1:, :] = pif[:-1, :]
        pif1[0, :] = pif[-1, :]
        return pif1.reshape(-1)

    kernel_small = np.zeros((R_in * Bb, R_out), dtype=np.int64)
    pif = np.arange(R_in * Bb, dtype=np.int64)
    kernel_small[:, 0] = pif
    for j in range(1, R_out):
        kernel_small[:, j] = kernel_rotation(angle_rotation(pif))
        pif = kernel_small[:, j]
    kernel = np.zeros((C_in * R_in * Bb, R_out), dtype=np.int64)
    for i in range(C_in):
        kernel[i * R_in * Bb:(i + 1) * R_in * Bb] = kernel_small + i * R_in * Bb
    return kernel


ROT = jnp.asarray(_rotate())


def setup_inputs(seed: int = 0):
    key = jax.random.key(seed)
    k1, k2, k3, k4, k5 = jax.random.split(key, 5)
    x = jax.random.normal(k1, (N_NODES, C_IN * R_IN), dtype=jnp.float32)
    conn_rows = jax.random.randint(k2, (NNZ,), 0, N_NODES * B)
    conn_cols = jax.random.randint(k3, (NNZ,), 0, N_NODES)
    conn_values = jax.random.uniform(k4, (NNZ,), dtype=jnp.float32)
    weights = jax.random.normal(k5, (C_OUT, K), dtype=jnp.float32)
    return {"x": x, "conn_rows": conn_rows, "conn_cols": conn_cols,
            "conn_values": conn_values, "weights": weights}


def reference(x, conn_rows, conn_cols, conn_values, weights):
    # layer_weights: for each output channel i, gather weights[i] with the
    # rotation matrix -> [K, R_out]; columns i*R_out:(i+1)*R_out.
    lw = weights[:, ROT]                      # [C_out, K, R_out]
    lw = jnp.transpose(lw, (1, 0, 2)).reshape(K, C_OUT * R_OUT)
    # sparse.mm(conn, x): conn is COO [N*B, N], x is [N, C_in*R_in]
    gathered = conn_values[:, None] * x[conn_cols]
    y = jnp.zeros((N_NODES * B, x.shape[1]), dtype=x.dtype).at[conn_rows].add(gathered)
    y = y.reshape(-1, B * C_IN * R_IN)
    return jnp.matmul(y, lw)

if __name__ == "__main__":
    import jax
    _d = setup_inputs()
    print(jax.jit(kernel)(*tuple(_d.values())))

</pallas_src>

<mosaic_0001>
#map = affine_map<(d0, d1) -> (0, 0)>
#map1 = affine_map<(d0, d1) -> (0)>
#map2 = affine_map<(d0, d1) -> (0, 0, 0)>
module attributes {stable_mosaic.version = 14 : i64} {
  func.func @_sparse_stage(%arg0: i32, %arg1: i32, %arg2: memref<800000x16xf32, #tpu.memory_space<hbm>>, %arg3: memref<3200000xi32, #tpu.memory_space<hbm>>, %arg4: memref<3200000xi32, #tpu.memory_space<hbm>>, %arg5: memref<3200000xf32, #tpu.memory_space<hbm>>, %arg6: memref<10000x16xf32, #tpu.memory_space<hbm>>, %arg7: memref<2x10000x16xf32, #tpu.memory_space<hbm>>, %arg8: memref<2x1024xi32, #tpu.memory_space<vmem>>, %arg9: memref<2x1024xi32, #tpu.memory_space<vmem>>, %arg10: memref<2x1024xf32, #tpu.memory_space<vmem>>, %arg11: memref<2x8x128xi32, #tpu.memory_space<vmem>>, %arg12: memref<2x8x128xi32, #tpu.memory_space<vmem>>, %arg13: memref<2x1024x16xf32, #tpu.memory_space<vmem>>, %arg14: memref<10000x16xf32, #tpu.memory_space<vmem_shared>>, %arg15: memref<2x!tpu.dma_semaphore, #tpu.memory_space<semaphore_mem>>, %arg16: memref<2x!tpu.dma_semaphore, #tpu.memory_space<semaphore_mem>>, %arg17: memref<2x!tpu.dma_semaphore, #tpu.memory_space<semaphore_mem>>) attributes {dimension_semantics = [#tpu.dimension_semantics<core_parallel>, #tpu.dimension_semantics<subcore_parallel>], iteration_bounds = array<i64: 2, 16>, scalar_prefetch = 0 : i64, scratch_operands = 10 : i64, tpu.core_type = #tpu.core_type<sc_vector_subcore>, window_params = [{transform_indices = #map}, {transform_indices = #map1}, {transform_indices = #map1}, {transform_indices = #map1}, {transform_indices = #map}, {transform_indices = #map2}]} {
    %mul3A = arith.constant 2 : i32
    %mul3A_0 = arith.muli %arg1, %mul3A : i32
    %add3A = arith.addi %mul3A_0, %arg0 : i32
    %mul3A_1 = arith.constant 624 : i32
    %mul3A_2 = arith.muli %arg1, %mul3A_1 : i32
    %mul3A_3 = arith.constant 624 : i32
    %mul3A_4 = arith.muli %arg1, %mul3A_3 : i32
    "tpu.region"() ({
      %run_scoped3A = tpu.sem_alloc : memref<!tpu.dma_semaphore, #tpu.memory_space<semaphore_mem>>
      %dma_start3A_385 = arith.constant 0 : i32
      %dma_start3A_386 = tpu.memref_slice %arg14[%mul3A_4, %dma_start3A_385] : memref<10000x16xf32, #tpu.memory_space<vmem_shared>> -> memref<624x16xf32, #tpu.memory_space<vmem_shared>>
      %dma_start3A_387 = arith.constant 0 : i32
      %dma_start3A_388 = tpu.memref_slice %arg6[%mul3A_2, %dma_start3A_387] : memref<10000x16xf32, #tpu.memory_space<hbm>> -> memref<624x16xf32, #tpu.memory_space<hbm>>
      tpu.enqueue_dma source(%dma_start3A_388 : memref<624x16xf32, #tpu.memory_space<hbm>>) target(%dma_start3A_386 : memref<624x16xf32, #tpu.memory_space<vmem_shared>>) target_semaphore(%run_scoped3A : memref<!tpu.dma_semaphore, #tpu.memory_space<semaphore_mem>>)
      %dma_wait3A_389 = arith.constant 0 : i32
      %dma_wait3A_390 = tpu.memref_slice %arg14[%mul3A_4, %dma_wait3A_389] : memref<10000x16xf32, #tpu.memory_space<vmem_shared>> -> memref<624x16xf32, #tpu.memory_space<vmem_shared>>
      %dma_wait3A_391 = arith.constant 0 : i32
      %dma_wait3A_392 = tpu.memref_slice %arg6[%mul3A_2, %dma_wait3A_391] : memref<10000x16xf32, #tpu.memory_space<hbm>> -> memref<624x16xf32, #tpu.memory_space<hbm>>
      tpu.wait_dma2 semaphore(%run_scoped3A : memref<!tpu.dma_semaphore, #tpu.memory_space<semaphore_mem>>) src(%dma_wait3A_392 : memref<624x16xf32, #tpu.memory_space<hbm>>) dst(%dma_wait3A_390 : memref<624x16xf32, #tpu.memory_space<vmem_shared>>)
      tpu.yield
    }) : () -> ()
    %eq3A = arith.constant 0 : i32
    %eq3A_5 = arith.cmpi eq, %arg1, %eq3A : i32
    %convert_element_type3A = arith.extui %eq3A_5 : i1 to i32
    %cond3A = arith.constant 0 : i32
    %cond3A_6 = arith.cmpi ne, %convert_element_type3A, %cond3A : i32
    scf.if %cond3A_6 {
      "tpu.region"() ({
        %run_scoped3A = tpu.sem_alloc : memref<!tpu.dma_semaphore, #tpu.memory_space<semaphore_mem>>
        %dma_start3A_385 = arith.constant 9984 : i32
        %dma_start3A_386 = arith.constant 0 : i32
        %dma_start3A_387 = tpu.memref_slice %arg14[%dma_start3A_385, %dma_start3A_386] : memref<10000x16xf32, #tpu.memory_space<vmem_shared>> -> memref<16x16xf32, #tpu.memory_space<vmem_shared>>
        %dma_start3A_388 = arith.constant 9984 : i32
        %dma_start3A_389 = arith.constant 0 : i32
        %dma_start3A_390 = tpu.memref_slice %arg6[%dma_start3A_388, %dma_start3A_389] : memref<10000x16xf32, #tpu.memory_space<hbm>> -> memref<16x16xf32, #tpu.memory_space<hbm>>
        tpu.enqueue_dma source(%dma_start3A_390 : memref<16x16xf32, #tpu.memory_space<hbm>>) target(%dma_start3A_387 : memref<16x16xf32, #tpu.memory_space<vmem_shared>>) target_semaphore(%run_scoped3A : memref<!tpu.dma_semaphore, #tpu.memory_space<semaphore_mem>>)
        %dma_wait3A_391 = arith.constant 9984 : i32
        %dma_wait3A_392 = arith.constant 0 : i32
        %dma_wait3A_393 = tpu.memref_slice %arg14[%dma_wait3A_391, %dma_wait3A_392] : memref<10000x16xf32, #tpu.memory_space<vmem_shared>> -> memref<16x16xf32, #tpu.memory_space<vmem_shared>>
        %dma_wait3A_394 = arith.constant 9984 : i32
        %dma_wait3A_395 = arith.constant 0 : i32
        %dma_wait3A_396 = tpu.memref_slice %arg6[%dma_wait3A_394, %dma_wait3A_395] : memref<10000x16xf32, #tpu.memory_space<hbm>> -> memref<16x16xf32, #tpu.memory_space<hbm>>
        tpu.wait_dma2 semaphore(%run_scoped3A : memref<!tpu.dma_semaphore, #tpu.memory_space<semaphore_mem>>) src(%dma_wait3A_396 : memref<16x16xf32, #tpu.memory_space<hbm>>) dst(%dma_wait3A_393 : memref<16x16xf32, #tpu.memory_space<vmem_shared>>)
        tpu.yield
      }) : () -> ()
    } else {
    }
    %barrier3A = arith.constant 0 : index
    tpu.barrier barrier_id(%barrier3A)
    %mul3A_7 = arith.constant 100352 : i32
    %mul3A_8 = arith.muli %add3A, %mul3A_7 : i32
    %eq3A_9 = arith.constant 31 : i32
    %eq3A_10 = arith.cmpi eq, %add3A, %eq3A_9 : i32
    %jit3A = arith.constant 87 : i32
    %jit3A_11 = arith.constant 98 : i32
    %select_n3A = arith.select %eq3A_10, %jit3A, %jit3A_11 : i32
    %add3A_12 = arith.constant 0 : i32
    %add3A_13 = arith.addi %mul3A_8, %add3A_12 : i32
    %dma_start3A = arith.constant 0 : i32
    %dma_start3A_14 = arith.constant 0 : i32
    %dma_start3A_15 = arith.constant 0 : i32
    %dma_start3A_16 = tpu.memref_slice %arg8[%dma_start3A, %dma_start3A_15] : memref<2x1024xi32, #tpu.memory_space<vmem>> -> memref<1x1024xi32, #tpu.memory_space<vmem>>
    %dma_start3A_17 = tpu.memref_squeeze %dma_start3A_16 : memref<1x1024xi32, #tpu.memory_space<vmem>> -> memref<1024xi32, #tpu.memory_space<vmem>>
    %dma_start3A_18 = tpu.memref_slice %arg3[%add3A_13] : memref<3200000xi32, #tpu.memory_space<hbm>> -> memref<1024xi32, #tpu.memory_space<hbm>>
    %dma_start3A_19 = tpu.memref_slice %arg15[%dma_start3A_14] : memref<2x!tpu.dma_semaphore, #tpu.memory_space<semaphore_mem>> -> memref<1x!tpu.dma_semaphore, #tpu.memory_space<semaphore_mem>>
    %dma_start3A_20 = tpu.memref_squeeze %dma_start3A_19 : memref<1x!tpu.dma_semaphore, #tpu.memory_space<semaphore_mem>> -> memref<!tpu.dma_semaphore, #tpu.memory_space<semaphore_mem>>
    %dma_start3A_21 = arith.constant 0 : i32
    %dma_start3A_22 = tpu.memref_slice %arg8[%dma_start3A, %dma_start3A_21] : memref<2x1024xi32, #tpu.memory_space<vmem>> -> memref<1x1024xi32, #tpu.memory_space<vmem>>
    %dma_start3A_23 = tpu.memref_squeeze %dma_start3A_22 : memref<1x1024xi32, #tpu.memory_space<vmem>> -> memref<1024xi32, #tpu.memory_space<vmem>>
    %dma_start3A_24 = tpu.memref_slice %arg3[%add3A_13] : memref<3200000xi32, #tpu.memory_space<hbm>> -> memref<1024xi32, #tpu.memory_space<hbm>>
    tpu.enqueue_dma source(%dma_start3A_24 : memref<1024xi32, #tpu.memory_space<hbm>>) target(%dma_start3A_23 : memref<1024xi32, #tpu.memory_space<vmem>>) target_semaphore(%dma_start3A_20 : memref<!tpu.dma_semaphore, #tpu.memory_space<semaphore_mem>>)
    %dma_start3A_25 = arith.constant 0 : i32
    %dma_start3A_26 = arith.constant 0 : i32
    %dma_start3A_27 = arith.constant 0 : i32
    %dma_start3A_28 = tpu.memref_slice %arg9[%dma_start3A_25, %dma_start3A_27] : memref<2x1024xi32, #tpu.memory_space<vmem>> -> memref<1x1024xi32, #tpu.memory_space<vmem>>
    %dma_start3A_29 = tpu.memref_squeeze %dma_start3A_28 : memref<1x1024xi32, #tpu.memory_space<vmem>> -> memref<1024xi32, #tpu.memory_space<vmem>>
    %dma_start3A_30 = tpu.memref_slice %arg4[%add3A_13] : memref<3200000xi32, #tpu.memory_space<hbm>> -> memref<1024xi32, #tpu.memory_space<hbm>>
    %dma_start3A_31 = tpu.memref_slice %arg15[%dma_start3A_26] : memref<2x!tpu.dma_semaphore, #tpu.memory_space<semaphore_mem>> -> memref<1x!tpu.dma_semaphore, #tpu.memory_space<semaphore_mem>>
    %dma_start3A_32 = tpu.memref_squeeze %dma_start3A_31 : memref<1x!tpu.dma_semaphore, #tpu.memory_space<semaphore_mem>> -> memref<!tpu.dma_semaphore, #tpu.memory_space<semaphore_mem>>
    %dma_start3A_33 = arith.constant 0 : i32
    %dma_start3A_34 = tpu.memref_slice %arg9[%dma_start3A_25, %dma_start3A_33] : memref<2x1024xi32, #tpu.memory_space<vmem>> -> memref<1x1024xi32, #tpu.memory_space<vmem>>
    %dma_start3A_35 = tpu.memref_squeeze %dma_start3A_34 : memref<1x1024xi32, #tpu.memory_space<vmem>> -> memref<1024xi32, #tpu.memory_space<vmem>>
    %dma_start3A_36 = tpu.memref_slice %arg4[%add3A_13] : memref<3200000xi32, #tpu.memory_space<hbm>> -> memref<1024xi32, #tpu.memory_space<hbm>>
    tpu.enqueue_dma source(%dma_start3A_36 : memref<1024xi32, #tpu.memory_space<hbm>>) target(%dma_start3A_35 : memref<1024xi32, #tpu.memory_space<vmem>>) target_semaphore(%dma_start3A_32 : memref<!tpu.dma_semaphore, #tpu.memory_space<semaphore_mem>>)
    %dma_start3A_37 = arith.constant 0 : i32
    %dma_start3A_38 = arith.constant 0 : i32
    %dma_start3A_39 = arith.constant 0 : i32
    %dma_start3A_40 = tpu.memref_slice %arg10[%dma_start3A_37, %dma_start3A_39] : memref<2x1024xf32, #tpu.memory_space<vmem>> -> memref<1x1024xf32, #tpu.memory_space<vmem>>
    %dma_start3A_41 = tpu.memref_squeeze %dma_start3A_40 : memref<1x1024xf32, #tpu.memory_space<vmem>> -> memref<1024xf32, #tpu.memory_space<vmem>>
    %dma_start3A_42 = tpu.memref_slice %arg5[%add3A_13] : memref<3200000xf32, #tpu.memory_space<hbm>> -> memref<1024xf32, #tpu.memory_space<hbm>>
    %dma_start3A_43 = tpu.memref_slice %arg15[%dma_start3A_38] : memref<2x!tpu.dma_semaphore, #tpu.memory_space<semaphore_mem>> -> memref<1x!tpu.dma_semaphore, #tpu.memory_space<semaphore_mem>>
    %dma_start3A_44 = tpu.memref_squeeze %dma_start3A_43 : memref<1x!tpu.dma_semaphore, #tpu.memory_space<semaphore_mem>> -> memref<!tpu.dma_semaphore, #tpu.memory_space<semaphore_mem>>
    %dma_start3A_45 = arith.constant 0 : i32
    %dma_start3A_46 = tpu.memref_slice %arg10[%dma_start3A_37, %dma_start3A_45] : memref<2x1024xf32, #tpu.memory_space<vmem>> -> memref<1x1024xf32, #tpu.memory_space<vmem>>
    %dma_start3A_47 = tpu.memref_squeeze %dma_start3A_46 : memref<1x1024xf32, #tpu.memory_space<vmem>> -> memref<1024xf32, #tpu.memory_space<vmem>>
    %dma_start3A_48 = tpu.memref_slice %arg5[%add3A_13] : memref<3200000xf32, #tpu.memory_space<hbm>> -> memref<1024xf32, #tpu.memory_space<hbm>>
    tpu.enqueue_dma source(%dma_start3A_48 : memref<1024xf32, #tpu.memory_space<hbm>>) target(%dma_start3A_47 : memref<1024xf32, #tpu.memory_space<vmem>>) target_semaphore(%dma_start3A_44 : memref<!tpu.dma_semaphore, #tpu.memory_space<semaphore_mem>>)
    %dma_wait3A = arith.constant 0 : i32
    %dma_wait3A_49 = arith.constant 0 : i32
    %dma_wait3A_50 = arith.constant 0 : i32
    %dma_wait3A_51 = tpu.memref_slice %arg8[%dma_wait3A, %dma_wait3A_50] : memref<2x1024xi32, #tpu.memory_space<vmem>> -> memref<1x1024xi32, #tpu.memory_space<vmem>>
    %dma_wait3A_52 = tpu.memref_squeeze %dma_wait3A_51 : memref<1x1024xi32, #tpu.memory_space<vmem>> -> memref<1024xi32, #tpu.memory_space<vmem>>
    %dma_wait3A_53 = arith.constant 0 : i32
    %dma_wait3A_54 = tpu.memref_slice %arg3[%dma_wait3A_53] : memref<3200000xi32, #tpu.memory_space<hbm>> -> memref<1024xi32, #tpu.memory_space<hbm>>
    %dma_wait3A_55 = tpu.memref_slice %arg15[%dma_wait3A_49] : memref<2x!tpu.dma_semaphore, #tpu.memory_space<semaphore_mem>> -> memref<1x!tpu.dma_semaphore, #tpu.memory_space<semaphore_mem>>
    %dma_wait3A_56 = tpu.memref_squeeze %dma_wait3A_55 : memref<1x!tpu.dma_semaphore, #tpu.memory_space<semaphore_mem>> -> memref<!tpu.dma_semaphore, #tpu.memory_space<semaphore_mem>>
    %dma_wait3A_57 = arith.constant 0 : i32
    %dma_wait3A_58 = tpu.memref_slice %arg8[%dma_wait3A, %dma_wait3A_57] : memref<2x1024xi32, #tpu.memory_space<vmem>> -> memref<1x1024xi32, #tpu.memory_space<vmem>>
    %dma_wait3A_59 = tpu.memref_squeeze %dma_wait3A_58 : memref<1x1024xi32, #tpu.memory_space<vmem>> -> memref<1024xi32, #tpu.memory_space<vmem>>
    %dma_wait3A_60 = arith.constant 0 : i32
    %dma_wait3A_61 = tpu.memref_slice %arg3[%dma_wait3A_60] : memref<3200000xi32, #tpu.memory_space<hbm>> -> memref<1024xi32, #tpu.memory_space<hbm>>
    tpu.wait_dma2 semaphore(%dma_wait3A_56 : memref<!tpu.dma_semaphore, #tpu.memory_space<semaphore_mem>>) src(%dma_wait3A_61 : memref<1024xi32, #tpu.memory_space<hbm>>) dst(%dma_wait3A_59 : memref<1024xi32, #tpu.memory_space<vmem>>)
    %dma_wait3A_62 = arith.constant 0 : i32
    %dma_wait3A_63 = arith.constant 0 : i32
    %dma_wait3A_64 = arith.constant 0 : i32
    %dma_wait3A_65 = tpu.memref_slice %arg9[%dma_wait3A_62, %dma_wait3A_64] : memref<2x1024xi32, #tpu.memory_space<vmem>> -> memref<1x1024xi32, #tpu.memory_space<vmem>>
    %dma_wait3A_66 = tpu.memref_squeeze %dma_wait3A_65 : memref<1x1024xi32, #tpu.memory_space<vmem>> -> memref<1024xi32, #tpu.memory_space<vmem>>
    %dma_wait3A_67 = arith.constant 0 : i32
    %dma_wait3A_68 = tpu.memref_slice %arg4[%dma_wait3A_67] : memref<3200000xi32, #tpu.memory_space<hbm>> -> memref<1024xi32, #tpu.memory_space<hbm>>
    %dma_wait3A_69 = tpu.memref_slice %arg15[%dma_wait3A_63] : memref<2x!tpu.dma_semaphore, #tpu.memory_space<semaphore_mem>> -> memref<1x!tpu.dma_semaphore, #tpu.memory_space<semaphore_mem>>
    %dma_wait3A_70 = tpu.memref_squeeze %dma_wait3A_69 : memref<1x!tpu.dma_semaphore, #tpu.memory_space<semaphore_mem>> -> memref<!tpu.dma_semaphore, #tpu.memory_space<semaphore_mem>>
    %dma_wait3A_71 = arith.constant 0 : i32
    %dma_wait3A_72 = tpu.memref_slice %arg9[%dma_wait3A_62, %dma_wait3A_71] : memref<2x1024xi32, #tpu.memory_space<vmem>> -> memref<1x1024xi32, #tpu.memory_space<vmem>>
    %dma_wait3A_73 = tpu.memref_squeeze %dma_wait3A_72 : memref<1x1024xi32, #tpu.memory_space<vmem>> -> memref<1024xi32, #tpu.memory_space<vmem>>
    %dma_wait3A_74 = arith.constant 0 : i32
    %dma_wait3A_75 = tpu.memref_slice %arg4[%dma_wait3A_74] : memref<3200000xi32, #tpu.memory_space<hbm>> -> memref<1024xi32, #tpu.memory_space<hbm>>
    tpu.wait_dma2 semaphore(%dma_wait3A_70 : memref<!tpu.dma_semaphore, #tpu.memory_space<semaphore_mem>>) src(%dma_wait3A_75 : memref<1024xi32, #tpu.memory_space<hbm>>) dst(%dma_wait3A_73 : memref<1024xi32, #tpu.memory_space<vmem>>)
    %dma_wait3A_76 = arith.constant 0 : i32
    %dma_wait3A_77 = arith.constant 0 : i32
    %dma_wait3A_78 = arith.constant 0 : i32
    %dma_wait3A_79 = tpu.memref_slice %arg10[%dma_wait3A_76, %dma_wait3A_78] : memref<2x1024xf32, #tpu.memory_space<vmem>> -> memref<1x1024xf32, #tpu.memory_space<vmem>>
    %dma_wait3A_80 = tpu.memref_squeeze %dma_wait3A_79 : memref<1x1024xf32, #tpu.memory_space<vmem>> -> memref<1024xf32, #tpu.memory_space<vmem>>
    %dma_wait3A_81 = arith.constant 0 : i32
    %dma_wait3A_82 = tpu.memref_slice %arg5[%dma_wait3A_81] : memref<3200000xf32, #tpu.memory_space<hbm>> -> memref<1024xf32, #tpu.memory_space<hbm>>
    %dma_wait3A_83 = tpu.memref_slice %arg15[%dma_wait3A_77] : memref<2x!tpu.dma_semaphore, #tpu.memory_space<semaphore_mem>> -> memref<1x!tpu.dma_semaphore, #tpu.memory_space<semaphore_mem>>
    %dma_wait3A_84 = tpu.memref_squeeze %dma_wait3A_83 : memref<1x!tpu.dma_semaphore, #tpu.memory_space<semaphore_mem>> -> memref<!tpu.dma_semaphore, #tpu.memory_space<semaphore_mem>>
    %dma_wait3A_85 = arith.constant 0 : i32
    %dma_wait3A_86 = tpu.memref_slice %arg10[%dma_wait3A_76, %dma_wait3A_85] : memref<2x1024xf32, #tpu.memory_space<vmem>> -> memref<1x1024xf32, #tpu.memory_space<vmem>>
    %dma_wait3A_87 = tpu.memref_squeeze %dma_wait3A_86 : memref<1x1024xf32, #tpu.memory_space<vmem>> -> memref<1024xf32, #tpu.memory_space<vmem>>
    %dma_wait3A_88 = arith.constant 0 : i32
    %dma_wait3A_89 = tpu.memref_slice %arg5[%dma_wait3A_88] : memref<3200000xf32, #tpu.memory_space<hbm>> -> memref<1024xf32, #tpu.memory_space<hbm>>
    tpu.wait_dma2 semaphore(%dma_wait3A_84 : memref<!tpu.dma_semaphore, #tpu.memory_space<semaphore_mem>>) src(%dma_wait3A_89 : memref<1024xf32, #tpu.memory_space<hbm>>) dst(%dma_wait3A_87 : memref<1024xf32, #tpu.memory_space<vmem>>)
    %parallel_loop3A = arith.constant 0 : i32
    %parallel_loop3A_90 = arith.constant 64 : i32
    %parallel_loop3A_91 = arith.constant 1 : i32
    scf.for %parallel_loop3A_385 = %parallel_loop3A to %parallel_loop3A_90 step %parallel_loop3A_91  : i32 {
      %parallel_loop3A_386 = arith.constant 16 : i32
      %parallel_loop3A_387 = arith.muli %parallel_loop3A_385, %parallel_loop3A_386 : i32
      %parallel_loop3A_388 = arith.constant 0 : i32
      %parallel_loop3A_389 = arith.index_cast %parallel_loop3A_388 : i32 to index
      %parallel_loop3A_390 = arith.index_cast %parallel_loop3A_387 : i32 to index
      %parallel_loop3A_391 = tpu.vector_load %arg8[%parallel_loop3A_389, %parallel_loop3A_390] {strides = array<i32>} : memref<2x1024xi32, #tpu.memory_space<vmem>>, vector<16xi32>,
      %parallel_loop3A_392 = arith.constant 16 : i32
      %parallel_loop3A_393 = arith.muli %parallel_loop3A_385, %parallel_loop3A_392 : i32
      %parallel_loop3A_394 = arith.constant 0 : i32
      %parallel_loop3A_395 = arith.index_cast %parallel_loop3A_394 : i32 to index
      %parallel_loop3A_396 = arith.index_cast %parallel_loop3A_393 : i32 to index
      %parallel_loop3A_397 = tpu.vector_load %arg9[%parallel_loop3A_395, %parallel_loop3A_396] {strides = array<i32>} : memref<2x1024xi32, #tpu.memory_space<vmem>>, vector<16xi32>,
      %parallel_loop3A_398 = arith.constant 4 : i32
      %parallel_loop3A_399 = vector.broadcast %parallel_loop3A_398 : i32 to vector<16xi32>
      %parallel_loop3A_400 = arith.shrui %parallel_loop3A_391, %parallel_loop3A_399 : vector<16xi32>
      %parallel_loop3A_401 = arith.sitofp %parallel_loop3A_400 : vector<16xi32> to vector<16xf32>
      %parallel_loop3A_402 = arith.constant 2.000000e-01 : f32
      %parallel_loop3A_403 = vector.broadcast %parallel_loop3A_402 : f32 to vector<16xf32>
      %parallel_loop3A_404 = arith.mulf %parallel_loop3A_401, %parallel_loop3A_403 : vector<16xf32>
      %parallel_loop3A_405 = arith.fptosi %parallel_loop3A_404 : vector<16xf32> to vector<16xi32>
      %parallel_loop3A_406 = arith.constant 80 : i32
      %parallel_loop3A_407 = vector.broadcast %parallel_loop3A_406 : i32 to vector<16xi32>
      %parallel_loop3A_408 = arith.muli %parallel_loop3A_397, %parallel_loop3A_407 : vector<16xi32>
      %parallel_loop3A_409 = arith.constant 80 : i32
      %parallel_loop3A_410 = vector.broadcast %parallel_loop3A_409 : i32 to vector<16xi32>
      %parallel_loop3A_411 = arith.muli %parallel_loop3A_405, %parallel_loop3A_410 : vector<16xi32>
      %parallel_loop3A_412 = arith.subi %parallel_loop3A_391, %parallel_loop3A_411 : vector<16xi32>
      %parallel_loop3A_413 = arith.addi %parallel_loop3A_408, %parallel_loop3A_412 : vector<16xi32>
      %parallel_loop3A_414 = arith.constant 8 : i32
      %parallel_loop3A_415 = arith.divsi %parallel_loop3A_385, %parallel_loop3A_414 : i32
      %parallel_loop3A_416 = arith.constant 0 : i32
      %parallel_loop3A_417 = arith.cmpi sgt, %parallel_loop3A_385, %parallel_loop3A_416 : i32
      %parallel_loop3A_418 = arith.extui %parallel_loop3A_417 : i1 to i32
      %parallel_loop3A_419 = arith.constant 0 : i32
      %parallel_loop3A_420 = arith.cmpi slt, %parallel_loop3A_385, %parallel_loop3A_419 : i32
      %parallel_loop3A_421 = arith.extui %parallel_loop3A_420 : i1 to i32
      %parallel_loop3A_422 = arith.subi %parallel_loop3A_418, %parallel_loop3A_421 : i32
      %parallel_loop3A_423 = arith.constant 0 : i32
      %parallel_loop3A_424 = arith.cmpi sgt, %parallel_loop3A_414, %parallel_loop3A_423 : i32
      %parallel_loop3A_425 = arith.extui %parallel_loop3A_424 : i1 to i32
      %parallel_loop3A_426 = arith.constant 0 : i32
      %parallel_loop3A_427 = arith.cmpi slt, %parallel_loop3A_414, %parallel_loop3A_426 : i32
      %parallel_loop3A_428 = arith.extui %parallel_loop3A_427 : i1 to i32
      %parallel_loop3A_429 = arith.subi %parallel_loop3A_425, %parallel_loop3A_428 : i32
      %parallel_loop3A_430 = arith.cmpi ne, %parallel_loop3A_422, %parallel_loop3A_429 : i32
      %parallel_loop3A_431 = arith.remsi %parallel_loop3A_385, %parallel_loop3A_414 : i32
      %parallel_loop3A_432 = arith.constant 0 : i32
      %parallel_loop3A_433 = arith.cmpi ne, %parallel_loop3A_431, %parallel_loop3A_432 : i32
      %parallel_loop3A_434 = arith.andi %parallel_loop3A_430, %parallel_loop3A_433 : i1
      %parallel_loop3A_435 = arith.constant 1 : i32
      %parallel_loop3A_436 = arith.subi %parallel_loop3A_415, %parallel_loop3A_435 : i32
      %parallel_loop3A_437 = arith.select %parallel_loop3A_434, %parallel_loop3A_436, %parallel_loop3A_415 : i32
      %parallel_loop3A_438 = arith.constant 8 : i32
      %parallel_loop3A_439 = arith.constant 0 : i32
      %parallel_loop3A_440 = arith.cmpi eq, %parallel_loop3A_438, %parallel_loop3A_439 : i32
      %parallel_loop3A_441 = arith.constant 1 : i32
      %parallel_loop3A_442 = arith.select %parallel_loop3A_440, %parallel_loop3A_441, %parallel_loop3A_438 : i32
      %parallel_loop3A_443 = arith.remsi %parallel_loop3A_385, %parallel_loop3A_442 : i32
      %parallel_loop3A_444 = arith.constant 0 : i32
      %parallel_loop3A_445 = arith.cmpi ne, %parallel_loop3A_443, %parallel_loop3A_444 : i32
      %parallel_loop3A_446 = arith.constant 0 : i32
      %parallel_loop3A_447 = arith.cmpi slt, %parallel_loop3A_443, %parallel_loop3A_446 : i32
      %parallel_loop3A_448 = arith.constant 0 : i32
      %parallel_loop3A_449 = arith.cmpi slt, %parallel_loop3A_442, %parallel_loop3A_448 : i32
      %parallel_loop3A_450 = arith.xori %parallel_loop3A_447, %parallel_loop3A_449 : i1
      %parallel_loop3A_451 = arith.andi %parallel_loop3A_450, %parallel_loop3A_445 : i1
      %parallel_loop3A_452 = arith.addi %parallel_loop3A_443, %parallel_loop3A_442 : i32
      %parallel_loop3A_453 = arith.select %parallel_loop3A_451, %parallel_loop3A_452, %parallel_loop3A_443 : i32
      %parallel_loop3A_454 = arith.constant 16 : i32
      %parallel_loop3A_455 = arith.muli %parallel_loop3A_453, %parallel_loop3A_454 : i32
      %parallel_loop3A_456 = arith.constant 0 : i32
      %parallel_loop3A_457 = arith.index_cast %parallel_loop3A_456 : i32 to index
      %parallel_loop3A_458 = arith.index_cast %parallel_loop3A_437 : i32 to index
      %parallel_loop3A_459 = arith.index_cast %parallel_loop3A_455 : i32 to index
      %parallel_loop3A_460 = tpu.vector_load %arg11[%parallel_loop3A_457, %parallel_loop3A_458, %parallel_loop3A_459] {strides = array<i32>} : memref<2x8x128xi32, #tpu.memory_space<vmem>>, vector<16xi32>,
      tpu.vector_store %arg11[%parallel_loop3A_457, %parallel_loop3A_458, %parallel_loop3A_459], %parallel_loop3A_413 {strides = array<i32>} : memref<2x8x128xi32, #tpu.memory_space<vmem>>, vector<16xi32>,
      %parallel_loop3A_461 = arith.constant 8 : i32
      %parallel_loop3A_462 = arith.divsi %parallel_loop3A_385, %parallel_loop3A_461 : i32
      %parallel_loop3A_463 = arith.constant 0 : i32
      %parallel_loop3A_464 = arith.cmpi sgt, %parallel_loop3A_385, %parallel_loop3A_463 : i32
      %parallel_loop3A_465 = arith.extui %parallel_loop3A_464 : i1 to i32
      %parallel_loop3A_466 = arith.constant 0 : i32
      %parallel_loop3A_467 = arith.cmpi slt, %parallel_loop3A_385, %parallel_loop3A_466 : i32
      %parallel_loop3A_468 = arith.extui %parallel_loop3A_467 : i1 to i32
      %parallel_loop3A_469 = arith.subi %parallel_loop3A_465, %parallel_loop3A_468 : i32
      %parallel_loop3A_470 = arith.constant 0 : i32
      %parallel_loop3A_471 = arith.cmpi sgt, %parallel_loop3A_461, %parallel_loop3A_470 : i32
      %parallel_loop3A_472 = arith.extui %parallel_loop3A_471 : i1 to i32
      %parallel_loop3A_473 = arith.constant 0 : i32
      %parallel_loop3A_474 = arith.cmpi slt, %parallel_loop3A_461, %parallel_loop3A_473 : i32
      %parallel_loop3A_475 = arith.extui %parallel_loop3A_474 : i1 to i32
      %parallel_loop3A_476 = arith.subi %parallel_loop3A_472, %parallel_loop3A_475 : i32
      %parallel_loop3A_477 = arith.cmpi ne, %parallel_loop3A_469, %parallel_loop3A_476 : i32
      %parallel_loop3A_478 = arith.remsi %parallel_loop3A_385, %parallel_loop3A_461 : i32
      %parallel_loop3A_479 = arith.constant 0 : i32
      %parallel_loop3A_480 = arith.cmpi ne, %parallel_loop3A_478, %parallel_loop3A_479 : i32
      %parallel_loop3A_481 = arith.andi %parallel_loop3A_477, %parallel_loop3A_480 : i1
      %parallel_loop3A_482 = arith.constant 1 : i32
      %parallel_loop3A_483 = arith.subi %parallel_loop3A_462, %parallel_loop3A_482 : i32
      %parallel_loop3A_484 = arith.select %parallel_loop3A_481, %parallel_loop3A_483, %parallel_loop3A_462 : i32
      %parallel_loop3A_485 = arith.constant 8 : i32
      %parallel_loop3A_486 = arith.constant 0 : i32
      %parallel_loop3A_487 = arith.cmpi eq, %parallel_loop3A_485, %parallel_loop3A_486 : i32
      %parallel_loop3A_488 = arith.constant 1 : i32
      %parallel_loop3A_489 = arith.select %parallel_loop3A_487, %parallel_loop3A_488, %parallel_loop3A_485 : i32
      %parallel_loop3A_490 = arith.remsi %parallel_loop3A_385, %parallel_loop3A_489 : i32
      %parallel_loop3A_491 = arith.constant 0 : i32
      %parallel_loop3A_492 = arith.cmpi ne, %parallel_loop3A_490, %parallel_loop3A_491 : i32
      %parallel_loop3A_493 = arith.constant 0 : i32
      %parallel_loop3A_494 = arith.cmpi slt, %parallel_loop3A_490, %parallel_loop3A_493 : i32
      %parallel_loop3A_495 = arith.constant 0 : i32
      %parallel_loop3A_496 = arith.cmpi slt, %parallel_loop3A_489, %parallel_loop3A_495 : i32
      %parallel_loop3A_497 = arith.xori %parallel_loop3A_494, %parallel_loop3A_496 : i1
      %parallel_loop3A_498 = arith.andi %parallel_loop3A_497, %parallel_loop3A_492 : i1
      %parallel_loop3A_499 = arith.addi %parallel_loop3A_490, %parallel_loop3A_489 : i32
      %parallel_loop3A_500 = arith.select %parallel_loop3A_498, %parallel_loop3A_499, %parallel_loop3A_490 : i32
      %parallel_loop3A_501 = arith.constant 16 : i32
      %parallel_loop3A_502 = arith.muli %parallel_loop3A_500, %parallel_loop3A_501 : i32
      %parallel_loop3A_503 = arith.constant 0 : i32
      %parallel_loop3A_504 = arith.index_cast %parallel_loop3A_503 : i32 to index
      %parallel_loop3A_505 = arith.index_cast %parallel_loop3A_484 : i32 to index
      %parallel_loop3A_506 = arith.index_cast %parallel_loop3A_502 : i32 to index
      %parallel_loop3A_507 = tpu.vector_load %arg12[%parallel_loop3A_504, %parallel_loop3A_505, %parallel_loop3A_506] {strides = array<i32>} : memref<2x8x128xi32, #tpu.memory_space<vmem>>, vector<16xi32>,
      tpu.vector_store %arg12[%parallel_loop3A_504, %parallel_loop3A_505, %parallel_loop3A_506], %parallel_loop3A_405 {strides = array<i32>} : memref<2x8x128xi32, #tpu.memory_space<vmem>>, vector<16xi32>,
    } {sc.loop_unroll_factor = 2 : i64, sc.parallel_access}
    %dma_start3A_92 = arith.constant 0 : i32
    %dma_start3A_93 = arith.constant 0 : i32
    %dma_start3A_94 = arith.constant 0 : i32
    %dma_start3A_95 = arith.constant 0 : i32
    %dma_start3A_96 = arith.constant 0 : i32
    %dma_start3A_97 = arith.constant 0 : i32
    %dma_start3A_98 = tpu.memref_slice %arg13[%dma_start3A_94, %dma_start3A_96, %dma_start3A_97] : memref<2x1024x16xf32, #tpu.memory_space<vmem>> -> memref<1x128x16xf32, #tpu.memory_space<vmem>>
    %dma_start3A_99 = tpu.memref_squeeze %dma_start3A_98 : memref<1x128x16xf32, #tpu.memory_space<vmem>> -> memref<128x16xf32, #tpu.memory_space<vmem>>
    %dma_start3A_100 = arith.constant 0 : i32
    %dma_start3A_101 = tpu.memref_slice %arg11[%dma_start3A_92, %dma_start3A_93, %dma_start3A_100] : memref<2x8x128xi32, #tpu.memory_space<vmem>> -> memref<1x1x128xi32, #tpu.memory_space<vmem>>
    %dma_start3A_102 = tpu.memref_squeeze %dma_start3A_101 : memref<1x1x128xi32, #tpu.memory_space<vmem>> -> memref<128xi32, #tpu.memory_space<vmem>>
    %dma_start3A_103 = arith.constant 0 : i32
    %dma_start3A_104 = arith.constant 0 : i32
    %dma_start3A_105 = tpu.memref_slice %arg2[%dma_start3A_103, %dma_start3A_104] : memref<800000x16xf32, #tpu.memory_space<hbm>> -> memref<800000x16xf32, #tpu.memory_space<hbm>>
    %dma_start3A_106 = tpu.memref_slice %arg16[%dma_start3A_95] : memref<2x!tpu.dma_semaphore, #tpu.memory_space<semaphore_mem>> -> memref<1x!tpu.dma_semaphore, #tpu.memory_space<semaphore_mem>>
    %dma_start3A_107 = tpu.memref_squeeze %dma_start3A_106 : memref<1x!tpu.dma_semaphore, #tpu.memory_space<semaphore_mem>> -> memref<!tpu.dma_semaphore, #tpu.memory_space<semaphore_mem>>
    tpu.enqueue_indirect_dma source(%dma_start3A_105 : memref<800000x16xf32, #tpu.memory_space<hbm>>) target(%dma_start3A_99 : memref<128x16xf32, #tpu.memory_space<vmem>>) offsets(%dma_start3A_102 : memref<128xi32, #tpu.memory_space<vmem>>) semaphore(%dma_start3A_107 : memref<!tpu.dma_semaphore, #tpu.memory_space<semaphore_mem>>)
    %dma_start3A_108 = arith.constant 0 : i32
    %dma_start3A_109 = arith.constant 1 : i32
    %dma_start3A_110 = arith.constant 0 : i32
    %dma_start3A_111 = arith.constant 0 : i32
    %dma_start3A_112 = arith.constant 128 : i32
    %dma_start3A_113 = arith.constant 0 : i32
    %dma_start3A_114 = tpu.memref_slice %arg13[%dma_start3A_110, %dma_start3A_112, %dma_start3A_113] : memref<2x1024x16xf32, #tpu.memory_space<vmem>> -> memref<1x128x16xf32, #tpu.memory_space<vmem>>
    %dma_start3A_115 = tpu.memref_squeeze %dma_start3A_114 : memref<1x128x16xf32, #tpu.memory_space<vmem>> -> memref<128x16xf32, #tpu.memory_space<vmem>>
    %dma_start3A_116 = arith.constant 0 : i32
    %dma_start3A_117 = tpu.memref_slice %arg11[%dma_start3A_108, %dma_start3A_109, %dma_start3A_116] : memref<2x8x128xi32, #tpu.memory_space<vmem>> -> memref<1x1x128xi32, #tpu.memory_space<vmem>>
    %dma_start3A_118 = tpu.memref_squeeze %dma_start3A_117 : memref<1x1x128xi32, #tpu.memory_space<vmem>> -> memref<128xi32, #tpu.memory_space<vmem>>
    %dma_start3A_119 = arith.constant 0 : i32
    %dma_start3A_120 = arith.constant 0 : i32
    %dma_start3A_121 = tpu.memref_slice %arg2[%dma_start3A_119, %dma_start3A_120] : memref<800000x16xf32, #tpu.memory_space<hbm>> -> memref<800000x16xf32, #tpu.memory_space<hbm>>
    %dma_start3A_122 = tpu.memref_slice %arg16[%dma_start3A_111] : memref<2x!tpu.dma_semaphore, #tpu.memory_space<semaphore_mem>> -> memref<1x!tpu.dma_semaphore, #tpu.memory_space<semaphore_mem>>
    %dma_start3A_123 = tpu.memref_squeeze %dma_start3A_122 : memref<1x!tpu.dma_semaphore, #tpu.memory_space<semaphore_mem>> -> memref<!tpu.dma_semaphore, #tpu.memory_space<semaphore_mem>>
    tpu.enqueue_indirect_dma source(%dma_start3A_121 : memref<800000x16xf32, #tpu.memory_space<hbm>>) target(%dma_start3A_115 : memref<128x16xf32, #tpu.memory_space<vmem>>) offsets(%dma_start3A_118 : memref<128xi32, #tpu.memory_space<vmem>>) semaphore(%dma_start3A_123 : memref<!tpu.dma_semaphore, #tpu.memory_space<semaphore_mem>>)
    %dma_start3A_124 = arith.constant 0 : i32
    %dma_start3A_125 = arith.constant 2 : i32
    %dma_start3A_126 = arith.constant 0 : i32
    %dma_start3A_127 = arith.constant 0 : i32
    %dma_start3A_128 = arith.constant 256 : i32
    %dma_start3A_129 = arith.constant 0 : i32
    %dma_start3A_130 = tpu.memref_slice %arg13[%dma_start3A_126, %dma_start3A_128, %dma_start3A_129] : memref<2x1024x16xf32, #tpu.memory_space<vmem>> -> memref<1x128x16xf32, #tpu.memory_space<vmem>>
    %dma_start3A_131 = tpu.memref_squeeze %dma_start3A_130 : memref<1x128x16xf32, #tpu.memory_space<vmem>> -> memref<128x16xf32, #tpu.memory_space<vmem>>
    %dma_start3A_132 = arith.constant 0 : i32
    %dma_start3A_133 = tpu.memref_slice %arg11[%dma_start3A_124, %dma_start3A_125, %dma_start3A_132] : memref<2x8x128xi32, #tpu.memory_space<vmem>> -> memref<1x1x128xi32, #tpu.memory_space<vmem>>
    %dma_start3A_134 = tpu.memref_squeeze %dma_start3A_133 : memref<1x1x128xi32, #tpu.memory_space<vmem>> -> memref<128xi32, #tpu.memory_space<vmem>>
    %dma_start3A_135 = arith.constant 0 : i32
    %dma_start3A_136 = arith.constant 0 : i32
    %dma_start3A_137 = tpu.memref_slice %arg2[%dma_start3A_135, %dma_start3A_136] : memref<800000x16xf32, #tpu.memory_space<hbm>> -> memref<800000x16xf32, #tpu.memory_space<hbm>>
    %dma_start3A_138 = tpu.memref_slice %arg16[%dma_start3A_127] : memref<2x!tpu.dma_semaphore, #tpu.memory_space<semaphore_mem>> -> memref<1x!tpu.dma_semaphore, #tpu.memory_space<semaphore_mem>>
    %dma_start3A_139 = tpu.memref_squeeze %dma_start3A_138 : memref<1x!tpu.dma_semaphore, #tpu.memory_space<semaphore_mem>> -> memref<!tpu.dma_semaphore, #tpu.memory_space<semaphore_mem>>
    tpu.enqueue_indirect_dma source(%dma_start3A_137 : memref<800000x16xf32, #tpu.memory_space<hbm>>) target(%dma_start3A_131 : memref<128x16xf32, #tpu.memory_space<vmem>>) offsets(%dma_start3A_134 : memref<128xi32, #tpu.memory_space<vmem>>) semaphore(%dma_start3A_139 : memref<!tpu.dma_semaphore, #tpu.memory_space<semaphore_mem>>)
    %dma_start3A_140 = arith.constant 0 : i32
    %dma_start3A_141 = arith.constant 3 : i32
    %dma_start3A_142 = arith.constant 0 : i32
    %dma_start3A_143 = arith.constant 0 : i32
    %dma_start3A_144 = arith.constant 384 : i32
    %dma_start3A_145 = arith.constant 0 : i32
    %dma_start3A_146 = tpu.memref_slice %arg13[%dma_start3A_142, %dma_start3A_144, %dma_start3A_145] : memref<2x1024x16xf32, #tpu.memory_space<vmem>> -> memref<1x128x16xf32, #tpu.memory_space<vmem>>
    %dma_start3A_147 = tpu.memref_squeeze %dma_start3A_146 : memref<1x128x16xf32, #tpu.memory_space<vmem>> -> memref<128x16xf32, #tpu.memory_space<vmem>>
    %dma_start3A_148 = arith.constant 0 : i32
    %dma_start3A_149 = tpu.memref_slice %arg11[%dma_start3A_140, %dma_start3A_141, %dma_start3A_148] : memref<2x8x128xi32, #tpu.memory_space<vmem>> -> memref<1x1x128xi32, #tpu.memory_space<vmem>>
    %dma_start3A_150 = tpu.memref_squeeze %dma_start3A_149 : memref<1x1x128xi32, #tpu.memory_space<vmem>> -> memref<128xi32, #tpu.memory_space<vmem>>
    %dma_start3A_151 = arith.constant 0 : i32
    %dma_start3A_152 = arith.constant 0 : i32
    %dma_start3A_153 = tpu.memref_slice %arg2[%dma_start3A_151, %dma_start3A_152] : memref<800000x16xf32, #tpu.memory_space<hbm>> -> memref<800000x16xf32, #tpu.memory_space<hbm>>
    %dma_start3A_154 = tpu.memref_slice %arg16[%dma_start3A_143] : memref<2x!tpu.dma_semaphore, #tpu.memory_space<semaphore_mem>> -> memref<1x!tpu.dma_semaphore, #tpu.memory_space<semaphore_mem>>
    %dma_start3A_155 = tpu.memref_squeeze %dma_start3A_154 : memref<1x!tpu.dma_semaphore, #tpu.memory_space<semaphore_mem>> -> memref<!tpu.dma_semaphore, #tpu.memory_space<semaphore_mem>>
    tpu.enqueue_indirect_dma source(%dma_start3A_153 : memref<800000x16xf32, #tpu.memory_space<hbm>>) target(%dma_start3A_147 : memref<128x16xf32, #tpu.memory_space<vmem>>) offsets(%dma_start3A_150 : memref<128xi32, #tpu.memory_space<vmem>>) semaphore(%dma_start3A_155 : memref<!tpu.dma_semaphore, #tpu.memory_space<semaphore_mem>>)
    %dma_start3A_156 = arith.constant 0 : i32
    %dma_start3A_157 = arith.constant 4 : i32
    %dma_start3A_158 = arith.constant 0 : i32
    %dma_start3A_159 = arith.constant 0 : i32
    %dma_start3A_160 = arith.constant 512 : i32
    %dma_start3A_161 = arith.constant 0 : i32
    %dma_start3A_162 = tpu.memref_slice %arg13[%dma_start3A_158, %dma_start3A_160, %dma_start3A_161] : memref<2x1024x16xf32, #tpu.memory_space<vmem>> -> memref<1x128x16xf32, #tpu.memory_space<vmem>>
    %dma_start3A_163 = tpu.memref_squeeze %dma_start3A_162 : memref<1x128x16xf32, #tpu.memory_space<vmem>> -> memref<128x16xf32, #tpu.memory_space<vmem>>
    %dma_start3A_164 = arith.constant 0 : i32
    %dma_start3A_165 = tpu.memref_slice %arg11[%dma_start3A_156, %dma_start3A_157, %dma_start3A_164] : memref<2x8x128xi32, #tpu.memory_space<vmem>> -> memref<1x1x128xi32, #tpu.memory_space<vmem>>
    %dma_start3A_166 = tpu.memref_squeeze %dma_start3A_165 : memref<1x1x128xi32, #tpu.memory_space<vmem>> -> memref<128xi32, #tpu.memory_space<vmem>>
    %dma_start3A_167 = arith.constant 0 : i32
    %dma_start3A_168 = arith.constant 0 : i32
    %dma_start3A_169 = tpu.memref_slice %arg2[%dma_start3A_167, %dma_start3A_168] : memref<800000x16xf32, #tpu.memory_space<hbm>> -> memref<800000x16xf32, #tpu.memory_space<hbm>>
    %dma_start3A_170 = tpu.memref_slice %arg16[%dma_start3A_159] : memref<2x!tpu.dma_semaphore, #tpu.memory_space<semaphore_mem>> -> memref<1x!tpu.dma_semaphore, #tpu.memory_space<semaphore_mem>>
    %dma_start3A_171 = tpu.memref_squeeze %dma_start3A_170 : memref<1x!tpu.dma_semaphore, #tpu.memory_space<semaphore_mem>> -> memref<!tpu.dma_semaphore, #tpu.memory_space<semaphore_mem>>
    tpu.enqueue_indirect_dma source(%dma_start3A_169 : memref<800000x16xf32, #tpu.memory_space<hbm>>) target(%dma_start3A_163 : memref<128x16xf32, #tpu.memory_space<vmem>>) offsets(%dma_start3A_166 : memref<128xi32, #tpu.memory_space<vmem>>) semaphore(%dma_start3A_171 : memref<!tpu.dma_semaphore, #tpu.memory_space<semaphore_mem>>)
    %dma_start3A_172 = arith.constant 0 : i32
    %dma_start3A_173 = arith.constant 5 : i32
    %dma_start3A_174 = arith.constant 0 : i32
    %dma_start3A_175 = arith.constant 0 : i32
    %dma_start3A_176 = arith.constant 640 : i32
    %dma_start3A_177 = arith.constant 0 : i32
    %dma_start3A_178 = tpu.memref_slice %arg13[%dma_start3A_174, %dma_start3A_176, %dma_start3A_177] : memref<2x1024x16xf32, #tpu.memory_space<vmem>> -> memref<1x128x16xf32, #tpu.memory_space<vmem>>
    %dma_start3A_179 = tpu.memref_squeeze %dma_start3A_178 : memref<1x128x16xf32, #tpu.memory_space<vmem>> -> memref<128x16xf32, #tpu.memory_space<vmem>>
    %dma_start3A_180 = arith.constant 0 : i32
    %dma_start3A_181 = tpu.memref_slice %arg11[%dma_start3A_172, %dma_start3A_173, %dma_start3A_180] : memref<2x8x128xi32, #tpu.memory_space<vmem>> -> memref<1x1x128xi32, #tpu.memory_space<vmem>>
    %dma_start3A_182 = tpu.memref_squeeze %dma_start3A_181 : memref<1x1x128xi32, #tpu.memory_space<vmem>> -> memref<128xi32, #tpu.memory_space<vmem>>
    %dma_start3A_183 = arith.constant 0 : i32
    %dma_start3A_184 = arith.constant 0 : i32
    %dma_start3A_185 = tpu.memref_slice %arg2[%dma_start3A_183, %dma_start3A_184] : memref<800000x16xf32, #tpu.memory_space<hbm>> -> memref<800000x16xf32, #tpu.memory_space<hbm>>
    %dma_start3A_186 = tpu.memref_slice %arg16[%dma_start3A_175] : memref<2x!tpu.dma_semaphore, #tpu.memory_space<semaphore_mem>> -> memref<1x!tpu.dma_semaphore, #tpu.memory_space<semaphore_mem>>
    %dma_start3A_187 = tpu.memref_squeeze %dma_start3A_186 : memref<1x!tpu.dma_semaphore, #tpu.memory_space<semaphore_mem>> -> memref<!tpu.dma_semaphore, #tpu.memory_space<semaphore_mem>>
    tpu.enqueue_indirect_dma source(%dma_start3A_185 : memref<800000x16xf32, #tpu.memory_space<hbm>>) target(%dma_start3A_179 : memref<128x16xf32, #tpu.memory_space<vmem>>) offsets(%dma_start3A_182 : memref<128xi32, #tpu.memory_space<vmem>>) semaphore(%dma_start3A_187 : memref<!tpu.dma_semaphore, #tpu.memory_space<semaphore_mem>>)
    %dma_start3A_188 = arith.constant 0 : i32
    %dma_start3A_189 = arith.constant 6 : i32
    %dma_start3A_190 = arith.constant 0 : i32
    %dma_start3A_191 = arith.constant 0 : i32
    %dma_start3A_192 = arith.constant 768 : i32
    %dma_start3A_193 = arith.constant 0 : i32
    %dma_start3A_194 = tpu.memref_slice %arg13[%dma_start3A_190, %dma_start3A_192, %dma_start3A_193] : memref<2x1024x16xf32, #tpu.memory_space<vmem>> -> memref<1x128x16xf32, #tpu.memory_space<vmem>>
    %dma_start3A_195 = tpu.memref_squeeze %dma_start3A_194 : memref<1x128x16xf32, #tpu.memory_space<vmem>> -> memref<128x16xf32, #tpu.memory_space<vmem>>
    %dma_start3A_196 = arith.constant 0 : i32
    %dma_start3A_197 = tpu.memref_slice %arg11[%dma_start3A_188, %dma_start3A_189, %dma_start3A_196] : memref<2x8x128xi32, #tpu.memory_space<vmem>> -> memref<1x1x128xi32, #tpu.memory_space<vmem>>
    %dma_start3A_198 = tpu.memref_squeeze %dma_start3A_197 : memref<1x1x128xi32, #tpu.memory_space<vmem>> -> memref<128xi32, #tpu.memory_space<vmem>>
    %dma_start3A_199 = arith.constant 0 : i32
    %dma_start3A_200 = arith.constant 0 : i32
    %dma_start3A_201 = tpu.memref_slice %arg2[%dma_start3A_199, %dma_start3A_200] : memref<800000x16xf32, #tpu.memory_space<hbm>> -> memref<800000x16xf32, #tpu.memory_space<hbm>>
    %dma_start3A_202 = tpu.memref_slice %arg16[%dma_start3A_191] : memref<2x!tpu.dma_semaphore, #tpu.memory_space<semaphore_mem>> -> memref<1x!tpu.dma_semaphore, #tpu.memory_space<semaphore_mem>>
    %dma_start3A_203 = tpu.memref_squeeze %dma_start3A_202 : memref<1x!tpu.dma_semaphore, #tpu.memory_space<semaphore_mem>> -> memref<!tpu.dma_semaphore, #tpu.memory_space<semaphore_mem>>
    tpu.enqueue_indirect_dma source(%dma_start3A_201 : memref<800000x16xf32, #tpu.memory_space<hbm>>) target(%dma_start3A_195 : memref<128x16xf32, #tpu.memory_space<vmem>>) offsets(%dma_start3A_198 : memref<128xi32, #tpu.memory_space<vmem>>) semaphore(%dma_start3A_203 : memref<!tpu.dma_semaphore, #tpu.memory_space<semaphore_mem>>)
    %dma_start3A_204 = arith.constant 0 : i32
    %dma_start3A_205 = arith.constant 7 : i32
    %dma_start3A_206 = arith.constant 0 : i32
    %dma_start3A_207 = arith.constant 0 : i32
    %dma_start3A_208 = arith.constant 896 : i32
    %dma_start3A_209 = arith.constant 0 : i32
    %dma_start3A_210 = tpu.memref_slice %arg13[%dma_start3A_206, %dma_start3A_208, %dma_start3A_209] : memref<2x1024x16xf32, #tpu.memory_space<vmem>> -> memref<1x128x16xf32, #tpu.memory_space<vmem>>
    %dma_start3A_211 = tpu.memref_squeeze %dma_start3A_210 : memref<1x128x16xf32, #tpu.memory_space<vmem>> -> memref<128x16xf32, #tpu.memory_space<vmem>>
    %dma_start3A_212 = arith.constant 0 : i32
    %dma_start3A_213 = tpu.memref_slice %arg11[%dma_start3A_204, %dma_start3A_205, %dma_start3A_212] : memref<2x8x128xi32, #tpu.memory_space<vmem>> -> memref<1x1x128xi32, #tpu.memory_space<vmem>>
    %dma_start3A_214 = tpu.memref_squeeze %dma_start3A_213 : memref<1x1x128xi32, #tpu.memory_space<vmem>> -> memref<128xi32, #tpu.memory_space<vmem>>
    %dma_start3A_215 = arith.constant 0 : i32
    %dma_start3A_216 = arith.constant 0 : i32
    %dma_start3A_217 = tpu.memref_slice %arg2[%dma_start3A_215, %dma_start3A_216] : memref<800000x16xf32, #tpu.memory_space<hbm>> -> memref<800000x16xf32, #tpu.memory_space<hbm>>
    %dma_start3A_218 = tpu.memref_slice %arg16[%dma_start3A_207] : memref<2x!tpu.dma_semaphore, #tpu.memory_space<semaphore_mem>> -> memref<1x!tpu.dma_semaphore, #tpu.memory_space<semaphore_mem>>
    %dma_start3A_219 = tpu.memref_squeeze %dma_start3A_218 : memref<1x!tpu.dma_semaphore, #tpu.memory_space<semaphore_mem>> -> memref<!tpu.dma_semaphore, #tpu.memory_space<semaphore_mem>>
    tpu.enqueue_indirect_dma source(%dma_start3A_217 : memref<800000x16xf32, #tpu.memory_space<hbm>>) target(%dma_start3A_211 : memref<128x16xf32, #tpu.memory_space<vmem>>) offsets(%dma_start3A_214 : memref<128xi32, #tpu.memory_space<vmem>>) semaphore(%dma_start3A_219 : memref<!tpu.dma_semaphore, #tpu.memory_space<semaphore_mem>>)
    %add3A_220 = arith.constant 1024 : i32
    %add3A_221 = arith.addi %mul3A_8, %add3A_220 : i32
    %dma_start3A_222 = arith.constant 1 : i32
    %dma_start3A_223 = arith.constant 1 : i32
    %dma_start3A_224 = arith.constant 0 : i32
    %dma_start3A_225 = tpu.memref_slice %arg8[%dma_start3A_222, %dma_start3A_224] : memref<2x1024xi32, #tpu.memory_space<vmem>> -> memref<1x1024xi32, #tpu.memory_space<vmem>>
    %dma_start3A_226 = tpu.memref_squeeze %dma_start3A_225 : memref<1x1024xi32, #tpu.memory_space<vmem>> -> memref<1024xi32, #tpu.memory_space<vmem>>
    %dma_start3A_227 = tpu.memref_slice %arg3[%add3A_221] : memref<3200000xi32, #tpu.memory_space<hbm>> -> memref<1024xi32, #tpu.memory_space<hbm>>
    %dma_start3A_228 = tpu.memref_slice %arg15[%dma_start3A_223] : memref<2x!tpu.dma_semaphore, #tpu.memory_space<semaphore_mem>> -> memref<1x!tpu.dma_semaphore, #tpu.memory_space<semaphore_mem>>
    %dma_start3A_229 = tpu.memref_squeeze %dma_start3A_228 : memref<1x!tpu.dma_semaphore, #tpu.memory_space<semaphore_mem>> -> memref<!tpu.dma_semaphore, #tpu.memory_space<semaphore_mem>>
    %dma_start3A_230 = arith.constant 0 : i32
    %dma_start3A_231 = tpu.memref_slice %arg8[%dma_start3A_222, %dma_start3A_230] : memref<2x1024xi32, #tpu.memory_space<vmem>> -> memref<1x1024xi32, #tpu.memory_space<vmem>>
    %dma_start3A_232 = tpu.memref_squeeze %dma_start3A_231 : memref<1x1024xi32, #tpu.memory_space<vmem>> -> memref<1024xi32, #tpu.memory_space<vmem>>
    %dma_start3A_233 = tpu.memref_slice %arg3[%add3A_221] : memref<3200000xi32, #tpu.memory_space<hbm>> -> memref<1024xi32, #tpu.memory_space<hbm>>
    tpu.enqueue_dma source(%dma_start3A_233 : memref<1024xi32, #tpu.memory_space<hbm>>) target(%dma_start3A_232 : memref<1024xi32, #tpu.memory_space<vmem>>) target_semaphore(%dma_start3A_229 : memref<!tpu.dma_semaphore, #tpu.memory_space<semaphore_mem>>)
    %dma_start3A_234 = arith.constant 1 : i32
    %dma_start3A_235 = arith.constant 1 : i32
    %dma_start3A_236 = arith.constant 0 : i32
    %dma_start3A_237 = tpu.memref_slice %arg9[%dma_start3A_234, %dma_start3A_236] : memref<2x1024xi32, #tpu.memory_space<vmem>> -> memref<1x1024xi32, #tpu.memory_space<vmem>>
    %dma_start3A_238 = tpu.memref_squeeze %dma_start3A_237 : memref<1x1024xi32, #tpu.memory_space<vmem>> -> memref<1024xi32, #tpu.memory_space<vmem>>
    %dma_start3A_239 = tpu.memref_slice %arg4[%add3A_221] : memref<3200000xi32, #tpu.memory_space<hbm>> -> memref<1024xi32, #tpu.memory_space<hbm>>
    %dma_start3A_240 = tpu.memref_slice %arg15[%dma_start3A_235] : memref<2x!tpu.dma_semaphore, #tpu.memory_space<semaphore_mem>> -> memref<1x!tpu.dma_semaphore, #tpu.memory_space<semaphore_mem>>
    %dma_start3A_241 = tpu.memref_squeeze %dma_start3A_240 : memref<1x!tpu.dma_semaphore, #tpu.memory_space<semaphore_mem>> -> memref<!tpu.dma_semaphore, #tpu.memory_space<semaphore_mem>>
    %dma_start3A_242 = arith.constant 0 : i32
    %dma_start3A_243 = tpu.memref_slice %arg9[%dma_start3A_234, %dma_start3A_242] : memref<2x1024xi32, #tpu.memory_space<vmem>> -> memref<1x1024xi32, #tpu.memory_space<vmem>>
    %dma_start3A_244 = tpu.memref_squeeze %dma_start3A_243 : memref<1x1024xi32, #tpu.memory_space<vmem>> -> memref<1024xi32, #tpu.memory_space<vmem>>
    %dma_start3A_245 = tpu.memref_slice %arg4[%add3A_221] : memref<3200000xi32, #tpu.memory_space<hbm>> -> memref<1024xi32, #tpu.memory_space<hbm>>
    tpu.enqueue_dma source(%dma_start3A_245 : memref<1024xi32, #tpu.memory_space<hbm>>) target(%dma_start3A_244 : memref<1024xi32, #tpu.memory_space<vmem>>) target_semaphore(%dma_start3A_241 : memref<!tpu.dma_semaphore, #tpu.memory_space<semaphore_mem>>)
    %dma_start3A_246 = arith.constant 1 : i32
    %dma_start3A_247 = arith.constant 1 : i32
    %dma_start3A_248 = arith.constant 0 : i32
    %dma_start3A_249 = tpu.memref_slice %arg10[%dma_start3A_246, %dma_start3A_248] : memref<2x1024xf32, #tpu.memory_space<vmem>> -> memref<1x1024xf32, #tpu.memory_space<vmem>>
    %dma_start3A_250 = tpu.memref_squeeze %dma_start3A_249 : memref<1x1024xf32, #tpu.memory_space<vmem>> -> memref<1024xf32, #tpu.memory_space<vmem>>
    %dma_start3A_251 = tpu.memref_slice %arg5[%add3A_221] : memref<3200000xf32, #tpu.memory_space<hbm>> -> memref<1024xf32, #tpu.memory_space<hbm>>
    %dma_start3A_252 = tpu.memref_slice %arg15[%dma_start3A_247] : memref<2x!tpu.dma_semaphore, #tpu.memory_space<semaphore_mem>> -> memref<1x!tpu.dma_semaphore, #tpu.memory_space<semaphore_mem>>
    %dma_start3A_253 = tpu.memref_squeeze %dma_start3A_252 : memref<1x!tpu.dma_semaphore, #tpu.memory_space<semaphore_mem>> -> memref<!tpu.dma_semaphore, #tpu.memory_space<semaphore_mem>>
    %dma_start3A_254 = arith.constant 0 : i32
    %dma_start3A_255 = tpu.memref_slice %arg10[%dma_start3A_246, %dma_start3A_254] : memref<2x1024xf32, #tpu.memory_space<vmem>> -> memref<1x1024xf32, #tpu.memory_space<vmem>>
    %dma_start3A_256 = tpu.memref_squeeze %dma_start3A_255 : memref<1x1024xf32, #tpu.memory_space<vmem>> -> memref<1024xf32, #tpu.memory_space<vmem>>
    %dma_start3A_257 = tpu.memref_slice %arg5[%add3A_221] : memref<3200000xf32, #tpu.memory_space<hbm>> -> memref<1024xf32, #tpu.memory_space<hbm>>
    tpu.enqueue_dma source(%dma_start3A_257 : memref<1024xf32, #tpu.memory_space<hbm>>) target(%dma_start3A_256 : memref<1024xf32, #tpu.memory_space<vmem>>) target_semaphore(%dma_start3A_253 : memref<!tpu.dma_semaphore, #tpu.memory_space<semaphore_mem>>)
    %while3A = arith.constant 0 : i32
    %while3A_258 = arith.constant 0 : i32
    %while3A_259 = arith.subi %select_n3A, %while3A : i32
    %while3A_260 = arith.addi %while3A, %while3A_259 : i32
    %while3A_261 = arith.constant 1 : i32
    %while3A_262 = arith.divsi %while3A_259, %while3A_261 : i32
    %while3A_263 = arith.muli %while3A_262, %while3A_261 : i32
    %while3A_264 = arith.addi %while3A, %while3A_263 : i32
    %while3A_265 = arith.constant 1 : i32
    %while3A_266 = scf.for %while3A_385 = %while3A to %while3A_264 step %while3A_265 iter_args(%while3A_386 = %while3A_258) -> (i32)  : i32 {
      %rem3A_387 = arith.constant 2 : i32
      %rem3A_388 = arith.remsi %while3A_385, %rem3A_387 : i32
      %sub3A_389 = arith.constant 1 : i32
      %sub3A_390 = arith.subi %sub3A_389, %rem3A_388 : i32
      %ge3A = arith.constant 1 : i32
      %ge3A_391 = arith.cmpi sge, %while3A_385, %ge3A : i32
      %convert_element_type3A_392 = arith.extui %ge3A_391 : i1 to i32
      %cond3A_393 = arith.constant 0 : i32
      %cond3A_394 = arith.cmpi ne, %convert_element_type3A_392, %cond3A_393 : i32
      scf.if %cond3A_394 {
        %dma_wait3A_624 = arith.constant 0 : i32
        %dma_wait3A_625 = arith.constant 0 : i32
        %dma_wait3A_626 = arith.constant 0 : i32
        %dma_wait3A_627 = tpu.memref_slice %arg13[%sub3A_390, %dma_wait3A_625, %dma_wait3A_626] : memref<2x1024x16xf32, #tpu.memory_space<vmem>> -> memref<1x128x16xf32, #tpu.memory_space<vmem>>
        %dma_wait3A_628 = tpu.memref_squeeze %dma_wait3A_627 : memref<1x128x16xf32, #tpu.memory_space<vmem>> -> memref<128x16xf32, #tpu.memory_space<vmem>>
        %dma_wait3A_629 = arith.constant 0 : i32
        %dma_wait3A_630 = tpu.memref_slice %arg12[%sub3A_390, %dma_wait3A_624, %dma_wait3A_629] : memref<2x8x128xi32, #tpu.memory_space<vmem>> -> memref<1x1x128xi32, #tpu.memory_space<vmem>>
        %dma_wait3A_631 = tpu.memref_squeeze %dma_wait3A_630 : memref<1x1x128xi32, #tpu.memory_space<vmem>> -> memref<128xi32, #tpu.memory_space<vmem>>
        %dma_wait3A_632 = arith.constant 0 : i32
        %dma_wait3A_633 = arith.constant 0 : i32
        %dma_wait3A_634 = tpu.memref_slice %arg14[%dma_wait3A_632, %dma_wait3A_633] : memref<10000x16xf32, #tpu.memory_space<vmem_shared>> -> memref<10000x16xf32, #tpu.memory_space<vmem_shared>>
        %dma_wait3A_635 = tpu.memref_slice %arg17[%sub3A_390] : memref<2x!tpu.dma_semaphore, #tpu.memory_space<semaphore_mem>> -> memref<1x!tpu.dma_semaphore, #tpu.memory_space<semaphore_mem>>
        %dma_wait3A_636 = tpu.memref_squeeze %dma_wait3A_635 : memref<1x!tpu.dma_semaphore, #tpu.memory_space<semaphore_mem>> -> memref<!tpu.dma_semaphore, #tpu.memory_space<semaphore_mem>>
        tpu.wait_indirect_dma semaphore(%dma_wait3A_636 : memref<!tpu.dma_semaphore, #tpu.memory_space<semaphore_mem>>) src(%dma_wait3A_628 : memref<128x16xf32, #tpu.memory_space<vmem>>) dst(%dma_wait3A_634 : memref<10000x16xf32, #tpu.memory_space<vmem_shared>>)
        %dma_wait3A_637 = arith.constant 1 : i32
        %dma_wait3A_638 = arith.constant 128 : i32
        %dma_wait3A_639 = arith.constant 0 : i32
        %dma_wait3A_640 = tpu.memref_slice %arg13[%sub3A_390, %dma_wait3A_638, %dma_wait3A_639] : memref<2x1024x16xf32, #tpu.memory_space<vmem>> -> memref<1x128x16xf32, #tpu.memory_space<vmem>>
        %dma_wait3A_641 = tpu.memref_squeeze %dma_wait3A_640 : memref<1x128x16xf32, #tpu.memory_space<vmem>> -> memref<128x16xf32, #tpu.memory_space<vmem>>
        %dma_wait3A_642 = arith.constant 0 : i32
        %dma_wait3A_643 = tpu.memref_slice %arg12[%sub3A_390, %dma_wait3A_637, %dma_wait3A_642] : memref<2x8x128xi32, #tpu.memory_space<vmem>> -> memref<1x1x128xi32, #tpu.memory_space<vmem>>
        %dma_wait3A_644 = tpu.memref_squeeze %dma_wait3A_643 : memref<1x1x128xi32, #tpu.memory_space<vmem>> -> memref<128xi32, #tpu.memory_space<vmem>>
        %dma_wait3A_645 = arith.constant 0 : i32
        %dma_wait3A_646 = arith.constant 0 : i32
        %dma_wait3A_647 = tpu.memref_slice %arg14[%dma_wait3A_645, %dma_wait3A_646] : memref<10000x16xf32, #tpu.memory_space<vmem_shared>> -> memref<10000x16xf32, #tpu.memory_space<vmem_shared>>
        %dma_wait3A_648 = tpu.memref_slice %arg17[%sub3A_390] : memref<2x!tpu.dma_semaphore, #tpu.memory_space<semaphore_mem>> -> memref<1x!tpu.dma_semaphore, #tpu.memory_space<semaphore_mem>>
        %dma_wait3A_649 = tpu.memref_squeeze %dma_wait3A_648 : memref<1x!tpu.dma_semaphore, #tpu.memory_space<semaphore_mem>> -> memref<!tpu.dma_semaphore, #tpu.memory_space<semaphore_mem>>
        tpu.wait_indirect_dma semaphore(%dma_wait3A_649 : memref<!tpu.dma_semaphore, #tpu.memory_space<semaphore_mem>>) src(%dma_wait3A_641 : memref<128x16xf32, #tpu.memory_space<vmem>>) dst(%dma_wait3A_647 : memref<10000x16xf32, #tpu.memory_space<vmem_shared>>)
        %dma_wait3A_650 = arith.constant 2 : i32
        %dma_wait3A_651 = arith.constant 256 : i32
        %dma_wait3A_652 = arith.constant 0 : i32
        %dma_wait3A_653 = tpu.memref_slice %arg13[%sub3A_390, %dma_wait3A_651, %dma_wait3A_652] : memref<2x1024x16xf32, #tpu.memory_space<vmem>> -> memref<1x128x16xf32, #tpu.memory_space<vmem>>
        %dma_wait3A_654 = tpu.memref_squeeze %dma_wait3A_653 : memref<1x128x16xf32, #tpu.memory_space<vmem>> -> memref<128x16xf32, #tpu.memory_space<vmem>>
        %dma_wait3A_655 = arith.constant 0 : i32
        %dma_wait3A_656 = tpu.memref_slice %arg12[%sub3A_390, %dma_wait3A_650, %dma_wait3A_655] : memref<2x8x128xi32, #tpu.memory_space<vmem>> -> memref<1x1x128xi32, #tpu.memory_space<vmem>>
        %dma_wait3A_657 = tpu.memref_squeeze %dma_wait3A_656 : memref<1x1x128xi32, #tpu.memory_space<vmem>> -> memref<128xi32, #tpu.memory_space<vmem>>
        %dma_wait3A_658 = arith.constant 0 : i32
        %dma_wait3A_659 = arith.constant 0 : i32
        %dma_wait3A_660 = tpu.memref_slice %arg14[%dma_wait3A_658, %dma_wait3A_659] : memref<10000x16xf32, #tpu.memory_space<vmem_shared>> -> memref<10000x16xf32, #tpu.memory_space<vmem_shared>>
        %dma_wait3A_661 = tpu.memref_slice %arg17[%sub3A_390] : memref<2x!tpu.dma_semaphore, #tpu.memory_space<semaphore_mem>> -> memref<1x!tpu.dma_semaphore, #tpu.memory_space<semaphore_mem>>
        %dma_wait3A_662 = tpu.memref_squeeze %dma_wait3A_661 : memref<1x!tpu.dma_semaphore, #tpu.memory_space<semaphore_mem>> -> memref<!tpu.dma_semaphore, #tpu.memory_space<semaphore_mem>>
        tpu.wait_indirect_dma semaphore(%dma_wait3A_662 : memref<!tpu.dma_semaphore, #tpu.memory_space<semaphore_mem>>) src(%dma_wait3A_654 : memref<128x16xf32, #tpu.memory_space<vmem>>) dst(%dma_wait3A_660 : memref<10000x16xf32, #tpu.memory_space<vmem_shared>>)
        %dma_wait3A_663 = arith.constant 3 : i32
        %dma_wait3A_664 = arith.constant 384 : i32
        %dma_wait3A_665 = arith.constant 0 : i32
        %dma_wait3A_666 = tpu.memref_slice %arg13[%sub3A_390, %dma_wait3A_664, %dma_wait3A_665] : memref<2x1024x16xf32, #tpu.memory_space<vmem>> -> memref<1x128x16xf32, #tpu.memory_space<vmem>>
        %dma_wait3A_667 = tpu.memref_squeeze %dma_wait3A_666 : memref<1x128x16xf32, #tpu.memory_space<vmem>> -> memref<128x16xf32, #tpu.memory_space<vmem>>
        %dma_wait3A_668 = arith.constant 0 : i32
        %dma_wait3A_669 = tpu.memref_slice %arg12[%sub3A_390, %dma_wait3A_663, %dma_wait3A_668] : memref<2x8x128xi32, #tpu.memory_space<vmem>> -> memref<1x1x128xi32, #tpu.memory_space<vmem>>
        %dma_wait3A_670 = tpu.memref_squeeze %dma_wait3A_669 : memref<1x1x128xi32, #tpu.memory_space<vmem>> -> memref<128xi32, #tpu.memory_space<vmem>>
        %dma_wait3A_671 = arith.constant 0 : i32
        %dma_wait3A_672 = arith.constant 0 : i32
        %dma_wait3A_673 = tpu.memref_slice %arg14[%dma_wait3A_671, %dma_wait3A_672] : memref<10000x16xf32, #tpu.memory_space<vmem_shared>> -> memref<10000x16xf32, #tpu.memory_space<vmem_shared>>
        %dma_wait3A_674 = tpu.memref_slice %arg17[%sub3A_390] : memref<2x!tpu.dma_semaphore, #tpu.memory_space<semaphore_mem>> -> memref<1x!tpu.dma_semaphore, #tpu.memory_space<semaphore_mem>>
        %dma_wait3A_675 = tpu.memref_squeeze %dma_wait3A_674 : memref<1x!tpu.dma_semaphore, #tpu.memory_space<semaphore_mem>> -> memref<!tpu.dma_semaphore, #tpu.memory_space<semaphore_mem>>
        tpu.wait_indirect_dma semaphore(%dma_wait3A_675 : memref<!tpu.dma_semaphore, #tpu.memory_space<semaphore_mem>>) src(%dma_wait3A_667 : memref<128x16xf32, #tpu.memory_space<vmem>>) dst(%dma_wait3A_673 : memref<10000x16xf32, #tpu.memory_space<vmem_shared>>)
        %dma_wait3A_676 = arith.constant 4 : i32
        %dma_wait3A_677 = arith.constant 512 : i32
        %dma_wait3A_678 = arith.constant 0 : i32
        %dma_wait3A_679 = tpu.memref_slice %arg13[%sub3A_390, %dma_wait3A_677, %dma_wait3A_678] : memref<2x1024x16xf32, #tpu.memory_space<vmem>> -> memref<1x128x16xf32, #tpu.memory_space<vmem>>
        %dma_wait3A_680 = tpu.memref_squeeze %dma_wait3A_679 : memref<1x128x16xf32, #tpu.memory_space<vmem>> -> memref<128x16xf32, #tpu.memory_space<vmem>>
        %dma_wait3A_681 = arith.constant 0 : i32
        %dma_wait3A_682 = tpu.memref_slice %arg12[%sub3A_390, %dma_wait3A_676, %dma_wait3A_681] : memref<2x8x128xi32, #tpu.memory_space<vmem>> -> memref<1x1x128xi32, #tpu.memory_space<vmem>>
        %dma_wait3A_683 = tpu.memref_squeeze %dma_wait3A_682 : memref<1x1x128xi32, #tpu.memory_space<vmem>> -> memref<128xi32, #tpu.memory_space<vmem>>
        %dma_wait3A_684 = arith.constant 0 : i32
        %dma_wait3A_685 = arith.constant 0 : i32
        %dma_wait3A_686 = tpu.memref_slice %arg14[%dma_wait3A_684, %dma_wait3A_685] : memref<10000x16xf32, #tpu.memory_space<vmem_shared>> -> memref<10000x16xf32, #tpu.memory_space<vmem_shared>>
        %dma_wait3A_687 = tpu.memref_slice %arg17[%sub3A_390] : memref<2x!tpu.dma_semaphore, #tpu.memory_space<semaphore_mem>> -> memref<1x!tpu.dma_semaphore, #tpu.memory_space<semaphore_mem>>
        %dma_wait3A_688 = tpu.memref_squeeze %dma_wait3A_687 : memref<1x!tpu.dma_semaphore, #tpu.memory_space<semaphore_mem>> -> memref<!tpu.dma_semaphore, #tpu.memory_space<semaphore_mem>>
        tpu.wait_indirect_dma semaphore(%dma_wait3A_688 : memref<!tpu.dma_semaphore, #tpu.memory_space<semaphore_mem>>) src(%dma_wait3A_680 : memref<128x16xf32, #tpu.memory_space<vmem>>) dst(%dma_wait3A_686 : memref<10000x16xf32, #tpu.memory_space<vmem_shared>>)
        %dma_wait3A_689 = arith.constant 5 : i32
        %dma_wait3A_690 = arith.constant 640 : i32
        %dma_wait3A_691 = arith.constant 0 : i32
        %dma_wait3A_692 = tpu.memref_slice %arg13[%sub3A_390, %dma_wait3A_690, %dma_wait3A_691] : memref<2x1024x16xf32, #tpu.memory_space<vmem>> -> memref<1x128x16xf32, #tpu.memory_space<vmem>>
        %dma_wait3A_693 = tpu.memref_squeeze %dma_wait3A_692 : memref<1x128x16xf32, #tpu.memory_space<vmem>> -> memref<128x16xf32, #tpu.memory_space<vmem>>
        %dma_wait3A_694 = arith.constant 0 : i32
        %dma_wait3A_695 = tpu.memref_slice %arg12[%sub3A_390, %dma_wait3A_689, %dma_wait3A_694] : memref<2x8x128xi32, #tpu.memory_space<vmem>> -> memref<1x1x128xi32, #tpu.memory_space<vmem>>
        %dma_wait3A_696 = tpu.memref_squeeze %dma_wait3A_695 : memref<1x1x128xi32, #tpu.memory_space<vmem>> -> memref<128xi32, #tpu.memory_space<vmem>>
        %dma_wait3A_697 = arith.constant 0 : i32
        %dma_wait3A_698 = arith.constant 0 : i32
        %dma_wait3A_699 = tpu.memref_slice %arg14[%dma_wait3A_697, %dma_wait3A_698] : memref<10000x16xf32, #tpu.memory_space<vmem_shared>> -> memref<10000x16xf32, #tpu.memory_space<vmem_shared>>
        %dma_wait3A_700 = tpu.memref_slice %arg17[%sub3A_390] : memref<2x!tpu.dma_semaphore, #tpu.memory_space<semaphore_mem>> -> memref<1x!tpu.dma_semaphore, #tpu.memory_space<semaphore_mem>>
        %dma_wait3A_701 = tpu.memref_squeeze %dma_wait3A_700 : memref<1x!tpu.dma_semaphore, #tpu.memory_space<semaphore_mem>> -> memref<!tpu.dma_semaphore, #tpu.memory_space<semaphore_mem>>
        tpu.wait_indirect_dma semaphore(%dma_wait3A_701 : memref<!tpu.dma_semaphore, #tpu.memory_space<semaphore_mem>>) src(%dma_wait3A_693 : memref<128x16xf32, #tpu.memory_space<vmem>>) dst(%dma_wait3A_699 : memref<10000x16xf32, #tpu.memory_space<vmem_shared>>)
        %dma_wait3A_702 = arith.constant 6 : i32
        %dma_wait3A_703 = arith.constant 768 : i32
        %dma_wait3A_704 = arith.constant 0 : i32
        %dma_wait3A_705 = tpu.memref_slice %arg13[%sub3A_390, %dma_wait3A_703, %dma_wait3A_704] : memref<2x1024x16xf32, #tpu.memory_space<vmem>> -> memref<1x128x16xf32, #tpu.memory_space<vmem>>
        %dma_wait3A_706 = tpu.memref_squeeze %dma_wait3A_705 : memref<1x128x16xf32, #tpu.memory_space<vmem>> -> memref<128x16xf32, #tpu.memory_space<vmem>>
        %dma_wait3A_707 = arith.constant 0 : i32
        %dma_wait3A_708 = tpu.memref_slice %arg12[%sub3A_390, %dma_wait3A_702, %dma_wait3A_707] : memref<2x8x128xi32, #tpu.memory_space<vmem>> -> memref<1x1x128xi32, #tpu.memory_space<vmem>>
        %dma_wait3A_709 = tpu.memref_squeeze %dma_wait3A_708 : memref<1x1x128xi32, #tpu.memory_space<vmem>> -> memref<128xi32, #tpu.memory_space<vmem>>
        %dma_wait3A_710 = arith.constant 0 : i32
        %dma_wait3A_711 = arith.constant 0 : i32
        %dma_wait3A_712 = tpu.memref_slice %arg14[%dma_wait3A_710, %dma_wait3A_711] : memref<10000x16xf32, #tpu.memory_space<vmem_shared>> -> memref<10000x16xf32, #tpu.memory_space<vmem_shared>>
        %dma_wait3A_713 = tpu.memref_slice %arg17[%sub3A_390] : memref<2x!tpu.dma_semaphore, #tpu.memory_space<semaphore_mem>> -> memref<1x!tpu.dma_semaphore, #tpu.memory_space<semaphore_mem>>
        %dma_wait3A_714 = tpu.memref_squeeze %dma_wait3A_713 : memref<1x!tpu.dma_semaphore, #tpu.memory_space<semaphore_mem>> -> memref<!tpu.dma_semaphore, #tpu.memory_space<semaphore_mem>>
        tpu.wait_indirect_dma semaphore(%dma_wait3A_714 : memref<!tpu.dma_semaphore, #tpu.memory_space<semaphore_mem>>) src(%dma_wait3A_706 : memref<128x16xf32, #tpu.memory_space<vmem>>) dst(%dma_wait3A_712 : memref<10000x16xf32, #tpu.memory_space<vmem_shared>>)
        %dma_wait3A_715 = arith.constant 7 : i32
        %dma_wait3A_716 = arith.constant 896 : i32
        %dma_wait3A_717 = arith.constant 0 : i32
        %dma_wait3A_718 = tpu.memref_slice %arg13[%sub3A_390, %dma_wait3A_716, %dma_wait3A_717] : memref<2x1024x16xf32, #tpu.memory_space<vmem>> -> memref<1x128x16xf32, #tpu.memory_space<vmem>>
        %dma_wait3A_719 = tpu.memref_squeeze %dma_wait3A_718 : memref<1x128x16xf32, #tpu.memory_space<vmem>> -> memref<128x16xf32, #tpu.memory_space<vmem>>
        %dma_wait3A_720 = arith.constant 0 : i32
        %dma_wait3A_721 = tpu.memref_slice %arg12[%sub3A_390, %dma_wait3A_715, %dma_wait3A_720] : memref<2x8x128xi32, #tpu.memory_space<vmem>> -> memref<1x1x128xi32, #tpu.memory_space<vmem>>
        %dma_wait3A_722 = tpu.memref_squeeze %dma_wait3A_721 : memref<1x1x128xi32, #tpu.memory_space<vmem>> -> memref<128xi32, #tpu.memory_space<vmem>>
        %dma_wait3A_723 = arith.constant 0 : i32
        %dma_wait3A_724 = arith.constant 0 : i32
        %dma_wait3A_725 = tpu.memref_slice %arg14[%dma_wait3A_723, %dma_wait3A_724] : memref<10000x16xf32, #tpu.memory_space<vmem_shared>> -> memref<10000x16xf32, #tpu.memory_space<vmem_shared>>
        %dma_wait3A_726 = tpu.memref_slice %arg17[%sub3A_390] : memref<2x!tpu.dma_semaphore, #tpu.memory_space<semaphore_mem>> -> memref<1x!tpu.dma_semaphore, #tpu.memory_space<semaphore_mem>>
        %dma_wait3A_727 = tpu.memref_squeeze %dma_wait3A_726 : memref<1x!tpu.dma_semaphore, #tpu.memory_space<semaphore_mem>> -> memref<!tpu.dma_semaphore, #tpu.memory_space<semaphore_mem>>
        tpu.wait_indirect_dma semaphore(%dma_wait3A_727 : memref<!tpu.dma_semaphore, #tpu.memory_space<semaphore_mem>>) src(%dma_wait3A_719 : memref<128x16xf32, #tpu.memory_space<vmem>>) dst(%dma_wait3A_725 : memref<10000x16xf32, #tpu.memory_space<vmem_shared>>)
      } else {
      }
      %sub3A_395 = arith.constant 1 : i32
      %sub3A_396 = arith.subi %select_n3A, %sub3A_395 : i32
      %lt3A = arith.cmpi slt, %while3A_385, %sub3A_396 : i32
      %convert_element_type3A_397 = arith.extui %lt3A : i1 to i32
      %cond3A_398 = arith.constant 0 : i32
      %cond3A_399 = arith.cmpi ne, %convert_element_type3A_397, %cond3A_398 : i32
      scf.if %cond3A_399 {
        %dma_wait3A_624 = arith.constant 0 : i32
        %dma_wait3A_625 = tpu.memref_slice %arg8[%sub3A_390, %dma_wait3A_624] : memref<2x1024xi32, #tpu.memory_space<vmem>> -> memref<1x1024xi32, #tpu.memory_space<vmem>>
        %dma_wait3A_626 = tpu.memref_squeeze %dma_wait3A_625 : memref<1x1024xi32, #tpu.memory_space<vmem>> -> memref<1024xi32, #tpu.memory_space<vmem>>
        %dma_wait3A_627 = arith.constant 0 : i32
        %dma_wait3A_628 = tpu.memref_slice %arg3[%dma_wait3A_627] : memref<3200000xi32, #tpu.memory_space<hbm>> -> memref<1024xi32, #tpu.memory_space<hbm>>
        %dma_wait3A_629 = tpu.memref_slice %arg15[%sub3A_390] : memref<2x!tpu.dma_semaphore, #tpu.memory_space<semaphore_mem>> -> memref<1x!tpu.dma_semaphore, #tpu.memory_space<semaphore_mem>>
        %dma_wait3A_630 = tpu.memref_squeeze %dma_wait3A_629 : memref<1x!tpu.dma_semaphore, #tpu.memory_space<semaphore_mem>> -> memref<!tpu.dma_semaphore, #tpu.memory_space<semaphore_mem>>
        %dma_wait3A_631 = arith.constant 0 : i32
        %dma_wait3A_632 = tpu.memref_slice %arg8[%sub3A_390, %dma_wait3A_631] : memref<2x1024xi32, #tpu.memory_space<vmem>> -> memref<1x1024xi32, #tpu.memory_space<vmem>>
        %dma_wait3A_633 = tpu.memref_squeeze %dma_wait3A_632 : memref<1x1024xi32, #tpu.memory_space<vmem>> -> memref<1024xi32, #tpu.memory_space<vmem>>
        %dma_wait3A_634 = arith.constant 0 : i32
        %dma_wait3A_635 = tpu.memref_slice %arg3[%dma_wait3A_634] : memref<3200000xi32, #tpu.memory_space<hbm>> -> memref<1024xi32, #tpu.memory_space<hbm>>
        tpu.wait_dma2 semaphore(%dma_wait3A_630 : memref<!tpu.dma_semaphore, #tpu.memory_space<semaphore_mem>>) src(%dma_wait3A_635 : memref<1024xi32, #tpu.memory_space<hbm>>) dst(%dma_wait3A_633 : memref<1024xi32, #tpu.memory_space<vmem>>)
        %dma_wait3A_636 = arith.constant 0 : i32
        %dma_wait3A_637 = tpu.memref_slice %arg9[%sub3A_390, %dma_wait3A_636] : memref<2x1024xi32, #tpu.memory_space<vmem>> -> memref<1x1024xi32, #tpu.memory_space<vmem>>
        %dma_wait3A_638 = tpu.memref_squeeze %dma_wait3A_637 : memref<1x1024xi32, #tpu.memory_space<vmem>> -> memref<1024xi32, #tpu.memory_space<vmem>>
        %dma_wait3A_639 = arith.constant 0 : i32
        %dma_wait3A_640 = tpu.memref_slice %arg4[%dma_wait3A_639] : memref<3200000xi32, #tpu.memory_space<hbm>> -> memref<1024xi32, #tpu.memory_space<hbm>>
        %dma_wait3A_641 = tpu.memref_slice %arg15[%sub3A_390] : memref<2x!tpu.dma_semaphore, #tpu.memory_space<semaphore_mem>> -> memref<1x!tpu.dma_semaphore, #tpu.memory_space<semaphore_mem>>
        %dma_wait3A_642 = tpu.memref_squeeze %dma_wait3A_641 : memref<1x!tpu.dma_semaphore, #tpu.memory_space<semaphore_mem>> -> memref<!tpu.dma_semaphore, #tpu.memory_space<semaphore_mem>>
        %dma_wait3A_643 = arith.constant 0 : i32
        %dma_wait3A_644 = tpu.memref_slice %arg9[%sub3A_390, %dma_wait3A_643] : memref<2x1024xi32, #tpu.memory_space<vmem>> -> memref<1x1024xi32, #tpu.memory_space<vmem>>
        %dma_wait3A_645 = tpu.memref_squeeze %dma_wait3A_644 : memref<1x1024xi32, #tpu.memory_space<vmem>> -> memref<1024xi32, #tpu.memory_space<vmem>>
        %dma_wait3A_646 = arith.constant 0 : i32
        %dma_wait3A_647 = tpu.memref_slice %arg4[%dma_wait3A_646] : memref<3200000xi32, #tpu.memory_space<hbm>> -> memref<1024xi32, #tpu.memory_space<hbm>>
        tpu.wait_dma2 semaphore(%dma_wait3A_642 : memref<!tpu.dma_semaphore, #tpu.memory_space<semaphore_mem>>) src(%dma_wait3A_647 : memref<1024xi32, #tpu.memory_space<hbm>>) dst(%dma_wait3A_645 : memref<1024xi32, #tpu.memory_space<vmem>>)
        %dma_wait3A_648 = arith.constant 0 : i32
        %dma_wait3A_649 = tpu.memref_slice %arg10[%sub3A_390, %dma_wait3A_648] : memref<2x1024xf32, #tpu.memory_space<vmem>> -> memref<1x1024xf32, #tpu.memory_space<vmem>>
        %dma_wait3A_650 = tpu.memref_squeeze %dma_wait3A_649 : memref<1x1024xf32, #tpu.memory_space<vmem>> -> memref<1024xf32, #tpu.memory_space<vmem>>
        %dma_wait3A_651 = arith.constant 0 : i32
        %dma_wait3A_652 = tpu.memref_slice %arg5[%dma_wait3A_651] : memref<3200000xf32, #tpu.memory_space<hbm>> -> memref<1024xf32, #tpu.memory_space<hbm>>
        %dma_wait3A_653 = tpu.memref_slice %arg15[%sub3A_390] : memref<2x!tpu.dma_semaphore, #tpu.memory_space<semaphore_mem>> -> memref<1x!tpu.dma_semaphore, #tpu.memory_space<semaphore_mem>>
        %dma_wait3A_654 = tpu.memref_squeeze %dma_wait3A_653 : memref<1x!tpu.dma_semaphore, #tpu.memory_space<semaphore_mem>> -> memref<!tpu.dma_semaphore, #tpu.memory_space<semaphore_mem>>
        %dma_wait3A_655 = arith.constant 0 : i32
        %dma_wait3A_656 = tpu.memref_slice %arg10[%sub3A_390, %dma_wait3A_655] : memref<2x1024xf32, #tpu.memory_space<vmem>> -> memref<1x1024xf32, #tpu.memory_space<vmem>>
        %dma_wait3A_657 = tpu.memref_squeeze %dma_wait3A_656 : memref<1x1024xf32, #tpu.memory_space<vmem>> -> memref<1024xf32, #tpu.memory_space<vmem>>
        %dma_wait3A_658 = arith.constant 0 : i32
        %dma_wait3A_659 = tpu.memref_slice %arg5[%dma_wait3A_658] : memref<3200000xf32, #tpu.memory_space<hbm>> -> memref<1024xf32, #tpu.memory_space<hbm>>
        tpu.wait_dma2 semaphore(%dma_wait3A_654 : memref<!tpu.dma_semaphore, #tpu.memory_space<semaphore_mem>>) src(%dma_wait3A_659 : memref<1024xf32, #tpu.memory_space<hbm>>) dst(%dma_wait3A_657 : memref<1024xf32, #tpu.memory_space<vmem>>)
        %parallel_loop3A_660 = arith.constant 0 : i32
        %parallel_loop3A_661 = arith.constant 64 : i32
        %parallel_loop3A_662 = arith.constant 1 : i32
        scf.for %parallel_loop3A_663 = %parallel_loop3A_660 to %parallel_loop3A_661 step %parallel_loop3A_662  : i32 {
          %parallel_loop3A_664 = arith.constant 16 : i32
          %parallel_loop3A_665 = arith.muli %parallel_loop3A_663, %parallel_loop3A_664 : i32
          %parallel_loop3A_666 = arith.index_cast %sub3A_390 : i32 to index
          %parallel_loop3A_667 = arith.index_cast %parallel_loop3A_665 : i32 to index
          %parallel_loop3A_668 = tpu.vector_load %arg8[%parallel_loop3A_666, %parallel_loop3A_667] {strides = array<i32>} : memref<2x1024xi32, #tpu.memory_space<vmem>>, vector<16xi32>,
          %parallel_loop3A_669 = arith.constant 16 : i32
          %parallel_loop3A_670 = arith.muli %parallel_loop3A_663, %parallel_loop3A_669 : i32
          %parallel_loop3A_671 = arith.index_cast %sub3A_390 : i32 to index
          %parallel_loop3A_672 = arith.index_cast %parallel_loop3A_670 : i32 to index
          %parallel_loop3A_673 = tpu.vector_load %arg9[%parallel_loop3A_671, %parallel_loop3A_672] {strides = array<i32>} : memref<2x1024xi32, #tpu.memory_space<vmem>>, vector<16xi32>,
          %parallel_loop3A_674 = arith.constant 4 : i32
          %parallel_loop3A_675 = vector.broadcast %parallel_loop3A_674 : i32 to vector<16xi32>
          %parallel_loop3A_676 = arith.shrui %parallel_loop3A_668, %parallel_loop3A_675 : vector<16xi32>
          %parallel_loop3A_677 = arith.sitofp %parallel_loop3A_676 : vector<16xi32> to vector<16xf32>
          %parallel_loop3A_678 = arith.constant 2.000000e-01 : f32
          %parallel_loop3A_679 = vector.broadcast %parallel_loop3A_678 : f32 to vector<16xf32>
          %parallel_loop3A_680 = arith.mulf %parallel_loop3A_677, %parallel_loop3A_679 : vector<16xf32>
          %parallel_loop3A_681 = arith.fptosi %parallel_loop3A_680 : vector<16xf32> to vector<16xi32>
          %parallel_loop3A_682 = arith.constant 80 : i32
          %parallel_loop3A_683 = vector.broadcast %parallel_loop3A_682 : i32 to vector<16xi32>
          %parallel_loop3A_684 = arith.muli %parallel_loop3A_673, %parallel_loop3A_683 : vector<16xi32>
          %parallel_loop3A_685 = arith.constant 80 : i32
          %parallel_loop3A_686 = vector.broadcast %parallel_loop3A_685 : i32 to vector<16xi32>
          %parallel_loop3A_687 = arith.muli %parallel_loop3A_681, %parallel_loop3A_686 : vector<16xi32>
          %parallel_loop3A_688 = arith.subi %parallel_loop3A_668, %parallel_loop3A_687 : vector<16xi32>
          %parallel_loop3A_689 = arith.addi %parallel_loop3A_684, %parallel_loop3A_688 : vector<16xi32>
          %parallel_loop3A_690 = arith.constant 8 : i32
          %parallel_loop3A_691 = arith.divsi %parallel_loop3A_663, %parallel_loop3A_690 : i32
          %parallel_loop3A_692 = arith.constant 0 : i32
          %parallel_loop3A_693 = arith.cmpi sgt, %parallel_loop3A_663, %parallel_loop3A_692 : i32
          %parallel_loop3A_694 = arith.extui %parallel_loop3A_693 : i1 to i32
          %parallel_loop3A_695 = arith.constant 0 : i32
          %parallel_loop3A_696 = arith.cmpi slt, %parallel_loop3A_663, %parallel_loop3A_695 : i32
          %parallel_loop3A_697 = arith.extui %parallel_loop3A_696 : i1 to i32
          %parallel_loop3A_698 = arith.subi %parallel_loop3A_694, %parallel_loop3A_697 : i32
          %parallel_loop3A_699 = arith.constant 0 : i32
          %parallel_loop3A_700 = arith.cmpi sgt, %parallel_loop3A_690, %parallel_loop3A_699 : i32
          %parallel_loop3A_701 = arith.extui %parallel_loop3A_700 : i1 to i32
          %parallel_loop3A_702 = arith.constant 0 : i32
          %parallel_loop3A_703 = arith.cmpi slt, %parallel_loop3A_690, %parallel_loop3A_702 : i32
          %parallel_loop3A_704 = arith.extui %parallel_loop3A_703 : i1 to i32
          %parallel_loop3A_705 = arith.subi %parallel_loop3A_701, %parallel_loop3A_704 : i32
          %parallel_loop3A_706 = arith.cmpi ne, %parallel_loop3A_698, %parallel_loop3A_705 : i32
          %parallel_loop3A_707 = arith.remsi %parallel_loop3A_663, %parallel_loop3A_690 : i32
          %parallel_loop3A_708 = arith.constant 0 : i32
          %parallel_loop3A_709 = arith.cmpi ne, %parallel_loop3A_707, %parallel_loop3A_708 : i32
          %parallel_loop3A_710 = arith.andi %parallel_loop3A_706, %parallel_loop3A_709 : i1
          %parallel_loop3A_711 = arith.constant 1 : i32
          %parallel_loop3A_712 = arith.subi %parallel_loop3A_691, %parallel_loop3A_711 : i32
          %parallel_loop3A_713 = arith.select %parallel_loop3A_710, %parallel_loop3A_712, %parallel_loop3A_691 : i32
          %parallel_loop3A_714 = arith.constant 8 : i32
          %parallel_loop3A_715 = arith.constant 0 : i32
          %parallel_loop3A_716 = arith.cmpi eq, %parallel_loop3A_714, %parallel_loop3A_715 : i32
          %parallel_loop3A_717 = arith.constant 1 : i32
          %parallel_loop3A_718 = arith.select %parallel_loop3A_716, %parallel_loop3A_717, %parallel_loop3A_714 : i32
          %parallel_loop3A_719 = arith.remsi %parallel_loop3A_663, %parallel_loop3A_718 : i32
          %parallel_loop3A_720 = arith.constant 0 : i32
          %parallel_loop3A_721 = arith.cmpi ne, %parallel_loop3A_719, %parallel_loop3A_720 : i32
          %parallel_loop3A_722 = arith.constant 0 : i32
          %parallel_loop3A_723 = arith.cmpi slt, %parallel_loop3A_719, %parallel_loop3A_722 : i32
          %parallel_loop3A_724 = arith.constant 0 : i32
          %parallel_loop3A_725 = arith.cmpi slt, %parallel_loop3A_718, %parallel_loop3A_724 : i32
          %parallel_loop3A_726 = arith.xori %parallel_loop3A_723, %parallel_loop3A_725 : i1
          %parallel_loop3A_727 = arith.andi %parallel_loop3A_726, %parallel_loop3A_721 : i1
          %parallel_loop3A_728 = arith.addi %parallel_loop3A_719, %parallel_loop3A_718 : i32
          %parallel_loop3A_729 = arith.select %parallel_loop3A_727, %parallel_loop3A_728, %parallel_loop3A_719 : i32
          %parallel_loop3A_730 = arith.constant 16 : i32
          %parallel_loop3A_731 = arith.muli %parallel_loop3A_729, %parallel_loop3A_730 : i32
          %parallel_loop3A_732 = arith.index_cast %sub3A_390 : i32 to index
          %parallel_loop3A_733 = arith.index_cast %parallel_loop3A_713 : i32 to index
          %parallel_loop3A_734 = arith.index_cast %parallel_loop3A_731 : i32 to index
          %parallel_loop3A_735 = tpu.vector_load %arg11[%parallel_loop3A_732, %parallel_loop3A_733, %parallel_loop3A_734] {strides = array<i32>} : memref<2x8x128xi32, #tpu.memory_space<vmem>>, vector<16xi32>,
          tpu.vector_store %arg11[%parallel_loop3A_732, %parallel_loop3A_733, %parallel_loop3A_734], %parallel_loop3A_689 {strides = array<i32>} : memref<2x8x128xi32, #tpu.memory_space<vmem>>, vector<16xi32>,
          %parallel_loop3A_736 = arith.constant 8 : i32
          %parallel_loop3A_737 = arith.divsi %parallel_loop3A_663, %parallel_loop3A_736 : i32
          %parallel_loop3A_738 = arith.constant 0 : i32
          %parallel_loop3A_739 = arith.cmpi sgt, %parallel_loop3A_663, %parallel_loop3A_738 : i32
          %parallel_loop3A_740 = arith.extui %parallel_loop3A_739 : i1 to i32
          %parallel_loop3A_741 = arith.constant 0 : i32
          %parallel_loop3A_742 = arith.cmpi slt, %parallel_loop3A_663, %parallel_loop3A_741 : i32
          %parallel_loop3A_743 = arith.extui %parallel_loop3A_742 : i1 to i32
          %parallel_loop3A_744 = arith.subi %parallel_loop3A_740, %parallel_loop3A_743 : i32
          %parallel_loop3A_745 = arith.constant 0 : i32
          %parallel_loop3A_746 = arith.cmpi sgt, %parallel_loop3A_736, %parallel_loop3A_745 : i32
          %parallel_loop3A_747 = arith.extui %parallel_loop3A_746 : i1 to i32
          %parallel_loop3A_748 = arith.constant 0 : i32
          %parallel_loop3A_749 = arith.cmpi slt, %parallel_loop3A_736, %parallel_loop3A_748 : i32
          %parallel_loop3A_750 = arith.extui %parallel_loop3A_749 : i1 to i32
          %parallel_loop3A_751 = arith.subi %parallel_loop3A_747, %parallel_loop3A_750 : i32
          %parallel_loop3A_752 = arith.cmpi ne, %parallel_loop3A_744, %parallel_loop3A_751 : i32
          %parallel_loop3A_753 = arith.remsi %parallel_loop3A_663, %parallel_loop3A_736 : i32
          %parallel_loop3A_754 = arith.constant 0 : i32
          %parallel_loop3A_755 = arith.cmpi ne, %parallel_loop3A_753, %parallel_loop3A_754 : i32
          %parallel_loop3A_756 = arith.andi %parallel_loop3A_752, %parallel_loop3A_755 : i1
          %parallel_loop3A_757 = arith.constant 1 : i32
          %parallel_loop3A_758 = arith.subi %parallel_loop3A_737, %parallel_loop3A_757 : i32
          %parallel_loop3A_759 = arith.select %parallel_loop3A_756, %parallel_loop3A_758, %parallel_loop3A_737 : i32
          %parallel_loop3A_760 = arith.constant 8 : i32
          %parallel_loop3A_761 = arith.constant 0 : i32
          %parallel_loop3A_762 = arith.cmpi eq, %parallel_loop3A_760, %parallel_loop3A_761 : i32
          %parallel_loop3A_763 = arith.constant 1 : i32
          %parallel_loop3A_764 = arith.select %parallel_loop3A_762, %parallel_loop3A_763, %parallel_loop3A_760 : i32
          %parallel_loop3A_765 = arith.remsi %parallel_loop3A_663, %parallel_loop3A_764 : i32
          %parallel_loop3A_766 = arith.constant 0 : i32
          %parallel_loop3A_767 = arith.cmpi ne, %parallel_loop3A_765, %parallel_loop3A_766 : i32
          %parallel_loop3A_768 = arith.constant 0 : i32
          %parallel_loop3A_769 = arith.cmpi slt, %parallel_loop3A_765, %parallel_loop3A_768 : i32
          %parallel_loop3A_770 = arith.constant 0 : i32
          %parallel_loop3A_771 = arith.cmpi slt, %parallel_loop3A_764, %parallel_loop3A_770 : i32
          %parallel_loop3A_772 = arith.xori %parallel_loop3A_769, %parallel_loop3A_771 : i1
          %parallel_loop3A_773 = arith.andi %parallel_loop3A_772, %parallel_loop3A_767 : i1
          %parallel_loop3A_774 = arith.addi %parallel_loop3A_765, %parallel_loop3A_764 : i32
          %parallel_loop3A_775 = arith.select %parallel_loop3A_773, %parallel_loop3A_774, %parallel_loop3A_765 : i32
          %parallel_loop3A_776 = arith.constant 16 : i32
          %parallel_loop3A_777 = arith.muli %parallel_loop3A_775, %parallel_loop3A_776 : i32
          %parallel_loop3A_778 = arith.index_cast %sub3A_390 : i32 to index
          %parallel_loop3A_779 = arith.index_cast %parallel_loop3A_759 : i32 to index
          %parallel_loop3A_780 = arith.index_cast %parallel_loop3A_777 : i32 to index
          %parallel_loop3A_781 = tpu.vector_load %arg12[%parallel_loop3A_778, %parallel_loop3A_779, %parallel_loop3A_780] {strides = array<i32>} : memref<2x8x128xi32, #tpu.memory_space<vmem>>, vector<16xi32>,
          tpu.vector_store %arg12[%parallel_loop3A_778, %parallel_loop3A_779, %parallel_loop3A_780], %parallel_loop3A_681 {strides = array<i32>} : memref<2x8x128xi32, #tpu.memory_space<vmem>>, vector<16xi32>,
        } {sc.loop_unroll_factor = 2 : i64, sc.parallel_access}
      } else {
      }
      %dma_wait3A_400 = arith.constant 0 : i32
      %dma_wait3A_401 = arith.constant 0 : i32
      %dma_wait3A_402 = arith.constant 0 : i32
      %dma_wait3A_403 = tpu.memref_slice %arg13[%rem3A_388, %dma_wait3A_401, %dma_wait3A_402] : memref<2x1024x16xf32, #tpu.memory_space<vmem>> -> memref<1x128x16xf32, #tpu.memory_space<vmem>>
      %dma_wait3A_404 = tpu.memref_squeeze %dma_wait3A_403 : memref<1x128x16xf32, #tpu.memory_space<vmem>> -> memref<128x16xf32, #tpu.memory_space<vmem>>
      %dma_wait3A_405 = arith.constant 0 : i32
      %dma_wait3A_406 = tpu.memref_slice %arg11[%rem3A_388, %dma_wait3A_400, %dma_wait3A_405] : memref<2x8x128xi32, #tpu.memory_space<vmem>> -> memref<1x1x128xi32, #tpu.memory_space<vmem>>
      %dma_wait3A_407 = tpu.memref_squeeze %dma_wait3A_406 : memref<1x1x128xi32, #tpu.memory_space<vmem>> -> memref<128xi32, #tpu.memory_space<vmem>>
      %dma_wait3A_408 = arith.constant 0 : i32
      %dma_wait3A_409 = arith.constant 0 : i32
      %dma_wait3A_410 = tpu.memref_slice %arg2[%dma_wait3A_408, %dma_wait3A_409] : memref<800000x16xf32, #tpu.memory_space<hbm>> -> memref<800000x16xf32, #tpu.memory_space<hbm>>
      %dma_wait3A_411 = tpu.memref_slice %arg16[%rem3A_388] : memref<2x!tpu.dma_semaphore, #tpu.memory_space<semaphore_mem>> -> memref<1x!tpu.dma_semaphore, #tpu.memory_space<semaphore_mem>>
      %dma_wait3A_412 = tpu.memref_squeeze %dma_wait3A_411 : memref<1x!tpu.dma_semaphore, #tpu.memory_space<semaphore_mem>> -> memref<!tpu.dma_semaphore, #tpu.memory_space<semaphore_mem>>
      tpu.wait_indirect_dma semaphore(%dma_wait3A_412 : memref<!tpu.dma_semaphore, #tpu.memory_space<semaphore_mem>>) src(%dma_wait3A_410 : memref<800000x16xf32, #tpu.memory_space<hbm>>) dst(%dma_wait3A_404 : memref<128x16xf32, #tpu.memory_space<vmem>>)
      %dma_wait3A_413 = arith.constant 1 : i32
      %dma_wait3A_414 = arith.constant 128 : i32
      %dma_wait3A_415 = arith.constant 0 : i32
      %dma_wait3A_416 = tpu.memref_slice %arg13[%rem3A_388, %dma_wait3A_414, %dma_wait3A_415] : memref<2x1024x16xf32, #tpu.memory_space<vmem>> -> memref<1x128x16xf32, #tpu.memory_space<vmem>>
      %dma_wait3A_417 = tpu.memref_squeeze %dma_wait3A_416 : memref<1x128x16xf32, #tpu.memory_space<vmem>> -> memref<128x16xf32, #tpu.memory_space<vmem>>
      %dma_wait3A_418 = arith.constant 0 : i32
      %dma_wait3A_419 = tpu.memref_slice %arg11[%rem3A_388, %dma_wait3A_413, %dma_wait3A_418] : memref<2x8x128xi32, #tpu.memory_space<vmem>> -> memref<1x1x128xi32, #tpu.memory_space<vmem>>
      %dma_wait3A_420 = tpu.memref_squeeze %dma_wait3A_419 : memref<1x1x128xi32, #tpu.memory_space<vmem>> -> memref<128xi32, #tpu.memory_space<vmem>>
      %dma_wait3A_421 = arith.constant 0 : i32
      %dma_wait3A_422 = arith.constant 0 : i32
      %dma_wait3A_423 = tpu.memref_slice %arg2[%dma_wait3A_421, %dma_wait3A_422] : memref<800000x16xf32, #tpu.memory_space<hbm>> -> memref<800000x16xf32, #tpu.memory_space<hbm>>
      %dma_wait3A_424 = tpu.memref_slice %arg16[%rem3A_388] : memref<2x!tpu.dma_semaphore, #tpu.memory_space<semaphore_mem>> -> memref<1x!tpu.dma_semaphore, #tpu.memory_space<semaphore_mem>>
      %dma_wait3A_425 = tpu.memref_squeeze %dma_wait3A_424 : memref<1x!tpu.dma_semaphore, #tpu.memory_space<semaphore_mem>> -> memref<!tpu.dma_semaphore, #tpu.memory_space<semaphore_mem>>
      tpu.wait_indirect_dma semaphore(%dma_wait3A_425 : memref<!tpu.dma_semaphore, #tpu.memory_space<semaphore_mem>>) src(%dma_wait3A_423 : memref<800000x16xf32, #tpu.memory_space<hbm>>) dst(%dma_wait3A_417 : memref<128x16xf32, #tpu.memory_space<vmem>>)
      %dma_wait3A_426 = arith.constant 2 : i32
      %dma_wait3A_427 = arith.constant 256 : i32
      %dma_wait3A_428 = arith.constant 0 : i32
      %dma_wait3A_429 = tpu.memref_slice %arg13[%rem3A_388, %dma_wait3A_427, %dma_wait3A_428] : memref<2x1024x16xf32, #tpu.memory_space<vmem>> -> memref<1x128x16xf32, #tpu.memory_space<vmem>>
      %dma_wait3A_430 = tpu.memref_squeeze %dma_wait3A_429 : memref<1x128x16xf32, #tpu.memory_space<vmem>> -> memref<128x16xf32, #tpu.memory_space<vmem>>
      %dma_wait3A_431 = arith.constant 0 : i32
      %dma_wait3A_432 = tpu.memref_slice %arg11[%rem3A_388, %dma_wait3A_426, %dma_wait3A_431] : memref<2x8x128xi32, #tpu.memory_space<vmem>> -> memref<1x1x128xi32, #tpu.memory_space<vmem>>
      %dma_wait3A_433 = tpu.memref_squeeze %dma_wait3A_432 : memref<1x1x128xi32, #tpu.memory_space<vmem>> -> memref<128xi32, #tpu.memory_space<vmem>>
      %dma_wait3A_434 = arith.constant 0 : i32
      %dma_wait3A_435 = arith.constant 0 : i32
      %dma_wait3A_436 = tpu.memref_slice %arg2[%dma_wait3A_434, %dma_wait3A_435] : memref<800000x16xf32, #tpu.memory_space<hbm>> -> memref<800000x16xf32, #tpu.memory_space<hbm>>
      %dma_wait3A_437 = tpu.memref_slice %arg16[%rem3A_388] : memref<2x!tpu.dma_semaphore, #tpu.memory_space<semaphore_mem>> -> memref<1x!tpu.dma_semaphore, #tpu.memory_space<semaphore_mem>>
      %dma_wait3A_438 = tpu.memref_squeeze %dma_wait3A_437 : memref<1x!tpu.dma_semaphore, #tpu.memory_space<semaphore_mem>> -> memref<!tpu.dma_semaphore, #tpu.memory_space<semaphore_mem>>
      tpu.wait_indirect_dma semaphore(%dma_wait3A_438 : memref<!tpu.dma_semaphore, #tpu.memory_space<semaphore_mem>>) src(%dma_wait3A_436 : memref<800000x16xf32, #tpu.memory_space<hbm>>) dst(%dma_wait3A_430 : memref<128x16xf32, #tpu.memory_space<vmem>>)
      %dma_wait3A_439 = arith.constant 3 : i32
      %dma_wait3A_440 = arith.constant 384 : i32
      %dma_wait3A_441 = arith.constant 0 : i32
      %dma_wait3A_442 = tpu.memref_slice %arg13[%rem3A_388, %dma_wait3A_440, %dma_wait3A_441] : memref<2x1024x16xf32, #tpu.memory_space<vmem>> -> memref<1x128x16xf32, #tpu.memory_space<vmem>>
      %dma_wait3A_443 = tpu.memref_squeeze %dma_wait3A_442 : memref<1x128x16xf32, #tpu.memory_space<vmem>> -> memref<128x16xf32, #tpu.memory_space<vmem>>
      %dma_wait3A_444 = arith.constant 0 : i32
      %dma_wait3A_445 = tpu.memref_slice %arg11[%rem3A_388, %dma_wait3A_439, %dma_wait3A_444] : memref<2x8x128xi32, #tpu.memory_space<vmem>> -> memref<1x1x128xi32, #tpu.memory_space<vmem>>
      %dma_wait3A_446 = tpu.memref_squeeze %dma_wait3A_445 : memref<1x1x128xi32, #tpu.memory_space<vmem>> -> memref<128xi32, #tpu.memory_space<vmem>>
      %dma_wait3A_447 = arith.constant 0 : i32
      %dma_wait3A_448 = arith.constant 0 : i32
      %dma_wait3A_449 = tpu.memref_slice %arg2[%dma_wait3A_447, %dma_wait3A_448] : memref<800000x16xf32, #tpu.memory_space<hbm>> -> memref<800000x16xf32, #tpu.memory_space<hbm>>
      %dma_wait3A_450 = tpu.memref_slice %arg16[%rem3A_388] : memref<2x!tpu.dma_semaphore, #tpu.memory_space<semaphore_mem>> -> memref<1x!tpu.dma_semaphore, #tpu.memory_space<semaphore_mem>>
      %dma_wait3A_451 = tpu.memref_squeeze %dma_wait3A_450 : memref<1x!tpu.dma_semaphore, #tpu.memory_space<semaphore_mem>> -> memref<!tpu.dma_semaphore, #tpu.memory_space<semaphore_mem>>
      tpu.wait_indirect_dma semaphore(%dma_wait3A_451 : memref<!tpu.dma_semaphore, #tpu.memory_space<semaphore_mem>>) src(%dma_wait3A_449 : memref<800000x16xf32, #tpu.memory_space<hbm>>) dst(%dma_wait3A_443 : memref<128x16xf32, #tpu.memory_space<vmem>>)
      %dma_wait3A_452 = arith.constant 4 : i32
      %dma_wait3A_453 = arith.constant 512 : i32
      %dma_wait3A_454 = arith.constant 0 : i32
      %dma_wait3A_455 = tpu.memref_slice %arg13[%rem3A_388, %dma_wait3A_453, %dma_wait3A_454] : memref<2x1024x16xf32, #tpu.memory_space<vmem>> -> memref<1x128x16xf32, #tpu.memory_space<vmem>>
      %dma_wait3A_456 = tpu.memref_squeeze %dma_wait3A_455 : memref<1x128x16xf32, #tpu.memory_space<vmem>> -> memref<128x16xf32, #tpu.memory_space<vmem>>
      %dma_wait3A_457 = arith.constant 0 : i32
      %dma_wait3A_458 = tpu.memref_slice %arg11[%rem3A_388, %dma_wait3A_452, %dma_wait3A_457] : memref<2x8x128xi32, #tpu.memory_space<vmem>> -> memref<1x1x128xi32, #tpu.memory_space<vmem>>
      %dma_wait3A_459 = tpu.memref_squeeze %dma_wait3A_458 : memref<1x1x128xi32, #tpu.memory_space<vmem>> -> memref<128xi32, #tpu.memory_space<vmem>>
      %dma_wait3A_460 = arith.constant 0 : i32
      %dma_wait3A_461 = arith.constant 0 : i32
      %dma_wait3A_462 = tpu.memref_slice %arg2[%dma_wait3A_460, %dma_wait3A_461] : memref<800000x16xf32, #tpu.memory_space<hbm>> -> memref<800000x16xf32, #tpu.memory_space<hbm>>
      %dma_wait3A_463 = tpu.memref_slice %arg16[%rem3A_388] : memref<2x!tpu.dma_semaphore, #tpu.memory_space<semaphore_mem>> -> memref<1x!tpu.dma_semaphore, #tpu.memory_space<semaphore_mem>>
      %dma_wait3A_464 = tpu.memref_squeeze %dma_wait3A_463 : memref<1x!tpu.dma_semaphore, #tpu.memory_space<semaphore_mem>> -> memref<!tpu.dma_semaphore, #tpu.memory_space<semaphore_mem>>
      tpu.wait_indirect_dma semaphore(%dma_wait3A_464 : memref<!tpu.dma_semaphore, #tpu.memory_space<semaphore_mem>>) src(%dma_wait3A_462 : memref<800000x16xf32, #tpu.memory_space<hbm>>) dst(%dma_wait3A_456 : memref<128x16xf32, #tpu.memory_space<vmem>>)
      %dma_wait3A_465 = arith.constant 5 : i32
      %dma_wait3A_466 = arith.constant 640 : i32
      %dma_wait3A_467 = arith.constant 0 : i32
      %dma_wait3A_468 = tpu.memref_slice %arg13[%rem3A_388, %dma_wait3A_466, %dma_wait3A_467] : memref<2x1024x16xf32, #tpu.memory_space<vmem>> -> memref<1x128x16xf32, #tpu.memory_space<vmem>>
      %dma_wait3A_469 = tpu.memref_squeeze %dma_wait3A_468 : memref<1x128x16xf32, #tpu.memory_space<vmem>> -> memref<128x16xf32, #tpu.memory_space<vmem>>
      %dma_wait3A_470 = arith.constant 0 : i32
      %dma_wait3A_471 = tpu.memref_slice %arg11[%rem3A_388, %dma_wait3A_465, %dma_wait3A_470] : memref<2x8x128xi32, #tpu.memory_space<vmem>> -> memref<1x1x128xi32, #tpu.memory_space<vmem>>
      %dma_wait3A_472 = tpu.memref_squeeze %dma_wait3A_471 : memref<1x1x128xi32, #tpu.memory_space<vmem>> -> memref<128xi32, #tpu.memory_space<vmem>>
      %dma_wait3A_473 = arith.constant 0 : i32
      %dma_wait3A_474 = arith.constant 0 : i32
      %dma_wait3A_475 = tpu.memref_slice %arg2[%dma_wait3A_473, %dma_wait3A_474] : memref<800000x16xf32, #tpu.memory_space<hbm>> -> memref<800000x16xf32, #tpu.memory_space<hbm>>
      %dma_wait3A_476 = tpu.memref_slice %arg16[%rem3A_388] : memref<2x!tpu.dma_semaphore, #tpu.memory_space<semaphore_mem>> -> memref<1x!tpu.dma_semaphore, #tpu.memory_space<semaphore_mem>>
      %dma_wait3A_477 = tpu.memref_squeeze %dma_wait3A_476 : memref<1x!tpu.dma_semaphore, #tpu.memory_space<semaphore_mem>> -> memref<!tpu.dma_semaphore, #tpu.memory_space<semaphore_mem>>
      tpu.wait_indirect_dma semaphore(%dma_wait3A_477 : memref<!tpu.dma_semaphore, #tpu.memory_space<semaphore_mem>>) src(%dma_wait3A_475 : memref<800000x16xf32, #tpu.memory_space<hbm>>) dst(%dma_wait3A_469 : memref<128x16xf32, #tpu.memory_space<vmem>>)
      %dma_wait3A_478 = arith.constant 6 : i32
      %dma_wait3A_479 = arith.constant 768 : i32
      %dma_wait3A_480 = arith.constant 0 : i32
      %dma_wait3A_481 = tpu.memref_slice %arg13[%rem3A_388, %dma_wait3A_479, %dma_wait3A_480] : memref<2x1024x16xf32, #tpu.memory_space<vmem>> -> memref<1x128x16xf32, #tpu.memory_space<vmem>>
      %dma_wait3A_482 = tpu.memref_squeeze %dma_wait3A_481 : memref<1x128x16xf32, #tpu.memory_space<vmem>> -> memref<128x16xf32, #tpu.memory_space<vmem>>
      %dma_wait3A_483 = arith.constant 0 : i32
      %dma_wait3A_484 = tpu.memref_slice %arg11[%rem3A_388, %dma_wait3A_478, %dma_wait3A_483] : memref<2x8x128xi32, #tpu.memory_space<vmem>> -> memref<1x1x128xi32, #tpu.memory_space<vmem>>
      %dma_wait3A_485 = tpu.memref_squeeze %dma_wait3A_484 : memref<1x1x128xi32, #tpu.memory_space<vmem>> -> memref<128xi32, #tpu.memory_space<vmem>>
      %dma_wait3A_486 = arith.constant 0 : i32
      %dma_wait3A_487 = arith.constant 0 : i32
      %dma_wait3A_488 = tpu.memref_slice %arg2[%dma_wait3A_486, %dma_wait3A_487] : memref<800000x16xf32, #tpu.memory_space<hbm>> -> memref<800000x16xf32, #tpu.memory_space<hbm>>
      %dma_wait3A_489 = tpu.memref_slice %arg16[%rem3A_388] : memref<2x!tpu.dma_semaphore, #tpu.memory_space<semaphore_mem>> -> memref<1x!tpu.dma_semaphore, #tpu.memory_space<semaphore_mem>>
      %dma_wait3A_490 = tpu.memref_squeeze %dma_wait3A_489 : memref<1x!tpu.dma_semaphore, #tpu.memory_space<semaphore_mem>> -> memref<!tpu.dma_semaphore, #tpu.memory_space<semaphore_mem>>
      tpu.wait_indirect_dma semaphore(%dma_wait3A_490 : memref<!tpu.dma_semaphore, #tpu.memory_space<semaphore_mem>>) src(%dma_wait3A_488 : memref<800000x16xf32, #tpu.memory_space<hbm>>) dst(%dma_wait3A_482 : memref<128x16xf32, #tpu.memory_space<vmem>>)
      %dma_wait3A_491 = arith.constant 7 : i32
      %dma_wait3A_492 = arith.constant 896 : i32
      %dma_wait3A_493 = arith.constant 0 : i32
      %dma_wait3A_494 = tpu.memref_slice %arg13[%rem3A_388, %dma_wait3A_492, %dma_wait3A_493] : memref<2x1024x16xf32, #tpu.memory_space<vmem>> -> memref<1x128x16xf32, #tpu.memory_space<vmem>>
      %dma_wait3A_495 = tpu.memref_squeeze %dma_wait3A_494 : memref<1x128x16xf32, #tpu.memory_space<vmem>> -> memref<128x16xf32, #tpu.memory_space<vmem>>
      %dma_wait3A_496 = arith.constant 0 : i32
      %dma_wait3A_497 = tpu.memref_slice %arg11[%rem3A_388, %dma_wait3A_491, %dma_wait3A_496] : memref<2x8x128xi32, #tpu.memory_space<vmem>> -> memref<1x1x128xi32, #tpu.memory_space<vmem>>
      %dma_wait3A_498 = tpu.memref_squeeze %dma_wait3A_497 : memref<1x1x128xi32, #tpu.memory_space<vmem>> -> memref<128xi32, #tpu.memory_space<vmem>>
      %dma_wait3A_499 = arith.constant 0 : i32
      %dma_wait3A_500 = arith.constant 0 : i32
      %dma_wait3A_501 = tpu.memref_slice %arg2[%dma_wait3A_499, %dma_wait3A_500] : memref<800000x16xf32, #tpu.memory_space<hbm>> -> memref<800000x16xf32, #tpu.memory_space<hbm>>
      %dma_wait3A_502 = tpu.memref_slice %arg16[%rem3A_388] : memref<2x!tpu.dma_semaphore, #tpu.memory_space<semaphore_mem>> -> memref<1x!tpu.dma_semaphore, #tpu.memory_space<semaphore_mem>>
      %dma_wait3A_503 = tpu.memref_squeeze %dma_wait3A_502 : memref<1x!tpu.dma_semaphore, #tpu.memory_space<semaphore_mem>> -> memref<!tpu.dma_semaphore, #tpu.memory_space<semaphore_mem>>
      tpu.wait_indirect_dma semaphore(%dma_wait3A_503 : memref<!tpu.dma_semaphore, #tpu.memory_space<semaphore_mem>>) src(%dma_wait3A_501 : memref<800000x16xf32, #tpu.memory_space<hbm>>) dst(%dma_wait3A_495 : memref<128x16xf32, #tpu.memory_space<vmem>>)
      %sub3A_504 = arith.constant 1 : i32
      %sub3A_505 = arith.subi %select_n3A, %sub3A_504 : i32
      %lt3A_506 = arith.cmpi slt, %while3A_385, %sub3A_505 : i32
      %convert_element_type3A_507 = arith.extui %lt3A_506 : i1 to i32
      %cond3A_508 = arith.constant 0 : i32
      %cond3A_509 = arith.cmpi ne, %convert_element_type3A_507, %cond3A_508 : i32
      scf.if %cond3A_509 {
        %dma_start3A_624 = arith.constant 0 : i32
        %dma_start3A_625 = arith.constant 0 : i32
        %dma_start3A_626 = arith.constant 0 : i32
        %dma_start3A_627 = tpu.memref_slice %arg13[%sub3A_390, %dma_start3A_625, %dma_start3A_626] : memref<2x1024x16xf32, #tpu.memory_space<vmem>> -> memref<1x128x16xf32, #tpu.memory_space<vmem>>
        %dma_start3A_628 = tpu.memref_squeeze %dma_start3A_627 : memref<1x128x16xf32, #tpu.memory_space<vmem>> -> memref<128x16xf32, #tpu.memory_space<vmem>>
        %dma_start3A_629 = arith.constant 0 : i32
        %dma_start3A_630 = tpu.memref_slice %arg11[%sub3A_390, %dma_start3A_624, %dma_start3A_629] : memref<2x8x128xi32, #tpu.memory_space<vmem>> -> memref<1x1x128xi32, #tpu.memory_space<vmem>>
        %dma_start3A_631 = tpu.memref_squeeze %dma_start3A_630 : memref<1x1x128xi32, #tpu.memory_space<vmem>> -> memref<128xi32, #tpu.memory_space<vmem>>
        %dma_start3A_632 = arith.constant 0 : i32
        %dma_start3A_633 = arith.constant 0 : i32
        %dma_start3A_634 = tpu.memref_slice %arg2[%dma_start3A_632, %dma_start3A_633] : memref<800000x16xf32, #tpu.memory_space<hbm>> -> memref<800000x16xf32, #tpu.memory_space<hbm>>
        %dma_start3A_635 = tpu.memref_slice %arg16[%sub3A_390] : memref<2x!tpu.dma_semaphore, #tpu.memory_space<semaphore_mem>> -> memref<1x!tpu.dma_semaphore, #tpu.memory_space<semaphore_mem>>
        %dma_start3A_636 = tpu.memref_squeeze %dma_start3A_635 : memref<1x!tpu.dma_semaphore, #tpu.memory_space<semaphore_mem>> -> memref<!tpu.dma_semaphore, #tpu.memory_space<semaphore_mem>>
        tpu.enqueue_indirect_dma source(%dma_start3A_634 : memref<800000x16xf32, #tpu.memory_space<hbm>>) target(%dma_start3A_628 : memref<128x16xf32, #tpu.memory_space<vmem>>) offsets(%dma_start3A_631 : memref<128xi32, #tpu.memory_space<vmem>>) semaphore(%dma_start3A_636 : memref<!tpu.dma_semaphore, #tpu.memory_space<semaphore_mem>>)
        %dma_start3A_637 = arith.constant 1 : i32
        %dma_start3A_638 = arith.constant 128 : i32
        %dma_start3A_639 = arith.constant 0 : i32
        %dma_start3A_640 = tpu.memref_slice %arg13[%sub3A_390, %dma_start3A_638, %dma_start3A_639] : memref<2x1024x16xf32, #tpu.memory_space<vmem>> -> memref<1x128x16xf32, #tpu.memory_space<vmem>>
        %dma_start3A_641 = tpu.memref_squeeze %dma_start3A_640 : memref<1x128x16xf32, #tpu.memory_space<vmem>> -> memref<128x16xf32, #tpu.memory_space<vmem>>
        %dma_start3A_642 = arith.constant 0 : i32
        %dma_start3A_643 = tpu.memref_slice %arg11[%sub3A_390, %dma_start3A_637, %dma_start3A_642] : memref<2x8x128xi32, #tpu.memory_space<vmem>> -> memref<1x1x128xi32, #tpu.memory_space<vmem>>
        %dma_start3A_644 = tpu.memref_squeeze %dma_start3A_643 : memref<1x1x128xi32, #tpu.memory_space<vmem>> -> memref<128xi32, #tpu.memory_space<vmem>>
        %dma_start3A_645 = arith.constant 0 : i32
        %dma_start3A_646 = arith.constant 0 : i32
        %dma_start3A_647 = tpu.memref_slice %arg2[%dma_start3A_645, %dma_start3A_646] : memref<800000x16xf32, #tpu.memory_space<hbm>> -> memref<800000x16xf32, #tpu.memory_space<hbm>>
        %dma_start3A_648 = tpu.memref_slice %arg16[%sub3A_390] : memref<2x!tpu.dma_semaphore, #tpu.memory_space<semaphore_mem>> -> memref<1x!tpu.dma_semaphore, #tpu.memory_space<semaphore_mem>>
        %dma_start3A_649 = tpu.memref_squeeze %dma_start3A_648 : memref<1x!tpu.dma_semaphore, #tpu.memory_space<semaphore_mem>> -> memref<!tpu.dma_semaphore, #tpu.memory_space<semaphore_mem>>
        tpu.enqueue_indirect_dma source(%dma_start3A_647 : memref<800000x16xf32, #tpu.memory_space<hbm>>) target(%dma_start3A_641 : memref<128x16xf32, #tpu.memory_space<vmem>>) offsets(%dma_start3A_644 : memref<128xi32, #tpu.memory_space<vmem>>) semaphore(%dma_start3A_649 : memref<!tpu.dma_semaphore, #tpu.memory_space<semaphore_mem>>)
        %dma_start3A_650 = arith.constant 2 : i32
        %dma_start3A_651 = arith.constant 256 : i32
        %dma_start3A_652 = arith.constant 0 : i32
        %dma_start3A_653 = tpu.memref_slice %arg13[%sub3A_390, %dma_start3A_651, %dma_start3A_652] : memref<2x1024x16xf32, #tpu.memory_space<vmem>> -> memref<1x128x16xf32, #tpu.memory_space<vmem>>
        %dma_start3A_654 = tpu.memref_squeeze %dma_start3A_653 : memref<1x128x16xf32, #tpu.memory_space<vmem>> -> memref<128x16xf32, #tpu.memory_space<vmem>>
        %dma_start3A_655 = arith.constant 0 : i32
        %dma_start3A_656 = tpu.memref_slice %arg11[%sub3A_390, %dma_start3A_650, %dma_start3A_655] : memref<2x8x128xi32, #tpu.memory_space<vmem>> -> memref<1x1x128xi32, #tpu.memory_space<vmem>>
        %dma_start3A_657 = tpu.memref_squeeze %dma_start3A_656 : memref<1x1x128xi32, #tpu.memory_space<vmem>> -> memref<128xi32, #tpu.memory_space<vmem>>
        %dma_start3A_658 = arith.constant 0 : i32
        %dma_start3A_659 = arith.constant 0 : i32
        %dma_start3A_660 = tpu.memref_slice %arg2[%dma_start3A_658, %dma_start3A_659] : memref<800000x16xf32, #tpu.memory_space<hbm>> -> memref<800000x16xf32, #tpu.memory_space<hbm>>
        %dma_start3A_661 = tpu.memref_slice %arg16[%sub3A_390] : memref<2x!tpu.dma_semaphore, #tpu.memory_space<semaphore_mem>> -> memref<1x!tpu.dma_semaphore, #tpu.memory_space<semaphore_mem>>
        %dma_start3A_662 = tpu.memref_squeeze %dma_start3A_661 : memref<1x!tpu.dma_semaphore, #tpu.memory_space<semaphore_mem>> -> memref<!tpu.dma_semaphore, #tpu.memory_space<semaphore_mem>>
        tpu.enqueue_indirect_dma source(%dma_start3A_660 : memref<800000x16xf32, #tpu.memory_space<hbm>>) target(%dma_start3A_654 : memref<128x16xf32, #tpu.memory_space<vmem>>) offsets(%dma_start3A_657 : memref<128xi32, #tpu.memory_space<vmem>>) semaphore(%dma_start3A_662 : memref<!tpu.dma_semaphore, #tpu.memory_space<semaphore_mem>>)
        %dma_start3A_663 = arith.constant 3 : i32
        %dma_start3A_664 = arith.constant 384 : i32
        %dma_start3A_665 = arith.constant 0 : i32
        %dma_start3A_666 = tpu.memref_slice %arg13[%sub3A_390, %dma_start3A_664, %dma_start3A_665] : memref<2x1024x16xf32, #tpu.memory_space<vmem>> -> memref<1x128x16xf32, #tpu.memory_space<vmem>>
        %dma_start3A_667 = tpu.memref_squeeze %dma_start3A_666 : memref<1x128x16xf32, #tpu.memory_space<vmem>> -> memref<128x16xf32, #tpu.memory_space<vmem>>
        %dma_start3A_668 = arith.constant 0 : i32
        %dma_start3A_669 = tpu.memref_slice %arg11[%sub3A_390, %dma_start3A_663, %dma_start3A_668] : memref<2x8x128xi32, #tpu.memory_space<vmem>> -> memref<1x1x128xi32, #tpu.memory_space<vmem>>
        %dma_start3A_670 = tpu.memref_squeeze %dma_start3A_669 : memref<1x1x128xi32, #tpu.memory_space<vmem>> -> memref<128xi32, #tpu.memory_space<vmem>>
        %dma_start3A_671 = arith.constant 0 : i32
        %dma_start3A_672 = arith.constant 0 : i32
        %dma_start3A_673 = tpu.memref_slice %arg2[%dma_start3A_671, %dma_start3A_672] : memref<800000x16xf32, #tpu.memory_space<hbm>> -> memref<800000x16xf32, #tpu.memory_space<hbm>>
        %dma_start3A_674 = tpu.memref_slice %arg16[%sub3A_390] : memref<2x!tpu.dma_semaphore, #tpu.memory_space<semaphore_mem>> -> memref<1x!tpu.dma_semaphore, #tpu.memory_space<semaphore_mem>>
        %dma_start3A_675 = tpu.memref_squeeze %dma_start3A_674 : memref<1x!tpu.dma_semaphore, #tpu.memory_space<semaphore_mem>> -> memref<!tpu.dma_semaphore, #tpu.memory_space<semaphore_mem>>
        tpu.enqueue_indirect_dma source(%dma_start3A_673 : memref<800000x16xf32, #tpu.memory_space<hbm>>) target(%dma_start3A_667 : memref<128x16xf32, #tpu.memory_space<vmem>>) offsets(%dma_start3A_670 : memref<128xi32, #tpu.memory_space<vmem>>) semaphore(%dma_start3A_675 : memref<!tpu.dma_semaphore, #tpu.memory_space<semaphore_mem>>)
        %dma_start3A_676 = arith.constant 4 : i32
        %dma_start3A_677 = arith.constant 512 : i32
        %dma_start3A_678 = arith.constant 0 : i32
        %dma_start3A_679 = tpu.memref_slice %arg13[%sub3A_390, %dma_start3A_677, %dma_start3A_678] : memref<2x1024x16xf32, #tpu.memory_space<vmem>> -> memref<1x128x16xf32, #tpu.memory_space<vmem>>
        %dma_start3A_680 = tpu.memref_squeeze %dma_start3A_679 : memref<1x128x16xf32, #tpu.memory_space<vmem>> -> memref<128x16xf32, #tpu.memory_space<vmem>>
        %dma_start3A_681 = arith.constant 0 : i32
        %dma_start3A_682 = tpu.memref_slice %arg11[%sub3A_390, %dma_start3A_676, %dma_start3A_681] : memref<2x8x128xi32, #tpu.memory_space<vmem>> -> memref<1x1x128xi32, #tpu.memory_space<vmem>>
        %dma_start3A_683 = tpu.memref_squeeze %dma_start3A_682 : memref<1x1x128xi32, #tpu.memory_space<vmem>> -> memref<128xi32, #tpu.memory_space<vmem>>
        %dma_start3A_684 = arith.constant 0 : i32
        %dma_start3A_685 = arith.constant 0 : i32
        %dma_start3A_686 = tpu.memref_slice %arg2[%dma_start3A_684, %dma_start3A_685] : memref<800000x16xf32, #tpu.memory_space<hbm>> -> memref<800000x16xf32, #tpu.memory_space<hbm>>
        %dma_start3A_687 = tpu.memref_slice %arg16[%sub3A_390] : memref<2x!tpu.dma_semaphore, #tpu.memory_space<semaphore_mem>> -> memref<1x!tpu.dma_semaphore, #tpu.memory_space<semaphore_mem>>
        %dma_start3A_688 = tpu.memref_squeeze %dma_start3A_687 : memref<1x!tpu.dma_semaphore, #tpu.memory_space<semaphore_mem>> -> memref<!tpu.dma_semaphore, #tpu.memory_space<semaphore_mem>>
        tpu.enqueue_indirect_dma source(%dma_start3A_686 : memref<800000x16xf32, #tpu.memory_space<hbm>>) target(%dma_start3A_680 : memref<128x16xf32, #tpu.memory_space<vmem>>) offsets(%dma_start3A_683 : memref<128xi32, #tpu.memory_space<vmem>>) semaphore(%dma_start3A_688 : memref<!tpu.dma_semaphore, #tpu.memory_space<semaphore_mem>>)
        %dma_start3A_689 = arith.constant 5 : i32
        %dma_start3A_690 = arith.constant 640 : i32
        %dma_start3A_691 = arith.constant 0 : i32
        %dma_start3A_692 = tpu.memref_slice %arg13[%sub3A_390, %dma_start3A_690, %dma_start3A_691] : memref<2x1024x16xf32, #tpu.memory_space<vmem>> -> memref<1x128x16xf32, #tpu.memory_space<vmem>>
        %dma_start3A_693 = tpu.memref_squeeze %dma_start3A_692 : memref<1x128x16xf32, #tpu.memory_space<vmem>> -> memref<128x16xf32, #tpu.memory_space<vmem>>
        %dma_start3A_694 = arith.constant 0 : i32
        %dma_start3A_695 = tpu.memref_slice %arg11[%sub3A_390, %dma_start3A_689, %dma_start3A_694] : memref<2x8x128xi32, #tpu.memory_space<vmem>> -> memref<1x1x128xi32, #tpu.memory_space<vmem>>
        %dma_start3A_696 = tpu.memref_squeeze %dma_start3A_695 : memref<1x1x128xi32, #tpu.memory_space<vmem>> -> memref<128xi32, #tpu.memory_space<vmem>>
        %dma_start3A_697 = arith.constant 0 : i32
        %dma_start3A_698 = arith.constant 0 : i32
        %dma_start3A_699 = tpu.memref_slice %arg2[%dma_start3A_697, %dma_start3A_698] : memref<800000x16xf32, #tpu.memory_space<hbm>> -> memref<800000x16xf32, #tpu.memory_space<hbm>>
        %dma_start3A_700 = tpu.memref_slice %arg16[%sub3A_390] : memref<2x!tpu.dma_semaphore, #tpu.memory_space<semaphore_mem>> -> memref<1x!tpu.dma_semaphore, #tpu.memory_space<semaphore_mem>>
        %dma_start3A_701 = tpu.memref_squeeze %dma_start3A_700 : memref<1x!tpu.dma_semaphore, #tpu.memory_space<semaphore_mem>> -> memref<!tpu.dma_semaphore, #tpu.memory_space<semaphore_mem>>
        tpu.enqueue_indirect_dma source(%dma_start3A_699 : memref<800000x16xf32, #tpu.memory_space<hbm>>) target(%dma_start3A_693 : memref<128x16xf32, #tpu.memory_space<vmem>>) offsets(%dma_start3A_696 : memref<128xi32, #tpu.memory_space<vmem>>) semaphore(%dma_start3A_701 : memref<!tpu.dma_semaphore, #tpu.memory_space<semaphore_mem>>)
        %dma_start3A_702 = arith.constant 6 : i32
        %dma_start3A_703 = arith.constant 768 : i32
        %dma_start3A_704 = arith.constant 0 : i32
        %dma_start3A_705 = tpu.memref_slice %arg13[%sub3A_390, %dma_start3A_703, %dma_start3A_704] : memref<2x1024x16xf32, #tpu.memory_space<vmem>> -> memref<1x128x16xf32, #tpu.memory_space<vmem>>
        %dma_start3A_706 = tpu.memref_squeeze %dma_start3A_705 : memref<1x128x16xf32, #tpu.memory_space<vmem>> -> memref<128x16xf32, #tpu.memory_space<vmem>>
        %dma_start3A_707 = arith.constant 0 : i32
        %dma_start3A_708 = tpu.memref_slice %arg11[%sub3A_390, %dma_start3A_702, %dma_start3A_707] : memref<2x8x128xi32, #tpu.memory_space<vmem>> -> memref<1x1x128xi32, #tpu.memory_space<vmem>>
        %dma_start3A_709 = tpu.memref_squeeze %dma_start3A_708 : memref<1x1x128xi32, #tpu.memory_space<vmem>> -> memref<128xi32, #tpu.memory_space<vmem>>
        %dma_start3A_710 = arith.constant 0 : i32
        %dma_start3A_711 = arith.constant 0 : i32
        %dma_start3A_712 = tpu.memref_slice %arg2[%dma_start3A_710, %dma_start3A_711] : memref<800000x16xf32, #tpu.memory_space<hbm>> -> memref<800000x16xf32, #tpu.memory_space<hbm>>
        %dma_start3A_713 = tpu.memref_slice %arg16[%sub3A_390] : memref<2x!tpu.dma_semaphore, #tpu.memory_space<semaphore_mem>> -> memref<1x!tpu.dma_semaphore, #tpu.memory_space<semaphore_mem>>
        %dma_start3A_714 = tpu.memref_squeeze %dma_start3A_713 : memref<1x!tpu.dma_semaphore, #tpu.memory_space<semaphore_mem>> -> memref<!tpu.dma_semaphore, #tpu.memory_space<semaphore_mem>>
        tpu.enqueue_indirect_dma source(%dma_start3A_712 : memref<800000x16xf32, #tpu.memory_space<hbm>>) target(%dma_start3A_706 : memref<128x16xf32, #tpu.memory_space<vmem>>) offsets(%dma_start3A_709 : memref<128xi32, #tpu.memory_space<vmem>>) semaphore(%dma_start3A_714 : memref<!tpu.dma_semaphore, #tpu.memory_space<semaphore_mem>>)
        %dma_start3A_715 = arith.constant 7 : i32
        %dma_start3A_716 = arith.constant 896 : i32
        %dma_start3A_717 = arith.constant 0 : i32
        %dma_start3A_718 = tpu.memref_slice %arg13[%sub3A_390, %dma_start3A_716, %dma_start3A_717] : memref<2x1024x16xf32, #tpu.memory_space<vmem>> -> memref<1x128x16xf32, #tpu.memory_space<vmem>>
        %dma_start3A_719 = tpu.memref_squeeze %dma_start3A_718 : memref<1x128x16xf32, #tpu.memory_space<vmem>> -> memref<128x16xf32, #tpu.memory_space<vmem>>
        %dma_start3A_720 = arith.constant 0 : i32
        %dma_start3A_721 = tpu.memref_slice %arg11[%sub3A_390, %dma_start3A_715, %dma_start3A_720] : memref<2x8x128xi32, #tpu.memory_space<vmem>> -> memref<1x1x128xi32, #tpu.memory_space<vmem>>
        %dma_start3A_722 = tpu.memref_squeeze %dma_start3A_721 : memref<1x1x128xi32, #tpu.memory_space<vmem>> -> memref<128xi32, #tpu.memory_space<vmem>>
        %dma_start3A_723 = arith.constant 0 : i32
        %dma_start3A_724 = arith.constant 0 : i32
        %dma_start3A_725 = tpu.memref_slice %arg2[%dma_start3A_723, %dma_start3A_724] : memref<800000x16xf32, #tpu.memory_space<hbm>> -> memref<800000x16xf32, #tpu.memory_space<hbm>>
        %dma_start3A_726 = tpu.memref_slice %arg16[%sub3A_390] : memref<2x!tpu.dma_semaphore, #tpu.memory_space<semaphore_mem>> -> memref<1x!tpu.dma_semaphore, #tpu.memory_space<semaphore_mem>>
        %dma_start3A_727 = tpu.memref_squeeze %dma_start3A_726 : memref<1x!tpu.dma_semaphore, #tpu.memory_space<semaphore_mem>> -> memref<!tpu.dma_semaphore, #tpu.memory_space<semaphore_mem>>
        tpu.enqueue_indirect_dma source(%dma_start3A_725 : memref<800000x16xf32, #tpu.memory_space<hbm>>) target(%dma_start3A_719 : memref<128x16xf32, #tpu.memory_space<vmem>>) offsets(%dma_start3A_722 : memref<128xi32, #tpu.memory_space<vmem>>) semaphore(%dma_start3A_727 : memref<!tpu.dma_semaphore, #tpu.memory_space<semaphore_mem>>)
      } else {
      }
      %parallel_loop3A_510 = arith.constant 0 : i32
      %parallel_loop3A_511 = arith.constant 64 : i32
      %parallel_loop3A_512 = arith.constant 1 : i32
      scf.for %parallel_loop3A_624 = %parallel_loop3A_510 to %parallel_loop3A_511 step %parallel_loop3A_512  : i32 {
        %parallel_loop3A_625 = arith.constant 16 : i32
        %parallel_loop3A_626 = arith.muli %parallel_loop3A_624, %parallel_loop3A_625 : i32
        %parallel_loop3A_627 = arith.index_cast %rem3A_388 : i32 to index
        %parallel_loop3A_628 = arith.index_cast %parallel_loop3A_626 : i32 to index
        %parallel_loop3A_629 = tpu.vector_load %arg10[%parallel_loop3A_627, %parallel_loop3A_628] {strides = array<i32>} : memref<2x1024xf32, #tpu.memory_space<vmem>>, vector<16xf32>,
        %parallel_loop3A_630 = arith.constant 16 : i32
        %parallel_loop3A_631 = arith.muli %parallel_loop3A_624, %parallel_loop3A_630 : i32
        %parallel_loop3A_632 = arith.constant 0 : i32
        %parallel_loop3A_633 = arith.addi %parallel_loop3A_631, %parallel_loop3A_632 : i32
        %parallel_loop3A_634 = arith.constant 0 : i32
        %parallel_loop3A_635 = arith.muli %parallel_loop3A_624, %parallel_loop3A_634 : i32
        %parallel_loop3A_636 = arith.constant 0 : i32
        %parallel_loop3A_637 = arith.addi %parallel_loop3A_635, %parallel_loop3A_636 : i32
        %parallel_loop3A_638 = vector.broadcast %parallel_loop3A_637 : i32 to vector<16xi32>
        %parallel_loop3A_639 = arith.constant 0 : i32
        %parallel_loop3A_640 = vector.broadcast %parallel_loop3A_639 : i32 to vector<16xi32>
        %parallel_loop3A_641 = arith.cmpi slt, %parallel_loop3A_638, %parallel_loop3A_640 : vector<16xi32>
        %parallel_loop3A_642 = arith.constant 16 : i32
        %parallel_loop3A_643 = vector.broadcast %parallel_loop3A_642 : i32 to vector<16xi32>
        %parallel_loop3A_644 = arith.addi %parallel_loop3A_638, %parallel_loop3A_643 : vector<16xi32>
        %parallel_loop3A_645 = arith.select %parallel_loop3A_641, %parallel_loop3A_644, %parallel_loop3A_638 : vector<16xi1>, vector<16xi32>
        %parallel_loop3A_646 = vector.shape_cast %parallel_loop3A_645 : vector<16xi32> to vector<16x1xi32>
        %parallel_loop3A_647 = vector.shape_cast %parallel_loop3A_646 : vector<16x1xi32> to vector<16xi32>
        %parallel_loop3A_648 = tpu.dynamic_gather %parallel_loop3A_629[%parallel_loop3A_647] in [0] : vector<16xf32>, vector<16xi32> -> vector<16xf32>
        %parallel_loop3A_649 = arith.index_cast %rem3A_388 : i32 to index
        %parallel_loop3A_650 = arith.index_cast %parallel_loop3A_633 : i32 to index
        %parallel_loop3A_651 = arith.constant 0 : index
        %parallel_loop3A_652 = tpu.vector_load %arg13[%parallel_loop3A_649, %parallel_loop3A_650, %parallel_loop3A_651] {strides = array<i32>} : memref<2x1024x16xf32, #tpu.memory_space<vmem>>, vector<16xf32>,
        %parallel_loop3A_653 = arith.mulf %parallel_loop3A_652, %parallel_loop3A_648 : vector<16xf32>
        %parallel_loop3A_654 = arith.index_cast %rem3A_388 : i32 to index
        %parallel_loop3A_655 = arith.index_cast %parallel_loop3A_633 : i32 to index
        %parallel_loop3A_656 = arith.constant 0 : index
        %parallel_loop3A_657 = tpu.vector_load %arg13[%parallel_loop3A_654, %parallel_loop3A_655, %parallel_loop3A_656] {strides = array<i32>} : memref<2x1024x16xf32, #tpu.memory_space<vmem>>, vector<16xf32>,
        tpu.vector_store %arg13[%parallel_loop3A_654, %parallel_loop3A_655, %parallel_loop3A_656], %parallel_loop3A_653 {strides = array<i32>} : memref<2x1024x16xf32, #tpu.memory_space<vmem>>, vector<16xf32>,
        %parallel_loop3A_658 = arith.constant 16 : i32
        %parallel_loop3A_659 = arith.muli %parallel_loop3A_624, %parallel_loop3A_658 : i32
        %parallel_loop3A_660 = arith.constant 1 : i32
        %parallel_loop3A_661 = arith.addi %parallel_loop3A_659, %parallel_loop3A_660 : i32
        %parallel_loop3A_662 = arith.constant 0 : i32
        %parallel_loop3A_663 = arith.muli %parallel_loop3A_624, %parallel_loop3A_662 : i32
        %parallel_loop3A_664 = arith.constant 1 : i32
        %parallel_loop3A_665 = arith.addi %parallel_loop3A_663, %parallel_loop3A_664 : i32
        %parallel_loop3A_666 = vector.broadcast %parallel_loop3A_665 : i32 to vector<16xi32>
        %parallel_loop3A_667 = arith.constant 0 : i32
        %parallel_loop3A_668 = vector.broadcast %parallel_loop3A_667 : i32 to vector<16xi32>
        %parallel_loop3A_669 = arith.cmpi slt, %parallel_loop3A_666, %parallel_loop3A_668 : vector<16xi32>
        %parallel_loop3A_670 = arith.constant 16 : i32
        %parallel_loop3A_671 = vector.broadcast %parallel_loop3A_670 : i32 to vector<16xi32>
        %parallel_loop3A_672 = arith.addi %parallel_loop3A_666, %parallel_loop3A_671 : vector<16xi32>
        %parallel_loop3A_673 = arith.select %parallel_loop3A_669, %parallel_loop3A_672, %parallel_loop3A_666 : vector<16xi1>, vector<16xi32>
        %parallel_loop3A_674 = vector.shape_cast %parallel_loop3A_673 : vector<16xi32> to vector<16x1xi32>
        %parallel_loop3A_675 = vector.shape_cast %parallel_loop3A_674 : vector<16x1xi32> to vector<16xi32>
        %parallel_loop3A_676 = tpu.dynamic_gather %parallel_loop3A_629[%parallel_loop3A_675] in [0] : vector<16xf32>, vector<16xi32> -> vector<16xf32>
        %parallel_loop3A_677 = arith.index_cast %rem3A_388 : i32 to index
        %parallel_loop3A_678 = arith.index_cast %parallel_loop3A_661 : i32 to index
        %parallel_loop3A_679 = arith.constant 0 : index
        %parallel_loop3A_680 = tpu.vector_load %arg13[%parallel_loop3A_677, %parallel_loop3A_678, %parallel_loop3A_679] {strides = array<i32>} : memref<2x1024x16xf32, #tpu.memory_space<vmem>>, vector<16xf32>,
        %parallel_loop3A_681 = arith.mulf %parallel_loop3A_680, %parallel_loop3A_676 : vector<16xf32>
        %parallel_loop3A_682 = arith.index_cast %rem3A_388 : i32 to index
        %parallel_loop3A_683 = arith.index_cast %parallel_loop3A_661 : i32 to index
        %parallel_loop3A_684 = arith.constant 0 : index
        %parallel_loop3A_685 = tpu.vector_load %arg13[%parallel_loop3A_682, %parallel_loop3A_683, %parallel_loop3A_684] {strides = array<i32>} : memref<2x1024x16xf32, #tpu.memory_space<vmem>>, vector<16xf32>,
        tpu.vector_store %arg13[%parallel_loop3A_682, %parallel_loop3A_683, %parallel_loop3A_684], %parallel_loop3A_681 {strides = array<i32>} : memref<2x1024x16xf32, #tpu.memory_space<vmem>>, vector<16xf32>,
        %parallel_loop3A_686 = arith.constant 16 : i32
        %parallel_loop3A_687 = arith.muli %parallel_loop3A_624, %parallel_loop3A_686 : i32
        %parallel_loop3A_688 = arith.constant 2 : i32
        %parallel_loop3A_689 = arith.addi %parallel_loop3A_687, %parallel_loop3A_688 : i32
        %parallel_loop3A_690 = arith.constant 0 : i32
        %parallel_loop3A_691 = arith.muli %parallel_loop3A_624, %parallel_loop3A_690 : i32
        %parallel_loop3A_692 = arith.constant 2 : i32
        %parallel_loop3A_693 = arith.addi %parallel_loop3A_691, %parallel_loop3A_692 : i32
        %parallel_loop3A_694 = vector.broadcast %parallel_loop3A_693 : i32 to vector<16xi32>
        %parallel_loop3A_695 = arith.constant 0 : i32
        %parallel_loop3A_696 = vector.broadcast %parallel_loop3A_695 : i32 to vector<16xi32>
        %parallel_loop3A_697 = arith.cmpi slt, %parallel_loop3A_694, %parallel_loop3A_696 : vector<16xi32>
        %parallel_loop3A_698 = arith.constant 16 : i32
        %parallel_loop3A_699 = vector.broadcast %parallel_loop3A_698 : i32 to vector<16xi32>
        %parallel_loop3A_700 = arith.addi %parallel_loop3A_694, %parallel_loop3A_699 : vector<16xi32>
        %parallel_loop3A_701 = arith.select %parallel_loop3A_697, %parallel_loop3A_700, %parallel_loop3A_694 : vector<16xi1>, vector<16xi32>
        %parallel_loop3A_702 = vector.shape_cast %parallel_loop3A_701 : vector<16xi32> to vector<16x1xi32>
        %parallel_loop3A_703 = vector.shape_cast %parallel_loop3A_702 : vector<16x1xi32> to vector<16xi32>
        %parallel_loop3A_704 = tpu.dynamic_gather %parallel_loop3A_629[%parallel_loop3A_703] in [0] : vector<16xf32>, vector<16xi32> -> vector<16xf32>
        %parallel_loop3A_705 = arith.index_cast %rem3A_388 : i32 to index
        %parallel_loop3A_706 = arith.index_cast %parallel_loop3A_689 : i32 to index
        %parallel_loop3A_707 = arith.constant 0 : index
        %parallel_loop3A_708 = tpu.vector_load %arg13[%parallel_loop3A_705, %parallel_loop3A_706, %parallel_loop3A_707] {strides = array<i32>} : memref<2x1024x16xf32, #tpu.memory_space<vmem>>, vector<16xf32>,
        %parallel_loop3A_709 = arith.mulf %parallel_loop3A_708, %parallel_loop3A_704 : vector<16xf32>
        %parallel_loop3A_710 = arith.index_cast %rem3A_388 : i32 to index
        %parallel_loop3A_711 = arith.index_cast %parallel_loop3A_689 : i32 to index
        %parallel_loop3A_712 = arith.constant 0 : index
        %parallel_loop3A_713 = tpu.vector_load %arg13[%parallel_loop3A_710, %parallel_loop3A_711, %parallel_loop3A_712] {strides = array<i32>} : memref<2x1024x16xf32, #tpu.memory_space<vmem>>, vector<16xf32>,
        tpu.vector_store %arg13[%parallel_loop3A_710, %parallel_loop3A_711, %parallel_loop3A_712], %parallel_loop3A_709 {strides = array<i32>} : memref<2x1024x16xf32, #tpu.memory_space<vmem>>, vector<16xf32>,
        %parallel_loop3A_714 = arith.constant 16 : i32
        %parallel_loop3A_715 = arith.muli %parallel_loop3A_624, %parallel_loop3A_714 : i32
        %parallel_loop3A_716 = arith.constant 3 : i32
        %parallel_loop3A_717 = arith.addi %parallel_loop3A_715, %parallel_loop3A_716 : i32
        %parallel_loop3A_718 = arith.constant 0 : i32
        %parallel_loop3A_719 = arith.muli %parallel_loop3A_624, %parallel_loop3A_718 : i32
        %parallel_loop3A_720 = arith.constant 3 : i32
        %parallel_loop3A_721 = arith.addi %parallel_loop3A_719, %parallel_loop3A_720 : i32
        %parallel_loop3A_722 = vector.broadcast %parallel_loop3A_721 : i32 to vector<16xi32>
        %parallel_loop3A_723 = arith.constant 0 : i32
        %parallel_loop3A_724 = vector.broadcast %parallel_loop3A_723 : i32 to vector<16xi32>
        %parallel_loop3A_725 = arith.cmpi slt, %parallel_loop3A_722, %parallel_loop3A_724 : vector<16xi32>
        %parallel_loop3A_726 = arith.constant 16 : i32
        %parallel_loop3A_727 = vector.broadcast %parallel_loop3A_726 : i32 to vector<16xi32>
        %parallel_loop3A_728 = arith.addi %parallel_loop3A_722, %parallel_loop3A_727 : vector<16xi32>
        %parallel_loop3A_729 = arith.select %parallel_loop3A_725, %parallel_loop3A_728, %parallel_loop3A_722 : vector<16xi1>, vector<16xi32>
        %parallel_loop3A_730 = vector.shape_cast %parallel_loop3A_729 : vector<16xi32> to vector<16x1xi32>
        %parallel_loop3A_731 = vector.shape_cast %parallel_loop3A_730 : vector<16x1xi32> to vector<16xi32>
        %parallel_loop3A_732 = tpu.dynamic_gather %parallel_loop3A_629[%parallel_loop3A_731] in [0] : vector<16xf32>, vector<16xi32> -> vector<16xf32>
        %parallel_loop3A_733 = arith.index_cast %rem3A_388 : i32 to index
        %parallel_loop3A_734 = arith.index_cast %parallel_loop3A_717 : i32 to index
        %parallel_loop3A_735 = arith.constant 0 : index
        %parallel_loop3A_736 = tpu.vector_load %arg13[%parallel_loop3A_733, %parallel_loop3A_734, %parallel_loop3A_735] {strides = array<i32>} : memref<2x1024x16xf32, #tpu.memory_space<vmem>>, vector<16xf32>,
        %parallel_loop3A_737 = arith.mulf %parallel_loop3A_736, %parallel_loop3A_732 : vector<16xf32>
        %parallel_loop3A_738 = arith.index_cast %rem3A_388 : i32 to index
        %parallel_loop3A_739 = arith.index_cast %parallel_loop3A_717 : i32 to index
        %parallel_loop3A_740 = arith.constant 0 : index
        %parallel_loop3A_741 = tpu.vector_load %arg13[%parallel_loop3A_738, %parallel_loop3A_739, %parallel_loop3A_740] {strides = array<i32>} : memref<2x1024x16xf32, #tpu.memory_space<vmem>>, vector<16xf32>,
        tpu.vector_store %arg13[%parallel_loop3A_738, %parallel_loop3A_739, %parallel_loop3A_740], %parallel_loop3A_737 {strides = array<i32>} : memref<2x1024x16xf32, #tpu.memory_space<vmem>>, vector<16xf32>,
        %parallel_loop3A_742 = arith.constant 16 : i32
        %parallel_loop3A_743 = arith.muli %parallel_loop3A_624, %parallel_loop3A_742 : i32
        %parallel_loop3A_744 = arith.constant 4 : i32
        %parallel_loop3A_745 = arith.addi %parallel_loop3A_743, %parallel_loop3A_744 : i32
        %parallel_loop3A_746 = arith.constant 0 : i32
        %parallel_loop3A_747 = arith.muli %parallel_loop3A_624, %parallel_loop3A_746 : i32
        %parallel_loop3A_748 = arith.constant 4 : i32
        %parallel_loop3A_749 = arith.addi %parallel_loop3A_747, %parallel_loop3A_748 : i32
        %parallel_loop3A_750 = vector.broadcast %parallel_loop3A_749 : i32 to vector<16xi32>
        %parallel_loop3A_751 = arith.constant 0 : i32
        %parallel_loop3A_752 = vector.broadcast %parallel_loop3A_751 : i32 to vector<16xi32>
        %parallel_loop3A_753 = arith.cmpi slt, %parallel_loop3A_750, %parallel_loop3A_752 : vector<16xi32>
        %parallel_loop3A_754 = arith.constant 16 : i32
        %parallel_loop3A_755 = vector.broadcast %parallel_loop3A_754 : i32 to vector<16xi32>
        %parallel_loop3A_756 = arith.addi %parallel_loop3A_750, %parallel_loop3A_755 : vector<16xi32>
        %parallel_loop3A_757 = arith.select %parallel_loop3A_753, %parallel_loop3A_756, %parallel_loop3A_750 : vector<16xi1>, vector<16xi32>
        %parallel_loop3A_758 = vector.shape_cast %parallel_loop3A_757 : vector<16xi32> to vector<16x1xi32>
        %parallel_loop3A_759 = vector.shape_cast %parallel_loop3A_758 : vector<16x1xi32> to vector<16xi32>
        %parallel_loop3A_760 = tpu.dynamic_gather %parallel_loop3A_629[%parallel_loop3A_759] in [0] : vector<16xf32>, vector<16xi32> -> vector<16xf32>
        %parallel_loop3A_761 = arith.index_cast %rem3A_388 : i32 to index
        %parallel_loop3A_762 = arith.index_cast %parallel_loop3A_745 : i32 to index
        %parallel_loop3A_763 = arith.constant 0 : index
        %parallel_loop3A_764 = tpu.vector_load %arg13[%parallel_loop3A_761, %parallel_loop3A_762, %parallel_loop3A_763] {strides = array<i32>} : memref<2x1024x16xf32, #tpu.memory_space<vmem>>, vector<16xf32>,
        %parallel_loop3A_765 = arith.mulf %parallel_loop3A_764, %parallel_loop3A_760 : vector<16xf32>
        %parallel_loop3A_766 = arith.index_cast %rem3A_388 : i32 to index
        %parallel_loop3A_767 = arith.index_cast %parallel_loop3A_745 : i32 to index
        %parallel_loop3A_768 = arith.constant 0 : index
        %parallel_loop3A_769 = tpu.vector_load %arg13[%parallel_loop3A_766, %parallel_loop3A_767, %parallel_loop3A_768] {strides = array<i32>} : memref<2x1024x16xf32, #tpu.memory_space<vmem>>, vector<16xf32>,
        tpu.vector_store %arg13[%parallel_loop3A_766, %parallel_loop3A_767, %parallel_loop3A_768], %parallel_loop3A_765 {strides = array<i32>} : memref<2x1024x16xf32, #tpu.memory_space<vmem>>, vector<16xf32>,
        %parallel_loop3A_770 = arith.constant 16 : i32
        %parallel_loop3A_771 = arith.muli %parallel_loop3A_624, %parallel_loop3A_770 : i32
        %parallel_loop3A_772 = arith.constant 5 : i32
        %parallel_loop3A_773 = arith.addi %parallel_loop3A_771, %parallel_loop3A_772 : i32
        %parallel_loop3A_774 = arith.constant 0 : i32
        %parallel_loop3A_775 = arith.muli %parallel_loop3A_624, %parallel_loop3A_774 : i32
        %parallel_loop3A_776 = arith.constant 5 : i32
        %parallel_loop3A_777 = arith.addi %parallel_loop3A_775, %parallel_loop3A_776 : i32
        %parallel_loop3A_778 = vector.broadcast %parallel_loop3A_777 : i32 to vector<16xi32>
        %parallel_loop3A_779 = arith.constant 0 : i32
        %parallel_loop3A_780 = vector.broadcast %parallel_loop3A_779 : i32 to vector<16xi32>
        %parallel_loop3A_781 = arith.cmpi slt, %parallel_loop3A_778, %parallel_loop3A_780 : vector<16xi32>
        %parallel_loop3A_782 = arith.constant 16 : i32
        %parallel_loop3A_783 = vector.broadcast %parallel_loop3A_782 : i32 to vector<16xi32>
        %parallel_loop3A_784 = arith.addi %parallel_loop3A_778, %parallel_loop3A_783 : vector<16xi32>
        %parallel_loop3A_785 = arith.select %parallel_loop3A_781, %parallel_loop3A_784, %parallel_loop3A_778 : vector<16xi1>, vector<16xi32>
        %parallel_loop3A_786 = vector.shape_cast %parallel_loop3A_785 : vector<16xi32> to vector<16x1xi32>
        %parallel_loop3A_787 = vector.shape_cast %parallel_loop3A_786 : vector<16x1xi32> to vector<16xi32>
        %parallel_loop3A_788 = tpu.dynamic_gather %parallel_loop3A_629[%parallel_loop3A_787] in [0] : vector<16xf32>, vector<16xi32> -> vector<16xf32>
        %parallel_loop3A_789 = arith.index_cast %rem3A_388 : i32 to index
        %parallel_loop3A_790 = arith.index_cast %parallel_loop3A_773 : i32 to index
        %parallel_loop3A_791 = arith.constant 0 : index
        %parallel_loop3A_792 = tpu.vector_load %arg13[%parallel_loop3A_789, %parallel_loop3A_790, %parallel_loop3A_791] {strides = array<i32>} : memref<2x1024x16xf32, #tpu.memory_space<vmem>>, vector<16xf32>,
        %parallel_loop3A_793 = arith.mulf %parallel_loop3A_792, %parallel_loop3A_788 : vector<16xf32>
        %parallel_loop3A_794 = arith.index_cast %rem3A_388 : i32 to index
        %parallel_loop3A_795 = arith.index_cast %parallel_loop3A_773 : i32 to index
        %parallel_loop3A_796 = arith.constant 0 : index
        %parallel_loop3A_797 = tpu.vector_load %arg13[%parallel_loop3A_794, %parallel_loop3A_795, %parallel_loop3A_796] {strides = array<i32>} : memref<2x1024x16xf32, #tpu.memory_space<vmem>>, vector<16xf32>,
        tpu.vector_store %arg13[%parallel_loop3A_794, %parallel_loop3A_795, %parallel_loop3A_796], %parallel_loop3A_793 {strides = array<i32>} : memref<2x1024x16xf32, #tpu.memory_space<vmem>>, vector<16xf32>,
        %parallel_loop3A_798 = arith.constant 16 : i32
        %parallel_loop3A_799 = arith.muli %parallel_loop3A_624, %parallel_loop3A_798 : i32
        %parallel_loop3A_800 = arith.constant 6 : i32
        %parallel_loop3A_801 = arith.addi %parallel_loop3A_799, %parallel_loop3A_800 : i32
        %parallel_loop3A_802 = arith.constant 0 : i32
        %parallel_loop3A_803 = arith.muli %parallel_loop3A_624, %parallel_loop3A_802 : i32
        %parallel_loop3A_804 = arith.constant 6 : i32
        %parallel_loop3A_805 = arith.addi %parallel_loop3A_803, %parallel_loop3A_804 : i32
        %parallel_loop3A_806 = vector.broadcast %parallel_loop3A_805 : i32 to vector<16xi32>
        %parallel_loop3A_807 = arith.constant 0 : i32
        %parallel_loop3A_808 = vector.broadcast %parallel_loop3A_807 : i32 to vector<16xi32>
        %parallel_loop3A_809 = arith.cmpi slt, %parallel_loop3A_806, %parallel_loop3A_808 : vector<16xi32>
        %parallel_loop3A_810 = arith.constant 16 : i32
        %parallel_loop3A_811 = vector.broadcast %parallel_loop3A_810 : i32 to vector<16xi32>
        %parallel_loop3A_812 = arith.addi %parallel_loop3A_806, %parallel_loop3A_811 : vector<16xi32>
        %parallel_loop3A_813 = arith.select %parallel_loop3A_809, %parallel_loop3A_812, %parallel_loop3A_806 : vector<16xi1>, vector<16xi32>
        %parallel_loop3A_814 = vector.shape_cast %parallel_loop3A_813 : vector<16xi32> to vector<16x1xi32>
        %parallel_loop3A_815 = vector.shape_cast %parallel_loop3A_814 : vector<16x1xi32> to vector<16xi32>
        %parallel_loop3A_816 = tpu.dynamic_gather %parallel_loop3A_629[%parallel_loop3A_815] in [0] : vector<16xf32>, vector<16xi32> -> vector<16xf32>
        %parallel_loop3A_817 = arith.index_cast %rem3A_388 : i32 to index
        %parallel_loop3A_818 = arith.index_cast %parallel_loop3A_801 : i32 to index
        %parallel_loop3A_819 = arith.constant 0 : index
        %parallel_loop3A_820 = tpu.vector_load %arg13[%parallel_loop3A_817, %parallel_loop3A_818, %parallel_loop3A_819] {strides = array<i32>} : memref<2x1024x16xf32, #tpu.memory_space<vmem>>, vector<16xf32>,
        %parallel_loop3A_821 = arith.mulf %parallel_loop3A_820, %parallel_loop3A_816 : vector<16xf32>
        %parallel_loop3A_822 = arith.index_cast %rem3A_388 : i32 to index
        %parallel_loop3A_823 = arith.index_cast %parallel_loop3A_801 : i32 to index
        %parallel_loop3A_824 = arith.constant 0 : index
        %parallel_loop3A_825 = tpu.vector_load %arg13[%parallel_loop3A_822, %parallel_loop3A_823, %parallel_loop3A_824] {strides = array<i32>} : memref<2x1024x16xf32, #tpu.memory_space<vmem>>, vector<16xf32>,
        tpu.vector_store %arg13[%parallel_loop3A_822, %parallel_loop3A_823, %parallel_loop3A_824], %parallel_loop3A_821 {strides = array<i32>} : memref<2x1024x16xf32, #tpu.memory_space<vmem>>, vector<16xf32>,
        %parallel_loop3A_826 = arith.constant 16 : i32
        %parallel_loop3A_827 = arith.muli %parallel_loop3A_624, %parallel_loop3A_826 : i32
        %parallel_loop3A_828 = arith.constant 7 : i32
        %parallel_loop3A_829 = arith.addi %parallel_loop3A_827, %parallel_loop3A_828 : i32
        %parallel_loop3A_830 = arith.constant 0 : i32
        %parallel_loop3A_831 = arith.muli %parallel_loop3A_624, %parallel_loop3A_830 : i32
        %parallel_loop3A_832 = arith.constant 7 : i32
        %parallel_loop3A_833 = arith.addi %parallel_loop3A_831, %parallel_loop3A_832 : i32
        %parallel_loop3A_834 = vector.broadcast %parallel_loop3A_833 : i32 to vector<16xi32>
        %parallel_loop3A_835 = arith.constant 0 : i32
        %parallel_loop3A_836 = vector.broadcast %parallel_loop3A_835 : i32 to vector<16xi32>
        %parallel_loop3A_837 = arith.cmpi slt, %parallel_loop3A_834, %parallel_loop3A_836 : vector<16xi32>
        %parallel_loop3A_838 = arith.constant 16 : i32
        %parallel_loop3A_839 = vector.broadcast %parallel_loop3A_838 : i32 to vector<16xi32>
        %parallel_loop3A_840 = arith.addi %parallel_loop3A_834, %parallel_loop3A_839 : vector<16xi32>
        %parallel_loop3A_841 = arith.select %parallel_loop3A_837, %parallel_loop3A_840, %parallel_loop3A_834 : vector<16xi1>, vector<16xi32>
        %parallel_loop3A_842 = vector.shape_cast %parallel_loop3A_841 : vector<16xi32> to vector<16x1xi32>
        %parallel_loop3A_843 = vector.shape_cast %parallel_loop3A_842 : vector<16x1xi32> to vector<16xi32>
        %parallel_loop3A_844 = tpu.dynamic_gather %parallel_loop3A_629[%parallel_loop3A_843] in [0] : vector<16xf32>, vector<16xi32> -> vector<16xf32>
        %parallel_loop3A_845 = arith.index_cast %rem3A_388 : i32 to index
        %parallel_loop3A_846 = arith.index_cast %parallel_loop3A_829 : i32 to index
        %parallel_loop3A_847 = arith.constant 0 : index
        %parallel_loop3A_848 = tpu.vector_load %arg13[%parallel_loop3A_845, %parallel_loop3A_846, %parallel_loop3A_847] {strides = array<i32>} : memref<2x1024x16xf32, #tpu.memory_space<vmem>>, vector<16xf32>,
        %parallel_loop3A_849 = arith.mulf %parallel_loop3A_848, %parallel_loop3A_844 : vector<16xf32>
        %parallel_loop3A_850 = arith.index_cast %rem3A_388 : i32 to index
        %parallel_loop3A_851 = arith.index_cast %parallel_loop3A_829 : i32 to index
        %parallel_loop3A_852 = arith.constant 0 : index
        %parallel_loop3A_853 = tpu.vector_load %arg13[%parallel_loop3A_850, %parallel_loop3A_851, %parallel_loop3A_852] {strides = array<i32>} : memref<2x1024x16xf32, #tpu.memory_space<vmem>>, vector<16xf32>,
        tpu.vector_store %arg13[%parallel_loop3A_850, %parallel_loop3A_851, %parallel_loop3A_852], %parallel_loop3A_849 {strides = array<i32>} : memref<2x1024x16xf32, #tpu.memory_space<vmem>>, vector<16xf32>,
        %parallel_loop3A_854 = arith.constant 16 : i32
        %parallel_loop3A_855 = arith.muli %parallel_loop3A_624, %parallel_loop3A_854 : i32
        %parallel_loop3A_856 = arith.constant 8 : i32
        %parallel_loop3A_857 = arith.addi %parallel_loop3A_855, %parallel_loop3A_856 : i32
        %parallel_loop3A_858 = arith.constant 0 : i32
        %parallel_loop3A_859 = arith.muli %parallel_loop3A_624, %parallel_loop3A_858 : i32
        %parallel_loop3A_860 = arith.constant 8 : i32
        %parallel_loop3A_861 = arith.addi %parallel_loop3A_859, %parallel_loop3A_860 : i32
        %parallel_loop3A_862 = vector.broadcast %parallel_loop3A_861 : i32 to vector<16xi32>
        %parallel_loop3A_863 = arith.constant 0 : i32
        %parallel_loop3A_864 = vector.broadcast %parallel_loop3A_863 : i32 to vector<16xi32>
        %parallel_loop3A_865 = arith.cmpi slt, %parallel_loop3A_862, %parallel_loop3A_864 : vector<16xi32>
        %parallel_loop3A_866 = arith.constant 16 : i32
        %parallel_loop3A_867 = vector.broadcast %parallel_loop3A_866 : i32 to vector<16xi32>
        %parallel_loop3A_868 = arith.addi %parallel_loop3A_862, %parallel_loop3A_867 : vector<16xi32>
        %parallel_loop3A_869 = arith.select %parallel_loop3A_865, %parallel_loop3A_868, %parallel_loop3A_862 : vector<16xi1>, vector<16xi32>
        %parallel_loop3A_870 = vector.shape_cast %parallel_loop3A_869 : vector<16xi32> to vector<16x1xi32>
        %parallel_loop3A_871 = vector.shape_cast %parallel_loop3A_870 : vector<16x1xi32> to vector<16xi32>
        %parallel_loop3A_872 = tpu.dynamic_gather %parallel_loop3A_629[%parallel_loop3A_871] in [0] : vector<16xf32>, vector<16xi32> -> vector<16xf32>
        %parallel_loop3A_873 = arith.index_cast %rem3A_388 : i32 to index
        %parallel_loop3A_874 = arith.index_cast %parallel_loop3A_857 : i32 to index
        %parallel_loop3A_875 = arith.constant 0 : index
        %parallel_loop3A_876 = tpu.vector_load %arg13[%parallel_loop3A_873, %parallel_loop3A_874, %parallel_loop3A_875] {strides = array<i32>} : memref<2x1024x16xf32, #tpu.memory_space<vmem>>, vector<16xf32>,
        %parallel_loop3A_877 = arith.mulf %parallel_loop3A_876, %parallel_loop3A_872 : vector<16xf32>
        %parallel_loop3A_878 = arith.index_cast %rem3A_388 : i32 to index
        %parallel_loop3A_879 = arith.index_cast %parallel_loop3A_857 : i32 to index
        %parallel_loop3A_880 = arith.constant 0 : index
        %parallel_loop3A_881 = tpu.vector_load %arg13[%parallel_loop3A_878, %parallel_loop3A_879, %parallel_loop3A_880] {strides = array<i32>} : memref<2x1024x16xf32, #tpu.memory_space<vmem>>, vector<16xf32>,
        tpu.vector_store %arg13[%parallel_loop3A_878, %parallel_loop3A_879, %parallel_loop3A_880], %parallel_loop3A_877 {strides = array<i32>} : memref<2x1024x16xf32, #tpu.memory_space<vmem>>, vector<16xf32>,
        %parallel_loop3A_882 = arith.constant 16 : i32
        %parallel_loop3A_883 = arith.muli %parallel_loop3A_624, %parallel_loop3A_882 : i32
        %parallel_loop3A_884 = arith.constant 9 : i32
        %parallel_loop3A_885 = arith.addi %parallel_loop3A_883, %parallel_loop3A_884 : i32
        %parallel_loop3A_886 = arith.constant 0 : i32
        %parallel_loop3A_887 = arith.muli %parallel_loop3A_624, %parallel_loop3A_886 : i32
        %parallel_loop3A_888 = arith.constant 9 : i32
        %parallel_loop3A_889 = arith.addi %parallel_loop3A_887, %parallel_loop3A_888 : i32
        %parallel_loop3A_890 = vector.broadcast %parallel_loop3A_889 : i32 to vector<16xi32>
        %parallel_loop3A_891 = arith.constant 0 : i32
        %parallel_loop3A_892 = vector.broadcast %parallel_loop3A_891 : i32 to vector<16xi32>
        %parallel_loop3A_893 = arith.cmpi slt, %parallel_loop3A_890, %parallel_loop3A_892 : vector<16xi32>
        %parallel_loop3A_894 = arith.constant 16 : i32
        %parallel_loop3A_895 = vector.broadcast %parallel_loop3A_894 : i32 to vector<16xi32>
        %parallel_loop3A_896 = arith.addi %parallel_loop3A_890, %parallel_loop3A_895 : vector<16xi32>
        %parallel_loop3A_897 = arith.select %parallel_loop3A_893, %parallel_loop3A_896, %parallel_loop3A_890 : vector<16xi1>, vector<16xi32>
        %parallel_loop3A_898 = vector.shape_cast %parallel_loop3A_897 : vector<16xi32> to vector<16x1xi32>
        %parallel_loop3A_899 = vector.shape_cast %parallel_loop3A_898 : vector<16x1xi32> to vector<16xi32>
        %parallel_loop3A_900 = tpu.dynamic_gather %parallel_loop3A_629[%parallel_loop3A_899] in [0] : vector<16xf32>, vector<16xi32> -> vector<16xf32>
        %parallel_loop3A_901 = arith.index_cast %rem3A_388 : i32 to index
        %parallel_loop3A_902 = arith.index_cast %parallel_loop3A_885 : i32 to index
        %parallel_loop3A_903 = arith.constant 0 : index
        %parallel_loop3A_904 = tpu.vector_load %arg13[%parallel_loop3A_901, %parallel_loop3A_902, %parallel_loop3A_903] {strides = array<i32>} : memref<2x1024x16xf32, #tpu.memory_space<vmem>>, vector<16xf32>,
        %parallel_loop3A_905 = arith.mulf %parallel_loop3A_904, %parallel_loop3A_900 : vector<16xf32>
        %parallel_loop3A_906 = arith.index_cast %rem3A_388 : i32 to index
        %parallel_loop3A_907 = arith.index_cast %parallel_loop3A_885 : i32 to index
        %parallel_loop3A_908 = arith.constant 0 : index
        %parallel_loop3A_909 = tpu.vector_load %arg13[%parallel_loop3A_906, %parallel_loop3A_907, %parallel_loop3A_908] {strides = array<i32>} : memref<2x1024x16xf32, #tpu.memory_space<vmem>>, vector<16xf32>,
        tpu.vector_store %arg13[%parallel_loop3A_906, %parallel_loop3A_907, %parallel_loop3A_908], %parallel_loop3A_905 {strides = array<i32>} : memref<2x1024x16xf32, #tpu.memory_space<vmem>>, vector<16xf32>,
        %parallel_loop3A_910 = arith.constant 16 : i32
        %parallel_loop3A_911 = arith.muli %parallel_loop3A_624, %parallel_loop3A_910 : i32
        %parallel_loop3A_912 = arith.constant 10 : i32
        %parallel_loop3A_913 = arith.addi %parallel_loop3A_911, %parallel_loop3A_912 : i32
        %parallel_loop3A_914 = arith.constant 0 : i32
        %parallel_loop3A_915 = arith.muli %parallel_loop3A_624, %parallel_loop3A_914 : i32
        %parallel_loop3A_916 = arith.constant 10 : i32
        %parallel_loop3A_917 = arith.addi %parallel_loop3A_915, %parallel_loop3A_916 : i32
        %parallel_loop3A_918 = vector.broadcast %parallel_loop3A_917 : i32 to vector<16xi32>
        %parallel_loop3A_919 = arith.constant 0 : i32
        %parallel_loop3A_920 = vector.broadcast %parallel_loop3A_919 : i32 to vector<16xi32>
        %parallel_loop3A_921 = arith.cmpi slt, %parallel_loop3A_918, %parallel_loop3A_920 : vector<16xi32>
        %parallel_loop3A_922 = arith.constant 16 : i32
        %parallel_loop3A_923 = vector.broadcast %parallel_loop3A_922 : i32 to vector<16xi32>
        %parallel_loop3A_924 = arith.addi %parallel_loop3A_918, %parallel_loop3A_923 : vector<16xi32>
        %parallel_loop3A_925 = arith.select %parallel_loop3A_921, %parallel_loop3A_924, %parallel_loop3A_918 : vector<16xi1>, vector<16xi32>
        %parallel_loop3A_926 = vector.shape_cast %parallel_loop3A_925 : vector<16xi32> to vector<16x1xi32>
        %parallel_loop3A_927 = vector.shape_cast %parallel_loop3A_926 : vector<16x1xi32> to vector<16xi32>
        %parallel_loop3A_928 = tpu.dynamic_gather %parallel_loop3A_629[%parallel_loop3A_927] in [0] : vector<16xf32>, vector<16xi32> -> vector<16xf32>
        %parallel_loop3A_929 = arith.index_cast %rem3A_388 : i32 to index
        %parallel_loop3A_930 = arith.index_cast %parallel_loop3A_913 : i32 to index
        %parallel_loop3A_931 = arith.constant 0 : index
        %parallel_loop3A_932 = tpu.vector_load %arg13[%parallel_loop3A_929, %parallel_loop3A_930, %parallel_loop3A_931] {strides = array<i32>} : memref<2x1024x16xf32, #tpu.memory_space<vmem>>, vector<16xf32>,
        %parallel_loop3A_933 = arith.mulf %parallel_loop3A_932, %parallel_loop3A_928 : vector<16xf32>
        %parallel_loop3A_934 = arith.index_cast %rem3A_388 : i32 to index
        %parallel_loop3A_935 = arith.index_cast %parallel_loop3A_913 : i32 to index
        %parallel_loop3A_936 = arith.constant 0 : index
        %parallel_loop3A_937 = tpu.vector_load %arg13[%parallel_loop3A_934, %parallel_loop3A_935, %parallel_loop3A_936] {strides = array<i32>} : memref<2x1024x16xf32, #tpu.memory_space<vmem>>, vector<16xf32>,
        tpu.vector_store %arg13[%parallel_loop3A_934, %parallel_loop3A_935, %parallel_loop3A_936], %parallel_loop3A_933 {strides = array<i32>} : memref<2x1024x16xf32, #tpu.memory_space<vmem>>, vector<16xf32>,
        %parallel_loop3A_938 = arith.constant 16 : i32
        %parallel_loop3A_939 = arith.muli %parallel_loop3A_624, %parallel_loop3A_938 : i32
        %parallel_loop3A_940 = arith.constant 11 : i32
        %parallel_loop3A_941 = arith.addi %parallel_loop3A_939, %parallel_loop3A_940 : i32
        %parallel_loop3A_942 = arith.constant 0 : i32
        %parallel_loop3A_943 = arith.muli %parallel_loop3A_624, %parallel_loop3A_942 : i32
        %parallel_loop3A_944 = arith.constant 11 : i32
        %parallel_loop3A_945 = arith.addi %parallel_loop3A_943, %parallel_loop3A_944 : i32
        %parallel_loop3A_946 = vector.broadcast %parallel_loop3A_945 : i32 to vector<16xi32>
        %parallel_loop3A_947 = arith.constant 0 : i32
        %parallel_loop3A_948 = vector.broadcast %parallel_loop3A_947 : i32 to vector<16xi32>
        %parallel_loop3A_949 = arith.cmpi slt, %parallel_loop3A_946, %parallel_loop3A_948 : vector<16xi32>
        %parallel_loop3A_950 = arith.constant 16 : i32
        %parallel_loop3A_951 = vector.broadcast %parallel_loop3A_950 : i32 to vector<16xi32>
        %parallel_loop3A_952 = arith.addi %parallel_loop3A_946, %parallel_loop3A_951 : vector<16xi32>
        %parallel_loop3A_953 = arith.select %parallel_loop3A_949, %parallel_loop3A_952, %parallel_loop3A_946 : vector<16xi1>, vector<16xi32>
        %parallel_loop3A_954 = vector.shape_cast %parallel_loop3A_953 : vector<16xi32> to vector<16x1xi32>
        %parallel_loop3A_955 = vector.shape_cast %parallel_loop3A_954 : vector<16x1xi32> to vector<16xi32>
        %parallel_loop3A_956 = tpu.dynamic_gather %parallel_loop3A_629[%parallel_loop3A_955] in [0] : vector<16xf32>, vector<16xi32> -> vector<16xf32>
        %parallel_loop3A_957 = arith.index_cast %rem3A_388 : i32 to index
        %parallel_loop3A_958 = arith.index_cast %parallel_loop3A_941 : i32 to index
        %parallel_loop3A_959 = arith.constant 0 : index
        %parallel_loop3A_960 = tpu.vector_load %arg13[%parallel_loop3A_957, %parallel_loop3A_958, %parallel_loop3A_959] {strides = array<i32>} : memref<2x1024x16xf32, #tpu.memory_space<vmem>>, vector<16xf32>,
        %parallel_loop3A_961 = arith.mulf %parallel_loop3A_960, %parallel_loop3A_956 : vector<16xf32>
        %parallel_loop3A_962 = arith.index_cast %rem3A_388 : i32 to index
        %parallel_loop3A_963 = arith.index_cast %parallel_loop3A_941 : i32 to index
        %parallel_loop3A_964 = arith.constant 0 : index
        %parallel_loop3A_965 = tpu.vector_load %arg13[%parallel_loop3A_962, %parallel_loop3A_963, %parallel_loop3A_964] {strides = array<i32>} : memref<2x1024x16xf32, #tpu.memory_space<vmem>>, vector<16xf32>,
        tpu.vector_store %arg13[%parallel_loop3A_962, %parallel_loop3A_963, %parallel_loop3A_964], %parallel_loop3A_961 {strides = array<i32>} : memref<2x1024x16xf32, #tpu.memory_space<vmem>>, vector<16xf32>,
        %parallel_loop3A_966 = arith.constant 16 : i32
        %parallel_loop3A_967 = arith.muli %parallel_loop3A_624, %parallel_loop3A_966 : i32
        %parallel_loop3A_968 = arith.constant 12 : i32
        %parallel_loop3A_969 = arith.addi %parallel_loop3A_967, %parallel_loop3A_968 : i32
        %parallel_loop3A_970 = arith.constant 0 : i32
        %parallel_loop3A_971 = arith.muli %parallel_loop3A_624, %parallel_loop3A_970 : i32
        %parallel_loop3A_972 = arith.constant 12 : i32
        %parallel_loop3A_973 = arith.addi %parallel_loop3A_971, %parallel_loop3A_972 : i32
        %parallel_loop3A_974 = vector.broadcast %parallel_loop3A_973 : i32 to vector<16xi32>
        %parallel_loop3A_975 = arith.constant 0 : i32
        %parallel_loop3A_976 = vector.broadcast %parallel_loop3A_975 : i32 to vector<16xi32>
        %parallel_loop3A_977 = arith.cmpi slt, %parallel_loop3A_974, %parallel_loop3A_976 : vector<16xi32>
        %parallel_loop3A_978 = arith.constant 16 : i32
        %parallel_loop3A_979 = vector.broadcast %parallel_loop3A_978 : i32 to vector<16xi32>
        %parallel_loop3A_980 = arith.addi %parallel_loop3A_974, %parallel_loop3A_979 : vector<16xi32>
        %parallel_loop3A_981 = arith.select %parallel_loop3A_977, %parallel_loop3A_980, %parallel_loop3A_974 : vector<16xi1>, vector<16xi32>
        %parallel_loop3A_982 = vector.shape_cast %parallel_loop3A_981 : vector<16xi32> to vector<16x1xi32>
        %parallel_loop3A_983 = vector.shape_cast %parallel_loop3A_982 : vector<16x1xi32> to vector<16xi32>
        %parallel_loop3A_984 = tpu.dynamic_gather %parallel_loop3A_629[%parallel_loop3A_983] in [0] : vector<16xf32>, vector<16xi32> -> vector<16xf32>
        %parallel_loop3A_985 = arith.index_cast %rem3A_388 : i32 to index
        %parallel_loop3A_986 = arith.index_cast %parallel_loop3A_969 : i32 to index
        %parallel_loop3A_987 = arith.constant 0 : index
        %parallel_loop3A_988 = tpu.vector_load %arg13[%parallel_loop3A_985, %parallel_loop3A_986, %parallel_loop3A_987] {strides = array<i32>} : memref<2x1024x16xf32, #tpu.memory_space<vmem>>, vector<16xf32>,
        %parallel_loop3A_989 = arith.mulf %parallel_loop3A_988, %parallel_loop3A_984 : vector<16xf32>
        %parallel_loop3A_990 = arith.index_cast %rem3A_388 : i32 to index
        %parallel_loop3A_991 = arith.index_cast %parallel_loop3A_969 : i32 to index
        %parallel_loop3A_992 = arith.constant 0 : index
        %parallel_loop3A_993 = tpu.vector_load %arg13[%parallel_loop3A_990, %parallel_loop3A_991, %parallel_loop3A_992] {strides = array<i32>} : memref<2x1024x16xf32, #tpu.memory_space<vmem>>, vector<16xf32>,
        tpu.vector_store %arg13[%parallel_loop3A_990, %parallel_loop3A_991, %parallel_loop3A_992], %parallel_loop3A_989 {strides = array<i32>} : memref<2x1024x16xf32, #tpu.memory_space<vmem>>, vector<16xf32>,
        %parallel_loop3A_994 = arith.constant 16 : i32
        %parallel_loop3A_995 = arith.muli %parallel_loop3A_624, %parallel_loop3A_994 : i32
        %parallel_loop3A_996 = arith.constant 13 : i32
        %parallel_loop3A_997 = arith.addi %parallel_loop3A_995, %parallel_loop3A_996 : i32
        %parallel_loop3A_998 = arith.constant 0 : i32
        %parallel_loop3A_999 = arith.muli %parallel_loop3A_624, %parallel_loop3A_998 : i32
        %parallel_loop3A_1000 = arith.constant 13 : i32
        %parallel_loop3A_1001 = arith.addi %parallel_loop3A_999, %parallel_loop3A_1000 : i32
        %parallel_loop3A_1002 = vector.broadcast %parallel_loop3A_1001 : i32 to vector<16xi32>
        %parallel_loop3A_1003 = arith.constant 0 : i32
        %parallel_loop3A_1004 = vector.broadcast %parallel_loop3A_1003 : i32 to vector<16xi32>
        %parallel_loop3A_1005 = arith.cmpi slt, %parallel_loop3A_1002, %parallel_loop3A_1004 : vector<16xi32>
        %parallel_loop3A_1006 = arith.constant 16 : i32
        %parallel_loop3A_1007 = vector.broadcast %parallel_loop3A_1006 : i32 to vector<16xi32>
        %parallel_loop3A_1008 = arith.addi %parallel_loop3A_1002, %parallel_loop3A_1007 : vector<16xi32>
        %parallel_loop3A_1009 = arith.select %parallel_loop3A_1005, %parallel_loop3A_1008, %parallel_loop3A_1002 : vector<16xi1>, vector<16xi32>
        %parallel_loop3A_1010 = vector.shape_cast %parallel_loop3A_1009 : vector<16xi32> to vector<16x1xi32>
        %parallel_loop3A_1011 = vector.shape_cast %parallel_loop3A_1010 : vector<16x1xi32> to vector<16xi32>
        %parallel_loop3A_1012 = tpu.dynamic_gather %parallel_loop3A_629[%parallel_loop3A_1011] in [0] : vector<16xf32>, vector<16xi32> -> vector<16xf32>
        %parallel_loop3A_1013 = arith.index_cast %rem3A_388 : i32 to index
        %parallel_loop3A_1014 = arith.index_cast %parallel_loop3A_997 : i32 to index
        %parallel_loop3A_1015 = arith.constant 0 : index
        %parallel_loop3A_1016 = tpu.vector_load %arg13[%parallel_loop3A_1013, %parallel_loop3A_1014, %parallel_loop3A_1015] {strides = array<i32>} : memref<2x1024x16xf32, #tpu.memory_space<vmem>>, vector<16xf32>,
        %parallel_loop3A_1017 = arith.mulf %parallel_loop3A_1016, %parallel_loop3A_1012 : vector<16xf32>
        %parallel_loop3A_1018 = arith.index_cast %rem3A_388 : i32 to index
        %parallel_loop3A_1019 = arith.index_cast %parallel_loop3A_997 : i32 to index
        %parallel_loop3A_1020 = arith.constant 0 : index
        %parallel_loop3A_1021 = tpu.vector_load %arg13[%parallel_loop3A_1018, %parallel_loop3A_1019, %parallel_loop3A_1020] {strides = array<i32>} : memref<2x1024x16xf32, #tpu.memory_space<vmem>>, vector<16xf32>,
        tpu.vector_store %arg13[%parallel_loop3A_1018, %parallel_loop3A_1019, %parallel_loop3A_1020], %parallel_loop3A_1017 {strides = array<i32>} : memref<2x1024x16xf32, #tpu.memory_space<vmem>>, vector<16xf32>,
        %parallel_loop3A_1022 = arith.constant 16 : i32
        %parallel_loop3A_1023 = arith.muli %parallel_loop3A_624, %parallel_loop3A_1022 : i32
        %parallel_loop3A_1024 = arith.constant 14 : i32
        %parallel_loop3A_1025 = arith.addi %parallel_loop3A_1023, %parallel_loop3A_1024 : i32
        %parallel_loop3A_1026 = arith.constant 0 : i32
        %parallel_loop3A_1027 = arith.muli %parallel_loop3A_624, %parallel_loop3A_1026 : i32
        %parallel_loop3A_1028 = arith.constant 14 : i32
        %parallel_loop3A_1029 = arith.addi %parallel_loop3A_1027, %parallel_loop3A_1028 : i32
        %parallel_loop3A_1030 = vector.broadcast %parallel_loop3A_1029 : i32 to vector<16xi32>
        %parallel_loop3A_1031 = arith.constant 0 : i32
        %parallel_loop3A_1032 = vector.broadcast %parallel_loop3A_1031 : i32 to vector<16xi32>
        %parallel_loop3A_1033 = arith.cmpi slt, %parallel_loop3A_1030, %parallel_loop3A_1032 : vector<16xi32>
        %parallel_loop3A_1034 = arith.constant 16 : i32
        %parallel_loop3A_1035 = vector.broadcast %parallel_loop3A_1034 : i32 to vector<16xi32>
        %parallel_loop3A_1036 = arith.addi %parallel_loop3A_1030, %parallel_loop3A_1035 : vector<16xi32>
        %parallel_loop3A_1037 = arith.select %parallel_loop3A_1033, %parallel_loop3A_1036, %parallel_loop3A_1030 : vector<16xi1>, vector<16xi32>
        %parallel_loop3A_1038 = vector.shape_cast %parallel_loop3A_1037 : vector<16xi32> to vector<16x1xi32>
        %parallel_loop3A_1039 = vector.shape_cast %parallel_loop3A_1038 : vector<16x1xi32> to vector<16xi32>
        %parallel_loop3A_1040 = tpu.dynamic_gather %parallel_loop3A_629[%parallel_loop3A_1039] in [0] : vector<16xf32>, vector<16xi32> -> vector<16xf32>
        %parallel_loop3A_1041 = arith.index_cast %rem3A_388 : i32 to index
        %parallel_loop3A_1042 = arith.index_cast %parallel_loop3A_1025 : i32 to index
        %parallel_loop3A_1043 = arith.constant 0 : index
        %parallel_loop3A_1044 = tpu.vector_load %arg13[%parallel_loop3A_1041, %parallel_loop3A_1042, %parallel_loop3A_1043] {strides = array<i32>} : memref<2x1024x16xf32, #tpu.memory_space<vmem>>, vector<16xf32>,
        %parallel_loop3A_1045 = arith.mulf %parallel_loop3A_1044, %parallel_loop3A_1040 : vector<16xf32>
        %parallel_loop3A_1046 = arith.index_cast %rem3A_388 : i32 to index
        %parallel_loop3A_1047 = arith.index_cast %parallel_loop3A_1025 : i32 to index
        %parallel_loop3A_1048 = arith.constant 0 : index
        %parallel_loop3A_1049 = tpu.vector_load %arg13[%parallel_loop3A_1046, %parallel_loop3A_1047, %parallel_loop3A_1048] {strides = array<i32>} : memref<2x1024x16xf32, #tpu.memory_space<vmem>>, vector<16xf32>,
        tpu.vector_store %arg13[%parallel_loop3A_1046, %parallel_loop3A_1047, %parallel_loop3A_1048], %parallel_loop3A_1045 {strides = array<i32>} : memref<2x1024x16xf32, #tpu.memory_space<vmem>>, vector<16xf32>,
        %parallel_loop3A_1050 = arith.constant 16 : i32
        %parallel_loop3A_1051 = arith.muli %parallel_loop3A_624, %parallel_loop3A_1050 : i32
        %parallel_loop3A_1052 = arith.constant 15 : i32
        %parallel_loop3A_1053 = arith.addi %parallel_loop3A_1051, %parallel_loop3A_1052 : i32
        %parallel_loop3A_1054 = arith.constant 0 : i32
        %parallel_loop3A_1055 = arith.muli %parallel_loop3A_624, %parallel_loop3A_1054 : i32
        %parallel_loop3A_1056 = arith.constant 15 : i32
        %parallel_loop3A_1057 = arith.addi %parallel_loop3A_1055, %parallel_loop3A_1056 : i32
        %parallel_loop3A_1058 = vector.broadcast %parallel_loop3A_1057 : i32 to vector<16xi32>
        %parallel_loop3A_1059 = arith.constant 0 : i32
        %parallel_loop3A_1060 = vector.broadcast %parallel_loop3A_1059 : i32 to vector<16xi32>
        %parallel_loop3A_1061 = arith.cmpi slt, %parallel_loop3A_1058, %parallel_loop3A_1060 : vector<16xi32>
        %parallel_loop3A_1062 = arith.constant 16 : i32
        %parallel_loop3A_1063 = vector.broadcast %parallel_loop3A_1062 : i32 to vector<16xi32>
        %parallel_loop3A_1064 = arith.addi %parallel_loop3A_1058, %parallel_loop3A_1063 : vector<16xi32>
        %parallel_loop3A_1065 = arith.select %parallel_loop3A_1061, %parallel_loop3A_1064, %parallel_loop3A_1058 : vector<16xi1>, vector<16xi32>
        %parallel_loop3A_1066 = vector.shape_cast %parallel_loop3A_1065 : vector<16xi32> to vector<16x1xi32>
        %parallel_loop3A_1067 = vector.shape_cast %parallel_loop3A_1066 : vector<16x1xi32> to vector<16xi32>
        %parallel_loop3A_1068 = tpu.dynamic_gather %parallel_loop3A_629[%parallel_loop3A_1067] in [0] : vector<16xf32>, vector<16xi32> -> vector<16xf32>
        %parallel_loop3A_1069 = arith.index_cast %rem3A_388 : i32 to index
        %parallel_loop3A_1070 = arith.index_cast %parallel_loop3A_1053 : i32 to index
        %parallel_loop3A_1071 = arith.constant 0 : index
        %parallel_loop3A_1072 = tpu.vector_load %arg13[%parallel_loop3A_1069, %parallel_loop3A_1070, %parallel_loop3A_1071] {strides = array<i32>} : memref<2x1024x16xf32, #tpu.memory_space<vmem>>, vector<16xf32>,
        %parallel_loop3A_1073 = arith.mulf %parallel_loop3A_1072, %parallel_loop3A_1068 : vector<16xf32>
        %parallel_loop3A_1074 = arith.index_cast %rem3A_388 : i32 to index
        %parallel_loop3A_1075 = arith.index_cast %parallel_loop3A_1053 : i32 to index
        %parallel_loop3A_1076 = arith.constant 0 : index
        %parallel_loop3A_1077 = tpu.vector_load %arg13[%parallel_loop3A_1074, %parallel_loop3A_1075, %parallel_loop3A_1076] {strides = array<i32>} : memref<2x1024x16xf32, #tpu.memory_space<vmem>>, vector<16xf32>,
        tpu.vector_store %arg13[%parallel_loop3A_1074, %parallel_loop3A_1075, %parallel_loop3A_1076], %parallel_loop3A_1073 {strides = array<i32>} : memref<2x1024x16xf32, #tpu.memory_space<vmem>>, vector<16xf32>,
      } {sc.loop_unroll_factor = 2 : i64, sc.parallel_access}
      %dma_start3A_513 = arith.constant 0 : i32
      %dma_start3A_514 = arith.constant 0 : i32
      %dma_start3A_515 = arith.constant 0 : i32
      %dma_start3A_516 = tpu.memref_slice %arg13[%rem3A_388, %dma_start3A_514, %dma_start3A_515] : memref<2x1024x16xf32, #tpu.memory_space<vmem>> -> memref<1x128x16xf32, #tpu.memory_space<vmem>>
      %dma_start3A_517 = tpu.memref_squeeze %dma_start3A_516 : memref<1x128x16xf32, #tpu.memory_space<vmem>> -> memref<128x16xf32, #tpu.memory_space<vmem>>
      %dma_start3A_518 = arith.constant 0 : i32
      %dma_start3A_519 = tpu.memref_slice %arg12[%rem3A_388, %dma_start3A_513, %dma_start3A_518] : memref<2x8x128xi32, #tpu.memory_space<vmem>> -> memref<1x1x128xi32, #tpu.memory_space<vmem>>
      %dma_start3A_520 = tpu.memref_squeeze %dma_start3A_519 : memref<1x1x128xi32, #tpu.memory_space<vmem>> -> memref<128xi32, #tpu.memory_space<vmem>>
      %dma_start3A_521 = arith.constant 0 : i32
      %dma_start3A_522 = arith.constant 0 : i32
      %dma_start3A_523 = tpu.memref_slice %arg14[%dma_start3A_521, %dma_start3A_522] : memref<10000x16xf32, #tpu.memory_space<vmem_shared>> -> memref<10000x16xf32, #tpu.memory_space<vmem_shared>>
      %dma_start3A_524 = tpu.memref_slice %arg17[%rem3A_388] : memref<2x!tpu.dma_semaphore, #tpu.memory_space<semaphore_mem>> -> memref<1x!tpu.dma_semaphore, #tpu.memory_space<semaphore_mem>>
      %dma_start3A_525 = tpu.memref_squeeze %dma_start3A_524 : memref<1x!tpu.dma_semaphore, #tpu.memory_space<semaphore_mem>> -> memref<!tpu.dma_semaphore, #tpu.memory_space<semaphore_mem>>
      tpu.enqueue_indirect_dma source(%dma_start3A_517 : memref<128x16xf32, #tpu.memory_space<vmem>>) target(%dma_start3A_523 : memref<10000x16xf32, #tpu.memory_space<vmem_shared>>) offsets(%dma_start3A_520 : memref<128xi32, #tpu.memory_space<vmem>>) semaphore(%dma_start3A_525 : memref<!tpu.dma_semaphore, #tpu.memory_space<semaphore_mem>>) {add = true}
      %dma_start3A_526 = arith.constant 1 : i32
      %dma_start3A_527 = arith.constant 128 : i32
      %dma_start3A_528 = arith.constant 0 : i32
      %dma_start3A_529 = tpu.memref_slice %arg13[%rem3A_388, %dma_start3A_527, %dma_start3A_528] : memref<2x1024x16xf32, #tpu.memory_space<vmem>> -> memref<1x128x16xf32, #tpu.memory_space<vmem>>
      %dma_start3A_530 = tpu.memref_squeeze %dma_start3A_529 : memref<1x128x16xf32, #tpu.memory_space<vmem>> -> memref<128x16xf32, #tpu.memory_space<vmem>>
      %dma_start3A_531 = arith.constant 0 : i32
      %dma_start3A_532 = tpu.memref_slice %arg12[%rem3A_388, %dma_start3A_526, %dma_start3A_531] : memref<2x8x128xi32, #tpu.memory_space<vmem>> -> memref<1x1x128xi32, #tpu.memory_space<vmem>>
      %dma_start3A_533 = tpu.memref_squeeze %dma_start3A_532 : memref<1x1x128xi32, #tpu.memory_space<vmem>> -> memref<128xi32, #tpu.memory_space<vmem>>
      %dma_start3A_534 = arith.constant 0 : i32
      %dma_start3A_535 = arith.constant 0 : i32
      %dma_start3A_536 = tpu.memref_slice %arg14[%dma_start3A_534, %dma_start3A_535] : memref<10000x16xf32, #tpu.memory_space<vmem_shared>> -> memref<10000x16xf32, #tpu.memory_space<vmem_shared>>
      %dma_start3A_537 = tpu.memref_slice %arg17[%rem3A_388] : memref<2x!tpu.dma_semaphore, #tpu.memory_space<semaphore_mem>> -> memref<1x!tpu.dma_semaphore, #tpu.memory_space<semaphore_mem>>
      %dma_start3A_538 = tpu.memref_squeeze %dma_start3A_537 : memref<1x!tpu.dma_semaphore, #tpu.memory_space<semaphore_mem>> -> memref<!tpu.dma_semaphore, #tpu.memory_space<semaphore_mem>>
      tpu.enqueue_indirect_dma source(%dma_start3A_530 : memref<128x16xf32, #tpu.memory_space<vmem>>) target(%dma_start3A_536 : memref<10000x16xf32, #tpu.memory_space<vmem_shared>>) offsets(%dma_start3A_533 : memref<128xi32, #tpu.memory_space<vmem>>) semaphore(%dma_start3A_538 : memref<!tpu.dma_semaphore, #tpu.memory_space<semaphore_mem>>) {add = true}
      %dma_start3A_539 = arith.constant 2 : i32
      %dma_start3A_540 = arith.constant 256 : i32
      %dma_start3A_541 = arith.constant 0 : i32
      %dma_start3A_542 = tpu.memref_slice %arg13[%rem3A_388, %dma_start3A_540, %dma_start3A_541] : memref<2x1024x16xf32, #tpu.memory_space<vmem>> -> memref<1x128x16xf32, #tpu.memory_space<vmem>>
      %dma_start3A_543 = tpu.memref_squeeze %dma_start3A_542 : memref<1x128x16xf32, #tpu.memory_space<vmem>> -> memref<128x16xf32, #tpu.memory_space<vmem>>
      %dma_start3A_544 = arith.constant 0 : i32
      %dma_start3A_545 = tpu.memref_slice %arg12[%rem3A_388, %dma_start3A_539, %dma_start3A_544] : memref<2x8x128xi32, #tpu.memory_space<vmem>> -> memref<1x1x128xi32, #tpu.memory_space<vmem>>
      %dma_start3A_546 = tpu.memref_squeeze %dma_start3A_545 : memref<1x1x128xi32, #tpu.memory_space<vmem>> -> memref<128xi32, #tpu.memory_space<vmem>>
      %dma_start3A_547 = arith.constant 0 : i32
      %dma_start3A_548 = arith.constant 0 : i32
      %dma_start3A_549 = tpu.memref_slice %arg14[%dma_start3A_547, %dma_start3A_548] : memref<10000x16xf32, #tpu.memory_space<vmem_shared>> -> memref<10000x16xf32, #tpu.memory_space<vmem_shared>>
      %dma_start3A_550 = tpu.memref_slice %arg17[%rem3A_388] : memref<2x!tpu.dma_semaphore, #tpu.memory_space<semaphore_mem>> -> memref<1x!tpu.dma_semaphore, #tpu.memory_space<semaphore_mem>>
      %dma_start3A_551 = tpu.memref_squeeze %dma_start3A_550 : memref<1x!tpu.dma_semaphore, #tpu.memory_space<semaphore_mem>> -> memref<!tpu.dma_semaphore, #tpu.memory_space<semaphore_mem>>
      tpu.enqueue_indirect_dma source(%dma_start3A_543 : memref<128x16xf32, #tpu.memory_space<vmem>>) target(%dma_start3A_549 : memref<10000x16xf32, #tpu.memory_space<vmem_shared>>) offsets(%dma_start3A_546 : memref<128xi32, #tpu.memory_space<vmem>>) semaphore(%dma_start3A_551 : memref<!tpu.dma_semaphore, #tpu.memory_space<semaphore_mem>>) {add = true}
      %dma_start3A_552 = arith.constant 3 : i32
      %dma_start3A_553 = arith.constant 384 : i32
      %dma_start3A_554 = arith.constant 0 : i32
      %dma_start3A_555 = tpu.memref_slice %arg13[%rem3A_388, %dma_start3A_553, %dma_start3A_554] : memref<2x1024x16xf32, #tpu.memory_space<vmem>> -> memref<1x128x16xf32, #tpu.memory_space<vmem>>
      %dma_start3A_556 = tpu.memref_squeeze %dma_start3A_555 : memref<1x128x16xf32, #tpu.memory_space<vmem>> -> memref<128x16xf32, #tpu.memory_space<vmem>>
      %dma_start3A_557 = arith.constant 0 : i32
      %dma_start3A_558 = tpu.memref_slice %arg12[%rem3A_388, %dma_start3A_552, %dma_start3A_557] : memref<2x8x128xi32, #tpu.memory_space<vmem>> -> memref<1x1x128xi32, #tpu.memory_space<vmem>>
      %dma_start3A_559 = tpu.memref_squeeze %dma_start3A_558 : memref<1x1x128xi32, #tpu.memory_space<vmem>> -> memref<128xi32, #tpu.memory_space<vmem>>
      %dma_start3A_560 = arith.constant 0 : i32
      %dma_start3A_561 = arith.constant 0 : i32
      %dma_start3A_562 = tpu.memref_slice %arg14[%dma_start3A_560, %dma_start3A_561] : memref<10000x16xf32, #tpu.memory_space<vmem_shared>> -> memref<10000x16xf32, #tpu.memory_space<vmem_shared>>
      %dma_start3A_563 = tpu.memref_slice %arg17[%rem3A_388] : memref<2x!tpu.dma_semaphore, #tpu.memory_space<semaphore_mem>> -> memref<1x!tpu.dma_semaphore, #tpu.memory_space<semaphore_mem>>
      %dma_start3A_564 = tpu.memref_squeeze %dma_start3A_563 : memref<1x!tpu.dma_semaphore, #tpu.memory_space<semaphore_mem>> -> memref<!tpu.dma_semaphore, #tpu.memory_space<semaphore_mem>>
      tpu.enqueue_indirect_dma source(%dma_start3A_556 : memref<128x16xf32, #tpu.memory_space<vmem>>) target(%dma_start3A_562 : memref<10000x16xf32, #tpu.memory_space<vmem_shared>>) offsets(%dma_start3A_559 : memref<128xi32, #tpu.memory_space<vmem>>) semaphore(%dma_start3A_564 : memref<!tpu.dma_semaphore, #tpu.memory_space<semaphore_mem>>) {add = true}
      %dma_start3A_565 = arith.constant 4 : i32
      %dma_start3A_566 = arith.constant 512 : i32
      %dma_start3A_567 = arith.constant 0 : i32
      %dma_start3A_568 = tpu.memref_slice %arg13[%rem3A_388, %dma_start3A_566, %dma_start3A_567] : memref<2x1024x16xf32, #tpu.memory_space<vmem>> -> memref<1x128x16xf32, #tpu.memory_space<vmem>>
      %dma_start3A_569 = tpu.memref_squeeze %dma_start3A_568 : memref<1x128x16xf32, #tpu.memory_space<vmem>> -> memref<128x16xf32, #tpu.memory_space<vmem>>
      %dma_start3A_570 = arith.constant 0 : i32
      %dma_start3A_571 = tpu.memref_slice %arg12[%rem3A_388, %dma_start3A_565, %dma_start3A_570] : memref<2x8x128xi32, #tpu.memory_space<vmem>> -> memref<1x1x128xi32, #tpu.memory_space<vmem>>
      %dma_start3A_572 = tpu.memref_squeeze %dma_start3A_571 : memref<1x1x128xi32, #tpu.memory_space<vmem>> -> memref<128xi32, #tpu.memory_space<vmem>>
      %dma_start3A_573 = arith.constant 0 : i32
      %dma_start3A_574 = arith.constant 0 : i32
      %dma_start3A_575 = tpu.memref_slice %arg14[%dma_start3A_573, %dma_start3A_574] : memref<10000x16xf32, #tpu.memory_space<vmem_shared>> -> memref<10000x16xf32, #tpu.memory_space<vmem_shared>>
      %dma_start3A_576 = tpu.memref_slice %arg17[%rem3A_388] : memref<2x!tpu.dma_semaphore, #tpu.memory_space<semaphore_mem>> -> memref<1x!tpu.dma_semaphore, #tpu.memory_space<semaphore_mem>>
      %dma_start3A_577 = tpu.memref_squeeze %dma_start3A_576 : memref<1x!tpu.dma_semaphore, #tpu.memory_space<semaphore_mem>> -> memref<!tpu.dma_semaphore, #tpu.memory_space<semaphore_mem>>
      tpu.enqueue_indirect_dma source(%dma_start3A_569 : memref<128x16xf32, #tpu.memory_space<vmem>>) target(%dma_start3A_575 : memref<10000x16xf32, #tpu.memory_space<vmem_shared>>) offsets(%dma_start3A_572 : memref<128xi32, #tpu.memory_space<vmem>>) semaphore(%dma_start3A_577 : memref<!tpu.dma_semaphore, #tpu.memory_space<semaphore_mem>>) {add = true}
      %dma_start3A_578 = arith.constant 5 : i32
      %dma_start3A_579 = arith.constant 640 : i32
      %dma_start3A_580 = arith.constant 0 : i32
      %dma_start3A_581 = tpu.memref_slice %arg13[%rem3A_388, %dma_start3A_579, %dma_start3A_580] : memref<2x1024x16xf32, #tpu.memory_space<vmem>> -> memref<1x128x16xf32, #tpu.memory_space<vmem>>
      %dma_start3A_582 = tpu.memref_squeeze %dma_start3A_581 : memref<1x128x16xf32, #tpu.memory_space<vmem>> -> memref<128x16xf32, #tpu.memory_space<vmem>>
      %dma_start3A_583 = arith.constant 0 : i32
      %dma_start3A_584 = tpu.memref_slice %arg12[%rem3A_388, %dma_start3A_578, %dma_start3A_583] : memref<2x8x128xi32, #tpu.memory_space<vmem>> -> memref<1x1x128xi32, #tpu.memory_space<vmem>>
      %dma_start3A_585 = tpu.memref_squeeze %dma_start3A_584 : memref<1x1x128xi32, #tpu.memory_space<vmem>> -> memref<128xi32, #tpu.memory_space<vmem>>
      %dma_start3A_586 = arith.constant 0 : i32
      %dma_start3A_587 = arith.constant 0 : i32
      %dma_start3A_588 = tpu.memref_slice %arg14[%dma_start3A_586, %dma_start3A_587] : memref<10000x16xf32, #tpu.memory_space<vmem_shared>> -> memref<10000x16xf32, #tpu.memory_space<vmem_shared>>
      %dma_start3A_589 = tpu.memref_slice %arg17[%rem3A_388] : memref<2x!tpu.dma_semaphore, #tpu.memory_space<semaphore_mem>> -> memref<1x!tpu.dma_semaphore, #tpu.memory_space<semaphore_mem>>
      %dma_start3A_590 = tpu.memref_squeeze %dma_start3A_589 : memref<1x!tpu.dma_semaphore, #tpu.memory_space<semaphore_mem>> -> memref<!tpu.dma_semaphore, #tpu.memory_space<semaphore_mem>>
      tpu.enqueue_indirect_dma source(%dma_start3A_582 : memref<128x16xf32, #tpu.memory_space<vmem>>) target(%dma_start3A_588 : memref<10000x16xf32, #tpu.memory_space<vmem_shared>>) offsets(%dma_start3A_585 : memref<128xi32, #tpu.memory_space<vmem>>) semaphore(%dma_start3A_590 : memref<!tpu.dma_semaphore, #tpu.memory_space<semaphore_mem>>) {add = true}
      %dma_start3A_591 = arith.constant 6 : i32
      %dma_start3A_592 = arith.constant 768 : i32
      %dma_start3A_593 = arith.constant 0 : i32
      %dma_start3A_594 = tpu.memref_slice %arg13[%rem3A_388, %dma_start3A_592, %dma_start3A_593] : memref<2x1024x16xf32, #tpu.memory_space<vmem>> -> memref<1x128x16xf32, #tpu.memory_space<vmem>>
      %dma_start3A_595 = tpu.memref_squeeze %dma_start3A_594 : memref<1x128x16xf32, #tpu.memory_space<vmem>> -> memref<128x16xf32, #tpu.memory_space<vmem>>
      %dma_start3A_596 = arith.constant 0 : i32
      %dma_start3A_597 = tpu.memref_slice %arg12[%rem3A_388, %dma_start3A_591, %dma_start3A_596] : memref<2x8x128xi32, #tpu.memory_space<vmem>> -> memref<1x1x128xi32, #tpu.memory_space<vmem>>
      %dma_start3A_598 = tpu.memref_squeeze %dma_start3A_597 : memref<1x1x128xi32, #tpu.memory_space<vmem>> -> memref<128xi32, #tpu.memory_space<vmem>>
      %dma_start3A_599 = arith.constant 0 : i32
      %dma_start3A_600 = arith.constant 0 : i32
      %dma_start3A_601 = tpu.memref_slice %arg14[%dma_start3A_599, %dma_start3A_600] : memref<10000x16xf32, #tpu.memory_space<vmem_shared>> -> memref<10000x16xf32, #tpu.memory_space<vmem_shared>>
      %dma_start3A_602 = tpu.memref_slice %arg17[%rem3A_388] : memref<2x!tpu.dma_semaphore, #tpu.memory_space<semaphore_mem>> -> memref<1x!tpu.dma_semaphore, #tpu.memory_space<semaphore_mem>>
      %dma_start3A_603 = tpu.memref_squeeze %dma_start3A_602 : memref<1x!tpu.dma_semaphore, #tpu.memory_space<semaphore_mem>> -> memref<!tpu.dma_semaphore, #tpu.memory_space<semaphore_mem>>
      tpu.enqueue_indirect_dma source(%dma_start3A_595 : memref<128x16xf32, #tpu.memory_space<vmem>>) target(%dma_start3A_601 : memref<10000x16xf32, #tpu.memory_space<vmem_shared>>) offsets(%dma_start3A_598 : memref<128xi32, #tpu.memory_space<vmem>>) semaphore(%dma_start3A_603 : memref<!tpu.dma_semaphore, #tpu.memory_space<semaphore_mem>>) {add = true}
      %dma_start3A_604 = arith.constant 7 : i32
      %dma_start3A_605 = arith.constant 896 : i32
      %dma_start3A_606 = arith.constant 0 : i32
      %dma_start3A_607 = tpu.memref_slice %arg13[%rem3A_388, %dma_start3A_605, %dma_start3A_606] : memref<2x1024x16xf32, #tpu.memory_space<vmem>> -> memref<1x128x16xf32, #tpu.memory_space<vmem>>
      %dma_start3A_608 = tpu.memref_squeeze %dma_start3A_607 : memref<1x128x16xf32, #tpu.memory_space<vmem>> -> memref<128x16xf32, #tpu.memory_space<vmem>>
      %dma_start3A_609 = arith.constant 0 : i32
      %dma_start3A_610 = tpu.memref_slice %arg12[%rem3A_388, %dma_start3A_604, %dma_start3A_609] : memref<2x8x128xi32, #tpu.memory_space<vmem>> -> memref<1x1x128xi32, #tpu.memory_space<vmem>>
      %dma_start3A_611 = tpu.memref_squeeze %dma_start3A_610 : memref<1x1x128xi32, #tpu.memory_space<vmem>> -> memref<128xi32, #tpu.memory_space<vmem>>
      %dma_start3A_612 = arith.constant 0 : i32
      %dma_start3A_613 = arith.constant 0 : i32
      %dma_start3A_614 = tpu.memref_slice %arg14[%dma_start3A_612, %dma_start3A_613] : memref<10000x16xf32, #tpu.memory_space<vmem_shared>> -> memref<10000x16xf32, #tpu.memory_space<vmem_shared>>
      %dma_start3A_615 = tpu.memref_slice %arg17[%rem3A_388] : memref<2x!tpu.dma_semaphore, #tpu.memory_space<semaphore_mem>> -> memref<1x!tpu.dma_semaphore, #tpu.memory_space<semaphore_mem>>
      %dma_start3A_616 = tpu.memref_squeeze %dma_start3A_615 : memref<1x!tpu.dma_semaphore, #tpu.memory_space<semaphore_mem>> -> memref<!tpu.dma_semaphore, #tpu.memory_space<semaphore_mem>>
      tpu.enqueue_indirect_dma source(%dma_start3A_608 : memref<128x16xf32, #tpu.memory_space<vmem>>) target(%dma_start3A_614 : memref<10000x16xf32, #tpu.memory_space<vmem_shared>>) offsets(%dma_start3A_611 : memref<128xi32, #tpu.memory_space<vmem>>) semaphore(%dma_start3A_616 : memref<!tpu.dma_semaphore, #tpu.memory_space<semaphore_mem>>) {add = true}
      %sub3A_617 = arith.constant 2 : i32
      %sub3A_618 = arith.subi %select_n3A, %sub3A_617 : i32
      %lt3A_619 = arith.cmpi slt, %while3A_385, %sub3A_618 : i32
      %convert_element_type3A_620 = arith.extui %lt3A_619 : i1 to i32
      %cond3A_621 = arith.constant 0 : i32
      %cond3A_622 = arith.cmpi ne, %convert_element_type3A_620, %cond3A_621 : i32
      scf.if %cond3A_622 {
        %add3A_624 = arith.constant 2 : i32
        %add3A_625 = arith.addi %while3A_385, %add3A_624 : i32
        %mul3A_626 = arith.constant 1024 : i32
        %mul3A_627 = arith.muli %add3A_625, %mul3A_626 : i32
        %add3A_628 = arith.addi %mul3A_8, %mul3A_627 : i32
        %dma_start3A_629 = arith.constant 0 : i32
        %dma_start3A_630 = tpu.memref_slice %arg8[%rem3A_388, %dma_start3A_629] : memref<2x1024xi32, #tpu.memory_space<vmem>> -> memref<1x1024xi32, #tpu.memory_space<vmem>>
        %dma_start3A_631 = tpu.memref_squeeze %dma_start3A_630 : memref<1x1024xi32, #tpu.memory_space<vmem>> -> memref<1024xi32, #tpu.memory_space<vmem>>
        %dma_start3A_632 = tpu.memref_slice %arg3[%add3A_628] : memref<3200000xi32, #tpu.memory_space<hbm>> -> memref<1024xi32, #tpu.memory_space<hbm>>
        %dma_start3A_633 = tpu.memref_slice %arg15[%rem3A_388] : memref<2x!tpu.dma_semaphore, #tpu.memory_space<semaphore_mem>> -> memref<1x!tpu.dma_semaphore, #tpu.memory_space<semaphore_mem>>
        %dma_start3A_634 = tpu.memref_squeeze %dma_start3A_633 : memref<1x!tpu.dma_semaphore, #tpu.memory_space<semaphore_mem>> -> memref<!tpu.dma_semaphore, #tpu.memory_space<semaphore_mem>>
        %dma_start3A_635 = arith.constant 0 : i32
        %dma_start3A_636 = tpu.memref_slice %arg8[%rem3A_388, %dma_start3A_635] : memref<2x1024xi32, #tpu.memory_space<vmem>> -> memref<1x1024xi32, #tpu.memory_space<vmem>>
        %dma_start3A_637 = tpu.memref_squeeze %dma_start3A_636 : memref<1x1024xi32, #tpu.memory_space<vmem>> -> memref<1024xi32, #tpu.memory_space<vmem>>
        %dma_start3A_638 = tpu.memref_slice %arg3[%add3A_628] : memref<3200000xi32, #tpu.memory_space<hbm>> -> memref<1024xi32, #tpu.memory_space<hbm>>
        tpu.enqueue_dma source(%dma_start3A_638 : memref<1024xi32, #tpu.memory_space<hbm>>) target(%dma_start3A_637 : memref<1024xi32, #tpu.memory_space<vmem>>) target_semaphore(%dma_start3A_634 : memref<!tpu.dma_semaphore, #tpu.memory_space<semaphore_mem>>)
        %dma_start3A_639 = arith.constant 0 : i32
        %dma_start3A_640 = tpu.memref_slice %arg9[%rem3A_388, %dma_start3A_639] : memref<2x1024xi32, #tpu.memory_space<vmem>> -> memref<1x1024xi32, #tpu.memory_space<vmem>>
        %dma_start3A_641 = tpu.memref_squeeze %dma_start3A_640 : memref<1x1024xi32, #tpu.memory_space<vmem>> -> memref<1024xi32, #tpu.memory_space<vmem>>
        %dma_start3A_642 = tpu.memref_slice %arg4[%add3A_628] : memref<3200000xi32, #tpu.memory_space<hbm>> -> memref<1024xi32, #tpu.memory_space<hbm>>
        %dma_start3A_643 = tpu.memref_slice %arg15[%rem3A_388] : memref<2x!tpu.dma_semaphore, #tpu.memory_space<semaphore_mem>> -> memref<1x!tpu.dma_semaphore, #tpu.memory_space<semaphore_mem>>
        %dma_start3A_644 = tpu.memref_squeeze %dma_start3A_643 : memref<1x!tpu.dma_semaphore, #tpu.memory_space<semaphore_mem>> -> memref<!tpu.dma_semaphore, #tpu.memory_space<semaphore_mem>>
        %dma_start3A_645 = arith.constant 0 : i32
        %dma_start3A_646 = tpu.memref_slice %arg9[%rem3A_388, %dma_start3A_645] : memref<2x1024xi32, #tpu.memory_space<vmem>> -> memref<1x1024xi32, #tpu.memory_space<vmem>>
        %dma_start3A_647 = tpu.memref_squeeze %dma_start3A_646 : memref<1x1024xi32, #tpu.memory_space<vmem>> -> memref<1024xi32, #tpu.memory_space<vmem>>
        %dma_start3A_648 = tpu.memref_slice %arg4[%add3A_628] : memref<3200000xi32, #tpu.memory_space<hbm>> -> memref<1024xi32, #tpu.memory_space<hbm>>
        tpu.enqueue_dma source(%dma_start3A_648 : memref<1024xi32, #tpu.memory_space<hbm>>) target(%dma_start3A_647 : memref<1024xi32, #tpu.memory_space<vmem>>) target_semaphore(%dma_start3A_644 : memref<!tpu.dma_semaphore, #tpu.memory_space<semaphore_mem>>)
        %dma_start3A_649 = arith.constant 0 : i32
        %dma_start3A_650 = tpu.memref_slice %arg10[%rem3A_388, %dma_start3A_649] : memref<2x1024xf32, #tpu.memory_space<vmem>> -> memref<1x1024xf32, #tpu.memory_space<vmem>>
        %dma_start3A_651 = tpu.memref_squeeze %dma_start3A_650 : memref<1x1024xf32, #tpu.memory_space<vmem>> -> memref<1024xf32, #tpu.memory_space<vmem>>
        %dma_start3A_652 = tpu.memref_slice %arg5[%add3A_628] : memref<3200000xf32, #tpu.memory_space<hbm>> -> memref<1024xf32, #tpu.memory_space<hbm>>
        %dma_start3A_653 = tpu.memref_slice %arg15[%rem3A_388] : memref<2x!tpu.dma_semaphore, #tpu.memory_space<semaphore_mem>> -> memref<1x!tpu.dma_semaphore, #tpu.memory_space<semaphore_mem>>
        %dma_start3A_654 = tpu.memref_squeeze %dma_start3A_653 : memref<1x!tpu.dma_semaphore, #tpu.memory_space<semaphore_mem>> -> memref<!tpu.dma_semaphore, #tpu.memory_space<semaphore_mem>>
        %dma_start3A_655 = arith.constant 0 : i32
        %dma_start3A_656 = tpu.memref_slice %arg10[%rem3A_388, %dma_start3A_655] : memref<2x1024xf32, #tpu.memory_space<vmem>> -> memref<1x1024xf32, #tpu.memory_space<vmem>>
        %dma_start3A_657 = tpu.memref_squeeze %dma_start3A_656 : memref<1x1024xf32, #tpu.memory_space<vmem>> -> memref<1024xf32, #tpu.memory_space<vmem>>
        %dma_start3A_658 = tpu.memref_slice %arg5[%add3A_628] : memref<3200000xf32, #tpu.memory_space<hbm>> -> memref<1024xf32, #tpu.memory_space<hbm>>
        tpu.enqueue_dma source(%dma_start3A_658 : memref<1024xf32, #tpu.memory_space<hbm>>) target(%dma_start3A_657 : memref<1024xf32, #tpu.memory_space<vmem>>) target_semaphore(%dma_start3A_654 : memref<!tpu.dma_semaphore, #tpu.memory_space<semaphore_mem>>)
      } else {
      }
      %while3A_623 = arith.constant 0 : i32
      scf.yield %while3A_623 : i32
    }
    %while3A_267 = arith.constant 1 : i32
    %while3A_268 = scf.for %while3A_385 = %while3A_264 to %while3A_260 step %while3A_267 iter_args(%while3A_386 = %while3A_266) -> (i32)  : i32 {
      %rem3A_387 = arith.constant 2 : i32
      %rem3A_388 = arith.remsi %while3A_385, %rem3A_387 : i32
      %sub3A_389 = arith.constant 1 : i32
      %sub3A_390 = arith.subi %sub3A_389, %rem3A_388 : i32
      %ge3A = arith.constant 1 : i32
      %ge3A_391 = arith.cmpi sge, %while3A_385, %ge3A : i32
      %convert_element_type3A_392 = arith.extui %ge3A_391 : i1 to i32
      %cond3A_393 = arith.constant 0 : i32
      %cond3A_394 = arith.cmpi ne, %convert_element_type3A_392, %cond3A_393 : i32
      scf.if %cond3A_394 {
        %dma_wait3A_624 = arith.constant 0 : i32
        %dma_wait3A_625 = arith.constant 0 : i32
        %dma_wait3A_626 = arith.constant 0 : i32
        %dma_wait3A_627 = tpu.memref_slice %arg13[%sub3A_390, %dma_wait3A_625, %dma_wait3A_626] : memref<2x1024x16xf32, #tpu.memory_space<vmem>> -> memref<1x128x16xf32, #tpu.memory_space<vmem>>
        %dma_wait3A_628 = tpu.memref_squeeze %dma_wait3A_627 : memref<1x128x16xf32, #tpu.memory_space<vmem>> -> memref<128x16xf32, #tpu.memory_space<vmem>>
        %dma_wait3A_629 = arith.constant 0 : i32
        %dma_wait3A_630 = tpu.memref_slice %arg12[%sub3A_390, %dma_wait3A_624, %dma_wait3A_629] : memref<2x8x128xi32, #tpu.memory_space<vmem>> -> memref<1x1x128xi32, #tpu.memory_space<vmem>>
        %dma_wait3A_631 = tpu.memref_squeeze %dma_wait3A_630 : memref<1x1x128xi32, #tpu.memory_space<vmem>> -> memref<128xi32, #tpu.memory_space<vmem>>
        %dma_wait3A_632 = arith.constant 0 : i32
        %dma_wait3A_633 = arith.constant 0 : i32
        %dma_wait3A_634 = tpu.memref_slice %arg14[%dma_wait3A_632, %dma_wait3A_633] : memref<10000x16xf32, #tpu.memory_space<vmem_shared>> -> memref<10000x16xf32, #tpu.memory_space<vmem_shared>>
        %dma_wait3A_635 = tpu.memref_slice %arg17[%sub3A_390] : memref<2x!tpu.dma_semaphore, #tpu.memory_space<semaphore_mem>> -> memref<1x!tpu.dma_semaphore, #tpu.memory_space<semaphore_mem>>
        %dma_wait3A_636 = tpu.memref_squeeze %dma_wait3A_635 : memref<1x!tpu.dma_semaphore, #tpu.memory_space<semaphore_mem>> -> memref<!tpu.dma_semaphore, #tpu.memory_space<semaphore_mem>>
        tpu.wait_indirect_dma semaphore(%dma_wait3A_636 : memref<!tpu.dma_semaphore, #tpu.memory_space<semaphore_mem>>) src(%dma_wait3A_628 : memref<128x16xf32, #tpu.memory_space<vmem>>) dst(%dma_wait3A_634 : memref<10000x16xf32, #tpu.memory_space<vmem_shared>>)
        %dma_wait3A_637 = arith.constant 1 : i32
        %dma_wait3A_638 = arith.constant 128 : i32
        %dma_wait3A_639 = arith.constant 0 : i32
        %dma_wait3A_640 = tpu.memref_slice %arg13[%sub3A_390, %dma_wait3A_638, %dma_wait3A_639] : memref<2x1024x16xf32, #tpu.memory_space<vmem>> -> memref<1x128x16xf32, #tpu.memory_space<vmem>>
        %dma_wait3A_641 = tpu.memref_squeeze %dma_wait3A_640 : memref<1x128x16xf32, #tpu.memory_space<vmem>> -> memref<128x16xf32, #tpu.memory_space<vmem>>
        %dma_wait3A_642 = arith.constant 0 : i32
        %dma_wait3A_643 = tpu.memref_slice %arg12[%sub3A_390, %dma_wait3A_637, %dma_wait3A_642] : memref<2x8x128xi32, #tpu.memory_space<vmem>> -> memref<1x1x128xi32, #tpu.memory_space<vmem>>
        %dma_wait3A_644 = tpu.memref_squeeze %dma_wait3A_643 : memref<1x1x128xi32, #tpu.memory_space<vmem>> -> memref<128xi32, #tpu.memory_space<vmem>>
        %dma_wait3A_645 = arith.constant 0 : i32
        %dma_wait3A_646 = arith.constant 0 : i32
        %dma_wait3A_647 = tpu.memref_slice %arg14[%dma_wait3A_645, %dma_wait3A_646] : memref<10000x16xf32, #tpu.memory_space<vmem_shared>> -> memref<10000x16xf32, #tpu.memory_space<vmem_shared>>
        %dma_wait3A_648 = tpu.memref_slice %arg17[%sub3A_390] : memref<2x!tpu.dma_semaphore, #tpu.memory_space<semaphore_mem>> -> memref<1x!tpu.dma_semaphore, #tpu.memory_space<semaphore_mem>>
        %dma_wait3A_649 = tpu.memref_squeeze %dma_wait3A_648 : memref<1x!tpu.dma_semaphore, #tpu.memory_space<semaphore_mem>> -> memref<!tpu.dma_semaphore, #tpu.memory_space<semaphore_mem>>
        tpu.wait_indirect_dma semaphore(%dma_wait3A_649 : memref<!tpu.dma_semaphore, #tpu.memory_space<semaphore_mem>>) src(%dma_wait3A_641 : memref<128x16xf32, #tpu.memory_space<vmem>>) dst(%dma_wait3A_647 : memref<10000x16xf32, #tpu.memory_space<vmem_shared>>)
        %dma_wait3A_650 = arith.constant 2 : i32
        %dma_wait3A_651 = arith.constant 256 : i32
        %dma_wait3A_652 = arith.constant 0 : i32
        %dma_wait3A_653 = tpu.memref_slice %arg13[%sub3A_390, %dma_wait3A_651, %dma_wait3A_652] : memref<2x1024x16xf32, #tpu.memory_space<vmem>> -> memref<1x128x16xf32, #tpu.memory_space<vmem>>
        %dma_wait3A_654 = tpu.memref_squeeze %dma_wait3A_653 : memref<1x128x16xf32, #tpu.memory_space<vmem>> -> memref<128x16xf32, #tpu.memory_space<vmem>>
        %dma_wait3A_655 = arith.constant 0 : i32
        %dma_wait3A_656 = tpu.memref_slice %arg12[%sub3A_390, %dma_wait3A_650, %dma_wait3A_655] : memref<2x8x128xi32, #tpu.memory_space<vmem>> -> memref<1x1x128xi32, #tpu.memory_space<vmem>>
        %dma_wait3A_657 = tpu.memref_squeeze %dma_wait3A_656 : memref<1x1x128xi32, #tpu.memory_space<vmem>> -> memref<128xi32, #tpu.memory_space<vmem>>
        %dma_wait3A_658 = arith.constant 0 : i32
        %dma_wait3A_659 = arith.constant 0 : i32
        %dma_wait3A_660 = tpu.memref_slice %arg14[%dma_wait3A_658, %dma_wait3A_659] : memref<10000x16xf32, #tpu.memory_space<vmem_shared>> -> memref<10000x16xf32, #tpu.memory_space<vmem_shared>>
        %dma_wait3A_661 = tpu.memref_slice %arg17[%sub3A_390] : memref<2x!tpu.dma_semaphore, #tpu.memory_space<semaphore_mem>> -> memref<1x!tpu.dma_semaphore, #tpu.memory_space<semaphore_mem>>
        %dma_wait3A_662 = tpu.memref_squeeze %dma_wait3A_661 : memref<1x!tpu.dma_semaphore, #tpu.memory_space<semaphore_mem>> -> memref<!tpu.dma_semaphore, #tpu.memory_space<semaphore_mem>>
        tpu.wait_indirect_dma semaphore(%dma_wait3A_662 : memref<!tpu.dma_semaphore, #tpu.memory_space<semaphore_mem>>) src(%dma_wait3A_654 : memref<128x16xf32, #tpu.memory_space<vmem>>) dst(%dma_wait3A_660 : memref<10000x16xf32, #tpu.memory_space<vmem_shared>>)
        %dma_wait3A_663 = arith.constant 3 : i32
        %dma_wait3A_664 = arith.constant 384 : i32
        %dma_wait3A_665 = arith.constant 0 : i32
        %dma_wait3A_666 = tpu.memref_slice %arg13[%sub3A_390, %dma_wait3A_664, %dma_wait3A_665] : memref<2x1024x16xf32, #tpu.memory_space<vmem>> -> memref<1x128x16xf32, #tpu.memory_space<vmem>>
        %dma_wait3A_667 = tpu.memref_squeeze %dma_wait3A_666 : memref<1x128x16xf32, #tpu.memory_space<vmem>> -> memref<128x16xf32, #tpu.memory_space<vmem>>
        %dma_wait3A_668 = arith.constant 0 : i32
        %dma_wait3A_669 = tpu.memref_slice %arg12[%sub3A_390, %dma_wait3A_663, %dma_wait3A_668] : memref<2x8x128xi32, #tpu.memory_space<vmem>> -> memref<1x1x128xi32, #tpu.memory_space<vmem>>
        %dma_wait3A_670 = tpu.memref_squeeze %dma_wait3A_669 : memref<1x1x128xi32, #tpu.memory_space<vmem>> -> memref<128xi32, #tpu.memory_space<vmem>>
        %dma_wait3A_671 = arith.constant 0 : i32
        %dma_wait3A_672 = arith.constant 0 : i32
        %dma_wait3A_673 = tpu.memref_slice %arg14[%dma_wait3A_671, %dma_wait3A_672] : memref<10000x16xf32, #tpu.memory_space<vmem_shared>> -> memref<10000x16xf32, #tpu.memory_space<vmem_shared>>
        %dma_wait3A_674 = tpu.memref_slice %arg17[%sub3A_390] : memref<2x!tpu.dma_semaphore, #tpu.memory_space<semaphore_mem>> -> memref<1x!tpu.dma_semaphore, #tpu.memory_space<semaphore_mem>>
        %dma_wait3A_675 = tpu.memref_squeeze %dma_wait3A_674 : memref<1x!tpu.dma_semaphore, #tpu.memory_space<semaphore_mem>> -> memref<!tpu.dma_semaphore, #tpu.memory_space<semaphore_mem>>
        tpu.wait_indirect_dma semaphore(%dma_wait3A_675 : memref<!tpu.dma_semaphore, #tpu.memory_space<semaphore_mem>>) src(%dma_wait3A_667 : memref<128x16xf32, #tpu.memory_space<vmem>>) dst(%dma_wait3A_673 : memref<10000x16xf32, #tpu.memory_space<vmem_shared>>)
        %dma_wait3A_676 = arith.constant 4 : i32
        %dma_wait3A_677 = arith.constant 512 : i32
        %dma_wait3A_678 = arith.constant 0 : i32
        %dma_wait3A_679 = tpu.memref_slice %arg13[%sub3A_390, %dma_wait3A_677, %dma_wait3A_678] : memref<2x1024x16xf32, #tpu.memory_space<vmem>> -> memref<1x128x16xf32, #tpu.memory_space<vmem>>
        %dma_wait3A_680 = tpu.memref_squeeze %dma_wait3A_679 : memref<1x128x16xf32, #tpu.memory_space<vmem>> -> memref<128x16xf32, #tpu.memory_space<vmem>>
        %dma_wait3A_681 = arith.constant 0 : i32
        %dma_wait3A_682 = tpu.memref_slice %arg12[%sub3A_390, %dma_wait3A_676, %dma_wait3A_681] : memref<2x8x128xi32, #tpu.memory_space<vmem>> -> memref<1x1x128xi32, #tpu.memory_space<vmem>>
        %dma_wait3A_683 = tpu.memref_squeeze %dma_wait3A_682 : memref<1x1x128xi32, #tpu.memory_space<vmem>> -> memref<128xi32, #tpu.memory_space<vmem>>
        %dma_wait3A_684 = arith.constant 0 : i32
        %dma_wait3A_685 = arith.constant 0 : i32
        %dma_wait3A_686 = tpu.memref_slice %arg14[%dma_wait3A_684, %dma_wait3A_685] : memref<10000x16xf32, #tpu.memory_space<vmem_shared>> -> memref<10000x16xf32, #tpu.memory_space<vmem_shared>>
        %dma_wait3A_687 = tpu.memref_slice %arg17[%sub3A_390] : memref<2x!tpu.dma_semaphore, #tpu.memory_space<semaphore_mem>> -> memref<1x!tpu.dma_semaphore, #tpu.memory_space<semaphore_mem>>
        %dma_wait3A_688 = tpu.memref_squeeze %dma_wait3A_687 : memref<1x!tpu.dma_semaphore, #tpu.memory_space<semaphore_mem>> -> memref<!tpu.dma_semaphore, #tpu.memory_space<semaphore_mem>>
        tpu.wait_indirect_dma semaphore(%dma_wait3A_688 : memref<!tpu.dma_semaphore, #tpu.memory_space<semaphore_mem>>) src(%dma_wait3A_680 : memref<128x16xf32, #tpu.memory_space<vmem>>) dst(%dma_wait3A_686 : memref<10000x16xf32, #tpu.memory_space<vmem_shared>>)
        %dma_wait3A_689 = arith.constant 5 : i32
        %dma_wait3A_690 = arith.constant 640 : i32
        %dma_wait3A_691 = arith.constant 0 : i32
        %dma_wait3A_692 = tpu.memref_slice %arg13[%sub3A_390, %dma_wait3A_690, %dma_wait3A_691] : memref<2x1024x16xf32, #tpu.memory_space<vmem>> -> memref<1x128x16xf32, #tpu.memory_space<vmem>>
        %dma_wait3A_693 = tpu.memref_squeeze %dma_wait3A_692 : memref<1x128x16xf32, #tpu.memory_space<vmem>> -> memref<128x16xf32, #tpu.memory_space<vmem>>
        %dma_wait3A_694 = arith.constant 0 : i32
        %dma_wait3A_695 = tpu.memref_slice %arg12[%sub3A_390, %dma_wait3A_689, %dma_wait3A_694] : memref<2x8x128xi32, #tpu.memory_space<vmem>> -> memref<1x1x128xi32, #tpu.memory_space<vmem>>
        %dma_wait3A_696 = tpu.memref_squeeze %dma_wait3A_695 : memref<1x1x128xi32, #tpu.memory_space<vmem>> -> memref<128xi32, #tpu.memory_space<vmem>>
        %dma_wait3A_697 = arith.constant 0 : i32
        %dma_wait3A_698 = arith.constant 0 : i32
        %dma_wait3A_699 = tpu.memref_slice %arg14[%dma_wait3A_697, %dma_wait3A_698] : memref<10000x16xf32, #tpu.memory_space<vmem_shared>> -> memref<10000x16xf32, #tpu.memory_space<vmem_shared>>
        %dma_wait3A_700 = tpu.memref_slice %arg17[%sub3A_390] : memref<2x!tpu.dma_semaphore, #tpu.memory_space<semaphore_mem>> -> memref<1x!tpu.dma_semaphore, #tpu.memory_space<semaphore_mem>>
        %dma_wait3A_701 = tpu.memref_squeeze %dma_wait3A_700 : memref<1x!tpu.dma_semaphore, #tpu.memory_space<semaphore_mem>> -> memref<!tpu.dma_semaphore, #tpu.memory_space<semaphore_mem>>
        tpu.wait_indirect_dma semaphore(%dma_wait3A_701 : memref<!tpu.dma_semaphore, #tpu.memory_space<semaphore_mem>>) src(%dma_wait3A_693 : memref<128x16xf32, #tpu.memory_space<vmem>>) dst(%dma_wait3A_699 : memref<10000x16xf32, #tpu.memory_space<vmem_shared>>)
        %dma_wait3A_702 = arith.constant 6 : i32
        %dma_wait3A_703 = arith.constant 768 : i32
        %dma_wait3A_704 = arith.constant 0 : i32
        %dma_wait3A_705 = tpu.memref_slice %arg13[%sub3A_390, %dma_wait3A_703, %dma_wait3A_704] : memref<2x1024x16xf32, #tpu.memory_space<vmem>> -> memref<1x128x16xf32, #tpu.memory_space<vmem>>
        %dma_wait3A_706 = tpu.memref_squeeze %dma_wait3A_705 : memref<1x128x16xf32, #tpu.memory_space<vmem>> -> memref<128x16xf32, #tpu.memory_space<vmem>>
        %dma_wait3A_707 = arith.constant 0 : i32
        %dma_wait3A_708 = tpu.memref_slice %arg12[%sub3A_390, %dma_wait3A_702, %dma_wait3A_707] : memref<2x8x128xi32, #tpu.memory_space<vmem>> -> memref<1x1x128xi32, #tpu.memory_space<vmem>>
        %dma_wait3A_709 = tpu.memref_squeeze %dma_wait3A_708 : memref<1x1x128xi32, #tpu.memory_space<vmem>> -> memref<128xi32, #tpu.memory_space<vmem>>
        %dma_wait3A_710 = arith.constant 0 : i32
        %dma_wait3A_711 = arith.constant 0 : i32
        %dma_wait3A_712 = tpu.memref_slice %arg14[%dma_wait3A_710, %dma_wait3A_711] : memref<10000x16xf32, #tpu.memory_space<vmem_shared>> -> memref<10000x16xf32, #tpu.memory_space<vmem_shared>>
        %dma_wait3A_713 = tpu.memref_slice %arg17[%sub3A_390] : memref<2x!tpu.dma_semaphore, #tpu.memory_space<semaphore_mem>> -> memref<1x!tpu.dma_semaphore, #tpu.memory_space<semaphore_mem>>
        %dma_wait3A_714 = tpu.memref_squeeze %dma_wait3A_713 : memref<1x!tpu.dma_semaphore, #tpu.memory_space<semaphore_mem>> -> memref<!tpu.dma_semaphore, #tpu.memory_space<semaphore_mem>>
        tpu.wait_indirect_dma semaphore(%dma_wait3A_714 : memref<!tpu.dma_semaphore, #tpu.memory_space<semaphore_mem>>) src(%dma_wait3A_706 : memref<128x16xf32, #tpu.memory_space<vmem>>) dst(%dma_wait3A_712 : memref<10000x16xf32, #tpu.memory_space<vmem_shared>>)
        %dma_wait3A_715 = arith.constant 7 : i32
        %dma_wait3A_716 = arith.constant 896 : i32
        %dma_wait3A_717 = arith.constant 0 : i32
        %dma_wait3A_718 = tpu.memref_slice %arg13[%sub3A_390, %dma_wait3A_716, %dma_wait3A_717] : memref<2x1024x16xf32, #tpu.memory_space<vmem>> -> memref<1x128x16xf32, #tpu.memory_space<vmem>>
        %dma_wait3A_719 = tpu.memref_squeeze %dma_wait3A_718 : memref<1x128x16xf32, #tpu.memory_space<vmem>> -> memref<128x16xf32, #tpu.memory_space<vmem>>
        %dma_wait3A_720 = arith.constant 0 : i32
        %dma_wait3A_721 = tpu.memref_slice %arg12[%sub3A_390, %dma_wait3A_715, %dma_wait3A_720] : memref<2x8x128xi32, #tpu.memory_space<vmem>> -> memref<1x1x128xi32, #tpu.memory_space<vmem>>
        %dma_wait3A_722 = tpu.memref_squeeze %dma_wait3A_721 : memref<1x1x128xi32, #tpu.memory_space<vmem>> -> memref<128xi32, #tpu.memory_space<vmem>>
        %dma_wait3A_723 = arith.constant 0 : i32
        %dma_wait3A_724 = arith.constant 0 : i32
        %dma_wait3A_725 = tpu.memref_slice %arg14[%dma_wait3A_723, %dma_wait3A_724] : memref<10000x16xf32, #tpu.memory_space<vmem_shared>> -> memref<10000x16xf32, #tpu.memory_space<vmem_shared>>
        %dma_wait3A_726 = tpu.memref_slice %arg17[%sub3A_390] : memref<2x!tpu.dma_semaphore, #tpu.memory_space<semaphore_mem>> -> memref<1x!tpu.dma_semaphore, #tpu.memory_space<semaphore_mem>>
        %dma_wait3A_727 = tpu.memref_squeeze %dma_wait3A_726 : memref<1x!tpu.dma_semaphore, #tpu.memory_space<semaphore_mem>> -> memref<!tpu.dma_semaphore, #tpu.memory_space<semaphore_mem>>
        tpu.wait_indirect_dma semaphore(%dma_wait3A_727 : memref<!tpu.dma_semaphore, #tpu.memory_space<semaphore_mem>>) src(%dma_wait3A_719 : memref<128x16xf32, #tpu.memory_space<vmem>>) dst(%dma_wait3A_725 : memref<10000x16xf32, #tpu.memory_space<vmem_shared>>)
      } else {
      }
      %sub3A_395 = arith.constant 1 : i32
      %sub3A_396 = arith.subi %select_n3A, %sub3A_395 : i32
      %lt3A = arith.cmpi slt, %while3A_385, %sub3A_396 : i32
      %convert_element_type3A_397 = arith.extui %lt3A : i1 to i32
      %cond3A_398 = arith.constant 0 : i32
      %cond3A_399 = arith.cmpi ne, %convert_element_type3A_397, %cond3A_398 : i32
      scf.if %cond3A_399 {
        %dma_wait3A_624 = arith.constant 0 : i32
        %dma_wait3A_625 = tpu.memref_slice %arg8[%sub3A_390, %dma_wait3A_624] : memref<2x1024xi32, #tpu.memory_space<vmem>> -> memref<1x1024xi32, #tpu.memory_space<vmem>>
        %dma_wait3A_626 = tpu.memref_squeeze %dma_wait3A_625 : memref<1x1024xi32, #tpu.memory_space<vmem>> -> memref<1024xi32, #tpu.memory_space<vmem>>
        %dma_wait3A_627 = arith.constant 0 : i32
        %dma_wait3A_628 = tpu.memref_slice %arg3[%dma_wait3A_627] : memref<3200000xi32, #tpu.memory_space<hbm>> -> memref<1024xi32, #tpu.memory_space<hbm>>
        %dma_wait3A_629 = tpu.memref_slice %arg15[%sub3A_390] : memref<2x!tpu.dma_semaphore, #tpu.memory_space<semaphore_mem>> -> memref<1x!tpu.dma_semaphore, #tpu.memory_space<semaphore_mem>>
        %dma_wait3A_630 = tpu.memref_squeeze %dma_wait3A_629 : memref<1x!tpu.dma_semaphore, #tpu.memory_space<semaphore_mem>> -> memref<!tpu.dma_semaphore, #tpu.memory_space<semaphore_mem>>
        %dma_wait3A_631 = arith.constant 0 : i32
        %dma_wait3A_632 = tpu.memref_slice %arg8[%sub3A_390, %dma_wait3A_631] : memref<2x1024xi32, #tpu.memory_space<vmem>> -> memref<1x1024xi32, #tpu.memory_space<vmem>>
        %dma_wait3A_633 = tpu.memref_squeeze %dma_wait3A_632 : memref<1x1024xi32, #tpu.memory_space<vmem>> -> memref<1024xi32, #tpu.memory_space<vmem>>
        %dma_wait3A_634 = arith.constant 0 : i32
        %dma_wait3A_635 = tpu.memref_slice %arg3[%dma_wait3A_634] : memref<3200000xi32, #tpu.memory_space<hbm>> -> memref<1024xi32, #tpu.memory_space<hbm>>
        tpu.wait_dma2 semaphore(%dma_wait3A_630 : memref<!tpu.dma_semaphore, #tpu.memory_space<semaphore_mem>>) src(%dma_wait3A_635 : memref<1024xi32, #tpu.memory_space<hbm>>) dst(%dma_wait3A_633 : memref<1024xi32, #tpu.memory_space<vmem>>)
        %dma_wait3A_636 = arith.constant 0 : i32
        %dma_wait3A_637 = tpu.memref_slice %arg9[%sub3A_390, %dma_wait3A_636] : memref<2x1024xi32, #tpu.memory_space<vmem>> -> memref<1x1024xi32, #tpu.memory_space<vmem>>
        %dma_wait3A_638 = tpu.memref_squeeze %dma_wait3A_637 : memref<1x1024xi32, #tpu.memory_space<vmem>> -> memref<1024xi32, #tpu.memory_space<vmem>>
        %dma_wait3A_639 = arith.constant 0 : i32
        %dma_wait3A_640 = tpu.memref_slice %arg4[%dma_wait3A_639] : memref<3200000xi32, #tpu.memory_space<hbm>> -> memref<1024xi32, #tpu.memory_space<hbm>>
        %dma_wait3A_641 = tpu.memref_slice %arg15[%sub3A_390] : memref<2x!tpu.dma_semaphore, #tpu.memory_space<semaphore_mem>> -> memref<1x!tpu.dma_semaphore, #tpu.memory_space<semaphore_mem>>
        %dma_wait3A_642 = tpu.memref_squeeze %dma_wait3A_641 : memref<1x!tpu.dma_semaphore, #tpu.memory_space<semaphore_mem>> -> memref<!tpu.dma_semaphore, #tpu.memory_space<semaphore_mem>>
        %dma_wait3A_643 = arith.constant 0 : i32
        %dma_wait3A_644 = tpu.memref_slice %arg9[%sub3A_390, %dma_wait3A_643] : memref<2x1024xi32, #tpu.memory_space<vmem>> -> memref<1x1024xi32, #tpu.memory_space<vmem>>
        %dma_wait3A_645 = tpu.memref_squeeze %dma_wait3A_644 : memref<1x1024xi32, #tpu.memory_space<vmem>> -> memref<1024xi32, #tpu.memory_space<vmem>>
        %dma_wait3A_646 = arith.constant 0 : i32
        %dma_wait3A_647 = tpu.memref_slice %arg4[%dma_wait3A_646] : memref<3200000xi32, #tpu.memory_space<hbm>> -> memref<1024xi32, #tpu.memory_space<hbm>>
        tpu.wait_dma2 semaphore(%dma_wait3A_642 : memref<!tpu.dma_semaphore, #tpu.memory_space<semaphore_mem>>) src(%dma_wait3A_647 : memref<1024xi32, #tpu.memory_space<hbm>>) dst(%dma_wait3A_645 : memref<1024xi32, #tpu.memory_space<vmem>>)
        %dma_wait3A_648 = arith.constant 0 : i32
        %dma_wait3A_649 = tpu.memref_slice %arg10[%sub3A_390, %dma_wait3A_648] : memref<2x1024xf32, #tpu.memory_space<vmem>> -> memref<1x1024xf32, #tpu.memory_space<vmem>>
        %dma_wait3A_650 = tpu.memref_squeeze %dma_wait3A_649 : memref<1x1024xf32, #tpu.memory_space<vmem>> -> memref<1024xf32, #tpu.memory_space<vmem>>
        %dma_wait3A_651 = arith.constant 0 : i32
        %dma_wait3A_652 = tpu.memref_slice %arg5[%dma_wait3A_651] : memref<3200000xf32, #tpu.memory_space<hbm>> -> memref<1024xf32, #tpu.memory_space<hbm>>
        %dma_wait3A_653 = tpu.memref_slice %arg15[%sub3A_390] : memref<2x!tpu.dma_semaphore, #tpu.memory_space<semaphore_mem>> -> memref<1x!tpu.dma_semaphore, #tpu.memory_space<semaphore_mem>>
        %dma_wait3A_654 = tpu.memref_squeeze %dma_wait3A_653 : memref<1x!tpu.dma_semaphore, #tpu.memory_space<semaphore_mem>> -> memref<!tpu.dma_semaphore, #tpu.memory_space<semaphore_mem>>
        %dma_wait3A_655 = arith.constant 0 : i32
        %dma_wait3A_656 = tpu.memref_slice %arg10[%sub3A_390, %dma_wait3A_655] : memref<2x1024xf32, #tpu.memory_space<vmem>> -> memref<1x1024xf32, #tpu.memory_space<vmem>>
        %dma_wait3A_657 = tpu.memref_squeeze %dma_wait3A_656 : memref<1x1024xf32, #tpu.memory_space<vmem>> -> memref<1024xf32, #tpu.memory_space<vmem>>
        %dma_wait3A_658 = arith.constant 0 : i32
        %dma_wait3A_659 = tpu.memref_slice %arg5[%dma_wait3A_658] : memref<3200000xf32, #tpu.memory_space<hbm>> -> memref<1024xf32, #tpu.memory_space<hbm>>
        tpu.wait_dma2 semaphore(%dma_wait3A_654 : memref<!tpu.dma_semaphore, #tpu.memory_space<semaphore_mem>>) src(%dma_wait3A_659 : memref<1024xf32, #tpu.memory_space<hbm>>) dst(%dma_wait3A_657 : memref<1024xf32, #tpu.memory_space<vmem>>)
        %parallel_loop3A_660 = arith.constant 0 : i32
        %parallel_loop3A_661 = arith.constant 64 : i32
        %parallel_loop3A_662 = arith.constant 1 : i32
        scf.for %parallel_loop3A_663 = %parallel_loop3A_660 to %parallel_loop3A_661 step %parallel_loop3A_662  : i32 {
          %parallel_loop3A_664 = arith.constant 16 : i32
          %parallel_loop3A_665 = arith.muli %parallel_loop3A_663, %parallel_loop3A_664 : i32
          %parallel_loop3A_666 = arith.index_cast %sub3A_390 : i32 to index
          %parallel_loop3A_667 = arith.index_cast %parallel_loop3A_665 : i32 to index
          %parallel_loop3A_668 = tpu.vector_load %arg8[%parallel_loop3A_666, %parallel_loop3A_667] {strides = array<i32>} : memref<2x1024xi32, #tpu.memory_space<vmem>>, vector<16xi32>,
          %parallel_loop3A_669 = arith.constant 16 : i32
          %parallel_loop3A_670 = arith.muli %parallel_loop3A_663, %parallel_loop3A_669 : i32
          %parallel_loop3A_671 = arith.index_cast %sub3A_390 : i32 to index
          %parallel_loop3A_672 = arith.index_cast %parallel_loop3A_670 : i32 to index
          %parallel_loop3A_673 = tpu.vector_load %arg9[%parallel_loop3A_671, %parallel_loop3A_672] {strides = array<i32>} : memref<2x1024xi32, #tpu.memory_space<vmem>>, vector<16xi32>,
          %parallel_loop3A_674 = arith.constant 4 : i32
          %parallel_loop3A_675 = vector.broadcast %parallel_loop3A_674 : i32 to vector<16xi32>
          %parallel_loop3A_676 = arith.shrui %parallel_loop3A_668, %parallel_loop3A_675 : vector<16xi32>
          %parallel_loop3A_677 = arith.sitofp %parallel_loop3A_676 : vector<16xi32> to vector<16xf32>
          %parallel_loop3A_678 = arith.constant 2.000000e-01 : f32
          %parallel_loop3A_679 = vector.broadcast %parallel_loop3A_678 : f32 to vector<16xf32>
          %parallel_loop3A_680 = arith.mulf %parallel_loop3A_677, %parallel_loop3A_679 : vector<16xf32>
          %parallel_loop3A_681 = arith.fptosi %parallel_loop3A_680 : vector<16xf32> to vector<16xi32>
          %parallel_loop3A_682 = arith.constant 80 : i32
          %parallel_loop3A_683 = vector.broadcast %parallel_loop3A_682 : i32 to vector<16xi32>
          %parallel_loop3A_684 = arith.muli %parallel_loop3A_673, %parallel_loop3A_683 : vector<16xi32>
          %parallel_loop3A_685 = arith.constant 80 : i32
          %parallel_loop3A_686 = vector.broadcast %parallel_loop3A_685 : i32 to vector<16xi32>
          %parallel_loop3A_687 = arith.muli %parallel_loop3A_681, %parallel_loop3A_686 : vector<16xi32>
          %parallel_loop3A_688 = arith.subi %parallel_loop3A_668, %parallel_loop3A_687 : vector<16xi32>
          %parallel_loop3A_689 = arith.addi %parallel_loop3A_684, %parallel_loop3A_688 : vector<16xi32>
          %parallel_loop3A_690 = arith.constant 8 : i32
          %parallel_loop3A_691 = arith.divsi %parallel_loop3A_663, %parallel_loop3A_690 : i32
          %parallel_loop3A_692 = arith.constant 0 : i32
          %parallel_loop3A_693 = arith.cmpi sgt, %parallel_loop3A_663, %parallel_loop3A_692 : i32
          %parallel_loop3A_694 = arith.extui %parallel_loop3A_693 : i1 to i32
          %parallel_loop3A_695 = arith.constant 0 : i32
          %parallel_loop3A_696 = arith.cmpi slt, %parallel_loop3A_663, %parallel_loop3A_695 : i32
          %parallel_loop3A_697 = arith.extui %parallel_loop3A_696 : i1 to i32
          %parallel_loop3A_698 = arith.subi %parallel_loop3A_694, %parallel_loop3A_697 : i32
          %parallel_loop3A_699 = arith.constant 0 : i32
          %parallel_loop3A_700 = arith.cmpi sgt, %parallel_loop3A_690, %parallel_loop3A_699 : i32
          %parallel_loop3A_701 = arith.extui %parallel_loop3A_700 : i1 to i32
          %parallel_loop3A_702 = arith.constant 0 : i32
          %parallel_loop3A_703 = arith.cmpi slt, %parallel_loop3A_690, %parallel_loop3A_702 : i32
          %parallel_loop3A_704 = arith.extui %parallel_loop3A_703 : i1 to i32
          %parallel_loop3A_705 = arith.subi %parallel_loop3A_701, %parallel_loop3A_704 : i32
          %parallel_loop3A_706 = arith.cmpi ne, %parallel_loop3A_698, %parallel_loop3A_705 : i32
          %parallel_loop3A_707 = arith.remsi %parallel_loop3A_663, %parallel_loop3A_690 : i32
          %parallel_loop3A_708 = arith.constant 0 : i32
          %parallel_loop3A_709 = arith.cmpi ne, %parallel_loop3A_707, %parallel_loop3A_708 : i32
          %parallel_loop3A_710 = arith.andi %parallel_loop3A_706, %parallel_loop3A_709 : i1
          %parallel_loop3A_711 = arith.constant 1 : i32
          %parallel_loop3A_712 = arith.subi %parallel_loop3A_691, %parallel_loop3A_711 : i32
          %parallel_loop3A_713 = arith.select %parallel_loop3A_710, %parallel_loop3A_712, %parallel_loop3A_691 : i32
          %parallel_loop3A_714 = arith.constant 8 : i32
          %parallel_loop3A_715 = arith.constant 0 : i32
          %parallel_loop3A_716 = arith.cmpi eq, %parallel_loop3A_714, %parallel_loop3A_715 : i32
          %parallel_loop3A_717 = arith.constant 1 : i32
          %parallel_loop3A_718 = arith.select %parallel_loop3A_716, %parallel_loop3A_717, %parallel_loop3A_714 : i32
          %parallel_loop3A_719 = arith.remsi %parallel_loop3A_663, %parallel_loop3A_718 : i32
          %parallel_loop3A_720 = arith.constant 0 : i32
          %parallel_loop3A_721 = arith.cmpi ne, %parallel_loop3A_719, %parallel_loop3A_720 : i32
          %parallel_loop3A_722 = arith.constant 0 : i32
          %parallel_loop3A_723 = arith.cmpi slt, %parallel_loop3A_719, %parallel_loop3A_722 : i32
          %parallel_loop3A_724 = arith.constant 0 : i32
          %parallel_loop3A_725 = arith.cmpi slt, %parallel_loop3A_718, %parallel_loop3A_724 : i32
          %parallel_loop3A_726 = arith.xori %parallel_loop3A_723, %parallel_loop3A_725 : i1
          %parallel_loop3A_727 = arith.andi %parallel_loop3A_726, %parallel_loop3A_721 : i1
          %parallel_loop3A_728 = arith.addi %parallel_loop3A_719, %parallel_loop3A_718 : i32
          %parallel_loop3A_729 = arith.select %parallel_loop3A_727, %parallel_loop3A_728, %parallel_loop3A_719 : i32
          %parallel_loop3A_730 = arith.constant 16 : i32
          %parallel_loop3A_731 = arith.muli %parallel_loop3A_729, %parallel_loop3A_730 : i32
          %parallel_loop3A_732 = arith.index_cast %sub3A_390 : i32 to index
          %parallel_loop3A_733 = arith.index_cast %parallel_loop3A_713 : i32 to index
          %parallel_loop3A_734 = arith.index_cast %parallel_loop3A_731 : i32 to index
          %parallel_loop3A_735 = tpu.vector_load %arg11[%parallel_loop3A_732, %parallel_loop3A_733, %parallel_loop3A_734] {strides = array<i32>} : memref<2x8x128xi32, #tpu.memory_space<vmem>>, vector<16xi32>,
          tpu.vector_store %arg11[%parallel_loop3A_732, %parallel_loop3A_733, %parallel_loop3A_734], %parallel_loop3A_689 {strides = array<i32>} : memref<2x8x128xi32, #tpu.memory_space<vmem>>, vector<16xi32>,
          %parallel_loop3A_736 = arith.constant 8 : i32
          %parallel_loop3A_737 = arith.divsi %parallel_loop3A_663, %parallel_loop3A_736 : i32
          %parallel_loop3A_738 = arith.constant 0 : i32
          %parallel_loop3A_739 = arith.cmpi sgt, %parallel_loop3A_663, %parallel_loop3A_738 : i32
          %parallel_loop3A_740 = arith.extui %parallel_loop3A_739 : i1 to i32
          %parallel_loop3A_741 = arith.constant 0 : i32
          %parallel_loop3A_742 = arith.cmpi slt, %parallel_loop3A_663, %parallel_loop3A_741 : i32
          %parallel_loop3A_743 = arith.extui %parallel_loop3A_742 : i1 to i32
          %parallel_loop3A_744 = arith.subi %parallel_loop3A_740, %parallel_loop3A_743 : i32
          %parallel_loop3A_745 = arith.constant 0 : i32
          %parallel_loop3A_746 = arith.cmpi sgt, %parallel_loop3A_736, %parallel_loop3A_745 : i32
          %parallel_loop3A_747 = arith.extui %parallel_loop3A_746 : i1 to i32
          %parallel_loop3A_748 = arith.constant 0 : i32
          %parallel_loop3A_749 = arith.cmpi slt, %parallel_loop3A_736, %parallel_loop3A_748 : i32
          %parallel_loop3A_750 = arith.extui %parallel_loop3A_749 : i1 to i32
          %parallel_loop3A_751 = arith.subi %parallel_loop3A_747, %parallel_loop3A_750 : i32
          %parallel_loop3A_752 = arith.cmpi ne, %parallel_loop3A_744, %parallel_loop3A_751 : i32
          %parallel_loop3A_753 = arith.remsi %parallel_loop3A_663, %parallel_loop3A_736 : i32
          %parallel_loop3A_754 = arith.constant 0 : i32
          %parallel_loop3A_755 = arith.cmpi ne, %parallel_loop3A_753, %parallel_loop3A_754 : i32
          %parallel_loop3A_756 = arith.andi %parallel_loop3A_752, %parallel_loop3A_755 : i1
          %parallel_loop3A_757 = arith.constant 1 : i32
          %parallel_loop3A_758 = arith.subi %parallel_loop3A_737, %parallel_loop3A_757 : i32
          %parallel_loop3A_759 = arith.select %parallel_loop3A_756, %parallel_loop3A_758, %parallel_loop3A_737 : i32
          %parallel_loop3A_760 = arith.constant 8 : i32
          %parallel_loop3A_761 = arith.constant 0 : i32
          %parallel_loop3A_762 = arith.cmpi eq, %parallel_loop3A_760, %parallel_loop3A_761 : i32
          %parallel_loop3A_763 = arith.constant 1 : i32
          %parallel_loop3A_764 = arith.select %parallel_loop3A_762, %parallel_loop3A_763, %parallel_loop3A_760 : i32
          %parallel_loop3A_765 = arith.remsi %parallel_loop3A_663, %parallel_loop3A_764 : i32
          %parallel_loop3A_766 = arith.constant 0 : i32
          %parallel_loop3A_767 = arith.cmpi ne, %parallel_loop3A_765, %parallel_loop3A_766 : i32
          %parallel_loop3A_768 = arith.constant 0 : i32
          %parallel_loop3A_769 = arith.cmpi slt, %parallel_loop3A_765, %parallel_loop3A_768 : i32
          %parallel_loop3A_770 = arith.constant 0 : i32
          %parallel_loop3A_771 = arith.cmpi slt, %parallel_loop3A_764, %parallel_loop3A_770 : i32
          %parallel_loop3A_772 = arith.xori %parallel_loop3A_769, %parallel_loop3A_771 : i1
          %parallel_loop3A_773 = arith.andi %parallel_loop3A_772, %parallel_loop3A_767 : i1
          %parallel_loop3A_774 = arith.addi %parallel_loop3A_765, %parallel_loop3A_764 : i32
          %parallel_loop3A_775 = arith.select %parallel_loop3A_773, %parallel_loop3A_774, %parallel_loop3A_765 : i32
          %parallel_loop3A_776 = arith.constant 16 : i32
          %parallel_loop3A_777 = arith.muli %parallel_loop3A_775, %parallel_loop3A_776 : i32
          %parallel_loop3A_778 = arith.index_cast %sub3A_390 : i32 to index
          %parallel_loop3A_779 = arith.index_cast %parallel_loop3A_759 : i32 to index
          %parallel_loop3A_780 = arith.index_cast %parallel_loop3A_777 : i32 to index
          %parallel_loop3A_781 = tpu.vector_load %arg12[%parallel_loop3A_778, %parallel_loop3A_779, %parallel_loop3A_780] {strides = array<i32>} : memref<2x8x128xi32, #tpu.memory_space<vmem>>, vector<16xi32>,
          tpu.vector_store %arg12[%parallel_loop3A_778, %parallel_loop3A_779, %parallel_loop3A_780], %parallel_loop3A_681 {strides = array<i32>} : memref<2x8x128xi32, #tpu.memory_space<vmem>>, vector<16xi32>,
        } {sc.loop_unroll_factor = 2 : i64, sc.parallel_access}
      } else {
      }
      %dma_wait3A_400 = arith.constant 0 : i32
      %dma_wait3A_401 = arith.constant 0 : i32
      %dma_wait3A_402 = arith.constant 0 : i32
      %dma_wait3A_403 = tpu.memref_slice %arg13[%rem3A_388, %dma_wait3A_401, %dma_wait3A_402] : memref<2x1024x16xf32, #tpu.memory_space<vmem>> -> memref<1x128x16xf32, #tpu.memory_space<vmem>>
      %dma_wait3A_404 = tpu.memref_squeeze %dma_wait3A_403 : memref<1x128x16xf32, #tpu.memory_space<vmem>> -> memref<128x16xf32, #tpu.memory_space<vmem>>
      %dma_wait3A_405 = arith.constant 0 : i32
      %dma_wait3A_406 = tpu.memref_slice %arg11[%rem3A_388, %dma_wait3A_400, %dma_wait3A_405] : memref<2x8x128xi32, #tpu.memory_space<vmem>> -> memref<1x1x128xi32, #tpu.memory_space<vmem>>
      %dma_wait3A_407 = tpu.memref_squeeze %dma_wait3A_406 : memref<1x1x128xi32, #tpu.memory_space<vmem>> -> memref<128xi32, #tpu.memory_space<vmem>>
      %dma_wait3A_408 = arith.constant 0 : i32
      %dma_wait3A_409 = arith.constant 0 : i32
      %dma_wait3A_410 = tpu.memref_slice %arg2[%dma_wait3A_408, %dma_wait3A_409] : memref<800000x16xf32, #tpu.memory_space<hbm>> -> memref<800000x16xf32, #tpu.memory_space<hbm>>
      %dma_wait3A_411 = tpu.memref_slice %arg16[%rem3A_388] : memref<2x!tpu.dma_semaphore, #tpu.memory_space<semaphore_mem>> -> memref<1x!tpu.dma_semaphore, #tpu.memory_space<semaphore_mem>>
      %dma_wait3A_412 = tpu.memref_squeeze %dma_wait3A_411 : memref<1x!tpu.dma_semaphore, #tpu.memory_space<semaphore_mem>> -> memref<!tpu.dma_semaphore, #tpu.memory_space<semaphore_mem>>
      tpu.wait_indirect_dma semaphore(%dma_wait3A_412 : memref<!tpu.dma_semaphore, #tpu.memory_space<semaphore_mem>>) src(%dma_wait3A_410 : memref<800000x16xf32, #tpu.memory_space<hbm>>) dst(%dma_wait3A_404 : memref<128x16xf32, #tpu.memory_space<vmem>>)
      %dma_wait3A_413 = arith.constant 1 : i32
      %dma_wait3A_414 = arith.constant 128 : i32
      %dma_wait3A_415 = arith.constant 0 : i32
      %dma_wait3A_416 = tpu.memref_slice %arg13[%rem3A_388, %dma_wait3A_414, %dma_wait3A_415] : memref<2x1024x16xf32, #tpu.memory_space<vmem>> -> memref<1x128x16xf32, #tpu.memory_space<vmem>>
      %dma_wait3A_417 = tpu.memref_squeeze %dma_wait3A_416 : memref<1x128x16xf32, #tpu.memory_space<vmem>> -> memref<128x16xf32, #tpu.memory_space<vmem>>
      %dma_wait3A_418 = arith.constant 0 : i32
      %dma_wait3A_419 = tpu.memref_slice %arg11[%rem3A_388, %dma_wait3A_413, %dma_wait3A_418] : memref<2x8x128xi32, #tpu.memory_space<vmem>> -> memref<1x1x128xi32, #tpu.memory_space<vmem>>
      %dma_wait3A_420 = tpu.memref_squeeze %dma_wait3A_419 : memref<1x1x128xi32, #tpu.memory_space<vmem>> -> memref<128xi32, #tpu.memory_space<vmem>>
      %dma_wait3A_421 = arith.constant 0 : i32
      %dma_wait3A_422 = arith.constant 0 : i32
      %dma_wait3A_423 = tpu.memref_slice %arg2[%dma_wait3A_421, %dma_wait3A_422] : memref<800000x16xf32, #tpu.memory_space<hbm>> -> memref<800000x16xf32, #tpu.memory_space<hbm>>
      %dma_wait3A_424 = tpu.memref_slice %arg16[%rem3A_388] : memref<2x!tpu.dma_semaphore, #tpu.memory_space<semaphore_mem>> -> memref<1x!tpu.dma_semaphore, #tpu.memory_space<semaphore_mem>>
      %dma_wait3A_425 = tpu.memref_squeeze %dma_wait3A_424 : memref<1x!tpu.dma_semaphore, #tpu.memory_space<semaphore_mem>> -> memref<!tpu.dma_semaphore, #tpu.memory_space<semaphore_mem>>
      tpu.wait_indirect_dma semaphore(%dma_wait3A_425 : memref<!tpu.dma_semaphore, #tpu.memory_space<semaphore_mem>>) src(%dma_wait3A_423 : memref<800000x16xf32, #tpu.memory_space<hbm>>) dst(%dma_wait3A_417 : memref<128x16xf32, #tpu.memory_space<vmem>>)
      %dma_wait3A_426 = arith.constant 2 : i32
      %dma_wait3A_427 = arith.constant 256 : i32
      %dma_wait3A_428 = arith.constant 0 : i32
      %dma_wait3A_429 = tpu.memref_slice %arg13[%rem3A_388, %dma_wait3A_427, %dma_wait3A_428] : memref<2x1024x16xf32, #tpu.memory_space<vmem>> -> memref<1x128x16xf32, #tpu.memory_space<vmem>>
      %dma_wait3A_430 = tpu.memref_squeeze %dma_wait3A_429 : memref<1x128x16xf32, #tpu.memory_space<vmem>> -> memref<128x16xf32, #tpu.memory_space<vmem>>
      %dma_wait3A_431 = arith.constant 0 : i32
      %dma_wait3A_432 = tpu.memref_slice %arg11[%rem3A_388, %dma_wait3A_426, %dma_wait3A_431] : memref<2x8x128xi32, #tpu.memory_space<vmem>> -> memref<1x1x128xi32, #tpu.memory_space<vmem>>
      %dma_wait3A_433 = tpu.memref_squeeze %dma_wait3A_432 : memref<1x1x128xi32, #tpu.memory_space<vmem>> -> memref<128xi32, #tpu.memory_space<vmem>>
      %dma_wait3A_434 = arith.constant 0 : i32
      %dma_wait3A_435 = arith.constant 0 : i32
      %dma_wait3A_436 = tpu.memref_slice %arg2[%dma_wait3A_434, %dma_wait3A_435] : memref<800000x16xf32, #tpu.memory_space<hbm>> -> memref<800000x16xf32, #tpu.memory_space<hbm>>
      %dma_wait3A_437 = tpu.memref_slice %arg16[%rem3A_388] : memref<2x!tpu.dma_semaphore, #tpu.memory_space<semaphore_mem>> -> memref<1x!tpu.dma_semaphore, #tpu.memory_space<semaphore_mem>>
      %dma_wait3A_438 = tpu.memref_squeeze %dma_wait3A_437 : memref<1x!tpu.dma_semaphore, #tpu.memory_space<semaphore_mem>> -> memref<!tpu.dma_semaphore, #tpu.memory_space<semaphore_mem>>
      tpu.wait_indirect_dma semaphore(%dma_wait3A_438 : memref<!tpu.dma_semaphore, #tpu.memory_space<semaphore_mem>>) src(%dma_wait3A_436 : memref<800000x16xf32, #tpu.memory_space<hbm>>) dst(%dma_wait3A_430 : memref<128x16xf32, #tpu.memory_space<vmem>>)
      %dma_wait3A_439 = arith.constant 3 : i32
      %dma_wait3A_440 = arith.constant 384 : i32
      %dma_wait3A_441 = arith.constant 0 : i32
      %dma_wait3A_442 = tpu.memref_slice %arg13[%rem3A_388, %dma_wait3A_440, %dma_wait3A_441] : memref<2x1024x16xf32, #tpu.memory_space<vmem>> -> memref<1x128x16xf32, #tpu.memory_space<vmem>>
      %dma_wait3A_443 = tpu.memref_squeeze %dma_wait3A_442 : memref<1x128x16xf32, #tpu.memory_space<vmem>> -> memref<128x16xf32, #tpu.memory_space<vmem>>
      %dma_wait3A_444 = arith.constant 0 : i32
      %dma_wait3A_445 = tpu.memref_slice %arg11[%rem3A_388, %dma_wait3A_439, %dma_wait3A_444] : memref<2x8x128xi32, #tpu.memory_space<vmem>> -> memref<1x1x128xi32, #tpu.memory_space<vmem>>
      %dma_wait3A_446 = tpu.memref_squeeze %dma_wait3A_445 : memref<1x1x128xi32, #tpu.memory_space<vmem>> -> memref<128xi32, #tpu.memory_space<vmem>>
      %dma_wait3A_447 = arith.constant 0 : i32
      %dma_wait3A_448 = arith.constant 0 : i32
      %dma_wait3A_449 = tpu.memref_slice %arg2[%dma_wait3A_447, %dma_wait3A_448] : memref<800000x16xf32, #tpu.memory_space<hbm>> -> memref<800000x16xf32, #tpu.memory_space<hbm>>
      %dma_wait3A_450 = tpu.memref_slice %arg16[%rem3A_388] : memref<2x!tpu.dma_semaphore, #tpu.memory_space<semaphore_mem>> -> memref<1x!tpu.dma_semaphore, #tpu.memory_space<semaphore_mem>>
      %dma_wait3A_451 = tpu.memref_squeeze %dma_wait3A_450 : memref<1x!tpu.dma_semaphore, #tpu.memory_space<semaphore_mem>> -> memref<!tpu.dma_semaphore, #tpu.memory_space<semaphore_mem>>
      tpu.wait_indirect_dma semaphore(%dma_wait3A_451 : memref<!tpu.dma_semaphore, #tpu.memory_space<semaphore_mem>>) src(%dma_wait3A_449 : memref<800000x16xf32, #tpu.memory_space<hbm>>) dst(%dma_wait3A_443 : memref<128x16xf32, #tpu.memory_space<vmem>>)
      %dma_wait3A_452 = arith.constant 4 : i32
      %dma_wait3A_453 = arith.constant 512 : i32
      %dma_wait3A_454 = arith.constant 0 : i32
      %dma_wait3A_455 = tpu.memref_slice %arg13[%rem3A_388, %dma_wait3A_453, %dma_wait3A_454] : memref<2x1024x16xf32, #tpu.memory_space<vmem>> -> memref<1x128x16xf32, #tpu.memory_space<vmem>>
      %dma_wait3A_456 = tpu.memref_squeeze %dma_wait3A_455 : memref<1x128x16xf32, #tpu.memory_space<vmem>> -> memref<128x16xf32, #tpu.memory_space<vmem>>
      %dma_wait3A_457 = arith.constant 0 : i32
      %dma_wait3A_458 = tpu.memref_slice %arg11[%rem3A_388, %dma_wait3A_452, %dma_wait3A_457] : memref<2x8x128xi32, #tpu.memory_space<vmem>> -> memref<1x1x128xi32, #tpu.memory_space<vmem>>
      %dma_wait3A_459 = tpu.memref_squeeze %dma_wait3A_458 : memref<1x1x128xi32, #tpu.memory_space<vmem>> -> memref<128xi32, #tpu.memory_space<vmem>>
      %dma_wait3A_460 = arith.constant 0 : i32
      %dma_wait3A_461 = arith.constant 0 : i32
      %dma_wait3A_462 = tpu.memref_slice %arg2[%dma_wait3A_460, %dma_wait3A_461] : memref<800000x16xf32, #tpu.memory_space<hbm>> -> memref<800000x16xf32, #tpu.memory_space<hbm>>
      %dma_wait3A_463 = tpu.memref_slice %arg16[%rem3A_388] : memref<2x!tpu.dma_semaphore, #tpu.memory_space<semaphore_mem>> -> memref<1x!tpu.dma_semaphore, #tpu.memory_space<semaphore_mem>>
      %dma_wait3A_464 = tpu.memref_squeeze %dma_wait3A_463 : memref<1x!tpu.dma_semaphore, #tpu.memory_space<semaphore_mem>> -> memref<!tpu.dma_semaphore, #tpu.memory_space<semaphore_mem>>
      tpu.wait_indirect_dma semaphore(%dma_wait3A_464 : memref<!tpu.dma_semaphore, #tpu.memory_space<semaphore_mem>>) src(%dma_wait3A_462 : memref<800000x16xf32, #tpu.memory_space<hbm>>) dst(%dma_wait3A_456 : memref<128x16xf32, #tpu.memory_space<vmem>>)
      %dma_wait3A_465 = arith.constant 5 : i32
      %dma_wait3A_466 = arith.constant 640 : i32
      %dma_wait3A_467 = arith.constant 0 : i32
      %dma_wait3A_468 = tpu.memref_slice %arg13[%rem3A_388, %dma_wait3A_466, %dma_wait3A_467] : memref<2x1024x16xf32, #tpu.memory_space<vmem>> -> memref<1x128x16xf32, #tpu.memory_space<vmem>>
      %dma_wait3A_469 = tpu.memref_squeeze %dma_wait3A_468 : memref<1x128x16xf32, #tpu.memory_space<vmem>> -> memref<128x16xf32, #tpu.memory_space<vmem>>
      %dma_wait3A_470 = arith.constant 0 : i32
      %dma_wait3A_471 = tpu.memref_slice %arg11[%rem3A_388, %dma_wait3A_465, %dma_wait3A_470] : memref<2x8x128xi32, #tpu.memory_space<vmem>> -> memref<1x1x128xi32, #tpu.memory_space<vmem>>
      %dma_wait3A_472 = tpu.memref_squeeze %dma_wait3A_471 : memref<1x1x128xi32, #tpu.memory_space<vmem>> -> memref<128xi32, #tpu.memory_space<vmem>>
      %dma_wait3A_473 = arith.constant 0 : i32
      %dma_wait3A_474 = arith.constant 0 : i32
      %dma_wait3A_475 = tpu.memref_slice %arg2[%dma_wait3A_473, %dma_wait3A_474] : memref<800000x16xf32, #tpu.memory_space<hbm>> -> memref<800000x16xf32, #tpu.memory_space<hbm>>
      %dma_wait3A_476 = tpu.memref_slice %arg16[%rem3A_388] : memref<2x!tpu.dma_semaphore, #tpu.memory_space<semaphore_mem>> -> memref<1x!tpu.dma_semaphore, #tpu.memory_space<semaphore_mem>>
      %dma_wait3A_477 = tpu.memref_squeeze %dma_wait3A_476 : memref<1x!tpu.dma_semaphore, #tpu.memory_space<semaphore_mem>> -> memref<!tpu.dma_semaphore, #tpu.memory_space<semaphore_mem>>
      tpu.wait_indirect_dma semaphore(%dma_wait3A_477 : memref<!tpu.dma_semaphore, #tpu.memory_space<semaphore_mem>>) src(%dma_wait3A_475 : memref<800000x16xf32, #tpu.memory_space<hbm>>) dst(%dma_wait3A_469 : memref<128x16xf32, #tpu.memory_space<vmem>>)
      %dma_wait3A_478 = arith.constant 6 : i32
      %dma_wait3A_479 = arith.constant 768 : i32
      %dma_wait3A_480 = arith.constant 0 : i32
      %dma_wait3A_481 = tpu.memref_slice %arg13[%rem3A_388, %dma_wait3A_479, %dma_wait3A_480] : memref<2x1024x16xf32, #tpu.memory_space<vmem>> -> memref<1x128x16xf32, #tpu.memory_space<vmem>>
      %dma_wait3A_482 = tpu.memref_squeeze %dma_wait3A_481 : memref<1x128x16xf32, #tpu.memory_space<vmem>> -> memref<128x16xf32, #tpu.memory_space<vmem>>
      %dma_wait3A_483 = arith.constant 0 : i32
      %dma_wait3A_484 = tpu.memref_slice %arg11[%rem3A_388, %dma_wait3A_478, %dma_wait3A_483] : memref<2x8x128xi32, #tpu.memory_space<vmem>> -> memref<1x1x128xi32, #tpu.memory_space<vmem>>
      %dma_wait3A_485 = tpu.memref_squeeze %dma_wait3A_484 : memref<1x1x128xi32, #tpu.memory_space<vmem>> -> memref<128xi32, #tpu.memory_space<vmem>>
      %dma_wait3A_486 = arith.constant 0 : i32
      %dma_wait3A_487 = arith.constant 0 : i32
      %dma_wait3A_488 = tpu.memref_slice %arg2[%dma_wait3A_486, %dma_wait3A_487] : memref<800000x16xf32, #tpu.memory_space<hbm>> -> memref<800000x16xf32, #tpu.memory_space<hbm>>
      %dma_wait3A_489 = tpu.memref_slice %arg16[%rem3A_388] : memref<2x!tpu.dma_semaphore, #tpu.memory_space<semaphore_mem>> -> memref<1x!tpu.dma_semaphore, #tpu.memory_space<semaphore_mem>>
      %dma_wait3A_490 = tpu.memref_squeeze %dma_wait3A_489 : memref<1x!tpu.dma_semaphore, #tpu.memory_space<semaphore_mem>> -> memref<!tpu.dma_semaphore, #tpu.memory_space<semaphore_mem>>
      tpu.wait_indirect_dma semaphore(%dma_wait3A_490 : memref<!tpu.dma_semaphore, #tpu.memory_space<semaphore_mem>>) src(%dma_wait3A_488 : memref<800000x16xf32, #tpu.memory_space<hbm>>) dst(%dma_wait3A_482 : memref<128x16xf32, #tpu.memory_space<vmem>>)
      %dma_wait3A_491 = arith.constant 7 : i32
      %dma_wait3A_492 = arith.constant 896 : i32
      %dma_wait3A_493 = arith.constant 0 : i32
      %dma_wait3A_494 = tpu.memref_slice %arg13[%rem3A_388, %dma_wait3A_492, %dma_wait3A_493] : memref<2x1024x16xf32, #tpu.memory_space<vmem>> -> memref<1x128x16xf32, #tpu.memory_space<vmem>>
      %dma_wait3A_495 = tpu.memref_squeeze %dma_wait3A_494 : memref<1x128x16xf32, #tpu.memory_space<vmem>> -> memref<128x16xf32, #tpu.memory_space<vmem>>
      %dma_wait3A_496 = arith.constant 0 : i32
      %dma_wait3A_497 = tpu.memref_slice %arg11[%rem3A_388, %dma_wait3A_491, %dma_wait3A_496] : memref<2x8x128xi32, #tpu.memory_space<vmem>> -> memref<1x1x128xi32, #tpu.memory_space<vmem>>
      %dma_wait3A_498 = tpu.memref_squeeze %dma_wait3A_497 : memref<1x1x128xi32, #tpu.memory_space<vmem>> -> memref<128xi32, #tpu.memory_space<vmem>>
      %dma_wait3A_499 = arith.constant 0 : i32
      %dma_wait3A_500 = arith.constant 0 : i32
      %dma_wait3A_501 = tpu.memref_slice %arg2[%dma_wait3A_499, %dma_wait3A_500] : memref<800000x16xf32, #tpu.memory_space<hbm>> -> memref<800000x16xf32, #tpu.memory_space<hbm>>
      %dma_wait3A_502 = tpu.memref_slice %arg16[%rem3A_388] : memref<2x!tpu.dma_semaphore, #tpu.memory_space<semaphore_mem>> -> memref<1x!tpu.dma_semaphore, #tpu.memory_space<semaphore_mem>>
      %dma_wait3A_503 = tpu.memref_squeeze %dma_wait3A_502 : memref<1x!tpu.dma_semaphore, #tpu.memory_space<semaphore_mem>> -> memref<!tpu.dma_semaphore, #tpu.memory_space<semaphore_mem>>
      tpu.wait_indirect_dma semaphore(%dma_wait3A_503 : memref<!tpu.dma_semaphore, #tpu.memory_space<semaphore_mem>>) src(%dma_wait3A_501 : memref<800000x16xf32, #tpu.memory_space<hbm>>) dst(%dma_wait3A_495 : memref<128x16xf32, #tpu.memory_space<vmem>>)
      %sub3A_504 = arith.constant 1 : i32
      %sub3A_505 = arith.subi %select_n3A, %sub3A_504 : i32
      %lt3A_506 = arith.cmpi slt, %while3A_385, %sub3A_505 : i32
      %convert_element_type3A_507 = arith.extui %lt3A_506 : i1 to i32
      %cond3A_508 = arith.constant 0 : i32
      %cond3A_509 = arith.cmpi ne, %convert_element_type3A_507, %cond3A_508 : i32
      scf.if %cond3A_509 {
        %dma_start3A_624 = arith.constant 0 : i32
        %dma_start3A_625 = arith.constant 0 : i32
        %dma_start3A_626 = arith.constant 0 : i32
        %dma_start3A_627 = tpu.memref_slice %arg13[%sub3A_390, %dma_start3A_625, %dma_start3A_626] : memref<2x1024x16xf32, #tpu.memory_space<vmem>> -> memref<1x128x16xf32, #tpu.memory_space<vmem>>
        %dma_start3A_628 = tpu.memref_squeeze %dma_start3A_627 : memref<1x128x16xf32, #tpu.memory_space<vmem>> -> memref<128x16xf32, #tpu.memory_space<vmem>>
        %dma_start3A_629 = arith.constant 0 : i32
        %dma_start3A_630 = tpu.memref_slice %arg11[%sub3A_390, %dma_start3A_624, %dma_start3A_629] : memref<2x8x128xi32, #tpu.memory_space<vmem>> -> memref<1x1x128xi32, #tpu.memory_space<vmem>>
        %dma_start3A_631 = tpu.memref_squeeze %dma_start3A_630 : memref<1x1x128xi32, #tpu.memory_space<vmem>> -> memref<128xi32, #tpu.memory_space<vmem>>
        %dma_start3A_632 = arith.constant 0 : i32
        %dma_start3A_633 = arith.constant 0 : i32
        %dma_start3A_634 = tpu.memref_slice %arg2[%dma_start3A_632, %dma_start3A_633] : memref<800000x16xf32, #tpu.memory_space<hbm>> -> memref<800000x16xf32, #tpu.memory_space<hbm>>
        %dma_start3A_635 = tpu.memref_slice %arg16[%sub3A_390] : memref<2x!tpu.dma_semaphore, #tpu.memory_space<semaphore_mem>> -> memref<1x!tpu.dma_semaphore, #tpu.memory_space<semaphore_mem>>
        %dma_start3A_636 = tpu.memref_squeeze %dma_start3A_635 : memref<1x!tpu.dma_semaphore, #tpu.memory_space<semaphore_mem>> -> memref<!tpu.dma_semaphore, #tpu.memory_space<semaphore_mem>>
        tpu.enqueue_indirect_dma source(%dma_start3A_634 : memref<800000x16xf32, #tpu.memory_space<hbm>>) target(%dma_start3A_628 : memref<128x16xf32, #tpu.memory_space<vmem>>) offsets(%dma_start3A_631 : memref<128xi32, #tpu.memory_space<vmem>>) semaphore(%dma_start3A_636 : memref<!tpu.dma_semaphore, #tpu.memory_space<semaphore_mem>>)
        %dma_start3A_637 = arith.constant 1 : i32
        %dma_start3A_638 = arith.constant 128 : i32
        %dma_start3A_639 = arith.constant 0 : i32
        %dma_start3A_640 = tpu.memref_slice %arg13[%sub3A_390, %dma_start3A_638, %dma_start3A_639] : memref<2x1024x16xf32, #tpu.memory_space<vmem>> -> memref<1x128x16xf32, #tpu.memory_space<vmem>>
        %dma_start3A_641 = tpu.memref_squeeze %dma_start3A_640 : memref<1x128x16xf32, #tpu.memory_space<vmem>> -> memref<128x16xf32, #tpu.memory_space<vmem>>
        %dma_start3A_642 = arith.constant 0 : i32
        %dma_start3A_643 = tpu.memref_slice %arg11[%sub3A_390, %dma_start3A_637, %dma_start3A_642] : memref<2x8x128xi32, #tpu.memory_space<vmem>> -> memref<1x1x128xi32, #tpu.memory_space<vmem>>
        %dma_start3A_644 = tpu.memref_squeeze %dma_start3A_643 : memref<1x1x128xi32, #tpu.memory_space<vmem>> -> memref<128xi32, #tpu.memory_space<vmem>>
        %dma_start3A_645 = arith.constant 0 : i32
        %dma_start3A_646 = arith.constant 0 : i32
        %dma_start3A_647 = tpu.memref_slice %arg2[%dma_start3A_645, %dma_start3A_646] : memref<800000x16xf32, #tpu.memory_space<hbm>> -> memref<800000x16xf32, #tpu.memory_space<hbm>>
        %dma_start3A_648 = tpu.memref_slice %arg16[%sub3A_390] : memref<2x!tpu.dma_semaphore, #tpu.memory_space<semaphore_mem>> -> memref<1x!tpu.dma_semaphore, #tpu.memory_space<semaphore_mem>>
        %dma_start3A_649 = tpu.memref_squeeze %dma_start3A_648 : memref<1x!tpu.dma_semaphore, #tpu.memory_space<semaphore_mem>> -> memref<!tpu.dma_semaphore, #tpu.memory_space<semaphore_mem>>
        tpu.enqueue_indirect_dma source(%dma_start3A_647 : memref<800000x16xf32, #tpu.memory_space<hbm>>) target(%dma_start3A_641 : memref<128x16xf32, #tpu.memory_space<vmem>>) offsets(%dma_start3A_644 : memref<128xi32, #tpu.memory_space<vmem>>) semaphore(%dma_start3A_649 : memref<!tpu.dma_semaphore, #tpu.memory_space<semaphore_mem>>)
        %dma_start3A_650 = arith.constant 2 : i32
        %dma_start3A_651 = arith.constant 256 : i32
        %dma_start3A_652 = arith.constant 0 : i32
        %dma_start3A_653 = tpu.memref_slice %arg13[%sub3A_390, %dma_start3A_651, %dma_start3A_652] : memref<2x1024x16xf32, #tpu.memory_space<vmem>> -> memref<1x128x16xf32, #tpu.memory_space<vmem>>
        %dma_start3A_654 = tpu.memref_squeeze %dma_start3A_653 : memref<1x128x16xf32, #tpu.memory_space<vmem>> -> memref<128x16xf32, #tpu.memory_space<vmem>>
        %dma_start3A_655 = arith.constant 0 : i32
        %dma_start3A_656 = tpu.memref_slice %arg11[%sub3A_390, %dma_start3A_650, %dma_start3A_655] : memref<2x8x128xi32, #tpu.memory_space<vmem>> -> memref<1x1x128xi32, #tpu.memory_space<vmem>>
        %dma_start3A_657 = tpu.memref_squeeze %dma_start3A_656 : memref<1x1x128xi32, #tpu.memory_space<vmem>> -> memref<128xi32, #tpu.memory_space<vmem>>
        %dma_start3A_658 = arith.constant 0 : i32
        %dma_start3A_659 = arith.constant 0 : i32
        %dma_start3A_660 = tpu.memref_slice %arg2[%dma_start3A_658, %dma_start3A_659] : memref<800000x16xf32, #tpu.memory_space<hbm>> -> memref<800000x16xf32, #tpu.memory_space<hbm>>
        %dma_start3A_661 = tpu.memref_slice %arg16[%sub3A_390] : memref<2x!tpu.dma_semaphore, #tpu.memory_space<semaphore_mem>> -> memref<1x!tpu.dma_semaphore, #tpu.memory_space<semaphore_mem>>
        %dma_start3A_662 = tpu.memref_squeeze %dma_start3A_661 : memref<1x!tpu.dma_semaphore, #tpu.memory_space<semaphore_mem>> -> memref<!tpu.dma_semaphore, #tpu.memory_space<semaphore_mem>>
        tpu.enqueue_indirect_dma source(%dma_start3A_660 : memref<800000x16xf32, #tpu.memory_space<hbm>>) target(%dma_start3A_654 : memref<128x16xf32, #tpu.memory_space<vmem>>) offsets(%dma_start3A_657 : memref<128xi32, #tpu.memory_space<vmem>>) semaphore(%dma_start3A_662 : memref<!tpu.dma_semaphore, #tpu.memory_space<semaphore_mem>>)
        %dma_start3A_663 = arith.constant 3 : i32
        %dma_start3A_664 = arith.constant 384 : i32
        %dma_start3A_665 = arith.constant 0 : i32
        %dma_start3A_666 = tpu.memref_slice %arg13[%sub3A_390, %dma_start3A_664, %dma_start3A_665] : memref<2x1024x16xf32, #tpu.memory_space<vmem>> -> memref<1x128x16xf32, #tpu.memory_space<vmem>>
        %dma_start3A_667 = tpu.memref_squeeze %dma_start3A_666 : memref<1x128x16xf32, #tpu.memory_space<vmem>> -> memref<128x16xf32, #tpu.memory_space<vmem>>
        %dma_start3A_668 = arith.constant 0 : i32
        %dma_start3A_669 = tpu.memref_slice %arg11[%sub3A_390, %dma_start3A_663, %dma_start3A_668] : memref<2x8x128xi32, #tpu.memory_space<vmem>> -> memref<1x1x128xi32, #tpu.memory_space<vmem>>
        %dma_start3A_670 = tpu.memref_squeeze %dma_start3A_669 : memref<1x1x128xi32, #tpu.memory_space<vmem>> -> memref<128xi32, #tpu.memory_space<vmem>>
        %dma_start3A_671 = arith.constant 0 : i32
        %dma_start3A_672 = arith.constant 0 : i32
        %dma_start3A_673 = tpu.memref_slice %arg2[%dma_start3A_671, %dma_start3A_672] : memref<800000x16xf32, #tpu.memory_space<hbm>> -> memref<800000x16xf32, #tpu.memory_space<hbm>>
        %dma_start3A_674 = tpu.memref_slice %arg16[%sub3A_390] : memref<2x!tpu.dma_semaphore, #tpu.memory_space<semaphore_mem>> -> memref<1x!tpu.dma_semaphore, #tpu.memory_space<semaphore_mem>>
        %dma_start3A_675 = tpu.memref_squeeze %dma_start3A_674 : memref<1x!tpu.dma_semaphore, #tpu.memory_space<semaphore_mem>> -> memref<!tpu.dma_semaphore, #tpu.memory_space<semaphore_mem>>
        tpu.enqueue_indirect_dma source(%dma_start3A_673 : memref<800000x16xf32, #tpu.memory_space<hbm>>) target(%dma_start3A_667 : memref<128x16xf32, #tpu.memory_space<vmem>>) offsets(%dma_start3A_670 : memref<128xi32, #tpu.memory_space<vmem>>) semaphore(%dma_start3A_675 : memref<!tpu.dma_semaphore, #tpu.memory_space<semaphore_mem>>)
        %dma_start3A_676 = arith.constant 4 : i32
        %dma_start3A_677 = arith.constant 512 : i32
        %dma_start3A_678 = arith.constant 0 : i32
        %dma_start3A_679 = tpu.memref_slice %arg13[%sub3A_390, %dma_start3A_677, %dma_start3A_678] : memref<2x1024x16xf32, #tpu.memory_space<vmem>> -> memref<1x128x16xf32, #tpu.memory_space<vmem>>
        %dma_start3A_680 = tpu.memref_squeeze %dma_start3A_679 : memref<1x128x16xf32, #tpu.memory_space<vmem>> -> memref<128x16xf32, #tpu.memory_space<vmem>>
        %dma_start3A_681 = arith.constant 0 : i32
        %dma_start3A_682 = tpu.memref_slice %arg11[%sub3A_390, %dma_start3A_676, %dma_start3A_681] : memref<2x8x128xi32, #tpu.memory_space<vmem>> -> memref<1x1x128xi32, #tpu.memory_space<vmem>>
        %dma_start3A_683 = tpu.memref_squeeze %dma_start3A_682 : memref<1x1x128xi32, #tpu.memory_space<vmem>> -> memref<128xi32, #tpu.memory_space<vmem>>
        %dma_start3A_684 = arith.constant 0 : i32
        %dma_start3A_685 = arith.constant 0 : i32
        %dma_start3A_686 = tpu.memref_slice %arg2[%dma_start3A_684, %dma_start3A_685] : memref<800000x16xf32, #tpu.memory_space<hbm>> -> memref<800000x16xf32, #tpu.memory_space<hbm>>
        %dma_start3A_687 = tpu.memref_slice %arg16[%sub3A_390] : memref<2x!tpu.dma_semaphore, #tpu.memory_space<semaphore_mem>> -> memref<1x!tpu.dma_semaphore, #tpu.memory_space<semaphore_mem>>
        %dma_start3A_688 = tpu.memref_squeeze %dma_start3A_687 : memref<1x!tpu.dma_semaphore, #tpu.memory_space<semaphore_mem>> -> memref<!tpu.dma_semaphore, #tpu.memory_space<semaphore_mem>>
        tpu.enqueue_indirect_dma source(%dma_start3A_686 : memref<800000x16xf32, #tpu.memory_space<hbm>>) target(%dma_start3A_680 : memref<128x16xf32, #tpu.memory_space<vmem>>) offsets(%dma_start3A_683 : memref<128xi32, #tpu.memory_space<vmem>>) semaphore(%dma_start3A_688 : memref<!tpu.dma_semaphore, #tpu.memory_space<semaphore_mem>>)
        %dma_start3A_689 = arith.constant 5 : i32
        %dma_start3A_690 = arith.constant 640 : i32
        %dma_start3A_691 = arith.constant 0 : i32
        %dma_start3A_692 = tpu.memref_slice %arg13[%sub3A_390, %dma_start3A_690, %dma_start3A_691] : memref<2x1024x16xf32, #tpu.memory_space<vmem>> -> memref<1x128x16xf32, #tpu.memory_space<vmem>>
        %dma_start3A_693 = tpu.memref_squeeze %dma_start3A_692 : memref<1x128x16xf32, #tpu.memory_space<vmem>> -> memref<128x16xf32, #tpu.memory_space<vmem>>
        %dma_start3A_694 = arith.constant 0 : i32
        %dma_start3A_695 = tpu.memref_slice %arg11[%sub3A_390, %dma_start3A_689, %dma_start3A_694] : memref<2x8x128xi32, #tpu.memory_space<vmem>> -> memref<1x1x128xi32, #tpu.memory_space<vmem>>
        %dma_start3A_696 = tpu.memref_squeeze %dma_start3A_695 : memref<1x1x128xi32, #tpu.memory_space<vmem>> -> memref<128xi32, #tpu.memory_space<vmem>>
        %dma_start3A_697 = arith.constant 0 : i32
        %dma_start3A_698 = arith.constant 0 : i32
        %dma_start3A_699 = tpu.memref_slice %arg2[%dma_start3A_697, %dma_start3A_698] : memref<800000x16xf32, #tpu.memory_space<hbm>> -> memref<800000x16xf32, #tpu.memory_space<hbm>>
        %dma_start3A_700 = tpu.memref_slice %arg16[%sub3A_390] : memref<2x!tpu.dma_semaphore, #tpu.memory_space<semaphore_mem>> -> memref<1x!tpu.dma_semaphore, #tpu.memory_space<semaphore_mem>>
        %dma_start3A_701 = tpu.memref_squeeze %dma_start3A_700 : memref<1x!tpu.dma_semaphore, #tpu.memory_space<semaphore_mem>> -> memref<!tpu.dma_semaphore, #tpu.memory_space<semaphore_mem>>
        tpu.enqueue_indirect_dma source(%dma_start3A_699 : memref<800000x16xf32, #tpu.memory_space<hbm>>) target(%dma_start3A_693 : memref<128x16xf32, #tpu.memory_space<vmem>>) offsets(%dma_start3A_696 : memref<128xi32, #tpu.memory_space<vmem>>) semaphore(%dma_start3A_701 : memref<!tpu.dma_semaphore, #tpu.memory_space<semaphore_mem>>)
        %dma_start3A_702 = arith.constant 6 : i32
        %dma_start3A_703 = arith.constant 768 : i32
        %dma_start3A_704 = arith.constant 0 : i32
        %dma_start3A_705 = tpu.memref_slice %arg13[%sub3A_390, %dma_start3A_703, %dma_start3A_704] : memref<2x1024x16xf32, #tpu.memory_space<vmem>> -> memref<1x128x16xf32, #tpu.memory_space<vmem>>
        %dma_start3A_706 = tpu.memref_squeeze %dma_start3A_705 : memref<1x128x16xf32, #tpu.memory_space<vmem>> -> memref<128x16xf32, #tpu.memory_space<vmem>>
        %dma_start3A_707 = arith.constant 0 : i32
        %dma_start3A_708 = tpu.memref_slice %arg11[%sub3A_390, %dma_start3A_702, %dma_start3A_707] : memref<2x8x128xi32, #tpu.memory_space<vmem>> -> memref<1x1x128xi32, #tpu.memory_space<vmem>>
        %dma_start3A_709 = tpu.memref_squeeze %dma_start3A_708 : memref<1x1x128xi32, #tpu.memory_space<vmem>> -> memref<128xi32, #tpu.memory_space<vmem>>
        %dma_start3A_710 = arith.constant 0 : i32
        %dma_start3A_711 = arith.constant 0 : i32
        %dma_start3A_712 = tpu.memref_slice %arg2[%dma_start3A_710, %dma_start3A_711] : memref<800000x16xf32, #tpu.memory_space<hbm>> -> memref<800000x16xf32, #tpu.memory_space<hbm>>
        %dma_start3A_713 = tpu.memref_slice %arg16[%sub3A_390] : memref<2x!tpu.dma_semaphore, #tpu.memory_space<semaphore_mem>> -> memref<1x!tpu.dma_semaphore, #tpu.memory_space<semaphore_mem>>
        %dma_start3A_714 = tpu.memref_squeeze %dma_start3A_713 : memref<1x!tpu.dma_semaphore, #tpu.memory_space<semaphore_mem>> -> memref<!tpu.dma_semaphore, #tpu.memory_space<semaphore_mem>>
        tpu.enqueue_indirect_dma source(%dma_start3A_712 : memref<800000x16xf32, #tpu.memory_space<hbm>>) target(%dma_start3A_706 : memref<128x16xf32, #tpu.memory_space<vmem>>) offsets(%dma_start3A_709 : memref<128xi32, #tpu.memory_space<vmem>>) semaphore(%dma_start3A_714 : memref<!tpu.dma_semaphore, #tpu.memory_space<semaphore_mem>>)
        %dma_start3A_715 = arith.constant 7 : i32
        %dma_start3A_716 = arith.constant 896 : i32
        %dma_start3A_717 = arith.constant 0 : i32
        %dma_start3A_718 = tpu.memref_slice %arg13[%sub3A_390, %dma_start3A_716, %dma_start3A_717] : memref<2x1024x16xf32, #tpu.memory_space<vmem>> -> memref<1x128x16xf32, #tpu.memory_space<vmem>>
        %dma_start3A_719 = tpu.memref_squeeze %dma_start3A_718 : memref<1x128x16xf32, #tpu.memory_space<vmem>> -> memref<128x16xf32, #tpu.memory_space<vmem>>
        %dma_start3A_720 = arith.constant 0 : i32
        %dma_start3A_721 = tpu.memref_slice %arg11[%sub3A_390, %dma_start3A_715, %dma_start3A_720] : memref<2x8x128xi32, #tpu.memory_space<vmem>> -> memref<1x1x128xi32, #tpu.memory_space<vmem>>
        %dma_start3A_722 = tpu.memref_squeeze %dma_start3A_721 : memref<1x1x128xi32, #tpu.memory_space<vmem>> -> memref<128xi32, #tpu.memory_space<vmem>>
        %dma_start3A_723 = arith.constant 0 : i32
        %dma_start3A_724 = arith.constant 0 : i32
        %dma_start3A_725 = tpu.memref_slice %arg2[%dma_start3A_723, %dma_start3A_724] : memref<800000x16xf32, #tpu.memory_space<hbm>> -> memref<800000x16xf32, #tpu.memory_space<hbm>>
        %dma_start3A_726 = tpu.memref_slice %arg16[%sub3A_390] : memref<2x!tpu.dma_semaphore, #tpu.memory_space<semaphore_mem>> -> memref<1x!tpu.dma_semaphore, #tpu.memory_space<semaphore_mem>>
        %dma_start3A_727 = tpu.memref_squeeze %dma_start3A_726 : memref<1x!tpu.dma_semaphore, #tpu.memory_space<semaphore_mem>> -> memref<!tpu.dma_semaphore, #tpu.memory_space<semaphore_mem>>
        tpu.enqueue_indirect_dma source(%dma_start3A_725 : memref<800000x16xf32, #tpu.memory_space<hbm>>) target(%dma_start3A_719 : memref<128x16xf32, #tpu.memory_space<vmem>>) offsets(%dma_start3A_722 : memref<128xi32, #tpu.memory_space<vmem>>) semaphore(%dma_start3A_727 : memref<!tpu.dma_semaphore, #tpu.memory_space<semaphore_mem>>)
      } else {
      }
      %parallel_loop3A_510 = arith.constant 0 : i32
      %parallel_loop3A_511 = arith.constant 64 : i32
      %parallel_loop3A_512 = arith.constant 1 : i32
      scf.for %parallel_loop3A_624 = %parallel_loop3A_510 to %parallel_loop3A_511 step %parallel_loop3A_512  : i32 {
        %parallel_loop3A_625 = arith.constant 16 : i32
        %parallel_loop3A_626 = arith.muli %parallel_loop3A_624, %parallel_loop3A_625 : i32
        %parallel_loop3A_627 = arith.index_cast %rem3A_388 : i32 to index
        %parallel_loop3A_628 = arith.index_cast %parallel_loop3A_626 : i32 to index
        %parallel_loop3A_629 = tpu.vector_load %arg10[%parallel_loop3A_627, %parallel_loop3A_628] {strides = array<i32>} : memref<2x1024xf32, #tpu.memory_space<vmem>>, vector<16xf32>,
        %parallel_loop3A_630 = arith.constant 16 : i32
        %parallel_loop3A_631 = arith.muli %parallel_loop3A_624, %parallel_loop3A_630 : i32
        %parallel_loop3A_632 = arith.constant 0 : i32
        %parallel_loop3A_633 = arith.addi %parallel_loop3A_631, %parallel_loop3A_632 : i32
        %parallel_loop3A_634 = arith.constant 0 : i32
        %parallel_loop3A_635 = arith.muli %parallel_loop3A_624, %parallel_loop3A_634 : i32
        %parallel_loop3A_636 = arith.constant 0 : i32
        %parallel_loop3A_637 = arith.addi %parallel_loop3A_635, %parallel_loop3A_636 : i32
        %parallel_loop3A_638 = vector.broadcast %parallel_loop3A_637 : i32 to vector<16xi32>
        %parallel_loop3A_639 = arith.constant 0 : i32
        %parallel_loop3A_640 = vector.broadcast %parallel_loop3A_639 : i32 to vector<16xi32>
        %parallel_loop3A_641 = arith.cmpi slt, %parallel_loop3A_638, %parallel_loop3A_640 : vector<16xi32>
        %parallel_loop3A_642 = arith.constant 16 : i32
        %parallel_loop3A_643 = vector.broadcast %parallel_loop3A_642 : i32 to vector<16xi32>
        %parallel_loop3A_644 = arith.addi %parallel_loop3A_638, %parallel_loop3A_643 : vector<16xi32>
        %parallel_loop3A_645 = arith.select %parallel_loop3A_641, %parallel_loop3A_644, %parallel_loop3A_638 : vector<16xi1>, vector<16xi32>
        %parallel_loop3A_646 = vector.shape_cast %parallel_loop3A_645 : vector<16xi32> to vector<16x1xi32>
        %parallel_loop3A_647 = vector.shape_cast %parallel_loop3A_646 : vector<16x1xi32> to vector<16xi32>
        %parallel_loop3A_648 = tpu.dynamic_gather %parallel_loop3A_629[%parallel_loop3A_647] in [0] : vector<16xf32>, vector<16xi32> -> vector<16xf32>
        %parallel_loop3A_649 = arith.index_cast %rem3A_388 : i32 to index
        %parallel_loop3A_650 = arith.index_cast %parallel_loop3A_633 : i32 to index
        %parallel_loop3A_651 = arith.constant 0 : index
        %parallel_loop3A_652 = tpu.vector_load %arg13[%parallel_loop3A_649, %parallel_loop3A_650, %parallel_loop3A_651] {strides = array<i32>} : memref<2x1024x16xf32, #tpu.memory_space<vmem>>, vector<16xf32>,
        %parallel_loop3A_653 = arith.mulf %parallel_loop3A_652, %parallel_loop3A_648 : vector<16xf32>
        %parallel_loop3A_654 = arith.index_cast %rem3A_388 : i32 to index
        %parallel_loop3A_655 = arith.index_cast %parallel_loop3A_633 : i32 to index
        %parallel_loop3A_656 = arith.constant 0 : index
        %parallel_loop3A_657 = tpu.vector_load %arg13[%parallel_loop3A_654, %parallel_loop3A_655, %parallel_loop3A_656] {strides = array<i32>} : memref<2x1024x16xf32, #tpu.memory_space<vmem>>, vector<16xf32>,
        tpu.vector_store %arg13[%parallel_loop3A_654, %parallel_loop3A_655, %parallel_loop3A_656], %parallel_loop3A_653 {strides = array<i32>} : memref<2x1024x16xf32, #tpu.memory_space<vmem>>, vector<16xf32>,
        %parallel_loop3A_658 = arith.constant 16 : i32
        %parallel_loop3A_659 = arith.muli %parallel_loop3A_624, %parallel_loop3A_658 : i32
        %parallel_loop3A_660 = arith.constant 1 : i32
        %parallel_loop3A_661 = arith.addi %parallel_loop3A_659, %parallel_loop3A_660 : i32
        %parallel_loop3A_662 = arith.constant 0 : i32
        %parallel_loop3A_663 = arith.muli %parallel_loop3A_624, %parallel_loop3A_662 : i32
        %parallel_loop3A_664 = arith.constant 1 : i32
        %parallel_loop3A_665 = arith.addi %parallel_loop3A_663, %parallel_loop3A_664 : i32
        %parallel_loop3A_666 = vector.broadcast %parallel_loop3A_665 : i32 to vector<16xi32>
        %parallel_loop3A_667 = arith.constant 0 : i32
        %parallel_loop3A_668 = vector.broadcast %parallel_loop3A_667 : i32 to vector<16xi32>
        %parallel_loop3A_669 = arith.cmpi slt, %parallel_loop3A_666, %parallel_loop3A_668 : vector<16xi32>
        %parallel_loop3A_670 = arith.constant 16 : i32
        %parallel_loop3A_671 = vector.broadcast %parallel_loop3A_670 : i32 to vector<16xi32>
        %parallel_loop3A_672 = arith.addi %parallel_loop3A_666, %parallel_loop3A_671 : vector<16xi32>
        %parallel_loop3A_673 = arith.select %parallel_loop3A_669, %parallel_loop3A_672, %parallel_loop3A_666 : vector<16xi1>, vector<16xi32>
        %parallel_loop3A_674 = vector.shape_cast %parallel_loop3A_673 : vector<16xi32> to vector<16x1xi32>
        %parallel_loop3A_675 = vector.shape_cast %parallel_loop3A_674 : vector<16x1xi32> to vector<16xi32>
        %parallel_loop3A_676 = tpu.dynamic_gather %parallel_loop3A_629[%parallel_loop3A_675] in [0] : vector<16xf32>, vector<16xi32> -> vector<16xf32>
        %parallel_loop3A_677 = arith.index_cast %rem3A_388 : i32 to index
        %parallel_loop3A_678 = arith.index_cast %parallel_loop3A_661 : i32 to index
        %parallel_loop3A_679 = arith.constant 0 : index
        %parallel_loop3A_680 = tpu.vector_load %arg13[%parallel_loop3A_677, %parallel_loop3A_678, %parallel_loop3A_679] {strides = array<i32>} : memref<2x1024x16xf32, #tpu.memory_space<vmem>>, vector<16xf32>,
        %parallel_loop3A_681 = arith.mulf %parallel_loop3A_680, %parallel_loop3A_676 : vector<16xf32>
        %parallel_loop3A_682 = arith.index_cast %rem3A_388 : i32 to index
        %parallel_loop3A_683 = arith.index_cast %parallel_loop3A_661 : i32 to index
        %parallel_loop3A_684 = arith.constant 0 : index
        %parallel_loop3A_685 = tpu.vector_load %arg13[%parallel_loop3A_682, %parallel_loop3A_683, %parallel_loop3A_684] {strides = array<i32>} : memref<2x1024x16xf32, #tpu.memory_space<vmem>>, vector<16xf32>,
        tpu.vector_store %arg13[%parallel_loop3A_682, %parallel_loop3A_683, %parallel_loop3A_684], %parallel_loop3A_681 {strides = array<i32>} : memref<2x1024x16xf32, #tpu.memory_space<vmem>>, vector<16xf32>,
        %parallel_loop3A_686 = arith.constant 16 : i32
        %parallel_loop3A_687 = arith.muli %parallel_loop3A_624, %parallel_loop3A_686 : i32
        %parallel_loop3A_688 = arith.constant 2 : i32
        %parallel_loop3A_689 = arith.addi %parallel_loop3A_687, %parallel_loop3A_688 : i32
        %parallel_loop3A_690 = arith.constant 0 : i32
        %parallel_loop3A_691 = arith.muli %parallel_loop3A_624, %parallel_loop3A_690 : i32
        %parallel_loop3A_692 = arith.constant 2 : i32
        %parallel_loop3A_693 = arith.addi %parallel_loop3A_691, %parallel_loop3A_692 : i32
        %parallel_loop3A_694 = vector.broadcast %parallel_loop3A_693 : i32 to vector<16xi32>
        %parallel_loop3A_695 = arith.constant 0 : i32
        %parallel_loop3A_696 = vector.broadcast %parallel_loop3A_695 : i32 to vector<16xi32>
        %parallel_loop3A_697 = arith.cmpi slt, %parallel_loop3A_694, %parallel_loop3A_696 : vector<16xi32>
        %parallel_loop3A_698 = arith.constant 16 : i32
        %parallel_loop3A_699 = vector.broadcast %parallel_loop3A_698 : i32 to vector<16xi32>
        %parallel_loop3A_700 = arith.addi %parallel_loop3A_694, %parallel_loop3A_699 : vector<16xi32>
        %parallel_loop3A_701 = arith.select %parallel_loop3A_697, %parallel_loop3A_700, %parallel_loop3A_694 : vector<16xi1>, vector<16xi32>
        %parallel_loop3A_702 = vector.shape_cast %parallel_loop3A_701 : vector<16xi32> to vector<16x1xi32>
        %parallel_loop3A_703 = vector.shape_cast %parallel_loop3A_702 : vector<16x1xi32> to vector<16xi32>
        %parallel_loop3A_704 = tpu.dynamic_gather %parallel_loop3A_629[%parallel_loop3A_703] in [0] : vector<16xf32>, vector<16xi32> -> vector<16xf32>
        %parallel_loop3A_705 = arith.index_cast %rem3A_388 : i32 to index
        %parallel_loop3A_706 = arith.index_cast %parallel_loop3A_689 : i32 to index
        %parallel_loop3A_707 = arith.constant 0 : index
        %parallel_loop3A_708 = tpu.vector_load %arg13[%parallel_loop3A_705, %parallel_loop3A_706, %parallel_loop3A_707] {strides = array<i32>} : memref<2x1024x16xf32, #tpu.memory_space<vmem>>, vector<16xf32>,
        %parallel_loop3A_709 = arith.mulf %parallel_loop3A_708, %parallel_loop3A_704 : vector<16xf32>
        %parallel_loop3A_710 = arith.index_cast %rem3A_388 : i32 to index
        %parallel_loop3A_711 = arith.index_cast %parallel_loop3A_689 : i32 to index
        %parallel_loop3A_712 = arith.constant 0 : index
        %parallel_loop3A_713 = tpu.vector_load %arg13[%parallel_loop3A_710, %parallel_loop3A_711, %parallel_loop3A_712] {strides = array<i32>} : memref<2x1024x16xf32, #tpu.memory_space<vmem>>, vector<16xf32>,
        tpu.vector_store %arg13[%parallel_loop3A_710, %parallel_loop3A_711, %parallel_loop3A_712], %parallel_loop3A_709 {strides = array<i32>} : memref<2x1024x16xf32, #tpu.memory_space<vmem>>, vector<16xf32>,
        %parallel_loop3A_714 = arith.constant 16 : i32
        %parallel_loop3A_715 = arith.muli %parallel_loop3A_624, %parallel_loop3A_714 : i32
        %parallel_loop3A_716 = arith.constant 3 : i32
        %parallel_loop3A_717 = arith.addi %parallel_loop3A_715, %parallel_loop3A_716 : i32
        %parallel_loop3A_718 = arith.constant 0 : i32
        %parallel_loop3A_719 = arith.muli %parallel_loop3A_624, %parallel_loop3A_718 : i32
        %parallel_loop3A_720 = arith.constant 3 : i32
        %parallel_loop3A_721 = arith.addi %parallel_loop3A_719, %parallel_loop3A_720 : i32
        %parallel_loop3A_722 = vector.broadcast %parallel_loop3A_721 : i32 to vector<16xi32>
        %parallel_loop3A_723 = arith.constant 0 : i32
        %parallel_loop3A_724 = vector.broadcast %parallel_loop3A_723 : i32 to vector<16xi32>
        %parallel_loop3A_725 = arith.cmpi slt, %parallel_loop3A_722, %parallel_loop3A_724 : vector<16xi32>
        %parallel_loop3A_726 = arith.constant 16 : i32
        %parallel_loop3A_727 = vector.broadcast %parallel_loop3A_726 : i32 to vector<16xi32>
        %parallel_loop3A_728 = arith.addi %parallel_loop3A_722, %parallel_loop3A_727 : vector<16xi32>
        %parallel_loop3A_729 = arith.select %parallel_loop3A_725, %parallel_loop3A_728, %parallel_loop3A_722 : vector<16xi1>, vector<16xi32>
        %parallel_loop3A_730 = vector.shape_cast %parallel_loop3A_729 : vector<16xi32> to vector<16x1xi32>
        %parallel_loop3A_731 = vector.shape_cast %parallel_loop3A_730 : vector<16x1xi32> to vector<16xi32>
        %parallel_loop3A_732 = tpu.dynamic_gather %parallel_loop3A_629[%parallel_loop3A_731] in [0] : vector<16xf32>, vector<16xi32> -> vector<16xf32>
        %parallel_loop3A_733 = arith.index_cast %rem3A_388 : i32 to index
        %parallel_loop3A_734 = arith.index_cast %parallel_loop3A_717 : i32 to index
        %parallel_loop3A_735 = arith.constant 0 : index
        %parallel_loop3A_736 = tpu.vector_load %arg13[%parallel_loop3A_733, %parallel_loop3A_734, %parallel_loop3A_735] {strides = array<i32>} : memref<2x1024x16xf32, #tpu.memory_space<vmem>>, vector<16xf32>,
        %parallel_loop3A_737 = arith.mulf %parallel_loop3A_736, %parallel_loop3A_732 : vector<16xf32>
        %parallel_loop3A_738 = arith.index_cast %rem3A_388 : i32 to index
        %parallel_loop3A_739 = arith.index_cast %parallel_loop3A_717 : i32 to index
        %parallel_loop3A_740 = arith.constant 0 : index
        %parallel_loop3A_741 = tpu.vector_load %arg13[%parallel_loop3A_738, %parallel_loop3A_739, %parallel_loop3A_740] {strides = array<i32>} : memref<2x1024x16xf32, #tpu.memory_space<vmem>>, vector<16xf32>,
        tpu.vector_store %arg13[%parallel_loop3A_738, %parallel_loop3A_739, %parallel_loop3A_740], %parallel_loop3A_737 {strides = array<i32>} : memref<2x1024x16xf32, #tpu.memory_space<vmem>>, vector<16xf32>,
        %parallel_loop3A_742 = arith.constant 16 : i32
        %parallel_loop3A_743 = arith.muli %parallel_loop3A_624, %parallel_loop3A_742 : i32
        %parallel_loop3A_744 = arith.constant 4 : i32
        %parallel_loop3A_745 = arith.addi %parallel_loop3A_743, %parallel_loop3A_744 : i32
        %parallel_loop3A_746 = arith.constant 0 : i32
        %parallel_loop3A_747 = arith.muli %parallel_loop3A_624, %parallel_loop3A_746 : i32
        %parallel_loop3A_748 = arith.constant 4 : i32
        %parallel_loop3A_749 = arith.addi %parallel_loop3A_747, %parallel_loop3A_748 : i32
        %parallel_loop3A_750 = vector.broadcast %parallel_loop3A_749 : i32 to vector<16xi32>
        %parallel_loop3A_751 = arith.constant 0 : i32
        %parallel_loop3A_752 = vector.broadcast %parallel_loop3A_751 : i32 to vector<16xi32>
        %parallel_loop3A_753 = arith.cmpi slt, %parallel_loop3A_750, %parallel_loop3A_752 : vector<16xi32>
        %parallel_loop3A_754 = arith.constant 16 : i32
        %parallel_loop3A_755 = vector.broadcast %parallel_loop3A_754 : i32 to vector<16xi32>
        %parallel_loop3A_756 = arith.addi %parallel_loop3A_750, %parallel_loop3A_755 : vector<16xi32>
        %parallel_loop3A_757 = arith.select %parallel_loop3A_753, %parallel_loop3A_756, %parallel_loop3A_750 : vector<16xi1>, vector<16xi32>
        %parallel_loop3A_758 = vector.shape_cast %parallel_loop3A_757 : vector<16xi32> to vector<16x1xi32>
        %parallel_loop3A_759 = vector.shape_cast %parallel_loop3A_758 : vector<16x1xi32> to vector<16xi32>
        %parallel_loop3A_760 = tpu.dynamic_gather %parallel_loop3A_629[%parallel_loop3A_759] in [0] : vector<16xf32>, vector<16xi32> -> vector<16xf32>
        %parallel_loop3A_761 = arith.index_cast %rem3A_388 : i32 to index
        %parallel_loop3A_762 = arith.index_cast %parallel_loop3A_745 : i32 to index
        %parallel_loop3A_763 = arith.constant 0 : index
        %parallel_loop3A_764 = tpu.vector_load %arg13[%parallel_loop3A_761, %parallel_loop3A_762, %parallel_loop3A_763] {strides = array<i32>} : memref<2x1024x16xf32, #tpu.memory_space<vmem>>, vector<16xf32>,
        %parallel_loop3A_765 = arith.mulf %parallel_loop3A_764, %parallel_loop3A_760 : vector<16xf32>
        %parallel_loop3A_766 = arith.index_cast %rem3A_388 : i32 to index
        %parallel_loop3A_767 = arith.index_cast %parallel_loop3A_745 : i32 to index
        %parallel_loop3A_768 = arith.constant 0 : index
        %parallel_loop3A_769 = tpu.vector_load %arg13[%parallel_loop3A_766, %parallel_loop3A_767, %parallel_loop3A_768] {strides = array<i32>} : memref<2x1024x16xf32, #tpu.memory_space<vmem>>, vector<16xf32>,
        tpu.vector_store %arg13[%parallel_loop3A_766, %parallel_loop3A_767, %parallel_loop3A_768], %parallel_loop3A_765 {strides = array<i32>} : memref<2x1024x16xf32, #tpu.memory_space<vmem>>, vector<16xf32>,
        %parallel_loop3A_770 = arith.constant 16 : i32
        %parallel_loop3A_771 = arith.muli %parallel_loop3A_624, %parallel_loop3A_770 : i32
        %parallel_loop3A_772 = arith.constant 5 : i32
        %parallel_loop3A_773 = arith.addi %parallel_loop3A_771, %parallel_loop3A_772 : i32
        %parallel_loop3A_774 = arith.constant 0 : i32
        %parallel_loop3A_775 = arith.muli %parallel_loop3A_624, %parallel_loop3A_774 : i32
        %parallel_loop3A_776 = arith.constant 5 : i32
        %parallel_loop3A_777 = arith.addi %parallel_loop3A_775, %parallel_loop3A_776 : i32
        %parallel_loop3A_778 = vector.broadcast %parallel_loop3A_777 : i32 to vector<16xi32>
        %parallel_loop3A_779 = arith.constant 0 : i32
        %parallel_loop3A_780 = vector.broadcast %parallel_loop3A_779 : i32 to vector<16xi32>
        %parallel_loop3A_781 = arith.cmpi slt, %parallel_loop3A_778, %parallel_loop3A_780 : vector<16xi32>
        %parallel_loop3A_782 = arith.constant 16 : i32
        %parallel_loop3A_783 = vector.broadcast %parallel_loop3A_782 : i32 to vector<16xi32>
        %parallel_loop3A_784 = arith.addi %parallel_loop3A_778, %parallel_loop3A_783 : vector<16xi32>
        %parallel_loop3A_785 = arith.select %parallel_loop3A_781, %parallel_loop3A_784, %parallel_loop3A_778 : vector<16xi1>, vector<16xi32>
        %parallel_loop3A_786 = vector.shape_cast %parallel_loop3A_785 : vector<16xi32> to vector<16x1xi32>
        %parallel_loop3A_787 = vector.shape_cast %parallel_loop3A_786 : vector<16x1xi32> to vector<16xi32>
        %parallel_loop3A_788 = tpu.dynamic_gather %parallel_loop3A_629[%parallel_loop3A_787] in [0] : vector<16xf32>, vector<16xi32> -> vector<16xf32>
        %parallel_loop3A_789 = arith.index_cast %rem3A_388 : i32 to index
        %parallel_loop3A_790 = arith.index_cast %parallel_loop3A_773 : i32 to index
        %parallel_loop3A_791 = arith.constant 0 : index
        %parallel_loop3A_792 = tpu.vector_load %arg13[%parallel_loop3A_789, %parallel_loop3A_790, %parallel_loop3A_791] {strides = array<i32>} : memref<2x1024x16xf32, #tpu.memory_space<vmem>>, vector<16xf32>,
        %parallel_loop3A_793 = arith.mulf %parallel_loop3A_792, %parallel_loop3A_788 : vector<16xf32>
        %parallel_loop3A_794 = arith.index_cast %rem3A_388 : i32 to index
        %parallel_loop3A_795 = arith.index_cast %parallel_loop3A_773 : i32 to index
        %parallel_loop3A_796 = arith.constant 0 : index
        %parallel_loop3A_797 = tpu.vector_load %arg13[%parallel_loop3A_794, %parallel_loop3A_795, %parallel_loop3A_796] {strides = array<i32>} : memref<2x1024x16xf32, #tpu.memory_space<vmem>>, vector<16xf32>,
        tpu.vector_store %arg13[%parallel_loop3A_794, %parallel_loop3A_795, %parallel_loop3A_796], %parallel_loop3A_793 {strides = array<i32>} : memref<2x1024x16xf32, #tpu.memory_space<vmem>>, vector<16xf32>,
        %parallel_loop3A_798 = arith.constant 16 : i32
        %parallel_loop3A_799 = arith.muli %parallel_loop3A_624, %parallel_loop3A_798 : i32
        %parallel_loop3A_800 = arith.constant 6 : i32
        %parallel_loop3A_801 = arith.addi %parallel_loop3A_799, %parallel_loop3A_800 : i32
        %parallel_loop3A_802 = arith.constant 0 : i32
        %parallel_loop3A_803 = arith.muli %parallel_loop3A_624, %parallel_loop3A_802 : i32
        %parallel_loop3A_804 = arith.constant 6 : i32
        %parallel_loop3A_805 = arith.addi %parallel_loop3A_803, %parallel_loop3A_804 : i32
        %parallel_loop3A_806 = vector.broadcast %parallel_loop3A_805 : i32 to vector<16xi32>
        %parallel_loop3A_807 = arith.constant 0 : i32
        %parallel_loop3A_808 = vector.broadcast %parallel_loop3A_807 : i32 to vector<16xi32>
        %parallel_loop3A_809 = arith.cmpi slt, %parallel_loop3A_806, %parallel_loop3A_808 : vector<16xi32>
        %parallel_loop3A_810 = arith.constant 16 : i32
        %parallel_loop3A_811 = vector.broadcast %parallel_loop3A_810 : i32 to vector<16xi32>
        %parallel_loop3A_812 = arith.addi %parallel_loop3A_806, %parallel_loop3A_811 : vector<16xi32>
        %parallel_loop3A_813 = arith.select %parallel_loop3A_809, %parallel_loop3A_812, %parallel_loop3A_806 : vector<16xi1>, vector<16xi32>
        %parallel_loop3A_814 = vector.shape_cast %parallel_loop3A_813 : vector<16xi32> to vector<16x1xi32>
        %parallel_loop3A_815 = vector.shape_cast %parallel_loop3A_814 : vector<16x1xi32> to vector<16xi32>
        %parallel_loop3A_816 = tpu.dynamic_gather %parallel_loop3A_629[%parallel_loop3A_815] in [0] : vector<16xf32>, vector<16xi32> -> vector<16xf32>
        %parallel_loop3A_817 = arith.index_cast %rem3A_388 : i32 to index
        %parallel_loop3A_818 = arith.index_cast %parallel_loop3A_801 : i32 to index
        %parallel_loop3A_819 = arith.constant 0 : index
        %parallel_loop3A_820 = tpu.vector_load %arg13[%parallel_loop3A_817, %parallel_loop3A_818, %parallel_loop3A_819] {strides = array<i32>} : memref<2x1024x16xf32, #tpu.memory_space<vmem>>, vector<16xf32>,
        %parallel_loop3A_821 = arith.mulf %parallel_loop3A_820, %parallel_loop3A_816 : vector<16xf32>
        %parallel_loop3A_822 = arith.index_cast %rem3A_388 : i32 to index
        %parallel_loop3A_823 = arith.index_cast %parallel_loop3A_801 : i32 to index
        %parallel_loop3A_824 = arith.constant 0 : index
        %parallel_loop3A_825 = tpu.vector_load %arg13[%parallel_loop3A_822, %parallel_loop3A_823, %parallel_loop3A_824] {strides = array<i32>} : memref<2x1024x16xf32, #tpu.memory_space<vmem>>, vector<16xf32>,
        tpu.vector_store %arg13[%parallel_loop3A_822, %parallel_loop3A_823, %parallel_loop3A_824], %parallel_loop3A_821 {strides = array<i32>} : memref<2x1024x16xf32, #tpu.memory_space<vmem>>, vector<16xf32>,
        %parallel_loop3A_826 = arith.constant 16 : i32
        %parallel_loop3A_827 = arith.muli %parallel_loop3A_624, %parallel_loop3A_826 : i32
        %parallel_loop3A_828 = arith.constant 7 : i32
        %parallel_loop3A_829 = arith.addi %parallel_loop3A_827, %parallel_loop3A_828 : i32
        %parallel_loop3A_830 = arith.constant 0 : i32
        %parallel_loop3A_831 = arith.muli %parallel_loop3A_624, %parallel_loop3A_830 : i32
        %parallel_loop3A_832 = arith.constant 7 : i32
        %parallel_loop3A_833 = arith.addi %parallel_loop3A_831, %parallel_loop3A_832 : i32
        %parallel_loop3A_834 = vector.broadcast %parallel_loop3A_833 : i32 to vector<16xi32>
        %parallel_loop3A_835 = arith.constant 0 : i32
        %parallel_loop3A_836 = vector.broadcast %parallel_loop3A_835 : i32 to vector<16xi32>
        %parallel_loop3A_837 = arith.cmpi slt, %parallel_loop3A_834, %parallel_loop3A_836 : vector<16xi32>
        %parallel_loop3A_838 = arith.constant 16 : i32
        %parallel_loop3A_839 = vector.broadcast %parallel_loop3A_838 : i32 to vector<16xi32>
        %parallel_loop3A_840 = arith.addi %parallel_loop3A_834, %parallel_loop3A_839 : vector<16xi32>
        %parallel_loop3A_841 = arith.select %parallel_loop3A_837, %parallel_loop3A_840, %parallel_loop3A_834 : vector<16xi1>, vector<16xi32>
        %parallel_loop3A_842 = vector.shape_cast %parallel_loop3A_841 : vector<16xi32> to vector<16x1xi32>
        %parallel_loop3A_843 = vector.shape_cast %parallel_loop3A_842 : vector<16x1xi32> to vector<16xi32>
        %parallel_loop3A_844 = tpu.dynamic_gather %parallel_loop3A_629[%parallel_loop3A_843] in [0] : vector<16xf32>, vector<16xi32> -> vector<16xf32>
        %parallel_loop3A_845 = arith.index_cast %rem3A_388 : i32 to index
        %parallel_loop3A_846 = arith.index_cast %parallel_loop3A_829 : i32 to index
        %parallel_loop3A_847 = arith.constant 0 : index
        %parallel_loop3A_848 = tpu.vector_load %arg13[%parallel_loop3A_845, %parallel_loop3A_846, %parallel_loop3A_847] {strides = array<i32>} : memref<2x1024x16xf32, #tpu.memory_space<vmem>>, vector<16xf32>,
        %parallel_loop3A_849 = arith.mulf %parallel_loop3A_848, %parallel_loop3A_844 : vector<16xf32>
        %parallel_loop3A_850 = arith.index_cast %rem3A_388 : i32 to index
        %parallel_loop3A_851 = arith.index_cast %parallel_loop3A_829 : i32 to index
        %parallel_loop3A_852 = arith.constant 0 : index
        %parallel_loop3A_853 = tpu.vector_load %arg13[%parallel_loop3A_850, %parallel_loop3A_851, %parallel_loop3A_852] {strides = array<i32>} : memref<2x1024x16xf32, #tpu.memory_space<vmem>>, vector<16xf32>,
        tpu.vector_store %arg13[%parallel_loop3A_850, %parallel_loop3A_851, %parallel_loop3A_852], %parallel_loop3A_849 {strides = array<i32>} : memref<2x1024x16xf32, #tpu.memory_space<vmem>>, vector<16xf32>,
        %parallel_loop3A_854 = arith.constant 16 : i32
        %parallel_loop3A_855 = arith.muli %parallel_loop3A_624, %parallel_loop3A_854 : i32
        %parallel_loop3A_856 = arith.constant 8 : i32
        %parallel_loop3A_857 = arith.addi %parallel_loop3A_855, %parallel_loop3A_856 : i32
        %parallel_loop3A_858 = arith.constant 0 : i32
        %parallel_loop3A_859 = arith.muli %parallel_loop3A_624, %parallel_loop3A_858 : i32
        %parallel_loop3A_860 = arith.constant 8 : i32
        %parallel_loop3A_861 = arith.addi %parallel_loop3A_859, %parallel_loop3A_860 : i32
        %parallel_loop3A_862 = vector.broadcast %parallel_loop3A_861 : i32 to vector<16xi32>
        %parallel_loop3A_863 = arith.constant 0 : i32
        %parallel_loop3A_864 = vector.broadcast %parallel_loop3A_863 : i32 to vector<16xi32>
        %parallel_loop3A_865 = arith.cmpi slt, %parallel_loop3A_862, %parallel_loop3A_864 : vector<16xi32>
        %parallel_loop3A_866 = arith.constant 16 : i32
        %parallel_loop3A_867 = vector.broadcast %parallel_loop3A_866 : i32 to vector<16xi32>
        %parallel_loop3A_868 = arith.addi %parallel_loop3A_862, %parallel_loop3A_867 : vector<16xi32>
        %parallel_loop3A_869 = arith.select %parallel_loop3A_865, %parallel_loop3A_868, %parallel_loop3A_862 : vector<16xi1>, vector<16xi32>
        %parallel_loop3A_870 = vector.shape_cast %parallel_loop3A_869 : vector<16xi32> to vector<16x1xi32>
        %parallel_loop3A_871 = vector.shape_cast %parallel_loop3A_870 : vector<16x1xi32> to vector<16xi32>
        %parallel_loop3A_872 = tpu.dynamic_gather %parallel_loop3A_629[%parallel_loop3A_871] in [0] : vector<16xf32>, vector<16xi32> -> vector<16xf32>
        %parallel_loop3A_873 = arith.index_cast %rem3A_388 : i32 to index
        %parallel_loop3A_874 = arith.index_cast %parallel_loop3A_857 : i32 to index
        %parallel_loop3A_875 = arith.constant 0 : index
        %parallel_loop3A_876 = tpu.vector_load %arg13[%parallel_loop3A_873, %parallel_loop3A_874, %parallel_loop3A_875] {strides = array<i32>} : memref<2x1024x16xf32, #tpu.memory_space<vmem>>, vector<16xf32>,
        %parallel_loop3A_877 = arith.mulf %parallel_loop3A_876, %parallel_loop3A_872 : vector<16xf32>
        %parallel_loop3A_878 = arith.index_cast %rem3A_388 : i32 to index
        %parallel_loop3A_879 = arith.index_cast %parallel_loop3A_857 : i32 to index
        %parallel_loop3A_880 = arith.constant 0 : index
        %parallel_loop3A_881 = tpu.vector_load %arg13[%parallel_loop3A_878, %parallel_loop3A_879, %parallel_loop3A_880] {strides = array<i32>} : memref<2x1024x16xf32, #tpu.memory_space<vmem>>, vector<16xf32>,
        tpu.vector_store %arg13[%parallel_loop3A_878, %parallel_loop3A_879, %parallel_loop3A_880], %parallel_loop3A_877 {strides = array<i32>} : memref<2x1024x16xf32, #tpu.memory_space<vmem>>, vector<16xf32>,
        %parallel_loop3A_882 = arith.constant 16 : i32
        %parallel_loop3A_883 = arith.muli %parallel_loop3A_624, %parallel_loop3A_882 : i32
        %parallel_loop3A_884 = arith.constant 9 : i32
        %parallel_loop3A_885 = arith.addi %parallel_loop3A_883, %parallel_loop3A_884 : i32
        %parallel_loop3A_886 = arith.constant 0 : i32
        %parallel_loop3A_887 = arith.muli %parallel_loop3A_624, %parallel_loop3A_886 : i32
        %parallel_loop3A_888 = arith.constant 9 : i32
        %parallel_loop3A_889 = arith.addi %parallel_loop3A_887, %parallel_loop3A_888 : i32
        %parallel_loop3A_890 = vector.broadcast %parallel_loop3A_889 : i32 to vector<16xi32>
        %parallel_loop3A_891 = arith.constant 0 : i32
        %parallel_loop3A_892 = vector.broadcast %parallel_loop3A_891 : i32 to vector<16xi32>
        %parallel_loop3A_893 = arith.cmpi slt, %parallel_loop3A_890, %parallel_loop3A_892 : vector<16xi32>
        %parallel_loop3A_894 = arith.constant 16 : i32
        %parallel_loop3A_895 = vector.broadcast %parallel_loop3A_894 : i32 to vector<16xi32>
        %parallel_loop3A_896 = arith.addi %parallel_loop3A_890, %parallel_loop3A_895 : vector<16xi32>
        %parallel_loop3A_897 = arith.select %parallel_loop3A_893, %parallel_loop3A_896, %parallel_loop3A_890 : vector<16xi1>, vector<16xi32>
        %parallel_loop3A_898 = vector.shape_cast %parallel_loop3A_897 : vector<16xi32> to vector<16x1xi32>
        %parallel_loop3A_899 = vector.shape_cast %parallel_loop3A_898 : vector<16x1xi32> to vector<16xi32>
        %parallel_loop3A_900 = tpu.dynamic_gather %parallel_loop3A_629[%parallel_loop3A_899] in [0] : vector<16xf32>, vector<16xi32> -> vector<16xf32>
        %parallel_loop3A_901 = arith.index_cast %rem3A_388 : i32 to index
        %parallel_loop3A_902 = arith.index_cast %parallel_loop3A_885 : i32 to index
        %parallel_loop3A_903 = arith.constant 0 : index
        %parallel_loop3A_904 = tpu.vector_load %arg13[%parallel_loop3A_901, %parallel_loop3A_902, %parallel_loop3A_903] {strides = array<i32>} : memref<2x1024x16xf32, #tpu.memory_space<vmem>>, vector<16xf32>,
        %parallel_loop3A_905 = arith.mulf %parallel_loop3A_904, %parallel_loop3A_900 : vector<16xf32>
        %parallel_loop3A_906 = arith.index_cast %rem3A_388 : i32 to index
        %parallel_loop3A_907 = arith.index_cast %parallel_loop3A_885 : i32 to index
        %parallel_loop3A_908 = arith.constant 0 : index
        %parallel_loop3A_909 = tpu.vector_load %arg13[%parallel_loop3A_906, %parallel_loop3A_907, %parallel_loop3A_908] {strides = array<i32>} : memref<2x1024x16xf32, #tpu.memory_space<vmem>>, vector<16xf32>,
        tpu.vector_store %arg13[%parallel_loop3A_906, %parallel_loop3A_907, %parallel_loop3A_908], %parallel_loop3A_905 {strides = array<i32>} : memref<2x1024x16xf32, #tpu.memory_space<vmem>>, vector<16xf32>,
        %parallel_loop3A_910 = arith.constant 16 : i32
        %parallel_loop3A_911 = arith.muli %parallel_loop3A_624, %parallel_loop3A_910 : i32
        %parallel_loop3A_912 = arith.constant 10 : i32
        %parallel_loop3A_913 = arith.addi %parallel_loop3A_911, %parallel_loop3A_912 : i32
        %parallel_loop3A_914 = arith.constant 0 : i32
        %parallel_loop3A_915 = arith.muli %parallel_loop3A_624, %parallel_loop3A_914 : i32
        %parallel_loop3A_916 = arith.constant 10 : i32
        %parallel_loop3A_917 = arith.addi %parallel_loop3A_915, %parallel_loop3A_916 : i32
        %parallel_loop3A_918 = vector.broadcast %parallel_loop3A_917 : i32 to vector<16xi32>
        %parallel_loop3A_919 = arith.constant 0 : i32
        %parallel_loop3A_920 = vector.broadcast %parallel_loop3A_919 : i32 to vector<16xi32>
        %parallel_loop3A_921 = arith.cmpi slt, %parallel_loop3A_918, %parallel_loop3A_920 : vector<16xi32>
        %parallel_loop3A_922 = arith.constant 16 : i32
        %parallel_loop3A_923 = vector.broadcast %parallel_loop3A_922 : i32 to vector<16xi32>
        %parallel_loop3A_924 = arith.addi %parallel_loop3A_918, %parallel_loop3A_923 : vector<16xi32>
        %parallel_loop3A_925 = arith.select %parallel_loop3A_921, %parallel_loop3A_924, %parallel_loop3A_918 : vector<16xi1>, vector<16xi32>
        %parallel_loop3A_926 = vector.shape_cast %parallel_loop3A_925 : vector<16xi32> to vector<16x1xi32>
        %parallel_loop3A_927 = vector.shape_cast %parallel_loop3A_926 : vector<16x1xi32> to vector<16xi32>
        %parallel_loop3A_928 = tpu.dynamic_gather %parallel_loop3A_629[%parallel_loop3A_927] in [0] : vector<16xf32>, vector<16xi32> -> vector<16xf32>
        %parallel_loop3A_929 = arith.index_cast %rem3A_388 : i32 to index
        %parallel_loop3A_930 = arith.index_cast %parallel_loop3A_913 : i32 to index
        %parallel_loop3A_931 = arith.constant 0 : index
        %parallel_loop3A_932 = tpu.vector_load %arg13[%parallel_loop3A_929, %parallel_loop3A_930, %parallel_loop3A_931] {strides = array<i32>} : memref<2x1024x16xf32, #tpu.memory_space<vmem>>, vector<16xf32>,
        %parallel_loop3A_933 = arith.mulf %parallel_loop3A_932, %parallel_loop3A_928 : vector<16xf32>
        %parallel_loop3A_934 = arith.index_cast %rem3A_388 : i32 to index
        %parallel_loop3A_935 = arith.index_cast %parallel_loop3A_913 : i32 to index
        %parallel_loop3A_936 = arith.constant 0 : index
        %parallel_loop3A_937 = tpu.vector_load %arg13[%parallel_loop3A_934, %parallel_loop3A_935, %parallel_loop3A_936] {strides = array<i32>} : memref<2x1024x16xf32, #tpu.memory_space<vmem>>, vector<16xf32>,
        tpu.vector_store %arg13[%parallel_loop3A_934, %parallel_loop3A_935, %parallel_loop3A_936], %parallel_loop3A_933 {strides = array<i32>} : memref<2x1024x16xf32, #tpu.memory_space<vmem>>, vector<16xf32>,
        %parallel_loop3A_938 = arith.constant 16 : i32
        %parallel_loop3A_939 = arith.muli %parallel_loop3A_624, %parallel_loop3A_938 : i32
        %parallel_loop3A_940 = arith.constant 11 : i32
        %parallel_loop3A_941 = arith.addi %parallel_loop3A_939, %parallel_loop3A_940 : i32
        %parallel_loop3A_942 = arith.constant 0 : i32
        %parallel_loop3A_943 = arith.muli %parallel_loop3A_624, %parallel_loop3A_942 : i32
        %parallel_loop3A_944 = arith.constant 11 : i32
        %parallel_loop3A_945 = arith.addi %parallel_loop3A_943, %parallel_loop3A_944 : i32
        %parallel_loop3A_946 = vector.broadcast %parallel_loop3A_945 : i32 to vector<16xi32>
        %parallel_loop3A_947 = arith.constant 0 : i32
        %parallel_loop3A_948 = vector.broadcast %parallel_loop3A_947 : i32 to vector<16xi32>
        %parallel_loop3A_949 = arith.cmpi slt, %parallel_loop3A_946, %parallel_loop3A_948 : vector<16xi32>
        %parallel_loop3A_950 = arith.constant 16 : i32
        %parallel_loop3A_951 = vector.broadcast %parallel_loop3A_950 : i32 to vector<16xi32>
        %parallel_loop3A_952 = arith.addi %parallel_loop3A_946, %parallel_loop3A_951 : vector<16xi32>
        %parallel_loop3A_953 = arith.select %parallel_loop3A_949, %parallel_loop3A_952, %parallel_loop3A_946 : vector<16xi1>, vector<16xi32>
        %parallel_loop3A_954 = vector.shape_cast %parallel_loop3A_953 : vector<16xi32> to vector<16x1xi32>
        %parallel_loop3A_955 = vector.shape_cast %parallel_loop3A_954 : vector<16x1xi32> to vector<16xi32>
        %parallel_loop3A_956 = tpu.dynamic_gather %parallel_loop3A_629[%parallel_loop3A_955] in [0] : vector<16xf32>, vector<16xi32> -> vector<16xf32>
        %parallel_loop3A_957 = arith.index_cast %rem3A_388 : i32 to index
        %parallel_loop3A_958 = arith.index_cast %parallel_loop3A_941 : i32 to index
        %parallel_loop3A_959 = arith.constant 0 : index
        %parallel_loop3A_960 = tpu.vector_load %arg13[%parallel_loop3A_957, %parallel_loop3A_958, %parallel_loop3A_959] {strides = array<i32>} : memref<2x1024x16xf32, #tpu.memory_space<vmem>>, vector<16xf32>,
        %parallel_loop3A_961 = arith.mulf %parallel_loop3A_960, %parallel_loop3A_956 : vector<16xf32>
        %parallel_loop3A_962 = arith.index_cast %rem3A_388 : i32 to index
        %parallel_loop3A_963 = arith.index_cast %parallel_loop3A_941 : i32 to index
        %parallel_loop3A_964 = arith.constant 0 : index
        %parallel_loop3A_965 = tpu.vector_load %arg13[%parallel_loop3A_962, %parallel_loop3A_963, %parallel_loop3A_964] {strides = array<i32>} : memref<2x1024x16xf32, #tpu.memory_space<vmem>>, vector<16xf32>,
        tpu.vector_store %arg13[%parallel_loop3A_962, %parallel_loop3A_963, %parallel_loop3A_964], %parallel_loop3A_961 {strides = array<i32>} : memref<2x1024x16xf32, #tpu.memory_space<vmem>>, vector<16xf32>,
        %parallel_loop3A_966 = arith.constant 16 : i32
        %parallel_loop3A_967 = arith.muli %parallel_loop3A_624, %parallel_loop3A_966 : i32
        %parallel_loop3A_968 = arith.constant 12 : i32
        %parallel_loop3A_969 = arith.addi %parallel_loop3A_967, %parallel_loop3A_968 : i32
        %parallel_loop3A_970 = arith.constant 0 : i32
        %parallel_loop3A_971 = arith.muli %parallel_loop3A_624, %parallel_loop3A_970 : i32
        %parallel_loop3A_972 = arith.constant 12 : i32
        %parallel_loop3A_973 = arith.addi %parallel_loop3A_971, %parallel_loop3A_972 : i32
        %parallel_loop3A_974 = vector.broadcast %parallel_loop3A_973 : i32 to vector<16xi32>
        %parallel_loop3A_975 = arith.constant 0 : i32
        %parallel_loop3A_976 = vector.broadcast %parallel_loop3A_975 : i32 to vector<16xi32>
        %parallel_loop3A_977 = arith.cmpi slt, %parallel_loop3A_974, %parallel_loop3A_976 : vector<16xi32>
        %parallel_loop3A_978 = arith.constant 16 : i32
        %parallel_loop3A_979 = vector.broadcast %parallel_loop3A_978 : i32 to vector<16xi32>
        %parallel_loop3A_980 = arith.addi %parallel_loop3A_974, %parallel_loop3A_979 : vector<16xi32>
        %parallel_loop3A_981 = arith.select %parallel_loop3A_977, %parallel_loop3A_980, %parallel_loop3A_974 : vector<16xi1>, vector<16xi32>
        %parallel_loop3A_982 = vector.shape_cast %parallel_loop3A_981 : vector<16xi32> to vector<16x1xi32>
        %parallel_loop3A_983 = vector.shape_cast %parallel_loop3A_982 : vector<16x1xi32> to vector<16xi32>
        %parallel_loop3A_984 = tpu.dynamic_gather %parallel_loop3A_629[%parallel_loop3A_983] in [0] : vector<16xf32>, vector<16xi32> -> vector<16xf32>
        %parallel_loop3A_985 = arith.index_cast %rem3A_388 : i32 to index
        %parallel_loop3A_986 = arith.index_cast %parallel_loop3A_969 : i32 to index
        %parallel_loop3A_987 = arith.constant 0 : index
        %parallel_loop3A_988 = tpu.vector_load %arg13[%parallel_loop3A_985, %parallel_loop3A_986, %parallel_loop3A_987] {strides = array<i32>} : memref<2x1024x16xf32, #tpu.memory_space<vmem>>, vector<16xf32>,
        %parallel_loop3A_989 = arith.mulf %parallel_loop3A_988, %parallel_loop3A_984 : vector<16xf32>
        %parallel_loop3A_990 = arith.index_cast %rem3A_388 : i32 to index
        %parallel_loop3A_991 = arith.index_cast %parallel_loop3A_969 : i32 to index
        %parallel_loop3A_992 = arith.constant 0 : index
        %parallel_loop3A_993 = tpu.vector_load %arg13[%parallel_loop3A_990, %parallel_loop3A_991, %parallel_loop3A_992] {strides = array<i32>} : memref<2x1024x16xf32, #tpu.memory_space<vmem>>, vector<16xf32>,
        tpu.vector_store %arg13[%parallel_loop3A_990, %parallel_loop3A_991, %parallel_loop3A_992], %parallel_loop3A_989 {strides = array<i32>} : memref<2x1024x16xf32, #tpu.memory_space<vmem>>, vector<16xf32>,
        %parallel_loop3A_994 = arith.constant 16 : i32
        %parallel_loop3A_995 = arith.muli %parallel_loop3A_624, %parallel_loop3A_994 : i32
        %parallel_loop3A_996 = arith.constant 13 : i32
        %parallel_loop3A_997 = arith.addi %parallel_loop3A_995, %parallel_loop3A_996 : i32
        %parallel_loop3A_998 = arith.constant 0 : i32
        %parallel_loop3A_999 = arith.muli %parallel_loop3A_624, %parallel_loop3A_998 : i32
        %parallel_loop3A_1000 = arith.constant 13 : i32
        %parallel_loop3A_1001 = arith.addi %parallel_loop3A_999, %parallel_loop3A_1000 : i32
        %parallel_loop3A_1002 = vector.broadcast %parallel_loop3A_1001 : i32 to vector<16xi32>
        %parallel_loop3A_1003 = arith.constant 0 : i32
        %parallel_loop3A_1004 = vector.broadcast %parallel_loop3A_1003 : i32 to vector<16xi32>
        %parallel_loop3A_1005 = arith.cmpi slt, %parallel_loop3A_1002, %parallel_loop3A_1004 : vector<16xi32>
        %parallel_loop3A_1006 = arith.constant 16 : i32
        %parallel_loop3A_1007 = vector.broadcast %parallel_loop3A_1006 : i32 to vector<16xi32>
        %parallel_loop3A_1008 = arith.addi %parallel_loop3A_1002, %parallel_loop3A_1007 : vector<16xi32>
        %parallel_loop3A_1009 = arith.select %parallel_loop3A_1005, %parallel_loop3A_1008, %parallel_loop3A_1002 : vector<16xi1>, vector<16xi32>
        %parallel_loop3A_1010 = vector.shape_cast %parallel_loop3A_1009 : vector<16xi32> to vector<16x1xi32>
        %parallel_loop3A_1011 = vector.shape_cast %parallel_loop3A_1010 : vector<16x1xi32> to vector<16xi32>
        %parallel_loop3A_1012 = tpu.dynamic_gather %parallel_loop3A_629[%parallel_loop3A_1011] in [0] : vector<16xf32>, vector<16xi32> -> vector<16xf32>
        %parallel_loop3A_1013 = arith.index_cast %rem3A_388 : i32 to index
        %parallel_loop3A_1014 = arith.index_cast %parallel_loop3A_997 : i32 to index
        %parallel_loop3A_1015 = arith.constant 0 : index
        %parallel_loop3A_1016 = tpu.vector_load %arg13[%parallel_loop3A_1013, %parallel_loop3A_1014, %parallel_loop3A_1015] {strides = array<i32>} : memref<2x1024x16xf32, #tpu.memory_space<vmem>>, vector<16xf32>,
        %parallel_loop3A_1017 = arith.mulf %parallel_loop3A_1016, %parallel_loop3A_1012 : vector<16xf32>
        %parallel_loop3A_1018 = arith.index_cast %rem3A_388 : i32 to index
        %parallel_loop3A_1019 = arith.index_cast %parallel_loop3A_997 : i32 to index
        %parallel_loop3A_1020 = arith.constant 0 : index
        %parallel_loop3A_1021 = tpu.vector_load %arg13[%parallel_loop3A_1018, %parallel_loop3A_1019, %parallel_loop3A_1020] {strides = array<i32>} : memref<2x1024x16xf32, #tpu.memory_space<vmem>>, vector<16xf32>,
        tpu.vector_store %arg13[%parallel_loop3A_1018, %parallel_loop3A_1019, %parallel_loop3A_1020], %parallel_loop3A_1017 {strides = array<i32>} : memref<2x1024x16xf32, #tpu.memory_space<vmem>>, vector<16xf32>,
        %parallel_loop3A_1022 = arith.constant 16 : i32
        %parallel_loop3A_1023 = arith.muli %parallel_loop3A_624, %parallel_loop3A_1022 : i32
        %parallel_loop3A_1024 = arith.constant 14 : i32
        %parallel_loop3A_1025 = arith.addi %parallel_loop3A_1023, %parallel_loop3A_1024 : i32
        %parallel_loop3A_1026 = arith.constant 0 : i32
        %parallel_loop3A_1027 = arith.muli %parallel_loop3A_624, %parallel_loop3A_1026 : i32
        %parallel_loop3A_1028 = arith.constant 14 : i32
        %parallel_loop3A_1029 = arith.addi %parallel_loop3A_1027, %parallel_loop3A_1028 : i32
        %parallel_loop3A_1030 = vector.broadcast %parallel_loop3A_1029 : i32 to vector<16xi32>
        %parallel_loop3A_1031 = arith.constant 0 : i32
        %parallel_loop3A_1032 = vector.broadcast %parallel_loop3A_1031 : i32 to vector<16xi32>
        %parallel_loop3A_1033 = arith.cmpi slt, %parallel_loop3A_1030, %parallel_loop3A_1032 : vector<16xi32>
        %parallel_loop3A_1034 = arith.constant 16 : i32
        %parallel_loop3A_1035 = vector.broadcast %parallel_loop3A_1034 : i32 to vector<16xi32>
        %parallel_loop3A_1036 = arith.addi %parallel_loop3A_1030, %parallel_loop3A_1035 : vector<16xi32>
        %parallel_loop3A_1037 = arith.select %parallel_loop3A_1033, %parallel_loop3A_1036, %parallel_loop3A_1030 : vector<16xi1>, vector<16xi32>
        %parallel_loop3A_1038 = vector.shape_cast %parallel_loop3A_1037 : vector<16xi32> to vector<16x1xi32>
        %parallel_loop3A_1039 = vector.shape_cast %parallel_loop3A_1038 : vector<16x1xi32> to vector<16xi32>
        %parallel_loop3A_1040 = tpu.dynamic_gather %parallel_loop3A_629[%parallel_loop3A_1039] in [0] : vector<16xf32>, vector<16xi32> -> vector<16xf32>
        %parallel_loop3A_1041 = arith.index_cast %rem3A_388 : i32 to index
        %parallel_loop3A_1042 = arith.index_cast %parallel_loop3A_1025 : i32 to index
        %parallel_loop3A_1043 = arith.constant 0 : index
        %parallel_loop3A_1044 = tpu.vector_load %arg13[%parallel_loop3A_1041, %parallel_loop3A_1042, %parallel_loop3A_1043] {strides = array<i32>} : memref<2x1024x16xf32, #tpu.memory_space<vmem>>, vector<16xf32>,
        %parallel_loop3A_1045 = arith.mulf %parallel_loop3A_1044, %parallel_loop3A_1040 : vector<16xf32>
        %parallel_loop3A_1046 = arith.index_cast %rem3A_388 : i32 to index
        %parallel_loop3A_1047 = arith.index_cast %parallel_loop3A_1025 : i32 to index
        %parallel_loop3A_1048 = arith.constant 0 : index
        %parallel_loop3A_1049 = tpu.vector_load %arg13[%parallel_loop3A_1046, %parallel_loop3A_1047, %parallel_loop3A_1048] {strides = array<i32>} : memref<2x1024x16xf32, #tpu.memory_space<vmem>>, vector<16xf32>,
        tpu.vector_store %arg13[%parallel_loop3A_1046, %parallel_loop3A_1047, %parallel_loop3A_1048], %parallel_loop3A_1045 {strides = array<i32>} : memref<2x1024x16xf32, #tpu.memory_space<vmem>>, vector<16xf32>,
        %parallel_loop3A_1050 = arith.constant 16 : i32
        %parallel_loop3A_1051 = arith.muli %parallel_loop3A_624, %parallel_loop3A_1050 : i32
        %parallel_loop3A_1052 = arith.constant 15 : i32
        %parallel_loop3A_1053 = arith.addi %parallel_loop3A_1051, %parallel_loop3A_1052 : i32
        %parallel_loop3A_1054 = arith.constant 0 : i32
        %parallel_loop3A_1055 = arith.muli %parallel_loop3A_624, %parallel_loop3A_1054 : i32
        %parallel_loop3A_1056 = arith.constant 15 : i32
        %parallel_loop3A_1057 = arith.addi %parallel_loop3A_1055, %parallel_loop3A_1056 : i32
        %parallel_loop3A_1058 = vector.broadcast %parallel_loop3A_1057 : i32 to vector<16xi32>
        %parallel_loop3A_1059 = arith.constant 0 : i32
        %parallel_loop3A_1060 = vector.broadcast %parallel_loop3A_1059 : i32 to vector<16xi32>
        %parallel_loop3A_1061 = arith.cmpi slt, %parallel_loop3A_1058, %parallel_loop3A_1060 : vector<16xi32>
        %parallel_loop3A_1062 = arith.constant 16 : i32
        %parallel_loop3A_1063 = vector.broadcast %parallel_loop3A_1062 : i32 to vector<16xi32>
        %parallel_loop3A_1064 = arith.addi %parallel_loop3A_1058, %parallel_loop3A_1063 : vector<16xi32>
        %parallel_loop3A_1065 = arith.select %parallel_loop3A_1061, %parallel_loop3A_1064, %parallel_loop3A_1058 : vector<16xi1>, vector<16xi32>
        %parallel_loop3A_1066 = vector.shape_cast %parallel_loop3A_1065 : vector<16xi32> to vector<16x1xi32>
        %parallel_loop3A_1067 = vector.shape_cast %parallel_loop3A_1066 : vector<16x1xi32> to vector<16xi32>
        %parallel_loop3A_1068 = tpu.dynamic_gather %parallel_loop3A_629[%parallel_loop3A_1067] in [0] : vector<16xf32>, vector<16xi32> -> vector<16xf32>
        %parallel_loop3A_1069 = arith.index_cast %rem3A_388 : i32 to index
        %parallel_loop3A_1070 = arith.index_cast %parallel_loop3A_1053 : i32 to index
        %parallel_loop3A_1071 = arith.constant 0 : index
        %parallel_loop3A_1072 = tpu.vector_load %arg13[%parallel_loop3A_1069, %parallel_loop3A_1070, %parallel_loop3A_1071] {strides = array<i32>} : memref<2x1024x16xf32, #tpu.memory_space<vmem>>, vector<16xf32>,
        %parallel_loop3A_1073 = arith.mulf %parallel_loop3A_1072, %parallel_loop3A_1068 : vector<16xf32>
        %parallel_loop3A_1074 = arith.index_cast %rem3A_388 : i32 to index
        %parallel_loop3A_1075 = arith.index_cast %parallel_loop3A_1053 : i32 to index
        %parallel_loop3A_1076 = arith.constant 0 : index
        %parallel_loop3A_1077 = tpu.vector_load %arg13[%parallel_loop3A_1074, %parallel_loop3A_1075, %parallel_loop3A_1076] {strides = array<i32>} : memref<2x1024x16xf32, #tpu.memory_space<vmem>>, vector<16xf32>,
        tpu.vector_store %arg13[%parallel_loop3A_1074, %parallel_loop3A_1075, %parallel_loop3A_1076], %parallel_loop3A_1073 {strides = array<i32>} : memref<2x1024x16xf32, #tpu.memory_space<vmem>>, vector<16xf32>,
      } {sc.loop_unroll_factor = 2 : i64, sc.parallel_access}
      %dma_start3A_513 = arith.constant 0 : i32
      %dma_start3A_514 = arith.constant 0 : i32
      %dma_start3A_515 = arith.constant 0 : i32
      %dma_start3A_516 = tpu.memref_slice %arg13[%rem3A_388, %dma_start3A_514, %dma_start3A_515] : memref<2x1024x16xf32, #tpu.memory_space<vmem>> -> memref<1x128x16xf32, #tpu.memory_space<vmem>>
      %dma_start3A_517 = tpu.memref_squeeze %dma_start3A_516 : memref<1x128x16xf32, #tpu.memory_space<vmem>> -> memref<128x16xf32, #tpu.memory_space<vmem>>
      %dma_start3A_518 = arith.constant 0 : i32
      %dma_start3A_519 = tpu.memref_slice %arg12[%rem3A_388, %dma_start3A_513, %dma_start3A_518] : memref<2x8x128xi32, #tpu.memory_space<vmem>> -> memref<1x1x128xi32, #tpu.memory_space<vmem>>
      %dma_start3A_520 = tpu.memref_squeeze %dma_start3A_519 : memref<1x1x128xi32, #tpu.memory_space<vmem>> -> memref<128xi32, #tpu.memory_space<vmem>>
      %dma_start3A_521 = arith.constant 0 : i32
      %dma_start3A_522 = arith.constant 0 : i32
      %dma_start3A_523 = tpu.memref_slice %arg14[%dma_start3A_521, %dma_start3A_522] : memref<10000x16xf32, #tpu.memory_space<vmem_shared>> -> memref<10000x16xf32, #tpu.memory_space<vmem_shared>>
      %dma_start3A_524 = tpu.memref_slice %arg17[%rem3A_388] : memref<2x!tpu.dma_semaphore, #tpu.memory_space<semaphore_mem>> -> memref<1x!tpu.dma_semaphore, #tpu.memory_space<semaphore_mem>>
      %dma_start3A_525 = tpu.memref_squeeze %dma_start3A_524 : memref<1x!tpu.dma_semaphore, #tpu.memory_space<semaphore_mem>> -> memref<!tpu.dma_semaphore, #tpu.memory_space<semaphore_mem>>
      tpu.enqueue_indirect_dma source(%dma_start3A_517 : memref<128x16xf32, #tpu.memory_space<vmem>>) target(%dma_start3A_523 : memref<10000x16xf32, #tpu.memory_space<vmem_shared>>) offsets(%dma_start3A_520 : memref<128xi32, #tpu.memory_space<vmem>>) semaphore(%dma_start3A_525 : memref<!tpu.dma_semaphore, #tpu.memory_space<semaphore_mem>>) {add = true}
      %dma_start3A_526 = arith.constant 1 : i32
      %dma_start3A_527 = arith.constant 128 : i32
      %dma_start3A_528 = arith.constant 0 : i32
      %dma_start3A_529 = tpu.memref_slice %arg13[%rem3A_388, %dma_start3A_527, %dma_start3A_528] : memref<2x1024x16xf32, #tpu.memory_space<vmem>> -> memref<1x128x16xf32, #tpu.memory_space<vmem>>
      %dma_start3A_530 = tpu.memref_squeeze %dma_start3A_529 : memref<1x128x16xf32, #tpu.memory_space<vmem>> -> memref<128x16xf32, #tpu.memory_space<vmem>>
      %dma_start3A_531 = arith.constant 0 : i32
      %dma_start3A_532 = tpu.memref_slice %arg12[%rem3A_388, %dma_start3A_526, %dma_start3A_531] : memref<2x8x128xi32, #tpu.memory_space<vmem>> -> memref<1x1x128xi32, #tpu.memory_space<vmem>>
      %dma_start3A_533 = tpu.memref_squeeze %dma_start3A_532 : memref<1x1x128xi32, #tpu.memory_space<vmem>> -> memref<128xi32, #tpu.memory_space<vmem>>
      %dma_start3A_534 = arith.constant 0 : i32
      %dma_start3A_535 = arith.constant 0 : i32
      %dma_start3A_536 = tpu.memref_slice %arg14[%dma_start3A_534, %dma_start3A_535] : memref<10000x16xf32, #tpu.memory_space<vmem_shared>> -> memref<10000x16xf32, #tpu.memory_space<vmem_shared>>
      %dma_start3A_537 = tpu.memref_slice %arg17[%rem3A_388] : memref<2x!tpu.dma_semaphore, #tpu.memory_space<semaphore_mem>> -> memref<1x!tpu.dma_semaphore, #tpu.memory_space<semaphore_mem>>
      %dma_start3A_538 = tpu.memref_squeeze %dma_start3A_537 : memref<1x!tpu.dma_semaphore, #tpu.memory_space<semaphore_mem>> -> memref<!tpu.dma_semaphore, #tpu.memory_space<semaphore_mem>>
      tpu.enqueue_indirect_dma source(%dma_start3A_530 : memref<128x16xf32, #tpu.memory_space<vmem>>) target(%dma_start3A_536 : memref<10000x16xf32, #tpu.memory_space<vmem_shared>>) offsets(%dma_start3A_533 : memref<128xi32, #tpu.memory_space<vmem>>) semaphore(%dma_start3A_538 : memref<!tpu.dma_semaphore, #tpu.memory_space<semaphore_mem>>) {add = true}
      %dma_start3A_539 = arith.constant 2 : i32
      %dma_start3A_540 = arith.constant 256 : i32
      %dma_start3A_541 = arith.constant 0 : i32
      %dma_start3A_542 = tpu.memref_slice %arg13[%rem3A_388, %dma_start3A_540, %dma_start3A_541] : memref<2x1024x16xf32, #tpu.memory_space<vmem>> -> memref<1x128x16xf32, #tpu.memory_space<vmem>>
      %dma_start3A_543 = tpu.memref_squeeze %dma_start3A_542 : memref<1x128x16xf32, #tpu.memory_space<vmem>> -> memref<128x16xf32, #tpu.memory_space<vmem>>
      %dma_start3A_544 = arith.constant 0 : i32
      %dma_start3A_545 = tpu.memref_slice %arg12[%rem3A_388, %dma_start3A_539, %dma_start3A_544] : memref<2x8x128xi32, #tpu.memory_space<vmem>> -> memref<1x1x128xi32, #tpu.memory_space<vmem>>
      %dma_start3A_546 = tpu.memref_squeeze %dma_start3A_545 : memref<1x1x128xi32, #tpu.memory_space<vmem>> -> memref<128xi32, #tpu.memory_space<vmem>>
      %dma_start3A_547 = arith.constant 0 : i32
      %dma_start3A_548 = arith.constant 0 : i32
      %dma_start3A_549 = tpu.memref_slice %arg14[%dma_start3A_547, %dma_start3A_548] : memref<10000x16xf32, #tpu.memory_space<vmem_shared>> -> memref<10000x16xf32, #tpu.memory_space<vmem_shared>>
      %dma_start3A_550 = tpu.memref_slice %arg17[%rem3A_388] : memref<2x!tpu.dma_semaphore, #tpu.memory_space<semaphore_mem>> -> memref<1x!tpu.dma_semaphore, #tpu.memory_space<semaphore_mem>>
      %dma_start3A_551 = tpu.memref_squeeze %dma_start3A_550 : memref<1x!tpu.dma_semaphore, #tpu.memory_space<semaphore_mem>> -> memref<!tpu.dma_semaphore, #tpu.memory_space<semaphore_mem>>
      tpu.enqueue_indirect_dma source(%dma_start3A_543 : memref<128x16xf32, #tpu.memory_space<vmem>>) target(%dma_start3A_549 : memref<10000x16xf32, #tpu.memory_space<vmem_shared>>) offsets(%dma_start3A_546 : memref<128xi32, #tpu.memory_space<vmem>>) semaphore(%dma_start3A_551 : memref<!tpu.dma_semaphore, #tpu.memory_space<semaphore_mem>>) {add = true}
      %dma_start3A_552 = arith.constant 3 : i32
      %dma_start3A_553 = arith.constant 384 : i32
      %dma_start3A_554 = arith.constant 0 : i32
      %dma_start3A_555 = tpu.memref_slice %arg13[%rem3A_388, %dma_start3A_553, %dma_start3A_554] : memref<2x1024x16xf32, #tpu.memory_space<vmem>> -> memref<1x128x16xf32, #tpu.memory_space<vmem>>
      %dma_start3A_556 = tpu.memref_squeeze %dma_start3A_555 : memref<1x128x16xf32, #tpu.memory_space<vmem>> -> memref<128x16xf32, #tpu.memory_space<vmem>>
      %dma_start3A_557 = arith.constant 0 : i32
      %dma_start3A_558 = tpu.memref_slice %arg12[%rem3A_388, %dma_start3A_552, %dma_start3A_557] : memref<2x8x128xi32, #tpu.memory_space<vmem>> -> memref<1x1x128xi32, #tpu.memory_space<vmem>>
      %dma_start3A_559 = tpu.memref_squeeze %dma_start3A_558 : memref<1x1x128xi32, #tpu.memory_space<vmem>> -> memref<128xi32, #tpu.memory_space<vmem>>
      %dma_start3A_560 = arith.constant 0 : i32
      %dma_start3A_561 = arith.constant 0 : i32
      %dma_start3A_562 = tpu.memref_slice %arg14[%dma_start3A_560, %dma_start3A_561] : memref<10000x16xf32, #tpu.memory_space<vmem_shared>> -> memref<10000x16xf32, #tpu.memory_space<vmem_shared>>
      %dma_start3A_563 = tpu.memref_slice %arg17[%rem3A_388] : memref<2x!tpu.dma_semaphore, #tpu.memory_space<semaphore_mem>> -> memref<1x!tpu.dma_semaphore, #tpu.memory_space<semaphore_mem>>
      %dma_start3A_564 = tpu.memref_squeeze %dma_start3A_563 : memref<1x!tpu.dma_semaphore, #tpu.memory_space<semaphore_mem>> -> memref<!tpu.dma_semaphore, #tpu.memory_space<semaphore_mem>>
      tpu.enqueue_indirect_dma source(%dma_start3A_556 : memref<128x16xf32, #tpu.memory_space<vmem>>) target(%dma_start3A_562 : memref<10000x16xf32, #tpu.memory_space<vmem_shared>>) offsets(%dma_start3A_559 : memref<128xi32, #tpu.memory_space<vmem>>) semaphore(%dma_start3A_564 : memref<!tpu.dma_semaphore, #tpu.memory_space<semaphore_mem>>) {add = true}
      %dma_start3A_565 = arith.constant 4 : i32
      %dma_start3A_566 = arith.constant 512 : i32
      %dma_start3A_567 = arith.constant 0 : i32
      %dma_start3A_568 = tpu.memref_slice %arg13[%rem3A_388, %dma_start3A_566, %dma_start3A_567] : memref<2x1024x16xf32, #tpu.memory_space<vmem>> -> memref<1x128x16xf32, #tpu.memory_space<vmem>>
      %dma_start3A_569 = tpu.memref_squeeze %dma_start3A_568 : memref<1x128x16xf32, #tpu.memory_space<vmem>> -> memref<128x16xf32, #tpu.memory_space<vmem>>
      %dma_start3A_570 = arith.constant 0 : i32
      %dma_start3A_571 = tpu.memref_slice %arg12[%rem3A_388, %dma_start3A_565, %dma_start3A_570] : memref<2x8x128xi32, #tpu.memory_space<vmem>> -> memref<1x1x128xi32, #tpu.memory_space<vmem>>
      %dma_start3A_572 = tpu.memref_squeeze %dma_start3A_571 : memref<1x1x128xi32, #tpu.memory_space<vmem>> -> memref<128xi32, #tpu.memory_space<vmem>>
      %dma_start3A_573 = arith.constant 0 : i32
      %dma_start3A_574 = arith.constant 0 : i32
      %dma_start3A_575 = tpu.memref_slice %arg14[%dma_start3A_573, %dma_start3A_574] : memref<10000x16xf32, #tpu.memory_space<vmem_shared>> -> memref<10000x16xf32, #tpu.memory_space<vmem_shared>>
      %dma_start3A_576 = tpu.memref_slice %arg17[%rem3A_388] : memref<2x!tpu.dma_semaphore, #tpu.memory_space<semaphore_mem>> -> memref<1x!tpu.dma_semaphore, #tpu.memory_space<semaphore_mem>>
      %dma_start3A_577 = tpu.memref_squeeze %dma_start3A_576 : memref<1x!tpu.dma_semaphore, #tpu.memory_space<semaphore_mem>> -> memref<!tpu.dma_semaphore, #tpu.memory_space<semaphore_mem>>
      tpu.enqueue_indirect_dma source(%dma_start3A_569 : memref<128x16xf32, #tpu.memory_space<vmem>>) target(%dma_start3A_575 : memref<10000x16xf32, #tpu.memory_space<vmem_shared>>) offsets(%dma_start3A_572 : memref<128xi32, #tpu.memory_space<vmem>>) semaphore(%dma_start3A_577 : memref<!tpu.dma_semaphore, #tpu.memory_space<semaphore_mem>>) {add = true}
      %dma_start3A_578 = arith.constant 5 : i32
      %dma_start3A_579 = arith.constant 640 : i32
      %dma_start3A_580 = arith.constant 0 : i32
      %dma_start3A_581 = tpu.memref_slice %arg13[%rem3A_388, %dma_start3A_579, %dma_start3A_580] : memref<2x1024x16xf32, #tpu.memory_space<vmem>> -> memref<1x128x16xf32, #tpu.memory_space<vmem>>
      %dma_start3A_582 = tpu.memref_squeeze %dma_start3A_581 : memref<1x128x16xf32, #tpu.memory_space<vmem>> -> memref<128x16xf32, #tpu.memory_space<vmem>>
      %dma_start3A_583 = arith.constant 0 : i32
      %dma_start3A_584 = tpu.memref_slice %arg12[%rem3A_388, %dma_start3A_578, %dma_start3A_583] : memref<2x8x128xi32, #tpu.memory_space<vmem>> -> memref<1x1x128xi32, #tpu.memory_space<vmem>>
      %dma_start3A_585 = tpu.memref_squeeze %dma_start3A_584 : memref<1x1x128xi32, #tpu.memory_space<vmem>> -> memref<128xi32, #tpu.memory_space<vmem>>
      %dma_start3A_586 = arith.constant 0 : i32
      %dma_start3A_587 = arith.constant 0 : i32
      %dma_start3A_588 = tpu.memref_slice %arg14[%dma_start3A_586, %dma_start3A_587] : memref<10000x16xf32, #tpu.memory_space<vmem_shared>> -> memref<10000x16xf32, #tpu.memory_space<vmem_shared>>
      %dma_start3A_589 = tpu.memref_slice %arg17[%rem3A_388] : memref<2x!tpu.dma_semaphore, #tpu.memory_space<semaphore_mem>> -> memref<1x!tpu.dma_semaphore, #tpu.memory_space<semaphore_mem>>
      %dma_start3A_590 = tpu.memref_squeeze %dma_start3A_589 : memref<1x!tpu.dma_semaphore, #tpu.memory_space<semaphore_mem>> -> memref<!tpu.dma_semaphore, #tpu.memory_space<semaphore_mem>>
      tpu.enqueue_indirect_dma source(%dma_start3A_582 : memref<128x16xf32, #tpu.memory_space<vmem>>) target(%dma_start3A_588 : memref<10000x16xf32, #tpu.memory_space<vmem_shared>>) offsets(%dma_start3A_585 : memref<128xi32, #tpu.memory_space<vmem>>) semaphore(%dma_start3A_590 : memref<!tpu.dma_semaphore, #tpu.memory_space<semaphore_mem>>) {add = true}
      %dma_start3A_591 = arith.constant 6 : i32
      %dma_start3A_592 = arith.constant 768 : i32
      %dma_start3A_593 = arith.constant 0 : i32
      %dma_start3A_594 = tpu.memref_slice %arg13[%rem3A_388, %dma_start3A_592, %dma_start3A_593] : memref<2x1024x16xf32, #tpu.memory_space<vmem>> -> memref<1x128x16xf32, #tpu.memory_space<vmem>>
      %dma_start3A_595 = tpu.memref_squeeze %dma_start3A_594 : memref<1x128x16xf32, #tpu.memory_space<vmem>> -> memref<128x16xf32, #tpu.memory_space<vmem>>
      %dma_start3A_596 = arith.constant 0 : i32
      %dma_start3A_597 = tpu.memref_slice %arg12[%rem3A_388, %dma_start3A_591, %dma_start3A_596] : memref<2x8x128xi32, #tpu.memory_space<vmem>> -> memref<1x1x128xi32, #tpu.memory_space<vmem>>
      %dma_start3A_598 = tpu.memref_squeeze %dma_start3A_597 : memref<1x1x128xi32, #tpu.memory_space<vmem>> -> memref<128xi32, #tpu.memory_space<vmem>>
      %dma_start3A_599 = arith.constant 0 : i32
      %dma_start3A_600 = arith.constant 0 : i32
      %dma_start3A_601 = tpu.memref_slice %arg14[%dma_start3A_599, %dma_start3A_600] : memref<10000x16xf32, #tpu.memory_space<vmem_shared>> -> memref<10000x16xf32, #tpu.memory_space<vmem_shared>>
      %dma_start3A_602 = tpu.memref_slice %arg17[%rem3A_388] : memref<2x!tpu.dma_semaphore, #tpu.memory_space<semaphore_mem>> -> memref<1x!tpu.dma_semaphore, #tpu.memory_space<semaphore_mem>>
      %dma_start3A_603 = tpu.memref_squeeze %dma_start3A_602 : memref<1x!tpu.dma_semaphore, #tpu.memory_space<semaphore_mem>> -> memref<!tpu.dma_semaphore, #tpu.memory_space<semaphore_mem>>
      tpu.enqueue_indirect_dma source(%dma_start3A_595 : memref<128x16xf32, #tpu.memory_space<vmem>>) target(%dma_start3A_601 : memref<10000x16xf32, #tpu.memory_space<vmem_shared>>) offsets(%dma_start3A_598 : memref<128xi32, #tpu.memory_space<vmem>>) semaphore(%dma_start3A_603 : memref<!tpu.dma_semaphore, #tpu.memory_space<semaphore_mem>>) {add = true}
      %dma_start3A_604 = arith.constant 7 : i32
      %dma_start3A_605 = arith.constant 896 : i32
      %dma_start3A_606 = arith.constant 0 : i32
      %dma_start3A_607 = tpu.memref_slice %arg13[%rem3A_388, %dma_start3A_605, %dma_start3A_606] : memref<2x1024x16xf32, #tpu.memory_space<vmem>> -> memref<1x128x16xf32, #tpu.memory_space<vmem>>
      %dma_start3A_608 = tpu.memref_squeeze %dma_start3A_607 : memref<1x128x16xf32, #tpu.memory_space<vmem>> -> memref<128x16xf32, #tpu.memory_space<vmem>>
      %dma_start3A_609 = arith.constant 0 : i32
      %dma_start3A_610 = tpu.memref_slice %arg12[%rem3A_388, %dma_start3A_604, %dma_start3A_609] : memref<2x8x128xi32, #tpu.memory_space<vmem>> -> memref<1x1x128xi32, #tpu.memory_space<vmem>>
      %dma_start3A_611 = tpu.memref_squeeze %dma_start3A_610 : memref<1x1x128xi32, #tpu.memory_space<vmem>> -> memref<128xi32, #tpu.memory_space<vmem>>
      %dma_start3A_612 = arith.constant 0 : i32
      %dma_start3A_613 = arith.constant 0 : i32
      %dma_start3A_614 = tpu.memref_slice %arg14[%dma_start3A_612, %dma_start3A_613] : memref<10000x16xf32, #tpu.memory_space<vmem_shared>> -> memref<10000x16xf32, #tpu.memory_space<vmem_shared>>
      %dma_start3A_615 = tpu.memref_slice %arg17[%rem3A_388] : memref<2x!tpu.dma_semaphore, #tpu.memory_space<semaphore_mem>> -> memref<1x!tpu.dma_semaphore, #tpu.memory_space<semaphore_mem>>
      %dma_start3A_616 = tpu.memref_squeeze %dma_start3A_615 : memref<1x!tpu.dma_semaphore, #tpu.memory_space<semaphore_mem>> -> memref<!tpu.dma_semaphore, #tpu.memory_space<semaphore_mem>>
      tpu.enqueue_indirect_dma source(%dma_start3A_608 : memref<128x16xf32, #tpu.memory_space<vmem>>) target(%dma_start3A_614 : memref<10000x16xf32, #tpu.memory_space<vmem_shared>>) offsets(%dma_start3A_611 : memref<128xi32, #tpu.memory_space<vmem>>) semaphore(%dma_start3A_616 : memref<!tpu.dma_semaphore, #tpu.memory_space<semaphore_mem>>) {add = true}
      %sub3A_617 = arith.constant 2 : i32
      %sub3A_618 = arith.subi %select_n3A, %sub3A_617 : i32
      %lt3A_619 = arith.cmpi slt, %while3A_385, %sub3A_618 : i32
      %convert_element_type3A_620 = arith.extui %lt3A_619 : i1 to i32
      %cond3A_621 = arith.constant 0 : i32
      %cond3A_622 = arith.cmpi ne, %convert_element_type3A_620, %cond3A_621 : i32
      scf.if %cond3A_622 {
        %add3A_624 = arith.constant 2 : i32
        %add3A_625 = arith.addi %while3A_385, %add3A_624 : i32
        %mul3A_626 = arith.constant 1024 : i32
        %mul3A_627 = arith.muli %add3A_625, %mul3A_626 : i32
        %add3A_628 = arith.addi %mul3A_8, %mul3A_627 : i32
        %dma_start3A_629 = arith.constant 0 : i32
        %dma_start3A_630 = tpu.memref_slice %arg8[%rem3A_388, %dma_start3A_629] : memref<2x1024xi32, #tpu.memory_space<vmem>> -> memref<1x1024xi32, #tpu.memory_space<vmem>>
        %dma_start3A_631 = tpu.memref_squeeze %dma_start3A_630 : memref<1x1024xi32, #tpu.memory_space<vmem>> -> memref<1024xi32, #tpu.memory_space<vmem>>
        %dma_start3A_632 = tpu.memref_slice %arg3[%add3A_628] : memref<3200000xi32, #tpu.memory_space<hbm>> -> memref<1024xi32, #tpu.memory_space<hbm>>
        %dma_start3A_633 = tpu.memref_slice %arg15[%rem3A_388] : memref<2x!tpu.dma_semaphore, #tpu.memory_space<semaphore_mem>> -> memref<1x!tpu.dma_semaphore, #tpu.memory_space<semaphore_mem>>
        %dma_start3A_634 = tpu.memref_squeeze %dma_start3A_633 : memref<1x!tpu.dma_semaphore, #tpu.memory_space<semaphore_mem>> -> memref<!tpu.dma_semaphore, #tpu.memory_space<semaphore_mem>>
        %dma_start3A_635 = arith.constant 0 : i32
        %dma_start3A_636 = tpu.memref_slice %arg8[%rem3A_388, %dma_start3A_635] : memref<2x1024xi32, #tpu.memory_space<vmem>> -> memref<1x1024xi32, #tpu.memory_space<vmem>>
        %dma_start3A_637 = tpu.memref_squeeze %dma_start3A_636 : memref<1x1024xi32, #tpu.memory_space<vmem>> -> memref<1024xi32, #tpu.memory_space<vmem>>
        %dma_start3A_638 = tpu.memref_slice %arg3[%add3A_628] : memref<3200000xi32, #tpu.memory_space<hbm>> -> memref<1024xi32, #tpu.memory_space<hbm>>
        tpu.enqueue_dma source(%dma_start3A_638 : memref<1024xi32, #tpu.memory_space<hbm>>) target(%dma_start3A_637 : memref<1024xi32, #tpu.memory_space<vmem>>) target_semaphore(%dma_start3A_634 : memref<!tpu.dma_semaphore, #tpu.memory_space<semaphore_mem>>)
        %dma_start3A_639 = arith.constant 0 : i32
        %dma_start3A_640 = tpu.memref_slice %arg9[%rem3A_388, %dma_start3A_639] : memref<2x1024xi32, #tpu.memory_space<vmem>> -> memref<1x1024xi32, #tpu.memory_space<vmem>>
        %dma_start3A_641 = tpu.memref_squeeze %dma_start3A_640 : memref<1x1024xi32, #tpu.memory_space<vmem>> -> memref<1024xi32, #tpu.memory_space<vmem>>
        %dma_start3A_642 = tpu.memref_slice %arg4[%add3A_628] : memref<3200000xi32, #tpu.memory_space<hbm>> -> memref<1024xi32, #tpu.memory_space<hbm>>
        %dma_start3A_643 = tpu.memref_slice %arg15[%rem3A_388] : memref<2x!tpu.dma_semaphore, #tpu.memory_space<semaphore_mem>> -> memref<1x!tpu.dma_semaphore, #tpu.memory_space<semaphore_mem>>
        %dma_start3A_644 = tpu.memref_squeeze %dma_start3A_643 : memref<1x!tpu.dma_semaphore, #tpu.memory_space<semaphore_mem>> -> memref<!tpu.dma_semaphore, #tpu.memory_space<semaphore_mem>>
        %dma_start3A_645 = arith.constant 0 : i32
        %dma_start3A_646 = tpu.memref_slice %arg9[%rem3A_388, %dma_start3A_645] : memref<2x1024xi32, #tpu.memory_space<vmem>> -> memref<1x1024xi32, #tpu.memory_space<vmem>>
        %dma_start3A_647 = tpu.memref_squeeze %dma_start3A_646 : memref<1x1024xi32, #tpu.memory_space<vmem>> -> memref<1024xi32, #tpu.memory_space<vmem>>
        %dma_start3A_648 = tpu.memref_slice %arg4[%add3A_628] : memref<3200000xi32, #tpu.memory_space<hbm>> -> memref<1024xi32, #tpu.memory_space<hbm>>
        tpu.enqueue_dma source(%dma_start3A_648 : memref<1024xi32, #tpu.memory_space<hbm>>) target(%dma_start3A_647 : memref<1024xi32, #tpu.memory_space<vmem>>) target_semaphore(%dma_start3A_644 : memref<!tpu.dma_semaphore, #tpu.memory_space<semaphore_mem>>)
        %dma_start3A_649 = arith.constant 0 : i32
        %dma_start3A_650 = tpu.memref_slice %arg10[%rem3A_388, %dma_start3A_649] : memref<2x1024xf32, #tpu.memory_space<vmem>> -> memref<1x1024xf32, #tpu.memory_space<vmem>>
        %dma_start3A_651 = tpu.memref_squeeze %dma_start3A_650 : memref<1x1024xf32, #tpu.memory_space<vmem>> -> memref<1024xf32, #tpu.memory_space<vmem>>
        %dma_start3A_652 = tpu.memref_slice %arg5[%add3A_628] : memref<3200000xf32, #tpu.memory_space<hbm>> -> memref<1024xf32, #tpu.memory_space<hbm>>
        %dma_start3A_653 = tpu.memref_slice %arg15[%rem3A_388] : memref<2x!tpu.dma_semaphore, #tpu.memory_space<semaphore_mem>> -> memref<1x!tpu.dma_semaphore, #tpu.memory_space<semaphore_mem>>
        %dma_start3A_654 = tpu.memref_squeeze %dma_start3A_653 : memref<1x!tpu.dma_semaphore, #tpu.memory_space<semaphore_mem>> -> memref<!tpu.dma_semaphore, #tpu.memory_space<semaphore_mem>>
        %dma_start3A_655 = arith.constant 0 : i32
        %dma_start3A_656 = tpu.memref_slice %arg10[%rem3A_388, %dma_start3A_655] : memref<2x1024xf32, #tpu.memory_space<vmem>> -> memref<1x1024xf32, #tpu.memory_space<vmem>>
        %dma_start3A_657 = tpu.memref_squeeze %dma_start3A_656 : memref<1x1024xf32, #tpu.memory_space<vmem>> -> memref<1024xf32, #tpu.memory_space<vmem>>
        %dma_start3A_658 = tpu.memref_slice %arg5[%add3A_628] : memref<3200000xf32, #tpu.memory_space<hbm>> -> memref<1024xf32, #tpu.memory_space<hbm>>
        tpu.enqueue_dma source(%dma_start3A_658 : memref<1024xf32, #tpu.memory_space<hbm>>) target(%dma_start3A_657 : memref<1024xf32, #tpu.memory_space<vmem>>) target_semaphore(%dma_start3A_654 : memref<!tpu.dma_semaphore, #tpu.memory_space<semaphore_mem>>)
      } else {
      }
      %while3A_623 = arith.constant 0 : i32
      scf.yield %while3A_623 : i32
    }
    %sub3A = arith.constant 1 : i32
    %sub3A_269 = arith.subi %select_n3A, %sub3A : i32
    %rem3A = arith.constant 2 : i32
    %rem3A_270 = arith.remsi %sub3A_269, %rem3A : i32
    %dma_wait3A_271 = arith.constant 0 : i32
    %dma_wait3A_272 = arith.constant 0 : i32
    %dma_wait3A_273 = arith.constant 0 : i32
    %dma_wait3A_274 = tpu.memref_slice %arg13[%rem3A_270, %dma_wait3A_272, %dma_wait3A_273] : memref<2x1024x16xf32, #tpu.memory_space<vmem>> -> memref<1x128x16xf32, #tpu.memory_space<vmem>>
    %dma_wait3A_275 = tpu.memref_squeeze %dma_wait3A_274 : memref<1x128x16xf32, #tpu.memory_space<vmem>> -> memref<128x16xf32, #tpu.memory_space<vmem>>
    %dma_wait3A_276 = arith.constant 0 : i32
    %dma_wait3A_277 = tpu.memref_slice %arg12[%rem3A_270, %dma_wait3A_271, %dma_wait3A_276] : memref<2x8x128xi32, #tpu.memory_space<vmem>> -> memref<1x1x128xi32, #tpu.memory_space<vmem>>
    %dma_wait3A_278 = tpu.memref_squeeze %dma_wait3A_277 : memref<1x1x128xi32, #tpu.memory_space<vmem>> -> memref<128xi32, #tpu.memory_space<vmem>>
    %dma_wait3A_279 = arith.constant 0 : i32
    %dma_wait3A_280 = arith.constant 0 : i32
    %dma_wait3A_281 = tpu.memref_slice %arg14[%dma_wait3A_279, %dma_wait3A_280] : memref<10000x16xf32, #tpu.memory_space<vmem_shared>> -> memref<10000x16xf32, #tpu.memory_space<vmem_shared>>
    %dma_wait3A_282 = tpu.memref_slice %arg17[%rem3A_270] : memref<2x!tpu.dma_semaphore, #tpu.memory_space<semaphore_mem>> -> memref<1x!tpu.dma_semaphore, #tpu.memory_space<semaphore_mem>>
    %dma_wait3A_283 = tpu.memref_squeeze %dma_wait3A_282 : memref<1x!tpu.dma_semaphore, #tpu.memory_space<semaphore_mem>> -> memref<!tpu.dma_semaphore, #tpu.memory_space<semaphore_mem>>
    tpu.wait_indirect_dma semaphore(%dma_wait3A_283 : memref<!tpu.dma_semaphore, #tpu.memory_space<semaphore_mem>>) src(%dma_wait3A_275 : memref<128x16xf32, #tpu.memory_space<vmem>>) dst(%dma_wait3A_281 : memref<10000x16xf32, #tpu.memory_space<vmem_shared>>)
    %dma_wait3A_284 = arith.constant 1 : i32
    %dma_wait3A_285 = arith.constant 128 : i32
    %dma_wait3A_286 = arith.constant 0 : i32
    %dma_wait3A_287 = tpu.memref_slice %arg13[%rem3A_270, %dma_wait3A_285, %dma_wait3A_286] : memref<2x1024x16xf32, #tpu.memory_space<vmem>> -> memref<1x128x16xf32, #tpu.memory_space<vmem>>
    %dma_wait3A_288 = tpu.memref_squeeze %dma_wait3A_287 : memref<1x128x16xf32, #tpu.memory_space<vmem>> -> memref<128x16xf32, #tpu.memory_space<vmem>>
    %dma_wait3A_289 = arith.constant 0 : i32
    %dma_wait3A_290 = tpu.memref_slice %arg12[%rem3A_270, %dma_wait3A_284, %dma_wait3A_289] : memref<2x8x128xi32, #tpu.memory_space<vmem>> -> memref<1x1x128xi32, #tpu.memory_space<vmem>>
    %dma_wait3A_291 = tpu.memref_squeeze %dma_wait3A_290 : memref<1x1x128xi32, #tpu.memory_space<vmem>> -> memref<128xi32, #tpu.memory_space<vmem>>
    %dma_wait3A_292 = arith.constant 0 : i32
    %dma_wait3A_293 = arith.constant 0 : i32
    %dma_wait3A_294 = tpu.memref_slice %arg14[%dma_wait3A_292, %dma_wait3A_293] : memref<10000x16xf32, #tpu.memory_space<vmem_shared>> -> memref<10000x16xf32, #tpu.memory_space<vmem_shared>>
    %dma_wait3A_295 = tpu.memref_slice %arg17[%rem3A_270] : memref<2x!tpu.dma_semaphore, #tpu.memory_space<semaphore_mem>> -> memref<1x!tpu.dma_semaphore, #tpu.memory_space<semaphore_mem>>
    %dma_wait3A_296 = tpu.memref_squeeze %dma_wait3A_295 : memref<1x!tpu.dma_semaphore, #tpu.memory_space<semaphore_mem>> -> memref<!tpu.dma_semaphore, #tpu.memory_space<semaphore_mem>>
    tpu.wait_indirect_dma semaphore(%dma_wait3A_296 : memref<!tpu.dma_semaphore, #tpu.memory_space<semaphore_mem>>) src(%dma_wait3A_288 : memref<128x16xf32, #tpu.memory_space<vmem>>) dst(%dma_wait3A_294 : memref<10000x16xf32, #tpu.memory_space<vmem_shared>>)
    %dma_wait3A_297 = arith.constant 2 : i32
    %dma_wait3A_298 = arith.constant 256 : i32
    %dma_wait3A_299 = arith.constant 0 : i32
    %dma_wait3A_300 = tpu.memref_slice %arg13[%rem3A_270, %dma_wait3A_298, %dma_wait3A_299] : memref<2x1024x16xf32, #tpu.memory_space<vmem>> -> memref<1x128x16xf32, #tpu.memory_space<vmem>>
    %dma_wait3A_301 = tpu.memref_squeeze %dma_wait3A_300 : memref<1x128x16xf32, #tpu.memory_space<vmem>> -> memref<128x16xf32, #tpu.memory_space<vmem>>
    %dma_wait3A_302 = arith.constant 0 : i32
    %dma_wait3A_303 = tpu.memref_slice %arg12[%rem3A_270, %dma_wait3A_297, %dma_wait3A_302] : memref<2x8x128xi32, #tpu.memory_space<vmem>> -> memref<1x1x128xi32, #tpu.memory_space<vmem>>
    %dma_wait3A_304 = tpu.memref_squeeze %dma_wait3A_303 : memref<1x1x128xi32, #tpu.memory_space<vmem>> -> memref<128xi32, #tpu.memory_space<vmem>>
    %dma_wait3A_305 = arith.constant 0 : i32
    %dma_wait3A_306 = arith.constant 0 : i32
    %dma_wait3A_307 = tpu.memref_slice %arg14[%dma_wait3A_305, %dma_wait3A_306] : memref<10000x16xf32, #tpu.memory_space<vmem_shared>> -> memref<10000x16xf32, #tpu.memory_space<vmem_shared>>
    %dma_wait3A_308 = tpu.memref_slice %arg17[%rem3A_270] : memref<2x!tpu.dma_semaphore, #tpu.memory_space<semaphore_mem>> -> memref<1x!tpu.dma_semaphore, #tpu.memory_space<semaphore_mem>>
    %dma_wait3A_309 = tpu.memref_squeeze %dma_wait3A_308 : memref<1x!tpu.dma_semaphore, #tpu.memory_space<semaphore_mem>> -> memref<!tpu.dma_semaphore, #tpu.memory_space<semaphore_mem>>
    tpu.wait_indirect_dma semaphore(%dma_wait3A_309 : memref<!tpu.dma_semaphore, #tpu.memory_space<semaphore_mem>>) src(%dma_wait3A_301 : memref<128x16xf32, #tpu.memory_space<vmem>>) dst(%dma_wait3A_307 : memref<10000x16xf32, #tpu.memory_space<vmem_shared>>)
    %dma_wait3A_310 = arith.constant 3 : i32
    %dma_wait3A_311 = arith.constant 384 : i32
    %dma_wait3A_312 = arith.constant 0 : i32
    %dma_wait3A_313 = tpu.memref_slice %arg13[%rem3A_270, %dma_wait3A_311, %dma_wait3A_312] : memref<2x1024x16xf32, #tpu.memory_space<vmem>> -> memref<1x128x16xf32, #tpu.memory_space<vmem>>
    %dma_wait3A_314 = tpu.memref_squeeze %dma_wait3A_313 : memref<1x128x16xf32, #tpu.memory_space<vmem>> -> memref<128x16xf32, #tpu.memory_space<vmem>>
    %dma_wait3A_315 = arith.constant 0 : i32
    %dma_wait3A_316 = tpu.memref_slice %arg12[%rem3A_270, %dma_wait3A_310, %dma_wait3A_315] : memref<2x8x128xi32, #tpu.memory_space<vmem>> -> memref<1x1x128xi32, #tpu.memory_space<vmem>>
    %dma_wait3A_317 = tpu.memref_squeeze %dma_wait3A_316 : memref<1x1x128xi32, #tpu.memory_space<vmem>> -> memref<128xi32, #tpu.memory_space<vmem>>
    %dma_wait3A_318 = arith.constant 0 : i32
    %dma_wait3A_319 = arith.constant 0 : i32
    %dma_wait3A_320 = tpu.memref_slice %arg14[%dma_wait3A_318, %dma_wait3A_319] : memref<10000x16xf32, #tpu.memory_space<vmem_shared>> -> memref<10000x16xf32, #tpu.memory_space<vmem_shared>>
    %dma_wait3A_321 = tpu.memref_slice %arg17[%rem3A_270] : memref<2x!tpu.dma_semaphore, #tpu.memory_space<semaphore_mem>> -> memref<1x!tpu.dma_semaphore, #tpu.memory_space<semaphore_mem>>
    %dma_wait3A_322 = tpu.memref_squeeze %dma_wait3A_321 : memref<1x!tpu.dma_semaphore, #tpu.memory_space<semaphore_mem>> -> memref<!tpu.dma_semaphore, #tpu.memory_space<semaphore_mem>>
    tpu.wait_indirect_dma semaphore(%dma_wait3A_322 : memref<!tpu.dma_semaphore, #tpu.memory_space<semaphore_mem>>) src(%dma_wait3A_314 : memref<128x16xf32, #tpu.memory_space<vmem>>) dst(%dma_wait3A_320 : memref<10000x16xf32, #tpu.memory_space<vmem_shared>>)
    %dma_wait3A_323 = arith.constant 4 : i32
    %dma_wait3A_324 = arith.constant 512 : i32
    %dma_wait3A_325 = arith.constant 0 : i32
    %dma_wait3A_326 = tpu.memref_slice %arg13[%rem3A_270, %dma_wait3A_324, %dma_wait3A_325] : memref<2x1024x16xf32, #tpu.memory_space<vmem>> -> memref<1x128x16xf32, #tpu.memory_space<vmem>>
    %dma_wait3A_327 = tpu.memref_squeeze %dma_wait3A_326 : memref<1x128x16xf32, #tpu.memory_space<vmem>> -> memref<128x16xf32, #tpu.memory_space<vmem>>
    %dma_wait3A_328 = arith.constant 0 : i32
    %dma_wait3A_329 = tpu.memref_slice %arg12[%rem3A_270, %dma_wait3A_323, %dma_wait3A_328] : memref<2x8x128xi32, #tpu.memory_space<vmem>> -> memref<1x1x128xi32, #tpu.memory_space<vmem>>
    %dma_wait3A_330 = tpu.memref_squeeze %dma_wait3A_329 : memref<1x1x128xi32, #tpu.memory_space<vmem>> -> memref<128xi32, #tpu.memory_space<vmem>>
    %dma_wait3A_331 = arith.constant 0 : i32
    %dma_wait3A_332 = arith.constant 0 : i32
    %dma_wait3A_333 = tpu.memref_slice %arg14[%dma_wait3A_331, %dma_wait3A_332] : memref<10000x16xf32, #tpu.memory_space<vmem_shared>> -> memref<10000x16xf32, #tpu.memory_space<vmem_shared>>
    %dma_wait3A_334 = tpu.memref_slice %arg17[%rem3A_270] : memref<2x!tpu.dma_semaphore, #tpu.memory_space<semaphore_mem>> -> memref<1x!tpu.dma_semaphore, #tpu.memory_space<semaphore_mem>>
    %dma_wait3A_335 = tpu.memref_squeeze %dma_wait3A_334 : memref<1x!tpu.dma_semaphore, #tpu.memory_space<semaphore_mem>> -> memref<!tpu.dma_semaphore, #tpu.memory_space<semaphore_mem>>
    tpu.wait_indirect_dma semaphore(%dma_wait3A_335 : memref<!tpu.dma_semaphore, #tpu.memory_space<semaphore_mem>>) src(%dma_wait3A_327 : memref<128x16xf32, #tpu.memory_space<vmem>>) dst(%dma_wait3A_333 : memref<10000x16xf32, #tpu.memory_space<vmem_shared>>)
    %dma_wait3A_336 = arith.constant 5 : i32
    %dma_wait3A_337 = arith.constant 640 : i32
    %dma_wait3A_338 = arith.constant 0 : i32
    %dma_wait3A_339 = tpu.memref_slice %arg13[%rem3A_270, %dma_wait3A_337, %dma_wait3A_338] : memref<2x1024x16xf32, #tpu.memory_space<vmem>> -> memref<1x128x16xf32, #tpu.memory_space<vmem>>
    %dma_wait3A_340 = tpu.memref_squeeze %dma_wait3A_339 : memref<1x128x16xf32, #tpu.memory_space<vmem>> -> memref<128x16xf32, #tpu.memory_space<vmem>>
    %dma_wait3A_341 = arith.constant 0 : i32
    %dma_wait3A_342 = tpu.memref_slice %arg12[%rem3A_270, %dma_wait3A_336, %dma_wait3A_341] : memref<2x8x128xi32, #tpu.memory_space<vmem>> -> memref<1x1x128xi32, #tpu.memory_space<vmem>>
    %dma_wait3A_343 = tpu.memref_squeeze %dma_wait3A_342 : memref<1x1x128xi32, #tpu.memory_space<vmem>> -> memref<128xi32, #tpu.memory_space<vmem>>
    %dma_wait3A_344 = arith.constant 0 : i32
    %dma_wait3A_345 = arith.constant 0 : i32
    %dma_wait3A_346 = tpu.memref_slice %arg14[%dma_wait3A_344, %dma_wait3A_345] : memref<10000x16xf32, #tpu.memory_space<vmem_shared>> -> memref<10000x16xf32, #tpu.memory_space<vmem_shared>>
    %dma_wait3A_347 = tpu.memref_slice %arg17[%rem3A_270] : memref<2x!tpu.dma_semaphore, #tpu.memory_space<semaphore_mem>> -> memref<1x!tpu.dma_semaphore, #tpu.memory_space<semaphore_mem>>
    %dma_wait3A_348 = tpu.memref_squeeze %dma_wait3A_347 : memref<1x!tpu.dma_semaphore, #tpu.memory_space<semaphore_mem>> -> memref<!tpu.dma_semaphore, #tpu.memory_space<semaphore_mem>>
    tpu.wait_indirect_dma semaphore(%dma_wait3A_348 : memref<!tpu.dma_semaphore, #tpu.memory_space<semaphore_mem>>) src(%dma_wait3A_340 : memref<128x16xf32, #tpu.memory_space<vmem>>) dst(%dma_wait3A_346 : memref<10000x16xf32, #tpu.memory_space<vmem_shared>>)
    %dma_wait3A_349 = arith.constant 6 : i32
    %dma_wait3A_350 = arith.constant 768 : i32
    %dma_wait3A_351 = arith.constant 0 : i32
    %dma_wait3A_352 = tpu.memref_slice %arg13[%rem3A_270, %dma_wait3A_350, %dma_wait3A_351] : memref<2x1024x16xf32, #tpu.memory_space<vmem>> -> memref<1x128x16xf32, #tpu.memory_space<vmem>>
    %dma_wait3A_353 = tpu.memref_squeeze %dma_wait3A_352 : memref<1x128x16xf32, #tpu.memory_space<vmem>> -> memref<128x16xf32, #tpu.memory_space<vmem>>
    %dma_wait3A_354 = arith.constant 0 : i32
    %dma_wait3A_355 = tpu.memref_slice %arg12[%rem3A_270, %dma_wait3A_349, %dma_wait3A_354] : memref<2x8x128xi32, #tpu.memory_space<vmem>> -> memref<1x1x128xi32, #tpu.memory_space<vmem>>
    %dma_wait3A_356 = tpu.memref_squeeze %dma_wait3A_355 : memref<1x1x128xi32, #tpu.memory_space<vmem>> -> memref<128xi32, #tpu.memory_space<vmem>>
    %dma_wait3A_357 = arith.constant 0 : i32
    %dma_wait3A_358 = arith.constant 0 : i32
    %dma_wait3A_359 = tpu.memref_slice %arg14[%dma_wait3A_357, %dma_wait3A_358] : memref<10000x16xf32, #tpu.memory_space<vmem_shared>> -> memref<10000x16xf32, #tpu.memory_space<vmem_shared>>
    %dma_wait3A_360 = tpu.memref_slice %arg17[%rem3A_270] : memref<2x!tpu.dma_semaphore, #tpu.memory_space<semaphore_mem>> -> memref<1x!tpu.dma_semaphore, #tpu.memory_space<semaphore_mem>>
    %dma_wait3A_361 = tpu.memref_squeeze %dma_wait3A_360 : memref<1x!tpu.dma_semaphore, #tpu.memory_space<semaphore_mem>> -> memref<!tpu.dma_semaphore, #tpu.memory_space<semaphore_mem>>
    tpu.wait_indirect_dma semaphore(%dma_wait3A_361 : memref<!tpu.dma_semaphore, #tpu.memory_space<semaphore_mem>>) src(%dma_wait3A_353 : memref<128x16xf32, #tpu.memory_space<vmem>>) dst(%dma_wait3A_359 : memref<10000x16xf32, #tpu.memory_space<vmem_shared>>)
    %dma_wait3A_362 = arith.constant 7 : i32
    %dma_wait3A_363 = arith.constant 896 : i32
    %dma_wait3A_364 = arith.constant 0 : i32
    %dma_wait3A_365 = tpu.memref_slice %arg13[%rem3A_270, %dma_wait3A_363, %dma_wait3A_364] : memref<2x1024x16xf32, #tpu.memory_space<vmem>> -> memref<1x128x16xf32, #tpu.memory_space<vmem>>
    %dma_wait3A_366 = tpu.memref_squeeze %dma_wait3A_365 : memref<1x128x16xf32, #tpu.memory_space<vmem>> -> memref<128x16xf32, #tpu.memory_space<vmem>>
    %dma_wait3A_367 = arith.constant 0 : i32
    %dma_wait3A_368 = tpu.memref_slice %arg12[%rem3A_270, %dma_wait3A_362, %dma_wait3A_367] : memref<2x8x128xi32, #tpu.memory_space<vmem>> -> memref<1x1x128xi32, #tpu.memory_space<vmem>>
    %dma_wait3A_369 = tpu.memref_squeeze %dma_wait3A_368 : memref<1x1x128xi32, #tpu.memory_space<vmem>> -> memref<128xi32, #tpu.memory_space<vmem>>
    %dma_wait3A_370 = arith.constant 0 : i32
    %dma_wait3A_371 = arith.constant 0 : i32
    %dma_wait3A_372 = tpu.memref_slice %arg14[%dma_wait3A_370, %dma_wait3A_371] : memref<10000x16xf32, #tpu.memory_space<vmem_shared>> -> memref<10000x16xf32, #tpu.memory_space<vmem_shared>>
    %dma_wait3A_373 = tpu.memref_slice %arg17[%rem3A_270] : memref<2x!tpu.dma_semaphore, #tpu.memory_space<semaphore_mem>> -> memref<1x!tpu.dma_semaphore, #tpu.memory_space<semaphore_mem>>
    %dma_wait3A_374 = tpu.memref_squeeze %dma_wait3A_373 : memref<1x!tpu.dma_semaphore, #tpu.memory_space<semaphore_mem>> -> memref<!tpu.dma_semaphore, #tpu.memory_space<semaphore_mem>>
    tpu.wait_indirect_dma semaphore(%dma_wait3A_374 : memref<!tpu.dma_semaphore, #tpu.memory_space<semaphore_mem>>) src(%dma_wait3A_366 : memref<128x16xf32, #tpu.memory_space<vmem>>) dst(%dma_wait3A_372 : memref<10000x16xf32, #tpu.memory_space<vmem_shared>>)
    %barrier3A_375 = arith.constant 0 : index
    tpu.barrier barrier_id(%barrier3A_375)
    %mul3A_376 = arith.constant 624 : i32
    %mul3A_377 = arith.muli %arg1, %mul3A_376 : i32
    %mul3A_378 = arith.constant 624 : i32
    %mul3A_379 = arith.muli %arg1, %mul3A_378 : i32
    "tpu.region"() ({
      %run_scoped3A = tpu.sem_alloc : memref<!tpu.dma_semaphore, #tpu.memory_space<semaphore_mem>>
      %dma_start3A_385 = arith.constant 0 : i32
      %dma_start3A_386 = tpu.memref_slice %arg7[%arg0, %mul3A_379, %dma_start3A_385] : memref<2x10000x16xf32, #tpu.memory_space<hbm>> -> memref<1x624x16xf32, #tpu.memory_space<hbm>>
      %dma_start3A_387 = tpu.memref_squeeze %dma_start3A_386 : memref<1x624x16xf32, #tpu.memory_space<hbm>> -> memref<624x16xf32, #tpu.memory_space<hbm>>
      %dma_start3A_388 = arith.constant 0 : i32
      %dma_start3A_389 = tpu.memref_slice %arg14[%mul3A_377, %dma_start3A_388] : memref<10000x16xf32, #tpu.memory_space<vmem_shared>> -> memref<624x16xf32, #tpu.memory_space<vmem_shared>>
      tpu.enqueue_dma source(%dma_start3A_389 : memref<624x16xf32, #tpu.memory_space<vmem_shared>>) target(%dma_start3A_387 : memref<624x16xf32, #tpu.memory_space<hbm>>) target_semaphore(%run_scoped3A : memref<!tpu.dma_semaphore, #tpu.memory_space<semaphore_mem>>)
      %dma_wait3A_390 = arith.constant 0 : i32
      %dma_wait3A_391 = tpu.memref_slice %arg7[%arg0, %mul3A_379, %dma_wait3A_390] : memref<2x10000x16xf32, #tpu.memory_space<hbm>> -> memref<1x624x16xf32, #tpu.memory_space<hbm>>
      %dma_wait3A_392 = tpu.memref_squeeze %dma_wait3A_391 : memref<1x624x16xf32, #tpu.memory_space<hbm>> -> memref<624x16xf32, #tpu.memory_space<hbm>>
      %dma_wait3A_393 = arith.constant 0 : i32
      %dma_wait3A_394 = tpu.memref_slice %arg14[%mul3A_377, %dma_wait3A_393] : memref<10000x16xf32, #tpu.memory_space<vmem_shared>> -> memref<624x16xf32, #tpu.memory_space<vmem_shared>>
      tpu.wait_dma2 semaphore(%run_scoped3A : memref<!tpu.dma_semaphore, #tpu.memory_space<semaphore_mem>>) src(%dma_wait3A_394 : memref<624x16xf32, #tpu.memory_space<vmem_shared>>) dst(%dma_wait3A_392 : memref<624x16xf32, #tpu.memory_space<hbm>>)
      tpu.yield
    }) : () -> ()
    %eq3A_380 = arith.constant 0 : i32
    %eq3A_381 = arith.cmpi eq, %arg1, %eq3A_380 : i32
    %convert_element_type3A_382 = arith.extui %eq3A_381 : i1 to i32
    %cond3A_383 = arith.constant 0 : i32
    %cond3A_384 = arith.cmpi ne, %convert_element_type3A_382, %cond3A_383 : i32
    scf.if %cond3A_384 {
      "tpu.region"() ({
        %run_scoped3A = tpu.sem_alloc : memref<!tpu.dma_semaphore, #tpu.memory_space<semaphore_mem>>
        %dma_start3A_385 = arith.constant 9984 : i32
        %dma_start3A_386 = arith.constant 0 : i32
        %dma_start3A_387 = tpu.memref_slice %arg7[%arg0, %dma_start3A_385, %dma_start3A_386] : memref<2x10000x16xf32, #tpu.memory_space<hbm>> -> memref<1x16x16xf32, #tpu.memory_space<hbm>>
        %dma_start3A_388 = tpu.memref_squeeze %dma_start3A_387 : memref<1x16x16xf32, #tpu.memory_space<hbm>> -> memref<16x16xf32, #tpu.memory_space<hbm>>
        %dma_start3A_389 = arith.constant 9984 : i32
        %dma_start3A_390 = arith.constant 0 : i32
        %dma_start3A_391 = tpu.memref_slice %arg14[%dma_start3A_389, %dma_start3A_390] : memref<10000x16xf32, #tpu.memory_space<vmem_shared>> -> memref<16x16xf32, #tpu.memory_space<vmem_shared>>
        tpu.enqueue_dma source(%dma_start3A_391 : memref<16x16xf32, #tpu.memory_space<vmem_shared>>) target(%dma_start3A_388 : memref<16x16xf32, #tpu.memory_space<hbm>>) target_semaphore(%run_scoped3A : memref<!tpu.dma_semaphore, #tpu.memory_space<semaphore_mem>>)
        %dma_wait3A_392 = arith.constant 9984 : i32
        %dma_wait3A_393 = arith.constant 0 : i32
        %dma_wait3A_394 = tpu.memref_slice %arg7[%arg0, %dma_wait3A_392, %dma_wait3A_393] : memref<2x10000x16xf32, #tpu.memory_space<hbm>> -> memref<1x16x16xf32, #tpu.memory_space<hbm>>
        %dma_wait3A_395 = tpu.memref_squeeze %dma_wait3A_394 : memref<1x16x16xf32, #tpu.memory_space<hbm>> -> memref<16x16xf32, #tpu.memory_space<hbm>>
        %dma_wait3A_396 = arith.constant 9984 : i32
        %dma_wait3A_397 = arith.constant 0 : i32
        %dma_wait3A_398 = tpu.memref_slice %arg14[%dma_wait3A_396, %dma_wait3A_397] : memref<10000x16xf32, #tpu.memory_space<vmem_shared>> -> memref<16x16xf32, #tpu.memory_space<vmem_shared>>
        tpu.wait_dma2 semaphore(%run_scoped3A : memref<!tpu.dma_semaphore, #tpu.memory_space<semaphore_mem>>) src(%dma_wait3A_398 : memref<16x16xf32, #tpu.memory_space<vmem_shared>>) dst(%dma_wait3A_395 : memref<16x16xf32, #tpu.memory_space<hbm>>)
        tpu.yield
      }) : () -> ()
    } else {
    }
    return
  }
}

module attributes {stable_mosaic.version = 14 : i64} {
  func.func @_mm_body(%arg0: i32, %arg1: memref<1000x16xf32, #tpu.memory_space<vmem>>, %arg2: memref<16x1280xf32, #tpu.memory_space<vmem>>, %arg3: memref<1000x1280xf32, #tpu.memory_space<vmem>>) attributes {dimension_semantics = [#tpu.dimension_semantics<arbitrary>], iteration_bounds = array<i64: 10>, scalar_prefetch = 0 : i64, scratch_operands = 0 : i64, tpu.core_type = #tpu.core_type<tc>, window_params = [{transform_indices = @transform_0, window_bounds = array<i64: 1000, 16>}, {pipeline_mode = #tpu.pipeline_mode<synchronous>, transform_indices = @transform_1, window_bounds = array<i64: 16, 1280>}, {transform_indices = @transform_2, window_bounds = array<i64: 1000, 1280>}]} {
    %get3A = arith.constant 0 : index
    %get3A_0 = arith.constant 0 : index
    %get3A_1 = vector.load %arg1[%get3A, %get3A_0] : memref<1000x16xf32, #tpu.memory_space<vmem>>, vector<1000x16xf32>
    %get3A_2 = arith.constant 0 : index
    %get3A_3 = arith.constant 0 : index
    %get3A_4 = vector.load %arg2[%get3A_2, %get3A_3] : memref<16x1280xf32, #tpu.memory_space<vmem>>, vector<16x1280xf32>
    %dot_general3A = arith.constant dense<0.000000e+00> : vector<1000x1280xf32>
    %dot_general3A_5 = tpu.matmul %get3A_1, %get3A_4, %dot_general3A {dimension_numbers = #tpu.dot_dimension_numbers<[1], [0], [0], [1], [0, 0, 1, 1], [], []>, transpose_lhs_hint = false} : vector<1000x16xf32>, vector<16x1280xf32>, vector<1000x1280xf32> -> vector<1000x1280xf32>
    %swap3A = arith.constant 0 : index
    %swap3A_6 = arith.constant 0 : index
    %swap3A_7 = vector.load %arg3[%swap3A, %swap3A_6] : memref<1000x1280xf32, #tpu.memory_space<vmem>>, vector<1000x1280xf32>
    tpu.vector_store %arg3[%swap3A, %swap3A_6], %dot_general3A_5 {strides = array<i32>} : memref<1000x1280xf32, #tpu.memory_space<vmem>>, vector<1000x1280xf32>,
    return
  }
  func.func @transform_0(%arg0: i32) -> (i32, i32) {
    %c0_i32 = arith.constant 0 : i32
    %c0_i32_0 = arith.constant 0 : i32
    return %arg0, %c0_i32 : i32, i32
  }
  func.func @transform_1(%arg0: i32) -> (i32, i32) {
    %c0_i32 = arith.constant 0 : i32
    %c0_i32_0 = arith.constant 0 : i32
    %c0_i32_1 = arith.constant 0 : i32
    return %c0_i32, %c0_i32_0 : i32, i32
  }
  func.func @transform_2(%arg0: i32) -> (i32, i32) {
    %c0_i32 = arith.constant 0 : i32
    %c0_i32_0 = arith.constant 0 : i32
    return %arg0, %c0_i32 : i32, i32
  }
}

module attributes {stable_mosaic.version = 14 : i64} {
  func.func @_add_body(%arg0: memref<2x10000x16xf32, #tpu.memory_space<vmem>>, %arg1: memref<10000x16xf32, #tpu.memory_space<vmem>>) attributes {dimension_semantics = [], scalar_prefetch = 0 : i64, scratch_operands = 0 : i64, tpu.core_type = #tpu.core_type<tc>} {
    %get3A = arith.constant 0 : index
    %get3A_0 = arith.constant 0 : index
    %get3A_1 = arith.constant 0 : index
    %get3A_2 = vector.load %arg0[%get3A, %get3A_0, %get3A_1] : memref<2x10000x16xf32, #tpu.memory_space<vmem>>, vector<1x10000x16xf32>
    %get3A_3 = vector.shape_cast %get3A_2 : vector<1x10000x16xf32> to vector<10000x16xf32>
    %get3A_4 = arith.constant 1 : index
    %get3A_5 = arith.constant 0 : index
    %get3A_6 = arith.constant 0 : index
    %get3A_7 = vector.load %arg0[%get3A_4, %get3A_5, %get3A_6] : memref<2x10000x16xf32, #tpu.memory_space<vmem>>, vector<1x10000x16xf32>
    %get3A_8 = vector.shape_cast %get3A_7 : vector<1x10000x16xf32> to vector<10000x16xf32>
    %add3A = arith.addf %get3A_3, %get3A_8 : vector<10000x16xf32>
    %swap3A = arith.constant 0 : index
    %swap3A_9 = arith.constant 0 : index
    %swap3A_10 = vector.load %arg1[%swap3A, %swap3A_9] : memref<10000x16xf32, #tpu.memory_space<vmem>>, vector<10000x16xf32>
    tpu.vector_store %arg1[%swap3A, %swap3A_9], %add3A {strides = array<i32>} : memref<10000x16xf32, #tpu.memory_space<vmem>>, vector<10000x16xf32>,
    return
  }
}

</mosaic_0001>

<sc_bundles>
// kernel: kernel.5.cloned.1.call-start
scs
__scs_entry_jumppad:
0x0: {  	(pc) =	sbr.rel $0x88, $3  }
0x1: {  	(tag) =	ssettag $0x0;
	lr =	simm.s32 $0x1  }
0x2: {  	[smem:$0x3F9C] =	sst lr;
	_ =	strace $0xD0000000  }
0x3: {  	_ = 	snop  }
0x4: {  	_ = 	snop  }
0x5: {  	_ = 	snop  }
0x6: {  	_ = 	snop  }
0x7: {  	_ = 	snop  }
__scs_overlays_trampoline_lowered:
0x8: {  	[smem:$0x3FAB] =	sst s0  }
0x9: {  	[smem:$0x3FAC] =	sst s1  }
0xa: {  	[smem:$0x3FAD] =	sst s2  }
0xb: {  	[smem:$0x3FAE] =	sst s3  }
0xc: {  	[smem:$0x3FAF] =	sst s4  }
0xd: {  	[smem:$0x3FB0] =	sst s5  }
0xe: {  	[smem:$0x3FB1] =	sst s6  }
0xf: {  	[smem:$0x3FB2] =	sst s7  }
0x10: {  	[smem:$0x3FB3] =	sst s8  }
0x11: {  	[smem:$0x3FB4] =	sst s9;
	s0 =	simm.s32 @!p0 $0x0  }
0x12: {  	s1 =	sld [smem:$0x3F9A];
	s0 =	simm.s32 @p0 $0x1  }
0x13: {  	[smem:$0x3FB5] =	sst s0;
	s0 =	simm.s32 @!p1 $0x0  }
0x14: {  	s2 =	sld [smem:$0x3F99];
	s0 =	simm.s32 @p1 $0x1  }
0x15: {  	[smem:$0x3FB6] =	sst s0;
	s0 =	simm.s32 @!p2 $0x0  }
0x16: {  	s3 =	sld [smem:$0x3FDB];
	s0 =	simm.s32 @p2 $0x1  }
0x17: {  	s4 =	simm.s32 $0x1BF5;
	[smem:$0x3FB8] =	sst s0  }
0x18: {  	s0 =	sld [smem:$0x3F9B];
	_ =	swait.ge [sflag:s4], $0x0  }
0x19: {  	s7 =	sld [smem:$0x3F9C]  }
0x1a: {  	s8 =	sadd.s32 $0xFFFFE003, lr  }
0x1b: {  	s9 =	sadd.s32 $0xFFFFFEF7, lr;
	s5 =	simm.s32 $0xFFFFFFFF;
	p2 =	slt.u32 s8, $0xFFFFF086  }
0x1c: {  	p1 =	slt.u32 s9, $0xF7A;
	s5 =	simm.s32 @!p2 $0x0  }
0x1d: {  	s5 =	simm.s32 @p1 $0x1;
	p0 =	seq.s32 s7, s2  }
0x1e: {  	s7 =	smul.u32 @!p0 $0xF7A, s2;
	p2 =	seq.s32 @!p0 s5, $0x0  }
0x1f: {  	s9 =	smul.u32 $0xF7A, s1;
	s8 =	simm.s32 @!p0 $0x1BF5;
	p2 =	por !p2, p0  }
0x20: {  	[sflag:s8] =	ssyncset.s32 @!p0 $0xFFFFF086;
	s6 =	sadd.s32 @!p0 s3, s7;
	s7 =	simm.s32 @!p0 $0x108  }
0x21: {  	s3 =	sadd.s32 s3, s9;
	s6 =	sadd.s32 @!p0 $0x88, s6;
	s7 =	simm.s32 @p2 $0x1082  }
0x22: {  	[simem:s7], [sflag:s8] =	dma.local @!p0 [hbm:s6], $0xF7A  }
0x23: {  	s9 =	sor.u32 $0xD0000000, s2;
	s6 =	simm.s32 $0x108;
	_ =	swait.ge @!p0 [sflag:s8], $0x0  }
0x24: {  	s3 =	sadd.s32 $0x88, s3;
	s6 =	simm.s32 @!p1 $0x1082;
	[sflag:s4] =	ssyncset.s32 $0xFFFFF086  }
0x25: {  	[simem:s6], [sflag:s4] =	dma.local [hbm:s3], $0xF7A  }
0x26: {  	[smem:$0x3F9C] =	sst s1;
	(tag) =	ssettag s2;
	_ =	strace s9  }
0x27: {  	s1 =	sld [smem:$0x3FAC]  }
0x28: {  	s2 =	sld [smem:$0x3FAD]  }
0x29: {  	s4 =	sld [smem:$0x3FAF]  }
0x2a: {  	p0 =	seq.s32 s5, $0x0;
	s5 =	sld [smem:$0x3FB0]  }
0x2b: {  	s6 =	sld [smem:$0x3FB1]  }
0x2c: {  	s7 =	sld [smem:$0x3FB2]  }
0x2d: {  	s3 =	simm.s32 $0x108;
	s8 =	sld [smem:$0x3FB3]  }
0x2e: {  	s3 =	simm.s32 @!p0 $0x1082;
	s9 =	sld [smem:$0x3FB4]  }
0x2f: {  	lr =	sadd.s32 s0, s3;
	s0 =	sld [smem:$0x3FAB]  }
0x30: {  	s3 =	sld [smem:$0x3FAE]  }
0x31: {  	[smem:$0x3FB7] =	sst s10  }
0x32: {  	s10 =	sld [smem:$0x3FB5];
	_ =	sdelay $0x3  }
0x33: {  	p0 =	seq.s32 s10, $0x1;
	s10 =	sld [smem:$0x3FB7];
	_ =	sdelay $0x3  }
0x34: {  	[smem:$0x3FB7] =	sst s10  }
0x35: {  	s10 =	sld [smem:$0x3FB6];
	_ =	sdelay $0x3  }
0x36: {  	p1 =	seq.s32 s10, $0x1;
	s10 =	sld [smem:$0x3FB7];
	_ =	sdelay $0x3  }
0x37: {  	[smem:$0x3FB7] =	sst s10  }
0x38: {  	s10 =	sld [smem:$0x3FB8]  }
0x39: {  	_ = 	snop;
	(pc) =	sbr.ind lr, $3  }
0x3a: {  	_ = 	snop  }
0x3b: {  	_ = 	snop  }
0x3c: {  	p2 =	seq.s32 s10, $0x1;
	s10 =	sld [smem:$0x3FB7]  }
0x3d: {  	_ =	shalt  }
0x3e: {  	_ =	shalt  }
0x3f: {  	_ =	shalt  }
0x40: {  	_ =	shalt  }
0x41: {  	_ =	shalt  }
0x42: {  	_ =	shalt  }
0x43: {  	_ =	shalt  }
0x44: {  	_ =	shalt  }
0x45: {  	_ =	shalt  }
0x46: {  	_ =	shalt  }
0x47: {  	_ =	shalt  }
0x48: {  	_ =	shalt  }
0x49: {  	_ =	shalt  }
0x4a: {  	_ =	shalt  }
0x4b: {  	_ =	shalt  }
0x4c: {  	_ =	shalt  }
0x4d: {  	_ =	shalt  }
0x4e: {  	_ =	shalt  }
0x4f: {  	_ =	shalt  }
0x50: {  	_ =	shalt  }
0x51: {  	_ =	shalt  }
0x52: {  	_ =	shalt  }
0x53: {  	_ =	shalt  }
0x54: {  	_ =	shalt  }
0x55: {  	_ =	shalt  }
0x56: {  	_ =	shalt  }
0x57: {  	_ =	shalt  }
0x58: {  	_ =	shalt  }
0x59: {  	_ =	shalt  }
0x5a: {  	_ =	shalt  }
0x5b: {  	_ =	shalt  }
0x5c: {  	_ =	shalt  }
0x5d: {  	_ =	shalt  }
0x5e: {  	_ =	shalt  }
0x5f: {  	_ =	shalt  }
0x60: {  	_ =	shalt  }
0x61: {  	_ =	shalt  }
0x62: {  	_ =	shalt  }
0x63: {  	_ =	shalt  }
0x64: {  	_ =	shalt  }
0x65: {  	_ =	shalt  }
0x66: {  	_ =	shalt  }
0x67: {  	_ =	shalt  }
0x68: {  	_ =	shalt  }
0x69: {  	_ =	shalt  }
0x6a: {  	_ =	shalt  }
0x6b: {  	_ =	shalt  }
0x6c: {  	_ =	shalt  }
0x6d: {  	_ =	shalt  }
0x6e: {  	_ =	shalt  }
0x6f: {  	_ =	shalt  }
0x70: {  	_ =	shalt  }
0x71: {  	_ =	shalt  }
0x72: {  	_ =	shalt  }
0x73: {  	_ =	shalt  }
0x74: {  	_ =	shalt  }
0x75: {  	_ =	shalt  }
0x76: {  	_ =	shalt  }
0x77: {  	_ =	shalt  }
0x78: {  	_ =	shalt  }
0x79: {  	_ =	shalt  }
0x7a: {  	_ =	shalt  }
0x7b: {  	_ =	shalt  }
0x7c: {  	_ =	shalt  }
0x7d: {  	_ =	shalt  }
0x7e: {  	_ =	shalt  }
0x7f: {  	_ =	shalt  }
0x80: {  	_ =	shalt  }
0x81: {  	_ =	shalt  }
0x82: {  	_ =	shalt  }
0x83: {  	_ =	shalt  }
0x84: {  	_ =	shalt  }
0x85: {  	_ =	shalt  }
0x86: {  	_ =	shalt  }
0x87: {  	_ =	shalt  }
.Lfunc_end0:
.L_simem_size_0:
called_computation_lowered:
.L_overlay_start_0:
0x88: {  	s2 =	sld [smem:$0x3FD9]  }
0x89: {  	s3 =	sld [smem:$0x3FFE];
	_ =	sdelay $0x1  }
0x8a: {  	s1 =	srdreg.scid  }
0x8b: {  	s0 =	sand.u32 $0x1, s1  }
0x8c: {  	s17 =	sshll.u32 s0, $0xA;
	s2 =	sadd.s32 s3, s2  }
0x8d: {  	s2 =	sadd.s32 s2, s17  }
0x8e: {  	[smem:$0x3FC3] =	sst s2  }
0x8f: {  	_ = 	snop  }
0x90: {  	s2 =	sld [smem:$0x3FC8]  }
0x91: {  	s18 =	sld [smem:$0x3FC7]  }
0x92: {  	s4 =	sld [smem:$0x3FC6]  }
0x93: {  	s5 =	sld [smem:$0x3FD0];
	(tm) =	ssettm $0x1  }
0x94: {  	s6 =	sld [smem:$0x3FFB];
	_ =	sdelay $0x3  }
0x95: {  	_ =	strace s6  }
0x96: {  	s6 =	sld [smem:$0x3FFC];
	_ =	sdelay $0x3  }
0x97: {  	_ =	strace s6  }
0x98: {  	s6 =	sld [smem:$0x3FFD];
	_ =	sdelay $0x3  }
0x99: {  	_ =	strace s6  }
0x9a: {  	_ =	strace $0x8FFFFFFF  }
0x9b: {  	s19 =	sld [smem:$0x3FDB];
	_ =	sdelay $0x1  }
0x9c: {  	s7 =	simm.s32 $_scs_section_size  }
0x9d: {  	s8 =	simm.s32 $_size__tile_overlayer_lowered;
	s9 =	simm.s32 $_tile_overlayer_lowered  }
0x9e: {  	s22 =	simm.s32 $0x1BFF;
	s21 =	sshll.u32 s9, $0x1;
	s6 =	sadd.s32 s7, s19  }
0x9f: {  	s10 =	simm.s32 $0x0;
	s20 =	sshll.u32 s8, $0x1;
	s8 =	sadd.s32 s21, s6  }
0xa0: {  	[timem:s10], [sflag:s22] =	dma.local [hbm:s8], s20  }
0xa1: {  	_ =	swait.ge [sflag:s22], s20  }
0xa2: {  	s7 =	ssub.s32 $0x0, s20;
	[sflag:s22] =	ssyncset.done $0x0  }
0xa3: {  	[sflag:s22] =	ssyncadd.s32 s7;
	_ =	sdelay $0x1  }
0xa4: {  	s23 =	simm.s32 $0x1B8B  }
0xa5: {  	_ =	swait.ge [sflag:s23], $0x1  }
0xa6: {  	[sflag:s23] =	ssyncset.done $0x0  }
0xa7: {  	s25 =	simm.s32 $0x1B8E;
	s24 =	sld [smem:$0x3FFE];
	[sflag:s23] =	ssyncadd.s32 $0xFFFFFFFF  }
0xa8: {  	s26 =	simm.s32 $execute0_lowered;
	[smem:$0x3FD2] =	sst s25  }
0xa9: {  	s8 =	sshll.u32 s26, $0x1;
	_ =	strace $0x80000046;
	[dreg:$0x1] =	wrdreg $0xFFFFFFFF  }
0xaa: {  	s28 =	simm.s32 $_size_execute0_lowered;
	s6 =	sadd.s32 s6, s8;
	[dreg:$0x0] =	wrdreg $0x0  }
0xab: {  	s8 =	sshll.u32 s28, $0x1;
	[dreg:$0x2] =	wrdreg s6  }
0xac: {  	[dreg:$0x3] =	wrdreg s8  }
0xad: {  	[dreg:$0x4] =	wrdreg $0xC0  }
0xae: {  	_ =	task [dreg:s10], $0x5FFFF  }
0xaf: {  	[dreg:$0x1] =	wrdreg $0xFFFFFFFF  }
0xb0: {  	[dreg:$0x0] =	wrdreg $0x60  }
0xb1: {  	[dreg:$0x2] =	wrdreg s24  }
0xb2: {  	[dreg:$0x3] =	wrdreg s2  }
0xb3: {  	[dreg:$0x4] =	wrdreg s18  }
0xb4: {  	[dreg:$0x5] =	wrdreg s4  }
0xb5: {  	[dreg:$0x6] =	wrdreg s5  }
0xb6: {  	[dreg:$0x7] =	wrdreg $0xA8000  }
0xb7: {  	[dreg:$0x8] =	wrdreg $0x9  }
0xb8: {  	_ =	task.clear_ibuf [dreg:s10], $0x9FFFF;
	_ =	strace $0x90000046  }
0xb9: {  	s29 =	simm.s32 $0x9;
	_ =	strace $0x80000048  }
0xba: {  	_ =	swait.ge [sflag:s29], $0x1  }
0xbb: {  	[sflag:s29] =	ssyncadd.s32 $0xFFFFFFFF  }
0xbc: {  	_ =	strace $0x90000048  }
0xbd: {  	_ =	sfence  }
0xbe: {  	s30 =	sld [smem:$0x0];
	_ =	sdelay $0x2  }
0xbf: {  	s31 =	sshll.u32 s1, $0xD;
	s1 =	sshrl.u32 s1, $0x2  }
0xc0: {  	s3 =	sand.u32 $0x4000, s31;
	s1 =	sadd.s32 s1, s30  }
0xc1: {  	s0 =	sor.u32 s3, s0;
	s1 =	sshll.u32 s1, $0x11  }
0xc2: {  	s0 =	sor.u32 s1, s0  }
0xc3: {  	s0 =	sadd.s32 $0x8F2B, s0  }
0xc4: {  	[sflag:s0] =	ssyncadd.remote.s32 $0x1  }
0xc5: {  	_ =	sfence.sel $0xFFFF  }
0xc6: {  	[dreg:$0x0] =	wrdreg $0xFFFFFFFF;
	(pc) =	sbr.abs _section_cstart, $3  }
0xc7: {  	[dreg:$0x1] =	wrdreg $0xFFFFFFFF  }
0xc8: {  	_ =	task.clear_ibuf [dreg:s10], $0x2FFFF;
	_ =	strace $0x9FFFFFFF  }
0xc9: {  	(tm) =	ssettm $0x7FFFFFFF  }
tec
execute0_lowered:
.L_overlay_start_1:
0x0: {  	(tag) =	ssettag $0x1  }
0x1: {  	s0 =	rddreg [dreg:$0x0]  }
0x2: {  	s1 =	rddreg [dreg:$0x1]  }
0x3: {  	s2 =	rddreg [dreg:$0x2]  }
0x4: {  	s3 =	rddreg [dreg:$0x3]  }
0x5: {  	s7 =	rddreg [dreg:$0x4]  }
0x6: {  	s4 =	rddreg [dreg:$0x5];
	s5 =	simm.s32 $0x0;
	s6 =	srdreg.scid  }
0x7: {  	s11 =	stileid.u32;
	s30 =	simm.s32 $0x1;
	s31 =	simm.s32 $0x80  }
0x8: {  	s28 =	simm.s32 $0x0;
	[smem:$0x7FF] =	sst s5;
	s8 =	sand.u32 $0x1, s6  }
0x9: {  	s6 =	sadd.s32 $0x186E00, s0;
	s12 =	smul.u32 $0x2700, s11;
	s0 =	sadd.s32 $0x400, s0  }
0xa: {  	s15 =	sshll.u32 s11, $0x1;
	s14 =	sshll.u32 s11, $0x6;
	s20 =	sadd.s32 $0x27000, s4  }
0xb: {  	_ =	strace $0x80000047;
	s9 =	ssub.s32 $0x2, s8;
	s16 =	sor.u32 s8, s15  }
0xc: {  	[dreg:$0x9] =	wrdreg s20;
	s8 =	smul.u32 $0x27100, s8;
	s10 =	sshrl.u32 s9, $0x1  }
0xd: {  	s17 =	sshrl.u32 s12, $0x3;
	s15 =	sadd.s32 s12, s4;
	s18 =	smul.u32 $0x18800, s16  }
0xe: {  	p0 =	seq.s32 s16, $0x1F;
	s13 =	ssub.s32 s9, s10;
	[dreg:$0x7] =	wrdreg s15  }
0xf: {  	s9 =	sadd.s32 s7, s17;
	s10 =	simm.s32 $0x57;
	s7 =	sadd.s32 $0x4E00, s7  }
0x10: {  	s12 =	sadd.s32 s12, s8;
	s8 =	sshrl.u32 s8, $0x3;
	[dreg:$0x8] =	wrdreg s9  }
0x11: {  	s9 =	sor.u32 $0x1C07, s14;
	[dreg:$0xa] =	wrdreg s7;
	s10 =	simm.s32 @!p0 $0x62  }
0x12: {  	s22 =	sshrl.u32 s18, $0x3;
	s12 =	sshrl.u32 s12, $0x3;
	p0 =	sne.s32 s11, $0x0  }
0x13: {  	s21 =	sxor.u32 $0xFFFFFFFF, s10;
	s16 =	sadd.s32 s1, s22;
	s23 =	sadd.s32 s2, s22  }
0x14: {  	s24 =	sor.u32 $0x80, s22;
	s15 =	sadd.s32 s3, s22;
	[dreg:$0xb] =	wrdreg s16  }
0x15: {  	v3 =	vimm.s32 $0x0;
	s19 =	sadd.s32 s0, s12;
	s0 =	sadd.s32 s0, s8;
	[dreg:$0xc] =	wrdreg s23  }
0x16: {  	v53 =	vimm.s32 $0x1;
	v54 =	vimm.s32 $0x2;
	v55 =	vimm.s32 $0x3;
	s20 =	sadd.s32 $0xFFFFFFFF, s10;
	[dreg:$0xd] =	wrdreg s15;
	s25 =	sadd.s32 s1, s24  }
0x17: {  	v4 =	vimm.s32 $0x4;
	v5 =	vimm.s32 $0x5;
	v6 =	vimm.s32 $0x6;
	s22 =	sadd.s32 $0x800, s18;
	s26 =	sadd.s32 s2, s24;
	[dreg:$0xe] =	wrdreg s25  }
0x18: {  	v7 =	vimm.s32 $0x7;
	v8 =	vimm.s32 $0x8;
	v9 =	vimm.s32 $0x9;
	s29 =	sadd.s32 s3, s24;
	s7 =	sand.u32 $0x1, s21;
	[dreg:$0xf] =	wrdreg s26  }
0x19: {  	v10 =	vimm.s32 $0xA;
	v11 =	vimm.s32 $0xB;
	v12 =	vimm.s32 $0xC;
	s21 =	sadd.s32 $0xFFFFFFFE, s10;
	s24 =	sadd.s32 $0x4E00, s0;
	[dreg:$0x10] =	wrdreg s29  }
0x1a: {  	v13 =	vimm.s32 $0xD;
	v14 =	vimm.s32 $0xE;
	v15 =	vimm.s32 $0xF;
	s23 =	sadd.s32 $0x5, s7;
	s25 =	smax.u32 s13, $0x1;
	s26 =	simm.s32 $0x7  }
.LBB2_1:
0x1b: {  	s0 =	rddreg [dreg:$0x7]  }
0x1c: {  	s7 =	rddreg [dreg:$0x8];
	s29 =	sshrl.u32 s0, $0x3  }
0x1d: {  	[spmem:s29], [sflag:s9] =	dma.local [hbm:s7], $0x4E0  }
0x1e: {  	_ =	swait.ge [sflag:s26], $0x4E0  }
0x1f: {  	[sflag:s26] =	ssyncset.done $0x0;
	s0 =	rddreg [dreg:$0x9]  }
0x20: {  	s7 =	rddreg [dreg:$0xa];
	[sflag:s26] =	ssyncadd.s32 $0xFFFFFB20;
	s0 =	sshrl.u32 @!p0 s0, $0x3  }
0x21: {  	[spmem:s0], [sflag:s9] =	dma.local @!p0 [hbm:s7], $0x20  }
0x22: {  	s7 =	simm.s32 @!p0 $0x7  }
0x23: {  	_ =	swait.ge @!p0 [sflag:s7], $0x20  }
0x24: {  	[sflag:s7] =	ssyncset.done @!p0 $0x0  }
0x25: {  	[sflag:s7] =	ssyncadd.s32 @!p0 $0xFFFFFFE0  }
0x26: {  	[bflag:$0x0] =	sbarrier.arrive $0xFFFF  }
0x27: {  	s8 =	rddreg [dreg:$0xb]  }
0x28: {  	[tilespmem:s5], [sflag:$0x1] =	stream.linear.gather [hbm4b:s8+s5], $0x400, $0x38;
	[tilespmem:$0xCF10] =	vst v63  }
0x29: {  	s11 =	rddreg [dreg:$0xc];
	s8 =	simm.s32 $0x800  }
0x2a: {  	[tilespmem:s8], [sflag:$0x1] =	stream.linear.gather [hbm4b:s11+s5], $0x400, $0x38;
	[tilespmem:$0xCF10] =	vst v63  }
0x2b: {  	s13 =	simm.s32 $0x1000;
	s12 =	rddreg [dreg:$0xd]  }
0x2c: {  	[tilespmem:s13], [sflag:$0x1] =	stream.linear.gather [hbm4b:s12+s5], $0x400, $0x38;
	[tilespmem:$0xCF10] =	vst v63  }
0x2d: {  	_ =	swait.ge [sflag:s30], $0x400  }
0x2e: {  	[sflag:s30] =	ssyncset.done $0x0  }
0x2f: {  	[sflag:s30] =	ssyncadd.s32 $0xFFFFFC00  }
0x30: {  	_ =	swait.ge [sflag:s30], $0x400  }
0x31: {  	[sflag:s30] =	ssyncset.done $0x0  }
0x32: {  	[sflag:s30] =	ssyncadd.s32 $0xFFFFFC00  }
0x33: {  	_ =	swait.ge [sflag:s30], $0x400  }
0x34: {  	[sflag:s30] =	ssyncset.done $0x0  }
0x35: {  	s14 =	simm.s32 $0x10;
	[sflag:s30] =	ssyncadd.s32 $0xFFFFFC00  }
0x36: {  	v16 =	vld [tilespmem:s14+$0x0]  }
0x37: {  	s15 =	simm.s32 $0x810;
	v17 =	vld [tilespmem:s14+$0xFFFFFFF0]  }
0x38: {  	v18 =	vld [tilespmem:s15+$0xFFFFFFF0]  }
0x39: {  	v19 =	vld [tilespmem:s15+$0x0];
	_ =	sdelay $0x1  }
0x3a: {  	s16 =	simm.s32 $0x30  }
0x3b: {  	v21 =	vld [tilespmem:s16+$0x0];
	v20 =	vshrl.u32 v16, $0x4;
	v22 =	vshrl.u32 v17, $0x4  }
0x3c: {  	s17 =	simm.s32 $0x830;
	v23 =	vld [tilespmem:s16+$0xFFFFFFF0];
	v22 =	vcvt.s32.f32 v22;
	v20 =	vcvt.s32.f32 v20  }
0x3d: {  	v24 =	vld [tilespmem:s17+$0xFFFFFFF0];
	v18 =	vmul.u32 $0x50, v18;
	v19 =	vmul.u32 $0x50, v19  }
0x3e: {  	v25 =	vld [tilespmem:s17+$0x0];
	v22 =	vmul.f32 $2.000000030e-01, v22;
	v20 =	vmul.f32 $2.000000030e-01, v20  }
0x3f: {  	s18 =	simm.s32 $0x50;
	v26 =	vadd.s32 v17, v18;
	v27 =	vadd.s32 v16, v19  }
0x40: {  	v18 =	vshrl.u32 v21, $0x4;
	v16 =	vld [tilespmem:s18+$0x0];
	v17 =	vtrunc.f32 v22;
	v20 =	vtrunc.f32 v20  }
0x41: {  	v22 =	vshrl.u32 v23, $0x4;
	v19 =	vcvt.f32.s32 v17;
	v17 =	vcvt.f32.s32 v20  }
0x42: {  	v20 =	vcvt.s32.f32 v22;
	v22 =	vmul.u32 $0x50, v24;
	v24 =	vcvt.s32.f32 v18  }
0x43: {  	s12 =	simm.s32 $0x850;
	v25 =	vmul.u32 $0x50, v25;
	v18 =	vld [tilespmem:s18+$0xFFFFFFF0];
	v28 =	vmul.u32 $0xFFFFFFB0, v19;
	v29 =	vmul.u32 $0xFFFFFFB0, v17  }
0x44: {  	v30 =	vmul.f32 $2.000000030e-01, v20;
	v20 =	vadd.s32 v23, v22;
	v31 =	vmul.f32 $2.000000030e-01, v24;
	v22 =	vld [tilespmem:s12+$0xFFFFFFF0]  }
0x45: {  	s7 =	simm.s32 $0x2010;
	s11 =	simm.s32 $0x2010;
	s8 =	simm.s32 $0x1810;
	v21 =	vadd.s32 v21, v25;
	v25 =	vshrl.u32 v16, $0x4;
	v23 =	vld [tilespmem:s12+$0x0];
	v28 =	vadd.s32 v28, v26  }
0x46: {  	s13 =	simm.s32 $0x4;
	s14 =	simm.s32 $0x70;
	s15 =	simm.s32 $0x1810;
	v24 =	vadd.s32 v29, v27;
	v26 =	vtrunc.f32 v30;
	v27 =	vtrunc.f32 v31;
	[tilespmem:s8+$0xFFFFFFF0] =	vst v28  }
.LBB2_2:
0x47: {  	s13 =	sadd.s32 $0x2, s13  }
0x48: {  	v28 =	vld [tilespmem:s14+$0x0];
	v29 =	vshrl.u32 v18, $0x4;
	v27 =	vcvt.f32.s32 v27;
	[tilespmem:s11+$0xFFFFFFF0] =	vst v19;
	v19 =	vcvt.f32.s32 v26;
	s7 =	sadd.s32 $0x20, s7;
	s8 =	sadd.s32 $0x20, s8;
	v26 =	vmovc v18;
	p1 =	slt.u32 s13, $0x3E  }
.Ltmp0:
0x49: {  	v25 =	vcvt.s32.f32 v25;
	s12 =	sadd.s32 $0x20, s12;
	v18 =	vld [tilespmem:s14+$0xFFFFFFF0];
	v29 =	vcvt.s32.f32 v29;
	v30 =	vmul.u32 $0x50, v22;
	[tilespmem:s15+$0x0] =	vst v24;
	(pc) =	sbr.rel @p1 .LBB2_2-.Ltmp0, $4  }
0x4a: {  	s15 =	smov.u32 s8;
	v22 =	vld [tilespmem:s12+$0xFFFFFFF0];
	v31 =	vmul.u32 $0x50, v23;
	v24 =	vmul.u32 $0xFFFFFFB0, v19;
	v32 =	vmul.u32 $0xFFFFFFB0, v27;
	[tilespmem:s11+$0x0] =	vst v17;
	v17 =	vmovc v27;
	s11 =	smov.u32 s7  }
0x4b: {  	v23 =	vld [tilespmem:s12+$0x0];
	v27 =	vmul.f32 $2.000000030e-01, v29;
	v26 =	vadd.s32 v26, v30;
	v29 =	vmul.f32 $2.000000030e-01, v25  }
0x4c: {  	v30 =	vadd.s32 v24, v20;
	v24 =	vadd.s32 v32, v21;
	v21 =	vadd.s32 v16, v31;
	v20 =	vmovc v26  }
0x4d: {  	s14 =	sadd.s32 $0x20, s14;
	v25 =	vshrl.u32 v28, $0x4;
	v26 =	vtrunc.f32 v27;
	v27 =	vtrunc.f32 v29;
	[tilespmem:s8+$0xFFFFFFF0] =	vst v30;
	v16 =	vmovc v28  }
0x4e: {  	v28 =	vshrl.u32 v18, $0x4;
	v25 =	vcvt.s32.f32 v25  }
0x4f: {  	v26 =	vcvt.f32.s32 v26;
	v28 =	vcvt.s32.f32 v28  }
0x50: {  	v27 =	vcvt.f32.s32 v27;
	v25 =	vmul.f32 $2.000000030e-01, v25  }
0x51: {  	[tilespmem:s15+$0x0] =	vst v24;
	v57 =	vmul.u32 $0xFFFFFFB0, v26;
	v28 =	vmul.f32 $2.000000030e-01, v28  }
0x52: {  	[tilespmem:s11+$0xFFFFFFF0] =	vst v19;
	v59 =	vmul.u32 $0xFFFFFFB0, v27;
	v25 =	vtrunc.f32 v25  }
0x53: {  	s8 =	sadd.s32 $0x20, s8;
	[tilespmem:s11+$0x0] =	vst v17;
	v20 =	vadd.s32 v57, v20;
	v28 =	vtrunc.f32 v28;
	v25 =	vcvt.f32.s32 v25  }
0x54: {  	v17 =	vmul.u32 $0x50, v23;
	v62 =	vadd.s32 v59, v21;
	[tilespmem:s8+$0xFFFFFFF0] =	vst v20;
	v28 =	vcvt.f32.s32 v28  }
0x55: {  	s7 =	sadd.s32 $0x20, s7;
	v58 =	vmul.u32 $0x50, v22;
	[tilespmem:s8+$0x0] =	vst v62;
	v63 =	vmul.u32 $0xFFFFFFB0, v25  }
0x56: {  	v16 =	vadd.s32 v16, v17;
	[tilespmem:s7+$0xFFFFFFF0] =	vst v26;
	v60 =	vmul.u32 $0xFFFFFFB0, v28  }
0x57: {  	v61 =	vadd.s32 v18, v58;
	s8 =	sadd.s32 $0x20, s8;
	[tilespmem:s7+$0x0] =	vst v27;
	v16 =	vadd.s32 v63, v16  }
0x58: {  	v17 =	vadd.s32 v60, v61;
	[tilespmem:s8+$0x0] =	vst v16  }
0x59: {  	s7 =	sadd.s32 $0x20, s7;
	[tilespmem:s8+$0xFFFFFFF0] =	vst v17  }
0x5a: {  	[tilespmem:s7+$0x0] =	vst v25  }
0x5b: {  	s13 =	simm.s32 $0x1800;
	s14 =	simm.s32 $0x2800;
	[tilespmem:s7+$0xFFFFFFF0] =	vst v28  }
0x5c: {  	[tilespmem:s14], [sflag:$0x3] =	stream.indirect.gather [hbm4b:s6+s31], $0x10, s13, s31, $0xb8;
	[tilespmem:$0xCF10] =	vst v63  }
0x5d: {  	s15 =	simm.s32 $0x1880;
	s16 =	simm.s32 $0x3000  }
0x5e: {  	[tilespmem:s16], [sflag:$0x3] =	stream.indirect.gather [hbm4b:s6+s31], $0x10, s15, s31, $0xb8;
	[tilespmem:$0xCF10] =	vst v63  }
0x5f: {  	s17 =	simm.s32 $0x1900;
	s18 =	simm.s32 $0x3800  }
0x60: {  	[tilespmem:s18], [sflag:$0x3] =	stream.indirect.gather [hbm4b:s6+s31], $0x10, s17, s31, $0xb8;
	[tilespmem:$0xCF10] =	vst v63  }
0x61: {  	s12 =	simm.s32 $0x4000;
	s11 =	simm.s32 $0x1980  }
0x62: {  	[tilespmem:s12], [sflag:$0x3] =	stream.indirect.gather [hbm4b:s6+s31], $0x10, s11, s31, $0xb8;
	[tilespmem:$0xCF10] =	vst v63  }
0x63: {  	s13 =	simm.s32 $0x1A00;
	s14 =	simm.s32 $0x4800  }
0x64: {  	[tilespmem:s14], [sflag:$0x3] =	stream.indirect.gather [hbm4b:s6+s31], $0x10, s13, s31, $0xb8;
	[tilespmem:$0xCF10] =	vst v63  }
0x65: {  	s15 =	simm.s32 $0x1A80;
	s16 =	simm.s32 $0x5000  }
0x66: {  	[tilespmem:s16], [sflag:$0x3] =	stream.indirect.gather [hbm4b:s6+s31], $0x10, s15, s31, $0xb8;
	[tilespmem:$0xCF10] =	vst v63  }
0x67: {  	s17 =	simm.s32 $0x1B00;
	s18 =	simm.s32 $0x5800  }
0x68: {  	[tilespmem:s18], [sflag:$0x3] =	stream.indirect.gather [hbm4b:s6+s31], $0x10, s17, s31, $0xb8;
	[tilespmem:$0xCF10] =	vst v63  }
0x69: {  	s11 =	simm.s32 $0x1B80;
	s12 =	simm.s32 $0x6000  }
0x6a: {  	[tilespmem:s12], [sflag:$0x3] =	stream.indirect.gather [hbm4b:s6+s31], $0x10, s11, s31, $0xb8;
	[tilespmem:$0xCF10] =	vst v63  }
0x6b: {  	s7 =	simm.s32 $0x0;
	s13 =	rddreg [dreg:$0xe];
	s14 =	simm.s32 $0x400  }
0x6c: {  	[tilespmem:s14], [sflag:$0x2] =	stream.linear.gather [hbm4b:s13+s7], $0x400, $0x38;
	[tilespmem:$0xCF10] =	vst v63  }
0x6d: {  	p1 =	por $0x1, $0x1;
	s15 =	rddreg [dreg:$0xf];
	s16 =	simm.s32 $0xC00  }
0x6e: {  	[tilespmem:s16], [sflag:$0x2] =	stream.linear.gather [hbm4b:s15+s7], $0x400, $0x38;
	[tilespmem:$0xCF10] =	vst v63  }
0x6f: {  	p2 =	por $0x0, $0x0;
	s17 =	rddreg [dreg:$0x10];
	s18 =	simm.s32 $0x1400  }
0x70: {  	[tilespmem:s18], [sflag:$0x2] =	stream.linear.gather [hbm4b:s17+s7], $0x400, $0x38;
	[tilespmem:$0xCF10] =	vst v63  }
.LBB2_4:
0x71: {  	s8 =	sand.u32 $0x1, s7  }
0x72: {  	p4 =	seq.s32 s7, $0x0;
	s11 =	sxor.u32 $0x1, s8  }
0x73: {  	s12 =	sadd.s32 @!p4 $0x5, s11  }
0x74: {  	_ =	swait.ge @!p4 [sflag:s12], $0x800  }
0x75: {  	[sflag:s12] =	ssyncset.done @!p4 $0x0  }
0x76: {  	[sflag:s12] =	ssyncadd.s32 @!p4 $0xFFFFF800  }
0x77: {  	_ =	swait.ge @!p4 [sflag:s12], $0x800  }
0x78: {  	[sflag:s12] =	ssyncset.done @!p4 $0x0  }
0x79: {  	[sflag:s12] =	ssyncadd.s32 @!p4 $0xFFFFF800  }
0x7a: {  	_ =	swait.ge @!p4 [sflag:s12], $0x800  }
0x7b: {  	[sflag:s12] =	ssyncset.done @!p4 $0x0  }
0x7c: {  	[sflag:s12] =	ssyncadd.s32 @!p4 $0xFFFFF800  }
0x7d: {  	_ =	swait.ge @!p4 [sflag:s12], $0x800  }
0x7e: {  	[sflag:s12] =	ssyncset.done @!p4 $0x0  }
0x7f: {  	[sflag:s12] =	ssyncadd.s32 @!p4 $0xFFFFF800  }
0x80: {  	_ =	swait.ge @!p4 [sflag:s12], $0x800  }
0x81: {  	[sflag:s12] =	ssyncset.done @!p4 $0x0  }
0x82: {  	[sflag:s12] =	ssyncadd.s32 @!p4 $0xFFFFF800  }
0x83: {  	_ =	swait.ge @!p4 [sflag:s12], $0x800  }
0x84: {  	[sflag:s12] =	ssyncset.done @!p4 $0x0  }
0x85: {  	[sflag:s12] =	ssyncadd.s32 @!p4 $0xFFFFF800  }
0x86: {  	p3 =	sge.u32 s7, s20;
	_ =	swait.ge @!p4 [sflag:s12], $0x800  }
.Ltmp1:
0x87: {  	[sflag:s12] =	ssyncset.done @!p4 $0x0;
	(pc) =	sbr.rel @p3 .LBB2_8-.Ltmp1, $4  }
0x88: {  	[sflag:s12] =	ssyncadd.s32 @!p4 $0xFFFFF800  }
0x89: {  	_ =	swait.ge @!p4 [sflag:s12], $0x800  }
0x8a: {  	[sflag:s12] =	ssyncset.done @!p4 $0x0  }
0x8b: {  	[sflag:s12] =	ssyncadd.s32 @!p4 $0xFFFFF800  }
0x8c: {  	s12 =	sadd.s32 $0x1, s11  }
0x8d: {  	_ =	swait.ge [sflag:s12], $0x400  }
0x8e: {  	[sflag:s12] =	ssyncset.done $0x0  }
0x8f: {  	[sflag:s12] =	ssyncadd.s32 $0xFFFFFC00  }
0x90: {  	_ =	swait.ge [sflag:s12], $0x400  }
0x91: {  	[sflag:s12] =	ssyncset.done $0x0  }
0x92: {  	s13 =	simm.s32 $0x1;
	[sflag:s12] =	ssyncadd.s32 $0xFFFFFC00  }
0x93: {  	s13 =	simm.s32 @!p1 $0x0;
	_ =	swait.ge [sflag:s12], $0x400  }
0x94: {  	s13 =	sshll.u32 s13, $0xA;
	[sflag:s12] =	ssyncset.done $0x0  }
0x95: {  	s14 =	sor.u32 $0x10, s13;
	[sflag:s12] =	ssyncadd.s32 $0xFFFFFC00  }
0x96: {  	v16 =	vld [tilespmem:s14+$0x0]  }
0x97: {  	s18 =	sor.u32 $0x810, s13;
	v17 =	vld [tilespmem:s14+$0xFFFFFFF0]  }
0x98: {  	v18 =	vld [tilespmem:s18+$0xFFFFFFF0]  }
0x99: {  	v19 =	vld [tilespmem:s18+$0x0];
	_ =	sdelay $0x1  }
0x9a: {  	s14 =	sadd.s32 $0x20, s14  }
0x9b: {  	v23 =	vld [tilespmem:s14+$0x0];
	v20 =	vshrl.u32 v16, $0x4;
	v21 =	vshrl.u32 v17, $0x4  }
0x9c: {  	s12 =	sadd.s32 $0x20, s18;
	v22 =	vld [tilespmem:s14+$0xFFFFFFF0];
	v21 =	vcvt.s32.f32 v21;
	v20 =	vcvt.s32.f32 v20  }
0x9d: {  	v24 =	vld [tilespmem:s12+$0xFFFFFFF0];
	v18 =	vmul.u32 $0x50, v18;
	v19 =	vmul.u32 $0x50, v19  }
0x9e: {  	v25 =	vld [tilespmem:s12+$0x0];
	v21 =	vmul.f32 $2.000000030e-01, v21;
	v20 =	vmul.f32 $2.000000030e-01, v20  }
0x9f: {  	s14 =	sadd.s32 $0x20, s14;
	v26 =	vadd.s32 v17, v18;
	v27 =	vadd.s32 v16, v19  }
0xa0: {  	v17 =	vshrl.u32 v23, $0x4;
	v16 =	vld [tilespmem:s14+$0x0];
	v18 =	vtrunc.f32 v21;
	v20 =	vtrunc.f32 v20  }
0xa1: {  	v21 =	vshrl.u32 v22, $0x4;
	v19 =	vcvt.f32.s32 v18;
	v18 =	vcvt.f32.s32 v20  }
0xa2: {  	v20 =	vcvt.s32.f32 v21;
	v21 =	vmul.u32 $0x50, v24;
	v24 =	vcvt.s32.f32 v17  }
0xa3: {  	s15 =	sadd.s32 $0x20, s12;
	v25 =	vmul.u32 $0x50, v25;
	v17 =	vld [tilespmem:s14+$0xFFFFFFF0];
	v28 =	vmul.u32 $0xFFFFFFB0, v19;
	v29 =	vmul.u32 $0xFFFFFFB0, v18  }
0xa4: {  	v30 =	vmul.f32 $2.000000030e-01, v20;
	v21 =	vadd.s32 v22, v21;
	v31 =	vmul.f32 $2.000000030e-01, v24;
	v22 =	vld [tilespmem:s15+$0xFFFFFFF0]  }
0xa5: {  	s16 =	simm.s32 $0x4;
	s12 =	sor.u32 $0x1810, s13;
	s13 =	sor.u32 $0x2010, s13;
	v20 =	vadd.s32 v23, v25;
	v23 =	vld [tilespmem:s15+$0x0];
	v25 =	vshrl.u32 v16, $0x4;
	v28 =	vadd.s32 v28, v26  }
0xa6: {  	s18 =	smov.u32 s12;
	s17 =	sadd.s32 $0x20, s14;
	s14 =	smov.u32 s13;
	v24 =	vadd.s32 v29, v27;
	v26 =	vtrunc.f32 v30;
	v27 =	vtrunc.f32 v31;
	[tilespmem:s12+$0xFFFFFFF0] =	vst v28  }
.LBB2_6:
0xa7: {  	s16 =	sadd.s32 $0x2, s16  }
0xa8: {  	v28 =	vld [tilespmem:s17+$0x0];
	v29 =	vshrl.u32 v17, $0x4;
	v27 =	vcvt.f32.s32 v27;
	[tilespmem:s13+$0xFFFFFFF0] =	vst v19;
	v19 =	vcvt.f32.s32 v26;
	s12 =	sadd.s32 $0x20, s12;
	s14 =	sadd.s32 $0x20, s14;
	v26 =	vmovc v17;
	p4 =	slt.u32 s16, $0x3E  }
.Ltmp2:
0xa9: {  	v25 =	vcvt.s32.f32 v25;
	s15 =	sadd.s32 $0x20, s15;
	v17 =	vld [tilespmem:s17+$0xFFFFFFF0];
	v29 =	vcvt.s32.f32 v29;
	v30 =	vmul.u32 $0x50, v22;
	[tilespmem:s18+$0x0] =	vst v24;
	(pc) =	sbr.rel @p4 .LBB2_6-.Ltmp2, $4  }
0xaa: {  	s18 =	smov.u32 s12;
	v22 =	vld [tilespmem:s15+$0xFFFFFFF0];
	v31 =	vmul.u32 $0x50, v23;
	v24 =	vmul.u32 $0xFFFFFFB0, v19;
	v32 =	vmul.u32 $0xFFFFFFB0, v27;
	[tilespmem:s13+$0x0] =	vst v18;
	v18 =	vmovc v27;
	s13 =	smov.u32 s14  }
0xab: {  	v23 =	vld [tilespmem:s15+$0x0];
	v27 =	vmul.f32 $2.000000030e-01, v29;
	v26 =	vadd.s32 v26, v30;
	v29 =	vmul.f32 $2.000000030e-01, v25  }
0xac: {  	v30 =	vadd.s32 v24, v21;
	v24 =	vadd.s32 v32, v20;
	v20 =	vadd.s32 v16, v31;
	v21 =	vmovc v26  }
0xad: {  	s17 =	sadd.s32 $0x20, s17;
	v25 =	vshrl.u32 v28, $0x4;
	v26 =	vtrunc.f32 v27;
	v27 =	vtrunc.f32 v29;
	[tilespmem:s12+$0xFFFFFFF0] =	vst v30;
	v16 =	vmovc v28  }
0xae: {  	v28 =	vshrl.u32 v17, $0x4;
	v25 =	vcvt.s32.f32 v25  }
0xaf: {  	v26 =	vcvt.f32.s32 v26;
	v28 =	vcvt.s32.f32 v28  }
0xb0: {  	v27 =	vcvt.f32.s32 v27;
	v50 =	vmul.f32 $2.000000030e-01, v25  }
0xb1: {  	[tilespmem:s13+$0xFFFFFFF0] =	vst v19;
	v49 =	vmul.u32 $0xFFFFFFB0, v26;
	v28 =	vmul.f32 $2.000000030e-01, v28  }
0xb2: {  	[tilespmem:s18+$0x0] =	vst v24;
	v52 =	vmul.u32 $0xFFFFFFB0, v27;
	v59 =	vtrunc.f32 v50  }
0xb3: {  	s12 =	sadd.s32 $0x20, s12;
	[tilespmem:s13+$0x0] =	vst v18;
	v56 =	vadd.s32 v49, v21;
	v51 =	vtrunc.f32 v28;
	v61 =	vcvt.f32.s32 v59  }
0xb4: {  	v23 =	vmul.u32 $0x50, v23;
	v60 =	vadd.s32 v52, v20;
	[tilespmem:s12+$0xFFFFFFF0] =	vst v56;
	v57 =	vcvt.f32.s32 v51  }
0xb5: {  	s18 =	sadd.s32 $0x20, s14;
	v58 =	vmul.u32 $0x50, v22;
	[tilespmem:s12+$0x0] =	vst v60;
	v63 =	vmul.u32 $0xFFFFFFB0, v61  }
0xb6: {  	v16 =	vadd.s32 v16, v23;
	[tilespmem:s18+$0xFFFFFFF0] =	vst v26;
	v62 =	vmul.u32 $0xFFFFFFB0, v57  }
0xb7: {  	v17 =	vadd.s32 v17, v58;
	s12 =	sadd.s32 $0x20, s12;
	[tilespmem:s18+$0x0] =	vst v27;
	v16 =	vadd.s32 v63, v16  }
0xb8: {  	v17 =	vadd.s32 v62, v17;
	[tilespmem:s12+$0x0] =	vst v16  }
0xb9: {  	s13 =	sadd.s32 $0x20, s18;
	[tilespmem:s12+$0xFFFFFFF0] =	vst v17  }
0xba: {  	[tilespmem:s13+$0x0] =	vst v61  }
0xbb: {  	[tilespmem:s13+$0xFFFFFFF0] =	vst v57  }
.LBB2_8:
0xbc: {  	s12 =	sadd.s32 $0x3, s8  }
0xbd: {  	_ =	swait.ge [sflag:s12], $0x800  }
0xbe: {  	[sflag:s12] =	ssyncset.done $0x0  }
0xbf: {  	[sflag:s12] =	ssyncadd.s32 $0xFFFFF800  }
0xc0: {  	_ =	swait.ge [sflag:s12], $0x800  }
0xc1: {  	[sflag:s12] =	ssyncset.done $0x0  }
0xc2: {  	[sflag:s12] =	ssyncadd.s32 $0xFFFFF800  }
0xc3: {  	_ =	swait.ge [sflag:s12], $0x800  }
0xc4: {  	[sflag:s12] =	ssyncset.done $0x0  }
0xc5: {  	[sflag:s12] =	ssyncadd.s32 $0xFFFFF800  }
0xc6: {  	_ =	swait.ge [sflag:s12], $0x800  }
0xc7: {  	[sflag:s12] =	ssyncset.done $0x0  }
0xc8: {  	[sflag:s12] =	ssyncadd.s32 $0xFFFFF800  }
0xc9: {  	_ =	swait.ge [sflag:s12], $0x800  }
0xca: {  	[sflag:s12] =	ssyncset.done $0x0  }
0xcb: {  	[sflag:s12] =	ssyncadd.s32 $0xFFFFF800  }
0xcc: {  	_ =	swait.ge [sflag:s12], $0x800  }
0xcd: {  	[sflag:s12] =	ssyncset.done $0x0  }
0xce: {  	[sflag:s12] =	ssyncadd.s32 $0xFFFFF800  }
0xcf: {  	_ =	swait.ge [sflag:s12], $0x800  }
0xd0: {  	[sflag:s12] =	ssyncset.done $0x0  }
0xd1: {  	[sflag:s12] =	ssyncadd.s32 $0xFFFFF800  }
0xd2: {  	s13 =	sshll.u32 @!p3 s11, $0xE;
	s15 =	sshll.u32 @!p3 s11, $0xA;
	_ =	swait.ge [sflag:s12], $0x800  }
0xd3: {  	s11 =	sadd.s32 @!p3 $0x3, s11;
	s16 =	simm.s32 @!p3 $0x80;
	[sflag:s12] =	ssyncset.done $0x0  }
0xd4: {  	s14 =	sor.u32 @!p3 $0x1800, s15;
	[sflag:s12] =	ssyncadd.s32 $0xFFFFF800;
	s12 =	sor.u32 @!p3 $0x2800, s13  }
0xd5: {  	[tilespmem:s12], [sflag:s11] =	stream.indirect.gather @!p3 [hbm4b:s6+s16], $0x10, s14, s16, $0xb8;
	[tilespmem:$0xCF10] =	vst v63  }
0xd6: {  	s12 =	sor.u32 @!p3 $0x3000, s13;
	s14 =	sor.u32 @!p3 $0x1880, s15  }
0xd7: {  	[tilespmem:s12], [sflag:s11] =	stream.indirect.gather @!p3 [hbm4b:s6+s16], $0x10, s14, s16, $0xb8;
	[tilespmem:$0xCF10] =	vst v63  }
0xd8: {  	s12 =	sor.u32 @!p3 $0x3800, s13;
	s14 =	sor.u32 @!p3 $0x1900, s15  }
0xd9: {  	[tilespmem:s12], [sflag:s11] =	stream.indirect.gather @!p3 [hbm4b:s6+s16], $0x10, s14, s16, $0xb8;
	[tilespmem:$0xCF10] =	vst v63  }
0xda: {  	s12 =	sadd.s32 @!p3 $0x4000, s13;
	s14 =	sor.u32 @!p3 $0x1980, s15  }
0xdb: {  	[tilespmem:s12], [sflag:s11] =	stream.indirect.gather @!p3 [hbm4b:s6+s16], $0x10, s14, s16, $0xb8;
	[tilespmem:$0xCF10] =	vst v63  }
0xdc: {  	s17 =	sor.u32 @!p3 $0x1A00, s15;
	s12 =	simm.s32 $0x1;
	s14 =	sadd.s32 @!p3 $0x4800, s13  }
0xdd: {  	[tilespmem:s14], [sflag:s11] =	stream.indirect.gather @!p3 [hbm4b:s6+s16], $0x10, s17, s16, $0xb8;
	[tilespmem:$0xCF10] =	vst v63  }
0xde: {  	s12 =	simm.s32 @!p2 $0x0;
	s14 =	sadd.s32 @!p3 $0x5000, s13;
	s17 =	sor.u32 @!p3 $0x1A80, s15  }
0xdf: {  	[tilespmem:s14], [sflag:s11] =	stream.indirect.gather @!p3 [hbm4b:s6+s16], $0x10, s17, s16, $0xb8;
	[tilespmem:$0xCF10] =	vst v63  }
0xe0: {  	s18 =	sor.u32 @!p3 $0x1B00, s15;
	s14 =	sshll.u32 s12, $0xA;
	s17 =	sadd.s32 @!p3 $0x5800, s13  }
0xe1: {  	[tilespmem:s17], [sflag:s11] =	stream.indirect.gather @!p3 [hbm4b:s6+s16], $0x10, s18, s16, $0xb8;
	[tilespmem:$0xCF10] =	vst v63  }
0xe2: {  	s15 =	sor.u32 @!p3 $0x1B80, s15;
	s13 =	sadd.s32 @!p3 $0x6000, s13;
	s14 =	sor.u32 $0x1010, s14  }
0xe3: {  	[tilespmem:s13], [sflag:s11] =	stream.indirect.gather @!p3 [hbm4b:s6+s16], $0x10, s15, s16, $0xb8;
	[tilespmem:$0xCF10] =	vst v63  }
0xe4: {  	s18 =	sshll.u32 s12, $0xE;
	v21 =	vld [tilespmem:s14+$0x0]  }
0xe5: {  	s11 =	sor.u32 $0x2900, s18;
	v16 =	vld [tilespmem:s14+$0xFFFFFFF0]  }
0xe6: {  	v17 =	vld [tilespmem:s11+$0xF0]  }
0xe7: {  	v18 =	vld [tilespmem:s11+$0xFFFFFF00]  }
0xe8: {  	v19 =	vld [tilespmem:s11+$0xFFFFFF10]  }
0xe9: {  	v20 =	vld [tilespmem:s11+$0xFFFFFF20];
	v22 =	vperm.xlane v21, v3;
	v23 =	vperm.xlane v21, v15  }
0xea: {  	v26 =	vld [tilespmem:s11+$0xFFFFFF30];
	v24 =	vperm.xlane v16, v3;
	v25 =	vperm.xlane v16, v53  }
0xeb: {  	v28 =	vld [tilespmem:s11+$0xFFFFFF40];
	v27 =	vperm.xlane v16, v54;
	v29 =	vperm.xlane v16, v4  }
0xec: {  	v30 =	vld [tilespmem:s11+$0xFFFFFF50];
	v31 =	vperm.xlane v16, v5;
	v32 =	vperm.xlane v16, v6  }
0xed: {  	v33 =	vld [tilespmem:s11+$0xFFFFFF60];
	v34 =	vperm.xlane v16, v7;
	v36 =	vperm.xlane v16, v8  }
0xee: {  	v35 =	vld [tilespmem:s11+$0xFFFFFF70];
	v38 =	vperm.xlane v16, v9;
	v39 =	vperm.xlane v16, v10  }
0xef: {  	v37 =	vld [tilespmem:s11+$0xFFFFFF80];
	v41 =	vperm.xlane v16, v11;
	v42 =	vperm.xlane v16, v12  }
0xf0: {  	v40 =	vld [tilespmem:s11+$0xFFFFFF90];
	v58 =	vperm.xlane v21, v54;
	v60 =	vperm.xlane v21, v55  }
0xf1: {  	v52 =	vld [tilespmem:s11+$0xFFFFFFE0];
	v47 =	vperm.xlane v21, v6;
	v49 =	vperm.xlane v21, v7  }
0xf2: {  	v56 =	vld [tilespmem:s11+$0xFFFFFFF0];
	v51 =	vperm.xlane v21, v8;
	v17 =	vmul.f32 v17, v23  }
0xf3: {  	v57 =	vld [tilespmem:s11+$0x0];
	v23 =	vperm.xlane v16, v55;
	v18 =	vmul.f32 v18, v24  }
0xf4: {  	v61 =	vld [tilespmem:s11+$0x30];
	v19 =	vmul.f32 v19, v25;
	v25 =	vperm.xlane v16, v13  }
0xf5: {  	v59 =	vld [tilespmem:s11+$0x10];
	v20 =	vmul.f32 v20, v27;
	v29 =	vmul.f32 v28, v29  }
0xf6: {  	v62 =	vld [tilespmem:s11+$0x40];
	v28 =	vperm.xlane v16, v14;
	v30 =	vmul.f32 v30, v31  }
0xf7: {  	v48 =	vld [tilespmem:s11+$0x60];
	v16 =	vperm.xlane v16, v15;
	v43 =	vmul.f32 v33, v32  }
0xf8: {  	v50 =	vld [tilespmem:s11+$0x70];
	v44 =	vmul.f32 v35, v34;
	v45 =	vmul.f32 v37, v36  }
0xf9: {  	v27 =	vld [tilespmem:s11+$0xFFFFFFB0];
	v40 =	vmul.f32 v40, v38;
	v35 =	vmul.f32 v61, v60;
	[tilespmem:s11+$0xF0] =	vst v17  }
0xfa: {  	v24 =	vld [tilespmem:s11+$0xFFFFFFA0];
	v23 =	vmul.f32 v26, v23;
	v17 =	vperm.xlane v21, v53;
	[tilespmem:s11+$0xFFFFFF00] =	vst v18  }
0xfb: {  	v26 =	vld [tilespmem:s11+$0xFFFFFFC0];
	v18 =	vperm.xlane v21, v4;
	[tilespmem:s11+$0xFFFFFF10] =	vst v19;
	v19 =	vperm.xlane v21, v5  }
0xfc: {  	v31 =	vld [tilespmem:s11+$0xFFFFFFD0];
	v32 =	vmul.f32 v56, v16;
	[tilespmem:s11+$0xFFFFFF20] =	vst v20;
	v16 =	vperm.xlane v21, v9  }
0xfd: {  	v63 =	vld [tilespmem:s11+$0x50];
	[tilespmem:s11+$0xFFFFFF40] =	vst v29;
	v20 =	vperm.xlane v21, v10;
	v29 =	vmul.f32 v50, v49  }
0xfe: {  	v33 =	vmul.f32 v59, v17;
	v34 =	vmul.f32 v27, v41;
	v27 =	vld [tilespmem:s11+$0x20]  }
0xff: {  	v36 =	vld [tilespmem:s11+$0x90];
	[tilespmem:s11+$0xFFFFFF50] =	vst v30;
	v17 =	vperm.xlane v21, v11;
	v46 =	vmul.f32 v24, v39  }
0x100: {  	[tilespmem:s11+$0xFFFFFF60] =	vst v43;
	v24 =	vmul.f32 v26, v42;
	v26 =	vmul.f32 v52, v28;
	v52 =	vld [tilespmem:s11+$0x80]  }
0x101: {  	v37 =	vld [tilespmem:s11+$0xA0];
	[tilespmem:s11+$0xFFFFFF30] =	vst v23;
	v23 =	vmul.f32 v48, v47;
	v25 =	vmul.f32 v31, v25  }
0x102: {  	v38 =	vld [tilespmem:s11+$0xB0];
	[tilespmem:s11+$0xFFFFFF70] =	vst v44;
	v28 =	vmul.f32 v57, v22;
	v22 =	vmul.f32 v62, v18  }
0x103: {  	s12 =	sshll.u32 s8, $0xE;
	[tilespmem:s11+$0xFFFFFF90] =	vst v40;
	v40 =	vld [tilespmem:s11+$0xD0];
	v18 =	vperm.xlane v21, v12;
	v31 =	vmul.f32 v27, v58  }
0x104: {  	s13 =	sor.u32 $0x2800, s12;
	[tilespmem:s11+$0xFFFFFF80] =	vst v45;
	v39 =	vld [tilespmem:s11+$0xC0];
	v27 =	vmul.f32 v63, v19;
	v19 =	vperm.xlane v21, v13  }
0x105: {  	s15 =	simm.s32 $0x0;
	s16 =	sadd.s32 $0x20, s14;
	s14 =	smov.u32 s11;
	v41 =	vld [tilespmem:s11+$0xE0];
	[tilespmem:s11+$0xFFFFFFA0] =	vst v46;
	v21 =	vperm.xlane v21, v14;
	v30 =	vmul.f32 v52, v51  }
.LBB2_9:
0x106: {  	v42 =	vld [tilespmem:s16+$0x0];
	s15 =	sadd.s32 $0x2, s15;
	[tilespmem:s11+$0xFFFFFFB0] =	vst v34;
	v16 =	vmul.f32 v36, v16;
	v20 =	vmul.f32 v37, v20  }
0x107: {  	v34 =	vld [tilespmem:s16+$0xFFFFFFF0]  }
0x108: {  	s11 =	sadd.s32 $0x200, s11;
	p3 =	slt.u32 s15, $0x3E;
	[tilespmem:s14+$0xFFFFFFC0] =	vst v24;
	v17 =	vmul.f32 v38, v17  }
0x109: {  	v24 =	vld [tilespmem:s11+$0xF0];
	[tilespmem:s14+$0xFFFFFFD0] =	vst v25;
	v18 =	vmul.f32 v39, v18  }
0x10a: {  	v25 =	vld [tilespmem:s11+$0xFFFFFF00];
	[tilespmem:s14+$0xFFFFFFE0] =	vst v26;
	v19 =	vmul.f32 v40, v19  }
0x10b: {  	v26 =	vld [tilespmem:s11+$0xFFFFFF10];
	[tilespmem:s14+$0xFFFFFFF0] =	vst v32;
	v21 =	vmul.f32 v41, v21;
	v37 =	vperm.xlane v42, v3  }
0x10c: {  	v32 =	vld [tilespmem:s11+$0xFFFFFF20];
	v36 =	vperm.xlane v42, v15;
	[tilespmem:s14+$0x0] =	vst v28;
	v28 =	vperm.xlane v34, v3  }
0x10d: {  	v38 =	vperm.xlane v34, v53;
	v39 =	vld [tilespmem:s11+$0xFFFFFF30];
	[tilespmem:s14+$0x10] =	vst v33;
	v33 =	vperm.xlane v34, v54  }
0x10e: {  	v43 =	vperm.xlane v34, v6;
	v40 =	vld [tilespmem:s11+$0xFFFFFF40];
	v24 =	vmul.f32 v24, v36;
	[tilespmem:s14+$0x20] =	vst v31  }
0x10f: {  	v31 =	vperm.xlane v34, v55;
	v36 =	vperm.xlane v34, v4;
	v41 =	vld [tilespmem:s11+$0xFFFFFF50];
	[tilespmem:s14+$0x30] =	vst v35  }
0x110: {  	v46 =	vperm.xlane v34, v8;
	v35 =	vperm.xlane v34, v5;
	v44 =	vld [tilespmem:s11+$0xFFFFFF60];
	[tilespmem:s11+$0xF0] =	vst v24  }
0x111: {  	v47 =	vperm.xlane v34, v9;
	v24 =	vperm.xlane v34, v7;
	v45 =	vld [tilespmem:s11+$0xFFFFFF70];
	[tilespmem:s14+$0x40] =	vst v22  }
0x112: {  	v48 =	vperm.xlane v34, v10;
	v49 =	vperm.xlane v34, v11;
	v22 =	vld [tilespmem:s11+$0xFFFFFF80];
	[tilespmem:s14+$0x50] =	vst v27  }
0x113: {  	v0 =	vimm.s32 $0x1;
	v50 =	vperm.xlane v34, v12;
	v51 =	vperm.xlane v34, v13;
	v27 =	vld [tilespmem:s11+$0xFFFFFF90];
	[tilespmem:s14+$0x60] =	vst v23  }
0x114: {  	v52 =	vperm.xlane v34, v14;
	v54 =	vperm.xlane v42, v0;
	v0 =	vimm.s32 $0x2;
	v23 =	vld [tilespmem:s11+$0xFFFFFFA0];
	[tilespmem:s14+$0x70] =	vst v29  }
0x115: {  	v53 =	vperm.xlane v34, v15;
	v55 =	vperm.xlane v42, v0;
	v0 =	vimm.s32 $0x3;
	v29 =	vld [tilespmem:s11+$0xFFFFFFB0];
	[tilespmem:s14+$0x80] =	vst v30  }
0x116: {  	v58 =	vperm.xlane v42, v4;
	v56 =	vperm.xlane v42, v0;
	v30 =	vld [tilespmem:s11+$0xFFFFFFC0];
	[tilespmem:s14+$0x90] =	vst v16  }
0x117: {  	v59 =	vperm.xlane v42, v5;
	v61 =	vperm.xlane v42, v6;
	v57 =	vld [tilespmem:s11+$0xFFFFFFD0];
	[tilespmem:s14+$0xA0] =	vst v20  }
0x118: {  	v62 =	vperm.xlane v42, v7;
	v0 =	vperm.xlane v42, v8;
	v60 =	vld [tilespmem:s11+$0xFFFFFFE0];
	[tilespmem:s14+$0xB0] =	vst v17  }
0x119: {  	v25 =	vmul.f32 v25, v28;
	v16 =	vperm.xlane v42, v9;
	v63 =	vld [tilespmem:s11+$0xFFFFFFF0];
	[tilespmem:s14+$0xC0] =	vst v18  }
0x11a: {  	v20 =	vperm.xlane v42, v10;
	v17 =	vperm.xlane v42, v11;
	v1 =	vld [tilespmem:s11+$0x0];
	[tilespmem:s14+$0xD0] =	vst v19  }
0x11b: {  	v18 =	vperm.xlane v42, v12;
	v19 =	vperm.xlane v42, v13;
	v2 =	vld [tilespmem:s11+$0x10];
	[tilespmem:s14+$0xE0] =	vst v21;
	s14 =	smov.u32 s11  }
0x11c: {  	v26 =	vmul.f32 v26, v38;
	v21 =	vperm.xlane v42, v14;
	v3 =	vld [tilespmem:s11+$0x20]  }
0x11d: {  	v28 =	vmul.f32 v32, v33;
	v32 =	vmul.f32 v44, v43;
	v42 =	vld [tilespmem:s11+$0x30]  }
0x11e: {  	[tilespmem:s11+$0xFFFFFF00] =	vst v25;
	v25 =	vmul.f32 v39, v31;
	v31 =	vmul.f32 v40, v36;
	v39 =	vld [tilespmem:s11+$0x40]  }
0x11f: {  	v33 =	vmul.f32 v45, v24;
	[tilespmem:s11+$0xFFFFFF10] =	vst v26;
	v26 =	vmul.f32 v41, v35;
	v40 =	vld [tilespmem:s11+$0x50]  }
0x120: {  	v22 =	vmul.f32 v22, v46;
	v27 =	vmul.f32 v27, v47;
	[tilespmem:s11+$0xFFFFFF20] =	vst v28;
	v41 =	vld [tilespmem:s11+$0x60]  }
0x121: {  	v43 =	vmul.f32 v23, v48;
	v34 =	vmul.f32 v29, v49;
	[tilespmem:s11+$0xFFFFFF30] =	vst v25;
	v44 =	vld [tilespmem:s11+$0x70]  }
0x122: {  	v24 =	vmul.f32 v30, v50;
	v28 =	vmul.f32 v1, v37;
	[tilespmem:s11+$0xFFFFFF40] =	vst v31;
	v30 =	vld [tilespmem:s11+$0x80]  }
0x123: {  	v25 =	vmul.f32 v57, v51;
	[tilespmem:s11+$0xFFFFFF50] =	vst v26;
	v26 =	vmul.f32 v60, v52;
	v36 =	vld [tilespmem:s11+$0x90]  }
.Ltmp3:
0x124: {  	v31 =	vmul.f32 v3, v55;
	v3 =	vimm.s32 $0x0;
	[tilespmem:s11+$0xFFFFFF60] =	vst v32;
	v32 =	vmul.f32 v63, v53;
	v37 =	vld [tilespmem:s11+$0xA0];
	(pc) =	sbr.rel @p3 .LBB2_9-.Ltmp3, $4  }
0x125: {  	v53 =	vimm.s32 $0x1;
	[tilespmem:s11+$0xFFFFFF70] =	vst v33;
	v33 =	vmul.f32 v2, v54;
	v54 =	vimm.s32 $0x2;
	v38 =	vld [tilespmem:s11+$0xB0]  }
0x126: {  	v35 =	vmul.f32 v42, v56;
	v55 =	vimm.s32 $0x3;
	[tilespmem:s11+$0xFFFFFF80] =	vst v22;
	v22 =	vmul.f32 v39, v58;
	v39 =	vld [tilespmem:s11+$0xC0]  }
0x127: {  	v23 =	vmul.f32 v41, v61;
	[tilespmem:s11+$0xFFFFFF90] =	vst v27;
	v27 =	vmul.f32 v40, v59;
	v40 =	vld [tilespmem:s11+$0xD0]  }
0x128: {  	s16 =	sadd.s32 $0x20, s16;
	v29 =	vmul.f32 v44, v62;
	v30 =	vmul.f32 v30, v0;
	[tilespmem:s11+$0xFFFFFFA0] =	vst v43;
	v41 =	vld [tilespmem:s11+$0xE0]  }
0x129: {  	[tilespmem:s11+$0xFFFFFFB0] =	vst v34  }
0x12a: {  	[tilespmem:s14+$0x0] =	vst v28  }
0x12b: {  	[tilespmem:s14+$0x10] =	vst v33  }
0x12c: {  	[tilespmem:s14+$0x20] =	vst v31  }
0x12d: {  	[tilespmem:s14+$0x30] =	vst v35  }
0x12e: {  	[tilespmem:s14+$0x40] =	vst v22  }
0x12f: {  	[tilespmem:s14+$0x50] =	vst v27  }
0x130: {  	[tilespmem:s14+$0x60] =	vst v23  }
0x131: {  	[tilespmem:s14+$0xFFFFFFC0] =	vst v24  }
0x132: {  	[tilespmem:s14+$0xFFFFFFD0] =	vst v25  }
0x133: {  	[tilespmem:s14+$0xFFFFFFE0] =	vst v26  }
0x134: {  	[tilespmem:s14+$0xFFFFFFF0] =	vst v32  }
0x135: {  	v0 =	vmul.f32 v36, v16;
	[tilespmem:s14+$0x70] =	vst v29  }
0x136: {  	v1 =	vmul.f32 v37, v20;
	[tilespmem:s14+$0x80] =	vst v30  }
0x137: {  	v2 =	vmul.f32 v38, v17;
	[tilespmem:s14+$0x90] =	vst v0  }
0x138: {  	v0 =	vmul.f32 v39, v18;
	[tilespmem:s14+$0xA0] =	vst v1  }
0x139: {  	v1 =	vmul.f32 v40, v19;
	[tilespmem:s14+$0xB0] =	vst v2  }
0x13a: {  	v2 =	vmul.f32 v41, v21;
	[tilespmem:s14+$0xC0] =	vst v0  }
0x13b: {  	s11 =	sshll.u32 s8, $0xA;
	[tilespmem:s14+$0xD0] =	vst v1  }
0x13c: {  	s15 =	sadd.s32 $0x5, s8;
	s16 =	sor.u32 $0x2000, s11;
	[tilespmem:s14+$0xE0] =	vst v2  }
0x13d: {  	[spmem:s4] =	stream.indirect.scatter.add.f32 [tilespmem:s13], [sflag:s15], $0x10, s16, s31, $0xb8;
	[tilespmem:$0xCF10] =	vst v63  }
0x13e: {  	s17 =	sadd.s32 $0x3000, s12;
	s18 =	sor.u32 $0x2080, s11  }
0x13f: {  	[spmem:s4] =	stream.indirect.scatter.add.f32 [tilespmem:s17], [sflag:s15], $0x10, s18, s31, $0xb8;
	[tilespmem:$0xCF10] =	vst v63  }
0x140: {  	s14 =	sadd.s32 $0x3800, s12;
	s16 =	sor.u32 $0x2100, s11  }
0x141: {  	[spmem:s4] =	stream.indirect.scatter.add.f32 [tilespmem:s14], [sflag:s15], $0x10, s16, s31, $0xb8;
	[tilespmem:$0xCF10] =	vst v63  }
0x142: {  	s17 =	sadd.s32 $0x4000, s12;
	s18 =	sor.u32 $0x2180, s11  }
0x143: {  	[spmem:s4] =	stream.indirect.scatter.add.f32 [tilespmem:s17], [sflag:s15], $0x10, s18, s31, $0xb8;
	[tilespmem:$0xCF10] =	vst v63  }
0x144: {  	s14 =	sadd.s32 $0x4800, s12;
	s16 =	sor.u32 $0x2200, s11  }
0x145: {  	[spmem:s4] =	stream.indirect.scatter.add.f32 [tilespmem:s14], [sflag:s15], $0x10, s16, s31, $0xb8;
	[tilespmem:$0xCF10] =	vst v63  }
0x146: {  	p3 =	sge.u32 s7, s21;
	s17 =	sadd.s32 $0x5000, s12;
	s18 =	sor.u32 $0x2280, s11  }
0x147: {  	[spmem:s4] =	stream.indirect.scatter.add.f32 [tilespmem:s17], [sflag:s15], $0x10, s18, s31, $0xb8;
	[tilespmem:$0xCF10] =	vst v63  }
0x148: {  	s14 =	sadd.s32 $0x5800, s12;
	s17 =	sadd.s32 $0x6000, s12;
	s12 =	sshll.u32 @!p3 s7, $0xA  }
0x149: {  	s16 =	sor.u32 $0x2300, s11;
	s12 =	sadd.s32 @!p3 s12, s22  }
0x14a: {  	[spmem:s4] =	stream.indirect.scatter.add.f32 [tilespmem:s14], [sflag:s15], $0x10, s16, s31, $0xb8;
	[tilespmem:$0xCF10] =	vst v63  }
0x14b: {  	s18 =	sor.u32 $0x2380, s11;
	s12 =	sshrl.u32 @!p3 s12, $0x3  }
0x14c: {  	[spmem:s4] =	stream.indirect.scatter.add.f32 [tilespmem:s17], [sflag:s15], $0x10, s18, s31, $0xb8;
	[tilespmem:$0xCF10] =	vst v63  }
0x14d: {  	s8 =	sadd.s32 @!p3 $0x1, s8;
	s14 =	simm.s32 @!p3 $0x0;
	s13 =	sadd.s32 @!p3 s1, s12  }
0x14e: {  	[tilespmem:s11], [sflag:s8] =	stream.linear.gather @!p3 [hbm4b:s13+s14], $0x400, $0x38;
	[tilespmem:$0xCF10] =	vst v63  }
0x14f: {  	s15 =	sadd.s32 @!p3 s2, s12;
	s13 =	sor.u32 @!p3 $0x800, s11  }
0x150: {  	[tilespmem:s13], [sflag:s8] =	stream.linear.gather @!p3 [hbm4b:s15+s14], $0x400, $0x38;
	[tilespmem:$0xCF10] =	vst v63  }
0x151: {  	s7 =	sadd.s32 $0x1, s7;
	s12 =	sadd.s32 @!p3 s3, s12;
	s11 =	sor.u32 @!p3 $0x1000, s11  }
0x152: {  	[tilespmem:s11], [sflag:s8] =	stream.linear.gather @!p3 [hbm4b:s12+s14], $0x400, $0x38;
	[tilespmem:$0xCF10] =	vst v63  }
0x153: {  	p3 =	sne.s32 s7, s10  }
.Ltmp4:
0x154: {  	_ = 	snop;
	(pc) =	sbr.rel @p3 .LBB2_4-.Ltmp4, $2  }
0x155: {  	_ =	sdelay $0x2  }
0x156: {  	p1 =	por !p1, !p1;
	p2 =	por !p2, !p2  }
0x157: {  	_ =	swait.ge [sflag:s23], $0x800  }
0x158: {  	[sflag:s23] =	ssyncset.done $0x0  }
0x159: {  	[sflag:s23] =	ssyncadd.s32 $0xFFFFF800  }
0x15a: {  	_ =	swait.ge [sflag:s23], $0x800  }
0x15b: {  	[sflag:s23] =	ssyncset.done $0x0  }
0x15c: {  	[sflag:s23] =	ssyncadd.s32 $0xFFFFF800  }
0x15d: {  	_ =	swait.ge [sflag:s23], $0x800  }
0x15e: {  	[sflag:s23] =	ssyncset.done $0x0  }
0x15f: {  	[sflag:s23] =	ssyncadd.s32 $0xFFFFF800  }
0x160: {  	_ =	swait.ge [sflag:s23], $0x800  }
0x161: {  	[sflag:s23] =	ssyncset.done $0x0  }
0x162: {  	[sflag:s23] =	ssyncadd.s32 $0xFFFFF800  }
0x163: {  	_ =	swait.ge [sflag:s23], $0x800  }
0x164: {  	[sflag:s23] =	ssyncset.done $0x0  }
0x165: {  	[sflag:s23] =	ssyncadd.s32 $0xFFFFF800  }
0x166: {  	_ =	swait.ge [sflag:s23], $0x800  }
0x167: {  	[sflag:s23] =	ssyncset.done $0x0  }
0x168: {  	[sflag:s23] =	ssyncadd.s32 $0xFFFFF800  }
0x169: {  	_ =	swait.ge [sflag:s23], $0x800  }
0x16a: {  	[sflag:s23] =	ssyncset.done $0x0  }
0x16b: {  	[sflag:s23] =	ssyncadd.s32 $0xFFFFF800  }
0x16c: {  	_ =	swait.ge [sflag:s23], $0x800  }
0x16d: {  	[sflag:s23] =	ssyncset.done $0x0  }
0x16e: {  	[sflag:s23] =	ssyncadd.s32 $0xFFFFF800  }
0x16f: {  	[bflag:$0x0] =	sbarrier.arrive $0xFFFF  }
0x170: {  	[hbm:s19], [sflag:s9] =	dma.local [spmem:s29], $0x4E0  }
0x171: {  	_ =	swait.ge [sflag:s26], $0x4E0  }
0x172: {  	s28 =	sadd.s32 $0x1, s28;
	[sflag:s26] =	ssyncset.done $0x0  }
0x173: {  	p1 =	sne.s32 s28, s25;
	[sflag:s26] =	ssyncadd.s32 $0xFFFFFB20  }
0x174: {  	[hbm:s24], [sflag:s9] =	dma.local @!p0 [spmem:s0], $0x20  }
.Ltmp5:
0x175: {  	_ = 	snop;
	(pc) =	sbr.rel @p1 .LBB2_1-.Ltmp5, $4  }
0x176: {  	s0 =	simm.s32 @!p0 $0x7  }
0x177: {  	_ =	swait.ge @!p0 [sflag:s0], $0x20  }
0x178: {  	[sflag:s0] =	ssyncset.done @!p0 $0x0  }
0x179: {  	[sflag:s0] =	ssyncadd.s32 @!p0 $0xFFFFFFE0  }
0x17a: {  	_ =	sfence.sel $0x180000  }
0x17b: {  	[bflag:$0x0] =	sbarrier.arrive $0xFFFF  }
0x17c: {  	_ =	strace $0x90000047  }
0x17d: {  	[bflag:$0x2] =	sbarrier.arrive $0xFFFF  }
0x17e: {  	s0 =	rddreg [dreg:$0x6]  }
0x17f: {  	s0 =	sadd.s32 @!p0 $0x100000, s0  }
0x180: {  	[sflag:s0] =	ssyncadd.tile.s32 @!p0 $0x1;
	_ =	shalt  }
.Lfunc_end2:
_tile_overlayer_lowered:
.L_overlay_start_2:
0x181: {  	(tag) =	ssettag $0x2  }
0x182: {  	s0 =	rddreg [dreg:$0x0];
	s2 =	stileid.u32  }
0x183: {  	s1 =	rddreg [dreg:$0x1];
	p0 =	sne.s32 s2, $0x0  }
0x184: {  	s3 =	rddreg [dreg:$0x2];
	[bflag:$0x3] =	sbarrier.arrive $0xFFFF;
	s2 =	simm.s32 @!p0 $0x1C07  }
0x185: {  	[timem:s3], [sflag:s2] =	dma.local @!p0 [hbm:s0], s1  }
0x186: {  	s0 =	simm.s32 @!p0 $0x7  }
0x187: {  	_ =	swait.ge @!p0 [sflag:s0], s1  }
0x188: {  	s1 =	ssub.s32 @!p0 $0x0, s1;
	[sflag:s0] =	ssyncset.done @!p0 $0x0  }
0x189: {  	[sflag:s0] =	ssyncadd.s32 @!p0 s1  }
0x18a: {  	[bflag:$0x3] =	sbarrier.arrive $0xFFFF  }
0x18b: {  	_ =	shalt  }

</sc_bundles>
